<compile_context>
chip_gen: v7x
topology: tpu7x:2x2x1
jax: 0.10.2.dev20260603
libtpu: 0.0.44.dev20260713+nightly
codegen_flags: <defaults>
</compile_context>

<pallas_src>
import functools

import jax
import jax.numpy as jnp
from jax import lax
from jax.experimental import pallas as pl
from jax.experimental.pallas import tpu as pltpu
from jax.experimental.pallas import tpu_sc as plsc

_B, _T, _S = 16, 2048, 512
_NROWS = _B * _T
_NC, _NS, _L = 2, 16, 16
_NW = _NC * _NS
_ROWS_PER_W = _NROWS // _NW
_CHUNK = 32
_NCHUNK = _ROWS_PER_W // _CHUNK
_NIN = 2
_NOUT = 4


def _roll_body(src_hbm, shifts_hbm, out_hbm, shifts_v, *bufs_and_sems):
    inbs = bufs_and_sems[0:_NIN]
    outbs = bufs_and_sems[_NIN:_NIN + _NOUT]
    sis = bufs_and_sems[_NIN + _NOUT:2 * _NIN + _NOUT]
    sos = bufs_and_sems[2 * _NIN + _NOUT:]

    wid = lax.axis_index("s") * _NC + lax.axis_index("c")
    b = wid // 2
    t0 = (wid % 2) * _ROWS_PER_W
    pltpu.sync_copy(shifts_hbm.at[b, pl.ds(t0, _ROWS_PER_W)], shifts_v)

    iota = lax.iota(jnp.int32, _L)
    zero16 = iota * 0

    def hbm_chunk(ref, g):
        return ref.at[b, pl.ds(t0 + g * _CHUNK, _CHUNK), :]

    def start_in(g, ib, si):
        gc = jnp.minimum(g, _NCHUNK - 1)
        pltpu.async_copy(hbm_chunk(src_hbm, gc), ib, si)

    def start_out(g, ob, so):
        pltpu.async_copy(ob, hbm_chunk(out_hbm, g), so)

    def compute(g, ib, ob):
        @plsc.parallel_loop(0, _CHUNK, step=1, unroll=4)
        def row_body(r):
            ridx = g * _CHUNK + r
            shift_vec = plsc.load_gather(shifts_v, [zero16 + ridx])
            idx0 = (iota - shift_vec) & (_S - 1)
            rvec = zero16 + r
            for j in range(_S // _L):
                col = (idx0 + (_L * j)) & (_S - 1)
                vec = plsc.load_gather(ib, [rvec, col])
                ob[r, pl.ds(_L * j, _L)] = vec

    for i in range(_NIN):
        start_in(i, inbs[i], sis[i])

    def ring_body(k, carry):
        for off in range(_NOUT):
            g = _NOUT * k + off
            ib, si = inbs[off % _NIN], sis[off % _NIN]
            ob, so = outbs[off], sos[off]
            pltpu.make_async_copy(hbm_chunk(src_hbm, 0), ib, si).wait()

            @pl.when(k > 0)
            def _():
                pltpu.make_async_copy(ob, hbm_chunk(out_hbm, 0), so).wait()

            compute(g, ib, ob)
            start_out(g, ob, so)
            start_in(g + _NIN, ib, si)
        return carry

    lax.fori_loop(0, _NCHUNK // _NOUT, ring_body, 0)

    for i in range(_NIN):
        pltpu.make_async_copy(hbm_chunk(src_hbm, 0), inbs[i], sis[i]).wait()
    for i in range(_NOUT):
        pltpu.make_async_copy(outbs[i], hbm_chunk(out_hbm, 0), sos[i]).wait()


@jax.jit
def kernel(src, shifts):
    shifts_i32 = shifts.astype(jnp.int32)
    mesh = plsc.VectorSubcoreMesh(core_axis_name="c", subcore_axis_name="s")
    return pl.kernel(
        _roll_body,
        out_type=jax.ShapeDtypeStruct((_B, _T, _S), jnp.float32),
        mesh=mesh,
        compiler_params=pltpu.CompilerParams(needs_layout_passes=False),
        scratch_types=(
            [pltpu.VMEM((_ROWS_PER_W,), jnp.int32)]
            + [pltpu.VMEM((_CHUNK, _S), jnp.float32) for _ in range(_NIN + _NOUT)]
            + [pltpu.SemaphoreType.DMA for _ in range(_NIN + _NOUT)]
        ),
    )(src, shifts_i32)

# --- scband reference (transcript-rebuilt; emitter-appended) ---
"""Pipeline reference for scband-transducer-50689204027780 (READ-ONLY COPY).

The authoritative reference and input builder live on the scoring server;
editing this copy changes nothing except your own understanding.
"""

import jax, jax.numpy as jnp
import numpy as np

B, T, S = 16, 2048, 512


def setup_inputs(seed: int = 0) -> dict:
    key = jax.random.key(seed)
    k_src, k_shift = jax.random.split(key)
    src = jax.random.normal(k_src, (B, T, S), dtype=jnp.float32)
    shifts = jax.random.randint(k_shift, (B, T), 0, S, dtype=jnp.int64)
    return {"src": src, "shifts": shifts}


def reference(src, shifts):
    # Faithful translation of Transducer._roll_by_shifts: roll the last dim
    # of a (B, T, S) tensor by a different shift for every (b, t) row.
    b, t, s = src.shape
    assert shifts.shape == (b, t)
    # index = (arange(S) - shifts) % S, broadcast to (B, T, S)
    index = jnp.arange(s, dtype=shifts.dtype)[None, None, :]
    index = jnp.mod(index - shifts[:, :, None], s)
    # torch.gather(src, 2, index) -> take_along_axis on axis 2
    return jnp.take_along_axis(src, index, axis=2)

if __name__ == "__main__":
    import jax
    _d = setup_inputs()
    print(jax.jit(kernel)(*tuple(_d.values())))

</pallas_src>

<mosaic_0001>
#map = affine_map<(d0, d1) -> (0, 0, 0)>
#map1 = affine_map<(d0, d1) -> (0, 0)>
module attributes {stable_mosaic.version = 14 : i64} {
  func.func @_roll_body(%arg0: i32, %arg1: i32, %arg2: memref<16x2048x512xf32, #tpu.memory_space<hbm>>, %arg3: memref<16x2048xi32, #tpu.memory_space<hbm>>, %arg4: memref<16x2048x512xf32, #tpu.memory_space<hbm>>, %arg5: memref<1024xi32, #tpu.memory_space<vmem>>, %arg6: memref<32x512xf32, #tpu.memory_space<vmem>>, %arg7: memref<32x512xf32, #tpu.memory_space<vmem>>, %arg8: memref<32x512xf32, #tpu.memory_space<vmem>>, %arg9: memref<32x512xf32, #tpu.memory_space<vmem>>, %arg10: memref<32x512xf32, #tpu.memory_space<vmem>>, %arg11: memref<32x512xf32, #tpu.memory_space<vmem>>, %arg12: memref<!tpu.dma_semaphore, #tpu.memory_space<semaphore_mem>>, %arg13: memref<!tpu.dma_semaphore, #tpu.memory_space<semaphore_mem>>, %arg14: memref<!tpu.dma_semaphore, #tpu.memory_space<semaphore_mem>>, %arg15: memref<!tpu.dma_semaphore, #tpu.memory_space<semaphore_mem>>, %arg16: memref<!tpu.dma_semaphore, #tpu.memory_space<semaphore_mem>>, %arg17: memref<!tpu.dma_semaphore, #tpu.memory_space<semaphore_mem>>) attributes {dimension_semantics = [#tpu.dimension_semantics<core_parallel>, #tpu.dimension_semantics<subcore_parallel>], iteration_bounds = array<i64: 2, 16>, scalar_prefetch = 0 : i64, scratch_operands = 13 : i64, tpu.core_type = #tpu.core_type<sc_vector_subcore>, window_params = [{transform_indices = #map}, {transform_indices = #map1}, {transform_indices = #map}]} {
    %mul3A = arith.constant 2 : i32
    %mul3A_0 = arith.muli %arg1, %mul3A : i32
    %add3A = arith.addi %mul3A_0, %arg0 : i32
    %jit3A = arith.constant 2 : i32
    %div3A = arith.divsi %add3A, %jit3A : i32
    %sign3A = arith.constant 0 : i32
    %sign3A_1 = arith.cmpi sgt, %add3A, %sign3A : i32
    %sign3A_2 = arith.extui %sign3A_1 : i1 to i32
    %sign3A_3 = arith.constant 0 : i32
    %sign3A_4 = arith.cmpi slt, %add3A, %sign3A_3 : i32
    %sign3A_5 = arith.extui %sign3A_4 : i1 to i32
    %sign3A_6 = arith.subi %sign3A_2, %sign3A_5 : i32
    %sign3A_7 = arith.constant 0 : i32
    %sign3A_8 = arith.cmpi sgt, %jit3A, %sign3A_7 : i32
    %sign3A_9 = arith.extui %sign3A_8 : i1 to i32
    %sign3A_10 = arith.constant 0 : i32
    %sign3A_11 = arith.cmpi slt, %jit3A, %sign3A_10 : i32
    %sign3A_12 = arith.extui %sign3A_11 : i1 to i32
    %sign3A_13 = arith.subi %sign3A_9, %sign3A_12 : i32
    %ne3A = arith.cmpi ne, %sign3A_6, %sign3A_13 : i32
    %rem3A = arith.remsi %add3A, %jit3A : i32
    %ne3A_14 = arith.constant 0 : i32
    %ne3A_15 = arith.cmpi ne, %rem3A, %ne3A_14 : i32
    %and3A = arith.andi %ne3A, %ne3A_15 : i1
    %sub3A = arith.constant 1 : i32
    %sub3A_16 = arith.subi %div3A, %sub3A : i32
    %select_n3A = arith.select %and3A, %sub3A_16, %div3A : i32
    %jit3A_17 = arith.constant 2 : i32
    %eq3A = arith.constant 0 : i32
    %eq3A_18 = arith.cmpi eq, %jit3A_17, %eq3A : i32
    %jit3A_19 = arith.constant 1 : i32
    %select_n3A_20 = arith.select %eq3A_18, %jit3A_19, %jit3A_17 : i32
    %rem3A_21 = arith.remsi %add3A, %select_n3A_20 : i32
    %ne3A_22 = arith.constant 0 : i32
    %ne3A_23 = arith.cmpi ne, %rem3A_21, %ne3A_22 : i32
    %lt3A = arith.constant 0 : i32
    %lt3A_24 = arith.cmpi slt, %rem3A_21, %lt3A : i32
    %lt3A_25 = arith.constant 0 : i32
    %lt3A_26 = arith.cmpi slt, %select_n3A_20, %lt3A_25 : i32
    %ne3A_27 = arith.xori %lt3A_24, %lt3A_26 : i1
    %and3A_28 = arith.andi %ne3A_27, %ne3A_23 : i1
    %add3A_29 = arith.addi %rem3A_21, %select_n3A_20 : i32
    %select_n3A_30 = arith.select %and3A_28, %add3A_29, %rem3A_21 : i32
    %mul3A_31 = arith.constant 1024 : i32
    %mul3A_32 = arith.muli %select_n3A_30, %mul3A_31 : i32
    "tpu.region"() ({
      %run_scoped3A = tpu.sem_alloc : memref<!tpu.dma_semaphore, #tpu.memory_space<semaphore_mem>>
      %dma_start3A_110 = tpu.memref_slice %arg3[%select_n3A, %mul3A_32] : memref<16x2048xi32, #tpu.memory_space<hbm>> -> memref<1x1024xi32, #tpu.memory_space<hbm>>
      %dma_start3A_111 = tpu.memref_squeeze %dma_start3A_110 : memref<1x1024xi32, #tpu.memory_space<hbm>> -> memref<1024xi32, #tpu.memory_space<hbm>>
      %dma_start3A_112 = tpu.memref_slice %arg3[%select_n3A, %mul3A_32] : memref<16x2048xi32, #tpu.memory_space<hbm>> -> memref<1x1024xi32, #tpu.memory_space<hbm>>
      %dma_start3A_113 = tpu.memref_squeeze %dma_start3A_112 : memref<1x1024xi32, #tpu.memory_space<hbm>> -> memref<1024xi32, #tpu.memory_space<hbm>>
      tpu.enqueue_dma source(%dma_start3A_113 : memref<1024xi32, #tpu.memory_space<hbm>>) target(%arg5 : memref<1024xi32, #tpu.memory_space<vmem>>) target_semaphore(%run_scoped3A : memref<!tpu.dma_semaphore, #tpu.memory_space<semaphore_mem>>)
      %dma_wait3A_114 = tpu.memref_slice %arg3[%select_n3A, %mul3A_32] : memref<16x2048xi32, #tpu.memory_space<hbm>> -> memref<1x1024xi32, #tpu.memory_space<hbm>>
      %dma_wait3A_115 = tpu.memref_squeeze %dma_wait3A_114 : memref<1x1024xi32, #tpu.memory_space<hbm>> -> memref<1024xi32, #tpu.memory_space<hbm>>
      %dma_wait3A_116 = tpu.memref_slice %arg3[%select_n3A, %mul3A_32] : memref<16x2048xi32, #tpu.memory_space<hbm>> -> memref<1x1024xi32, #tpu.memory_space<hbm>>
      %dma_wait3A_117 = tpu.memref_squeeze %dma_wait3A_116 : memref<1x1024xi32, #tpu.memory_space<hbm>> -> memref<1024xi32, #tpu.memory_space<hbm>>
      tpu.wait_dma2 semaphore(%run_scoped3A : memref<!tpu.dma_semaphore, #tpu.memory_space<semaphore_mem>>) src(%dma_wait3A_117 : memref<1024xi32, #tpu.memory_space<hbm>>) dst(%arg5 : memref<1024xi32, #tpu.memory_space<vmem>>)
      tpu.yield
    }) : () -> ()
    %iota3A = tpu.iota {dimensions = array<i32: 0>} : vector<16xi32>
    %mul3A_33 = arith.constant 0 : i32
    %mul3A_34 = vector.broadcast %mul3A_33 : i32 to vector<16xi32>
    %mul3A_35 = arith.muli %iota3A, %mul3A_34 : vector<16xi32>
    %min3A = arith.constant 0 : i32
    %min3A_36 = arith.constant 31 : i32
    %min3A_37 = arith.minsi %min3A, %min3A_36 : i32
    %mul3A_38 = arith.constant 32 : i32
    %mul3A_39 = arith.muli %min3A_37, %mul3A_38 : i32
    %add3A_40 = arith.addi %mul3A_32, %mul3A_39 : i32
    %dma_start3A = arith.constant 0 : i32
    %dma_start3A_41 = tpu.memref_slice %arg2[%select_n3A, %add3A_40, %dma_start3A] : memref<16x2048x512xf32, #tpu.memory_space<hbm>> -> memref<1x32x512xf32, #tpu.memory_space<hbm>>
    %dma_start3A_42 = tpu.memref_squeeze %dma_start3A_41 : memref<1x32x512xf32, #tpu.memory_space<hbm>> -> memref<32x512xf32, #tpu.memory_space<hbm>>
    %dma_start3A_43 = arith.constant 0 : i32
    %dma_start3A_44 = tpu.memref_slice %arg2[%select_n3A, %add3A_40, %dma_start3A_43] : memref<16x2048x512xf32, #tpu.memory_space<hbm>> -> memref<1x32x512xf32, #tpu.memory_space<hbm>>
    %dma_start3A_45 = tpu.memref_squeeze %dma_start3A_44 : memref<1x32x512xf32, #tpu.memory_space<hbm>> -> memref<32x512xf32, #tpu.memory_space<hbm>>
    tpu.enqueue_dma source(%dma_start3A_45 : memref<32x512xf32, #tpu.memory_space<hbm>>) target(%arg6 : memref<32x512xf32, #tpu.memory_space<vmem>>) target_semaphore(%arg12 : memref<!tpu.dma_semaphore, #tpu.memory_space<semaphore_mem>>)
    %min3A_46 = arith.constant 1 : i32
    %min3A_47 = arith.constant 31 : i32
    %min3A_48 = arith.minsi %min3A_46, %min3A_47 : i32
    %mul3A_49 = arith.constant 32 : i32
    %mul3A_50 = arith.muli %min3A_48, %mul3A_49 : i32
    %add3A_51 = arith.addi %mul3A_32, %mul3A_50 : i32
    %dma_start3A_52 = arith.constant 0 : i32
    %dma_start3A_53 = tpu.memref_slice %arg2[%select_n3A, %add3A_51, %dma_start3A_52] : memref<16x2048x512xf32, #tpu.memory_space<hbm>> -> memref<1x32x512xf32, #tpu.memory_space<hbm>>
    %dma_start3A_54 = tpu.memref_squeeze %dma_start3A_53 : memref<1x32x512xf32, #tpu.memory_space<hbm>> -> memref<32x512xf32, #tpu.memory_space<hbm>>
    %dma_start3A_55 = arith.constant 0 : i32
    %dma_start3A_56 = tpu.memref_slice %arg2[%select_n3A, %add3A_51, %dma_start3A_55] : memref<16x2048x512xf32, #tpu.memory_space<hbm>> -> memref<1x32x512xf32, #tpu.memory_space<hbm>>
    %dma_start3A_57 = tpu.memref_squeeze %dma_start3A_56 : memref<1x32x512xf32, #tpu.memory_space<hbm>> -> memref<32x512xf32, #tpu.memory_space<hbm>>
    tpu.enqueue_dma source(%dma_start3A_57 : memref<32x512xf32, #tpu.memory_space<hbm>>) target(%arg7 : memref<32x512xf32, #tpu.memory_space<vmem>>) target_semaphore(%arg13 : memref<!tpu.dma_semaphore, #tpu.memory_space<semaphore_mem>>)
    %scan3A = arith.constant 0 : i32
    %scan3A_58 = arith.constant 0 : i32
    %scan3A_59 = arith.constant 8 : i32
    %scan3A_60 = arith.addi %scan3A_58, %scan3A_59 : i32
    %scan3A_61 = arith.constant 1 : i32
    scf.for %scan3A_110 = %scan3A_58 to %scan3A_60 step %scan3A_61  : i32 {
      %mul3A_111 = arith.constant 4 : i32
      %mul3A_112 = arith.muli %mul3A_111, %scan3A_110 : i32
      %add3A_113 = arith.constant 0 : i32
      %add3A_114 = arith.addi %mul3A_112, %add3A_113 : i32
      %add3A_115 = arith.constant 0 : i32
      %add3A_116 = arith.addi %mul3A_32, %add3A_115 : i32
      %dma_wait3A_117 = arith.constant 0 : i32
      %dma_wait3A_118 = tpu.memref_slice %arg2[%select_n3A, %add3A_116, %dma_wait3A_117] : memref<16x2048x512xf32, #tpu.memory_space<hbm>> -> memref<1x32x512xf32, #tpu.memory_space<hbm>>
      %dma_wait3A_119 = tpu.memref_squeeze %dma_wait3A_118 : memref<1x32x512xf32, #tpu.memory_space<hbm>> -> memref<32x512xf32, #tpu.memory_space<hbm>>
      %dma_wait3A_120 = arith.constant 0 : i32
      %dma_wait3A_121 = tpu.memref_slice %arg2[%select_n3A, %add3A_116, %dma_wait3A_120] : memref<16x2048x512xf32, #tpu.memory_space<hbm>> -> memref<1x32x512xf32, #tpu.memory_space<hbm>>
      %dma_wait3A_122 = tpu.memref_squeeze %dma_wait3A_121 : memref<1x32x512xf32, #tpu.memory_space<hbm>> -> memref<32x512xf32, #tpu.memory_space<hbm>>
      tpu.wait_dma2 semaphore(%arg12 : memref<!tpu.dma_semaphore, #tpu.memory_space<semaphore_mem>>) src(%dma_wait3A_122 : memref<32x512xf32, #tpu.memory_space<hbm>>) dst(%arg6 : memref<32x512xf32, #tpu.memory_space<vmem>>)
      %gt3A = arith.constant 0 : i32
      %gt3A_123 = arith.cmpi sgt, %scan3A_110, %gt3A : i32
      %convert_element_type3A = arith.extui %gt3A_123 : i1 to i32
      %cond3A = arith.constant 0 : i32
      %cond3A_124 = arith.cmpi ne, %convert_element_type3A, %cond3A : i32
      scf.if %cond3A_124 {
        %add3A_275 = arith.constant 0 : i32
        %add3A_276 = arith.addi %mul3A_32, %add3A_275 : i32
        %dma_wait3A_277 = arith.constant 0 : i32
        %dma_wait3A_278 = tpu.memref_slice %arg4[%select_n3A, %add3A_276, %dma_wait3A_277] : memref<16x2048x512xf32, #tpu.memory_space<hbm>> -> memref<1x32x512xf32, #tpu.memory_space<hbm>>
        %dma_wait3A_279 = tpu.memref_squeeze %dma_wait3A_278 : memref<1x32x512xf32, #tpu.memory_space<hbm>> -> memref<32x512xf32, #tpu.memory_space<hbm>>
        %dma_wait3A_280 = arith.constant 0 : i32
        %dma_wait3A_281 = tpu.memref_slice %arg4[%select_n3A, %add3A_276, %dma_wait3A_280] : memref<16x2048x512xf32, #tpu.memory_space<hbm>> -> memref<1x32x512xf32, #tpu.memory_space<hbm>>
        %dma_wait3A_282 = tpu.memref_squeeze %dma_wait3A_281 : memref<1x32x512xf32, #tpu.memory_space<hbm>> -> memref<32x512xf32, #tpu.memory_space<hbm>>
        tpu.wait_dma2 semaphore(%arg14 : memref<!tpu.dma_semaphore, #tpu.memory_space<semaphore_mem>>) src(%arg8 : memref<32x512xf32, #tpu.memory_space<vmem>>) dst(%dma_wait3A_282 : memref<32x512xf32, #tpu.memory_space<hbm>>)
      } else {
      }
      %parallel_loop3A = arith.constant 0 : i32
      %parallel_loop3A_125 = arith.constant 32 : i32
      %parallel_loop3A_126 = arith.constant 1 : i32
      scf.for %parallel_loop3A_275 = %parallel_loop3A to %parallel_loop3A_125 step %parallel_loop3A_126  : i32 {
        %parallel_loop3A_276 = arith.constant 32 : i32
        %parallel_loop3A_277 = arith.muli %add3A_114, %parallel_loop3A_276 : i32
        %parallel_loop3A_278 = arith.addi %parallel_loop3A_277, %parallel_loop3A_275 : i32
        %parallel_loop3A_279 = vector.broadcast %parallel_loop3A_278 : i32 to vector<16xi32>
        %parallel_loop3A_280 = arith.addi %mul3A_35, %parallel_loop3A_279 : vector<16xi32>
        %parallel_loop3A_281 = tpu.vector_load_idx %arg5[%parallel_loop3A_280] : memref<1024xi32, #tpu.memory_space<vmem>>[vector<16xi32>], vector<16xi32>,
        %parallel_loop3A_282 = arith.subi %iota3A, %parallel_loop3A_281 : vector<16xi32>
        %parallel_loop3A_283 = arith.constant 511 : i32
        %parallel_loop3A_284 = vector.broadcast %parallel_loop3A_283 : i32 to vector<16xi32>
        %parallel_loop3A_285 = arith.andi %parallel_loop3A_282, %parallel_loop3A_284 : vector<16xi32>
        %parallel_loop3A_286 = vector.broadcast %parallel_loop3A_275 : i32 to vector<16xi32>
        %parallel_loop3A_287 = arith.addi %mul3A_35, %parallel_loop3A_286 : vector<16xi32>
        %parallel_loop3A_288 = arith.constant 0 : i32
        %parallel_loop3A_289 = vector.broadcast %parallel_loop3A_288 : i32 to vector<16xi32>
        %parallel_loop3A_290 = arith.addi %parallel_loop3A_285, %parallel_loop3A_289 : vector<16xi32>
        %parallel_loop3A_291 = arith.constant 511 : i32
        %parallel_loop3A_292 = vector.broadcast %parallel_loop3A_291 : i32 to vector<16xi32>
        %parallel_loop3A_293 = arith.andi %parallel_loop3A_290, %parallel_loop3A_292 : vector<16xi32>
        %parallel_loop3A_294 = tpu.vector_load_idx %arg6[%parallel_loop3A_287, %parallel_loop3A_293] : memref<32x512xf32, #tpu.memory_space<vmem>>[vector<16xi32>, vector<16xi32>], vector<16xf32>,
        %parallel_loop3A_295 = arith.index_cast %parallel_loop3A_275 : i32 to index
        %parallel_loop3A_296 = arith.constant 0 : index
        %parallel_loop3A_297 = tpu.vector_load %arg8[%parallel_loop3A_295, %parallel_loop3A_296] {strides = array<i32>} : memref<32x512xf32, #tpu.memory_space<vmem>>, vector<16xf32>,
        tpu.vector_store %arg8[%parallel_loop3A_295, %parallel_loop3A_296], %parallel_loop3A_294 {strides = array<i32>} : memref<32x512xf32, #tpu.memory_space<vmem>>, vector<16xf32>,
        %parallel_loop3A_298 = arith.constant 16 : i32
        %parallel_loop3A_299 = vector.broadcast %parallel_loop3A_298 : i32 to vector<16xi32>
        %parallel_loop3A_300 = arith.addi %parallel_loop3A_285, %parallel_loop3A_299 : vector<16xi32>
        %parallel_loop3A_301 = arith.constant 511 : i32
        %parallel_loop3A_302 = vector.broadcast %parallel_loop3A_301 : i32 to vector<16xi32>
        %parallel_loop3A_303 = arith.andi %parallel_loop3A_300, %parallel_loop3A_302 : vector<16xi32>
        %parallel_loop3A_304 = tpu.vector_load_idx %arg6[%parallel_loop3A_287, %parallel_loop3A_303] : memref<32x512xf32, #tpu.memory_space<vmem>>[vector<16xi32>, vector<16xi32>], vector<16xf32>,
        %parallel_loop3A_305 = arith.index_cast %parallel_loop3A_275 : i32 to index
        %parallel_loop3A_306 = arith.constant 16 : index
        %parallel_loop3A_307 = tpu.vector_load %arg8[%parallel_loop3A_305, %parallel_loop3A_306] {strides = array<i32>} : memref<32x512xf32, #tpu.memory_space<vmem>>, vector<16xf32>,
        tpu.vector_store %arg8[%parallel_loop3A_305, %parallel_loop3A_306], %parallel_loop3A_304 {strides = array<i32>} : memref<32x512xf32, #tpu.memory_space<vmem>>, vector<16xf32>,
        %parallel_loop3A_308 = arith.constant 32 : i32
        %parallel_loop3A_309 = vector.broadcast %parallel_loop3A_308 : i32 to vector<16xi32>
        %parallel_loop3A_310 = arith.addi %parallel_loop3A_285, %parallel_loop3A_309 : vector<16xi32>
        %parallel_loop3A_311 = arith.constant 511 : i32
        %parallel_loop3A_312 = vector.broadcast %parallel_loop3A_311 : i32 to vector<16xi32>
        %parallel_loop3A_313 = arith.andi %parallel_loop3A_310, %parallel_loop3A_312 : vector<16xi32>
        %parallel_loop3A_314 = tpu.vector_load_idx %arg6[%parallel_loop3A_287, %parallel_loop3A_313] : memref<32x512xf32, #tpu.memory_space<vmem>>[vector<16xi32>, vector<16xi32>], vector<16xf32>,
        %parallel_loop3A_315 = arith.index_cast %parallel_loop3A_275 : i32 to index
        %parallel_loop3A_316 = arith.constant 32 : index
        %parallel_loop3A_317 = tpu.vector_load %arg8[%parallel_loop3A_315, %parallel_loop3A_316] {strides = array<i32>} : memref<32x512xf32, #tpu.memory_space<vmem>>, vector<16xf32>,
        tpu.vector_store %arg8[%parallel_loop3A_315, %parallel_loop3A_316], %parallel_loop3A_314 {strides = array<i32>} : memref<32x512xf32, #tpu.memory_space<vmem>>, vector<16xf32>,
        %parallel_loop3A_318 = arith.constant 48 : i32
        %parallel_loop3A_319 = vector.broadcast %parallel_loop3A_318 : i32 to vector<16xi32>
        %parallel_loop3A_320 = arith.addi %parallel_loop3A_285, %parallel_loop3A_319 : vector<16xi32>
        %parallel_loop3A_321 = arith.constant 511 : i32
        %parallel_loop3A_322 = vector.broadcast %parallel_loop3A_321 : i32 to vector<16xi32>
        %parallel_loop3A_323 = arith.andi %parallel_loop3A_320, %parallel_loop3A_322 : vector<16xi32>
        %parallel_loop3A_324 = tpu.vector_load_idx %arg6[%parallel_loop3A_287, %parallel_loop3A_323] : memref<32x512xf32, #tpu.memory_space<vmem>>[vector<16xi32>, vector<16xi32>], vector<16xf32>,
        %parallel_loop3A_325 = arith.index_cast %parallel_loop3A_275 : i32 to index
        %parallel_loop3A_326 = arith.constant 48 : index
        %parallel_loop3A_327 = tpu.vector_load %arg8[%parallel_loop3A_325, %parallel_loop3A_326] {strides = array<i32>} : memref<32x512xf32, #tpu.memory_space<vmem>>, vector<16xf32>,
        tpu.vector_store %arg8[%parallel_loop3A_325, %parallel_loop3A_326], %parallel_loop3A_324 {strides = array<i32>} : memref<32x512xf32, #tpu.memory_space<vmem>>, vector<16xf32>,
        %parallel_loop3A_328 = arith.constant 64 : i32
        %parallel_loop3A_329 = vector.broadcast %parallel_loop3A_328 : i32 to vector<16xi32>
        %parallel_loop3A_330 = arith.addi %parallel_loop3A_285, %parallel_loop3A_329 : vector<16xi32>
        %parallel_loop3A_331 = arith.constant 511 : i32
        %parallel_loop3A_332 = vector.broadcast %parallel_loop3A_331 : i32 to vector<16xi32>
        %parallel_loop3A_333 = arith.andi %parallel_loop3A_330, %parallel_loop3A_332 : vector<16xi32>
        %parallel_loop3A_334 = tpu.vector_load_idx %arg6[%parallel_loop3A_287, %parallel_loop3A_333] : memref<32x512xf32, #tpu.memory_space<vmem>>[vector<16xi32>, vector<16xi32>], vector<16xf32>,
        %parallel_loop3A_335 = arith.index_cast %parallel_loop3A_275 : i32 to index
        %parallel_loop3A_336 = arith.constant 64 : index
        %parallel_loop3A_337 = tpu.vector_load %arg8[%parallel_loop3A_335, %parallel_loop3A_336] {strides = array<i32>} : memref<32x512xf32, #tpu.memory_space<vmem>>, vector<16xf32>,
        tpu.vector_store %arg8[%parallel_loop3A_335, %parallel_loop3A_336], %parallel_loop3A_334 {strides = array<i32>} : memref<32x512xf32, #tpu.memory_space<vmem>>, vector<16xf32>,
        %parallel_loop3A_338 = arith.constant 80 : i32
        %parallel_loop3A_339 = vector.broadcast %parallel_loop3A_338 : i32 to vector<16xi32>
        %parallel_loop3A_340 = arith.addi %parallel_loop3A_285, %parallel_loop3A_339 : vector<16xi32>
        %parallel_loop3A_341 = arith.constant 511 : i32
        %parallel_loop3A_342 = vector.broadcast %parallel_loop3A_341 : i32 to vector<16xi32>
        %parallel_loop3A_343 = arith.andi %parallel_loop3A_340, %parallel_loop3A_342 : vector<16xi32>
        %parallel_loop3A_344 = tpu.vector_load_idx %arg6[%parallel_loop3A_287, %parallel_loop3A_343] : memref<32x512xf32, #tpu.memory_space<vmem>>[vector<16xi32>, vector<16xi32>], vector<16xf32>,
        %parallel_loop3A_345 = arith.index_cast %parallel_loop3A_275 : i32 to index
        %parallel_loop3A_346 = arith.constant 80 : index
        %parallel_loop3A_347 = tpu.vector_load %arg8[%parallel_loop3A_345, %parallel_loop3A_346] {strides = array<i32>} : memref<32x512xf32, #tpu.memory_space<vmem>>, vector<16xf32>,
        tpu.vector_store %arg8[%parallel_loop3A_345, %parallel_loop3A_346], %parallel_loop3A_344 {strides = array<i32>} : memref<32x512xf32, #tpu.memory_space<vmem>>, vector<16xf32>,
        %parallel_loop3A_348 = arith.constant 96 : i32
        %parallel_loop3A_349 = vector.broadcast %parallel_loop3A_348 : i32 to vector<16xi32>
        %parallel_loop3A_350 = arith.addi %parallel_loop3A_285, %parallel_loop3A_349 : vector<16xi32>
        %parallel_loop3A_351 = arith.constant 511 : i32
        %parallel_loop3A_352 = vector.broadcast %parallel_loop3A_351 : i32 to vector<16xi32>
        %parallel_loop3A_353 = arith.andi %parallel_loop3A_350, %parallel_loop3A_352 : vector<16xi32>
        %parallel_loop3A_354 = tpu.vector_load_idx %arg6[%parallel_loop3A_287, %parallel_loop3A_353] : memref<32x512xf32, #tpu.memory_space<vmem>>[vector<16xi32>, vector<16xi32>], vector<16xf32>,
        %parallel_loop3A_355 = arith.index_cast %parallel_loop3A_275 : i32 to index
        %parallel_loop3A_356 = arith.constant 96 : index
        %parallel_loop3A_357 = tpu.vector_load %arg8[%parallel_loop3A_355, %parallel_loop3A_356] {strides = array<i32>} : memref<32x512xf32, #tpu.memory_space<vmem>>, vector<16xf32>,
        tpu.vector_store %arg8[%parallel_loop3A_355, %parallel_loop3A_356], %parallel_loop3A_354 {strides = array<i32>} : memref<32x512xf32, #tpu.memory_space<vmem>>, vector<16xf32>,
        %parallel_loop3A_358 = arith.constant 112 : i32
        %parallel_loop3A_359 = vector.broadcast %parallel_loop3A_358 : i32 to vector<16xi32>
        %parallel_loop3A_360 = arith.addi %parallel_loop3A_285, %parallel_loop3A_359 : vector<16xi32>
        %parallel_loop3A_361 = arith.constant 511 : i32
        %parallel_loop3A_362 = vector.broadcast %parallel_loop3A_361 : i32 to vector<16xi32>
        %parallel_loop3A_363 = arith.andi %parallel_loop3A_360, %parallel_loop3A_362 : vector<16xi32>
        %parallel_loop3A_364 = tpu.vector_load_idx %arg6[%parallel_loop3A_287, %parallel_loop3A_363] : memref<32x512xf32, #tpu.memory_space<vmem>>[vector<16xi32>, vector<16xi32>], vector<16xf32>,
        %parallel_loop3A_365 = arith.index_cast %parallel_loop3A_275 : i32 to index
        %parallel_loop3A_366 = arith.constant 112 : index
        %parallel_loop3A_367 = tpu.vector_load %arg8[%parallel_loop3A_365, %parallel_loop3A_366] {strides = array<i32>} : memref<32x512xf32, #tpu.memory_space<vmem>>, vector<16xf32>,
        tpu.vector_store %arg8[%parallel_loop3A_365, %parallel_loop3A_366], %parallel_loop3A_364 {strides = array<i32>} : memref<32x512xf32, #tpu.memory_space<vmem>>, vector<16xf32>,
        %parallel_loop3A_368 = arith.constant 128 : i32
        %parallel_loop3A_369 = vector.broadcast %parallel_loop3A_368 : i32 to vector<16xi32>
        %parallel_loop3A_370 = arith.addi %parallel_loop3A_285, %parallel_loop3A_369 : vector<16xi32>
        %parallel_loop3A_371 = arith.constant 511 : i32
        %parallel_loop3A_372 = vector.broadcast %parallel_loop3A_371 : i32 to vector<16xi32>
        %parallel_loop3A_373 = arith.andi %parallel_loop3A_370, %parallel_loop3A_372 : vector<16xi32>
        %parallel_loop3A_374 = tpu.vector_load_idx %arg6[%parallel_loop3A_287, %parallel_loop3A_373] : memref<32x512xf32, #tpu.memory_space<vmem>>[vector<16xi32>, vector<16xi32>], vector<16xf32>,
        %parallel_loop3A_375 = arith.index_cast %parallel_loop3A_275 : i32 to index
        %parallel_loop3A_376 = arith.constant 128 : index
        %parallel_loop3A_377 = tpu.vector_load %arg8[%parallel_loop3A_375, %parallel_loop3A_376] {strides = array<i32>} : memref<32x512xf32, #tpu.memory_space<vmem>>, vector<16xf32>,
        tpu.vector_store %arg8[%parallel_loop3A_375, %parallel_loop3A_376], %parallel_loop3A_374 {strides = array<i32>} : memref<32x512xf32, #tpu.memory_space<vmem>>, vector<16xf32>,
        %parallel_loop3A_378 = arith.constant 144 : i32
        %parallel_loop3A_379 = vector.broadcast %parallel_loop3A_378 : i32 to vector<16xi32>
        %parallel_loop3A_380 = arith.addi %parallel_loop3A_285, %parallel_loop3A_379 : vector<16xi32>
        %parallel_loop3A_381 = arith.constant 511 : i32
        %parallel_loop3A_382 = vector.broadcast %parallel_loop3A_381 : i32 to vector<16xi32>
        %parallel_loop3A_383 = arith.andi %parallel_loop3A_380, %parallel_loop3A_382 : vector<16xi32>
        %parallel_loop3A_384 = tpu.vector_load_idx %arg6[%parallel_loop3A_287, %parallel_loop3A_383] : memref<32x512xf32, #tpu.memory_space<vmem>>[vector<16xi32>, vector<16xi32>], vector<16xf32>,
        %parallel_loop3A_385 = arith.index_cast %parallel_loop3A_275 : i32 to index
        %parallel_loop3A_386 = arith.constant 144 : index
        %parallel_loop3A_387 = tpu.vector_load %arg8[%parallel_loop3A_385, %parallel_loop3A_386] {strides = array<i32>} : memref<32x512xf32, #tpu.memory_space<vmem>>, vector<16xf32>,
        tpu.vector_store %arg8[%parallel_loop3A_385, %parallel_loop3A_386], %parallel_loop3A_384 {strides = array<i32>} : memref<32x512xf32, #tpu.memory_space<vmem>>, vector<16xf32>,
        %parallel_loop3A_388 = arith.constant 160 : i32
        %parallel_loop3A_389 = vector.broadcast %parallel_loop3A_388 : i32 to vector<16xi32>
        %parallel_loop3A_390 = arith.addi %parallel_loop3A_285, %parallel_loop3A_389 : vector<16xi32>
        %parallel_loop3A_391 = arith.constant 511 : i32
        %parallel_loop3A_392 = vector.broadcast %parallel_loop3A_391 : i32 to vector<16xi32>
        %parallel_loop3A_393 = arith.andi %parallel_loop3A_390, %parallel_loop3A_392 : vector<16xi32>
        %parallel_loop3A_394 = tpu.vector_load_idx %arg6[%parallel_loop3A_287, %parallel_loop3A_393] : memref<32x512xf32, #tpu.memory_space<vmem>>[vector<16xi32>, vector<16xi32>], vector<16xf32>,
        %parallel_loop3A_395 = arith.index_cast %parallel_loop3A_275 : i32 to index
        %parallel_loop3A_396 = arith.constant 160 : index
        %parallel_loop3A_397 = tpu.vector_load %arg8[%parallel_loop3A_395, %parallel_loop3A_396] {strides = array<i32>} : memref<32x512xf32, #tpu.memory_space<vmem>>, vector<16xf32>,
        tpu.vector_store %arg8[%parallel_loop3A_395, %parallel_loop3A_396], %parallel_loop3A_394 {strides = array<i32>} : memref<32x512xf32, #tpu.memory_space<vmem>>, vector<16xf32>,
        %parallel_loop3A_398 = arith.constant 176 : i32
        %parallel_loop3A_399 = vector.broadcast %parallel_loop3A_398 : i32 to vector<16xi32>
        %parallel_loop3A_400 = arith.addi %parallel_loop3A_285, %parallel_loop3A_399 : vector<16xi32>
        %parallel_loop3A_401 = arith.constant 511 : i32
        %parallel_loop3A_402 = vector.broadcast %parallel_loop3A_401 : i32 to vector<16xi32>
        %parallel_loop3A_403 = arith.andi %parallel_loop3A_400, %parallel_loop3A_402 : vector<16xi32>
        %parallel_loop3A_404 = tpu.vector_load_idx %arg6[%parallel_loop3A_287, %parallel_loop3A_403] : memref<32x512xf32, #tpu.memory_space<vmem>>[vector<16xi32>, vector<16xi32>], vector<16xf32>,
        %parallel_loop3A_405 = arith.index_cast %parallel_loop3A_275 : i32 to index
        %parallel_loop3A_406 = arith.constant 176 : index
        %parallel_loop3A_407 = tpu.vector_load %arg8[%parallel_loop3A_405, %parallel_loop3A_406] {strides = array<i32>} : memref<32x512xf32, #tpu.memory_space<vmem>>, vector<16xf32>,
        tpu.vector_store %arg8[%parallel_loop3A_405, %parallel_loop3A_406], %parallel_loop3A_404 {strides = array<i32>} : memref<32x512xf32, #tpu.memory_space<vmem>>, vector<16xf32>,
        %parallel_loop3A_408 = arith.constant 192 : i32
        %parallel_loop3A_409 = vector.broadcast %parallel_loop3A_408 : i32 to vector<16xi32>
        %parallel_loop3A_410 = arith.addi %parallel_loop3A_285, %parallel_loop3A_409 : vector<16xi32>
        %parallel_loop3A_411 = arith.constant 511 : i32
        %parallel_loop3A_412 = vector.broadcast %parallel_loop3A_411 : i32 to vector<16xi32>
        %parallel_loop3A_413 = arith.andi %parallel_loop3A_410, %parallel_loop3A_412 : vector<16xi32>
        %parallel_loop3A_414 = tpu.vector_load_idx %arg6[%parallel_loop3A_287, %parallel_loop3A_413] : memref<32x512xf32, #tpu.memory_space<vmem>>[vector<16xi32>, vector<16xi32>], vector<16xf32>,
        %parallel_loop3A_415 = arith.index_cast %parallel_loop3A_275 : i32 to index
        %parallel_loop3A_416 = arith.constant 192 : index
        %parallel_loop3A_417 = tpu.vector_load %arg8[%parallel_loop3A_415, %parallel_loop3A_416] {strides = array<i32>} : memref<32x512xf32, #tpu.memory_space<vmem>>, vector<16xf32>,
        tpu.vector_store %arg8[%parallel_loop3A_415, %parallel_loop3A_416], %parallel_loop3A_414 {strides = array<i32>} : memref<32x512xf32, #tpu.memory_space<vmem>>, vector<16xf32>,
        %parallel_loop3A_418 = arith.constant 208 : i32
        %parallel_loop3A_419 = vector.broadcast %parallel_loop3A_418 : i32 to vector<16xi32>
        %parallel_loop3A_420 = arith.addi %parallel_loop3A_285, %parallel_loop3A_419 : vector<16xi32>
        %parallel_loop3A_421 = arith.constant 511 : i32
        %parallel_loop3A_422 = vector.broadcast %parallel_loop3A_421 : i32 to vector<16xi32>
        %parallel_loop3A_423 = arith.andi %parallel_loop3A_420, %parallel_loop3A_422 : vector<16xi32>
        %parallel_loop3A_424 = tpu.vector_load_idx %arg6[%parallel_loop3A_287, %parallel_loop3A_423] : memref<32x512xf32, #tpu.memory_space<vmem>>[vector<16xi32>, vector<16xi32>], vector<16xf32>,
        %parallel_loop3A_425 = arith.index_cast %parallel_loop3A_275 : i32 to index
        %parallel_loop3A_426 = arith.constant 208 : index
        %parallel_loop3A_427 = tpu.vector_load %arg8[%parallel_loop3A_425, %parallel_loop3A_426] {strides = array<i32>} : memref<32x512xf32, #tpu.memory_space<vmem>>, vector<16xf32>,
        tpu.vector_store %arg8[%parallel_loop3A_425, %parallel_loop3A_426], %parallel_loop3A_424 {strides = array<i32>} : memref<32x512xf32, #tpu.memory_space<vmem>>, vector<16xf32>,
        %parallel_loop3A_428 = arith.constant 224 : i32
        %parallel_loop3A_429 = vector.broadcast %parallel_loop3A_428 : i32 to vector<16xi32>
        %parallel_loop3A_430 = arith.addi %parallel_loop3A_285, %parallel_loop3A_429 : vector<16xi32>
        %parallel_loop3A_431 = arith.constant 511 : i32
        %parallel_loop3A_432 = vector.broadcast %parallel_loop3A_431 : i32 to vector<16xi32>
        %parallel_loop3A_433 = arith.andi %parallel_loop3A_430, %parallel_loop3A_432 : vector<16xi32>
        %parallel_loop3A_434 = tpu.vector_load_idx %arg6[%parallel_loop3A_287, %parallel_loop3A_433] : memref<32x512xf32, #tpu.memory_space<vmem>>[vector<16xi32>, vector<16xi32>], vector<16xf32>,
        %parallel_loop3A_435 = arith.index_cast %parallel_loop3A_275 : i32 to index
        %parallel_loop3A_436 = arith.constant 224 : index
        %parallel_loop3A_437 = tpu.vector_load %arg8[%parallel_loop3A_435, %parallel_loop3A_436] {strides = array<i32>} : memref<32x512xf32, #tpu.memory_space<vmem>>, vector<16xf32>,
        tpu.vector_store %arg8[%parallel_loop3A_435, %parallel_loop3A_436], %parallel_loop3A_434 {strides = array<i32>} : memref<32x512xf32, #tpu.memory_space<vmem>>, vector<16xf32>,
        %parallel_loop3A_438 = arith.constant 240 : i32
        %parallel_loop3A_439 = vector.broadcast %parallel_loop3A_438 : i32 to vector<16xi32>
        %parallel_loop3A_440 = arith.addi %parallel_loop3A_285, %parallel_loop3A_439 : vector<16xi32>
        %parallel_loop3A_441 = arith.constant 511 : i32
        %parallel_loop3A_442 = vector.broadcast %parallel_loop3A_441 : i32 to vector<16xi32>
        %parallel_loop3A_443 = arith.andi %parallel_loop3A_440, %parallel_loop3A_442 : vector<16xi32>
        %parallel_loop3A_444 = tpu.vector_load_idx %arg6[%parallel_loop3A_287, %parallel_loop3A_443] : memref<32x512xf32, #tpu.memory_space<vmem>>[vector<16xi32>, vector<16xi32>], vector<16xf32>,
        %parallel_loop3A_445 = arith.index_cast %parallel_loop3A_275 : i32 to index
        %parallel_loop3A_446 = arith.constant 240 : index
        %parallel_loop3A_447 = tpu.vector_load %arg8[%parallel_loop3A_445, %parallel_loop3A_446] {strides = array<i32>} : memref<32x512xf32, #tpu.memory_space<vmem>>, vector<16xf32>,
        tpu.vector_store %arg8[%parallel_loop3A_445, %parallel_loop3A_446], %parallel_loop3A_444 {strides = array<i32>} : memref<32x512xf32, #tpu.memory_space<vmem>>, vector<16xf32>,
        %parallel_loop3A_448 = arith.constant 256 : i32
        %parallel_loop3A_449 = vector.broadcast %parallel_loop3A_448 : i32 to vector<16xi32>
        %parallel_loop3A_450 = arith.addi %parallel_loop3A_285, %parallel_loop3A_449 : vector<16xi32>
        %parallel_loop3A_451 = arith.constant 511 : i32
        %parallel_loop3A_452 = vector.broadcast %parallel_loop3A_451 : i32 to vector<16xi32>
        %parallel_loop3A_453 = arith.andi %parallel_loop3A_450, %parallel_loop3A_452 : vector<16xi32>
        %parallel_loop3A_454 = tpu.vector_load_idx %arg6[%parallel_loop3A_287, %parallel_loop3A_453] : memref<32x512xf32, #tpu.memory_space<vmem>>[vector<16xi32>, vector<16xi32>], vector<16xf32>,
        %parallel_loop3A_455 = arith.index_cast %parallel_loop3A_275 : i32 to index
        %parallel_loop3A_456 = arith.constant 256 : index
        %parallel_loop3A_457 = tpu.vector_load %arg8[%parallel_loop3A_455, %parallel_loop3A_456] {strides = array<i32>} : memref<32x512xf32, #tpu.memory_space<vmem>>, vector<16xf32>,
        tpu.vector_store %arg8[%parallel_loop3A_455, %parallel_loop3A_456], %parallel_loop3A_454 {strides = array<i32>} : memref<32x512xf32, #tpu.memory_space<vmem>>, vector<16xf32>,
        %parallel_loop3A_458 = arith.constant 272 : i32
        %parallel_loop3A_459 = vector.broadcast %parallel_loop3A_458 : i32 to vector<16xi32>
        %parallel_loop3A_460 = arith.addi %parallel_loop3A_285, %parallel_loop3A_459 : vector<16xi32>
        %parallel_loop3A_461 = arith.constant 511 : i32
        %parallel_loop3A_462 = vector.broadcast %parallel_loop3A_461 : i32 to vector<16xi32>
        %parallel_loop3A_463 = arith.andi %parallel_loop3A_460, %parallel_loop3A_462 : vector<16xi32>
        %parallel_loop3A_464 = tpu.vector_load_idx %arg6[%parallel_loop3A_287, %parallel_loop3A_463] : memref<32x512xf32, #tpu.memory_space<vmem>>[vector<16xi32>, vector<16xi32>], vector<16xf32>,
        %parallel_loop3A_465 = arith.index_cast %parallel_loop3A_275 : i32 to index
        %parallel_loop3A_466 = arith.constant 272 : index
        %parallel_loop3A_467 = tpu.vector_load %arg8[%parallel_loop3A_465, %parallel_loop3A_466] {strides = array<i32>} : memref<32x512xf32, #tpu.memory_space<vmem>>, vector<16xf32>,
        tpu.vector_store %arg8[%parallel_loop3A_465, %parallel_loop3A_466], %parallel_loop3A_464 {strides = array<i32>} : memref<32x512xf32, #tpu.memory_space<vmem>>, vector<16xf32>,
        %parallel_loop3A_468 = arith.constant 288 : i32
        %parallel_loop3A_469 = vector.broadcast %parallel_loop3A_468 : i32 to vector<16xi32>
        %parallel_loop3A_470 = arith.addi %parallel_loop3A_285, %parallel_loop3A_469 : vector<16xi32>
        %parallel_loop3A_471 = arith.constant 511 : i32
        %parallel_loop3A_472 = vector.broadcast %parallel_loop3A_471 : i32 to vector<16xi32>
        %parallel_loop3A_473 = arith.andi %parallel_loop3A_470, %parallel_loop3A_472 : vector<16xi32>
        %parallel_loop3A_474 = tpu.vector_load_idx %arg6[%parallel_loop3A_287, %parallel_loop3A_473] : memref<32x512xf32, #tpu.memory_space<vmem>>[vector<16xi32>, vector<16xi32>], vector<16xf32>,
        %parallel_loop3A_475 = arith.index_cast %parallel_loop3A_275 : i32 to index
        %parallel_loop3A_476 = arith.constant 288 : index
        %parallel_loop3A_477 = tpu.vector_load %arg8[%parallel_loop3A_475, %parallel_loop3A_476] {strides = array<i32>} : memref<32x512xf32, #tpu.memory_space<vmem>>, vector<16xf32>,
        tpu.vector_store %arg8[%parallel_loop3A_475, %parallel_loop3A_476], %parallel_loop3A_474 {strides = array<i32>} : memref<32x512xf32, #tpu.memory_space<vmem>>, vector<16xf32>,
        %parallel_loop3A_478 = arith.constant 304 : i32
        %parallel_loop3A_479 = vector.broadcast %parallel_loop3A_478 : i32 to vector<16xi32>
        %parallel_loop3A_480 = arith.addi %parallel_loop3A_285, %parallel_loop3A_479 : vector<16xi32>
        %parallel_loop3A_481 = arith.constant 511 : i32
        %parallel_loop3A_482 = vector.broadcast %parallel_loop3A_481 : i32 to vector<16xi32>
        %parallel_loop3A_483 = arith.andi %parallel_loop3A_480, %parallel_loop3A_482 : vector<16xi32>
        %parallel_loop3A_484 = tpu.vector_load_idx %arg6[%parallel_loop3A_287, %parallel_loop3A_483] : memref<32x512xf32, #tpu.memory_space<vmem>>[vector<16xi32>, vector<16xi32>], vector<16xf32>,
        %parallel_loop3A_485 = arith.index_cast %parallel_loop3A_275 : i32 to index
        %parallel_loop3A_486 = arith.constant 304 : index
        %parallel_loop3A_487 = tpu.vector_load %arg8[%parallel_loop3A_485, %parallel_loop3A_486] {strides = array<i32>} : memref<32x512xf32, #tpu.memory_space<vmem>>, vector<16xf32>,
        tpu.vector_store %arg8[%parallel_loop3A_485, %parallel_loop3A_486], %parallel_loop3A_484 {strides = array<i32>} : memref<32x512xf32, #tpu.memory_space<vmem>>, vector<16xf32>,
        %parallel_loop3A_488 = arith.constant 320 : i32
        %parallel_loop3A_489 = vector.broadcast %parallel_loop3A_488 : i32 to vector<16xi32>
        %parallel_loop3A_490 = arith.addi %parallel_loop3A_285, %parallel_loop3A_489 : vector<16xi32>
        %parallel_loop3A_491 = arith.constant 511 : i32
        %parallel_loop3A_492 = vector.broadcast %parallel_loop3A_491 : i32 to vector<16xi32>
        %parallel_loop3A_493 = arith.andi %parallel_loop3A_490, %parallel_loop3A_492 : vector<16xi32>
        %parallel_loop3A_494 = tpu.vector_load_idx %arg6[%parallel_loop3A_287, %parallel_loop3A_493] : memref<32x512xf32, #tpu.memory_space<vmem>>[vector<16xi32>, vector<16xi32>], vector<16xf32>,
        %parallel_loop3A_495 = arith.index_cast %parallel_loop3A_275 : i32 to index
        %parallel_loop3A_496 = arith.constant 320 : index
        %parallel_loop3A_497 = tpu.vector_load %arg8[%parallel_loop3A_495, %parallel_loop3A_496] {strides = array<i32>} : memref<32x512xf32, #tpu.memory_space<vmem>>, vector<16xf32>,
        tpu.vector_store %arg8[%parallel_loop3A_495, %parallel_loop3A_496], %parallel_loop3A_494 {strides = array<i32>} : memref<32x512xf32, #tpu.memory_space<vmem>>, vector<16xf32>,
        %parallel_loop3A_498 = arith.constant 336 : i32
        %parallel_loop3A_499 = vector.broadcast %parallel_loop3A_498 : i32 to vector<16xi32>
        %parallel_loop3A_500 = arith.addi %parallel_loop3A_285, %parallel_loop3A_499 : vector<16xi32>
        %parallel_loop3A_501 = arith.constant 511 : i32
        %parallel_loop3A_502 = vector.broadcast %parallel_loop3A_501 : i32 to vector<16xi32>
        %parallel_loop3A_503 = arith.andi %parallel_loop3A_500, %parallel_loop3A_502 : vector<16xi32>
        %parallel_loop3A_504 = tpu.vector_load_idx %arg6[%parallel_loop3A_287, %parallel_loop3A_503] : memref<32x512xf32, #tpu.memory_space<vmem>>[vector<16xi32>, vector<16xi32>], vector<16xf32>,
        %parallel_loop3A_505 = arith.index_cast %parallel_loop3A_275 : i32 to index
        %parallel_loop3A_506 = arith.constant 336 : index
        %parallel_loop3A_507 = tpu.vector_load %arg8[%parallel_loop3A_505, %parallel_loop3A_506] {strides = array<i32>} : memref<32x512xf32, #tpu.memory_space<vmem>>, vector<16xf32>,
        tpu.vector_store %arg8[%parallel_loop3A_505, %parallel_loop3A_506], %parallel_loop3A_504 {strides = array<i32>} : memref<32x512xf32, #tpu.memory_space<vmem>>, vector<16xf32>,
        %parallel_loop3A_508 = arith.constant 352 : i32
        %parallel_loop3A_509 = vector.broadcast %parallel_loop3A_508 : i32 to vector<16xi32>
        %parallel_loop3A_510 = arith.addi %parallel_loop3A_285, %parallel_loop3A_509 : vector<16xi32>
        %parallel_loop3A_511 = arith.constant 511 : i32
        %parallel_loop3A_512 = vector.broadcast %parallel_loop3A_511 : i32 to vector<16xi32>
        %parallel_loop3A_513 = arith.andi %parallel_loop3A_510, %parallel_loop3A_512 : vector<16xi32>
        %parallel_loop3A_514 = tpu.vector_load_idx %arg6[%parallel_loop3A_287, %parallel_loop3A_513] : memref<32x512xf32, #tpu.memory_space<vmem>>[vector<16xi32>, vector<16xi32>], vector<16xf32>,
        %parallel_loop3A_515 = arith.index_cast %parallel_loop3A_275 : i32 to index
        %parallel_loop3A_516 = arith.constant 352 : index
        %parallel_loop3A_517 = tpu.vector_load %arg8[%parallel_loop3A_515, %parallel_loop3A_516] {strides = array<i32>} : memref<32x512xf32, #tpu.memory_space<vmem>>, vector<16xf32>,
        tpu.vector_store %arg8[%parallel_loop3A_515, %parallel_loop3A_516], %parallel_loop3A_514 {strides = array<i32>} : memref<32x512xf32, #tpu.memory_space<vmem>>, vector<16xf32>,
        %parallel_loop3A_518 = arith.constant 368 : i32
        %parallel_loop3A_519 = vector.broadcast %parallel_loop3A_518 : i32 to vector<16xi32>
        %parallel_loop3A_520 = arith.addi %parallel_loop3A_285, %parallel_loop3A_519 : vector<16xi32>
        %parallel_loop3A_521 = arith.constant 511 : i32
        %parallel_loop3A_522 = vector.broadcast %parallel_loop3A_521 : i32 to vector<16xi32>
        %parallel_loop3A_523 = arith.andi %parallel_loop3A_520, %parallel_loop3A_522 : vector<16xi32>
        %parallel_loop3A_524 = tpu.vector_load_idx %arg6[%parallel_loop3A_287, %parallel_loop3A_523] : memref<32x512xf32, #tpu.memory_space<vmem>>[vector<16xi32>, vector<16xi32>], vector<16xf32>,
        %parallel_loop3A_525 = arith.index_cast %parallel_loop3A_275 : i32 to index
        %parallel_loop3A_526 = arith.constant 368 : index
        %parallel_loop3A_527 = tpu.vector_load %arg8[%parallel_loop3A_525, %parallel_loop3A_526] {strides = array<i32>} : memref<32x512xf32, #tpu.memory_space<vmem>>, vector<16xf32>,
        tpu.vector_store %arg8[%parallel_loop3A_525, %parallel_loop3A_526], %parallel_loop3A_524 {strides = array<i32>} : memref<32x512xf32, #tpu.memory_space<vmem>>, vector<16xf32>,
        %parallel_loop3A_528 = arith.constant 384 : i32
        %parallel_loop3A_529 = vector.broadcast %parallel_loop3A_528 : i32 to vector<16xi32>
        %parallel_loop3A_530 = arith.addi %parallel_loop3A_285, %parallel_loop3A_529 : vector<16xi32>
        %parallel_loop3A_531 = arith.constant 511 : i32
        %parallel_loop3A_532 = vector.broadcast %parallel_loop3A_531 : i32 to vector<16xi32>
        %parallel_loop3A_533 = arith.andi %parallel_loop3A_530, %parallel_loop3A_532 : vector<16xi32>
        %parallel_loop3A_534 = tpu.vector_load_idx %arg6[%parallel_loop3A_287, %parallel_loop3A_533] : memref<32x512xf32, #tpu.memory_space<vmem>>[vector<16xi32>, vector<16xi32>], vector<16xf32>,
        %parallel_loop3A_535 = arith.index_cast %parallel_loop3A_275 : i32 to index
        %parallel_loop3A_536 = arith.constant 384 : index
        %parallel_loop3A_537 = tpu.vector_load %arg8[%parallel_loop3A_535, %parallel_loop3A_536] {strides = array<i32>} : memref<32x512xf32, #tpu.memory_space<vmem>>, vector<16xf32>,
        tpu.vector_store %arg8[%parallel_loop3A_535, %parallel_loop3A_536], %parallel_loop3A_534 {strides = array<i32>} : memref<32x512xf32, #tpu.memory_space<vmem>>, vector<16xf32>,
        %parallel_loop3A_538 = arith.constant 400 : i32
        %parallel_loop3A_539 = vector.broadcast %parallel_loop3A_538 : i32 to vector<16xi32>
        %parallel_loop3A_540 = arith.addi %parallel_loop3A_285, %parallel_loop3A_539 : vector<16xi32>
        %parallel_loop3A_541 = arith.constant 511 : i32
        %parallel_loop3A_542 = vector.broadcast %parallel_loop3A_541 : i32 to vector<16xi32>
        %parallel_loop3A_543 = arith.andi %parallel_loop3A_540, %parallel_loop3A_542 : vector<16xi32>
        %parallel_loop3A_544 = tpu.vector_load_idx %arg6[%parallel_loop3A_287, %parallel_loop3A_543] : memref<32x512xf32, #tpu.memory_space<vmem>>[vector<16xi32>, vector<16xi32>], vector<16xf32>,
        %parallel_loop3A_545 = arith.index_cast %parallel_loop3A_275 : i32 to index
        %parallel_loop3A_546 = arith.constant 400 : index
        %parallel_loop3A_547 = tpu.vector_load %arg8[%parallel_loop3A_545, %parallel_loop3A_546] {strides = array<i32>} : memref<32x512xf32, #tpu.memory_space<vmem>>, vector<16xf32>,
        tpu.vector_store %arg8[%parallel_loop3A_545, %parallel_loop3A_546], %parallel_loop3A_544 {strides = array<i32>} : memref<32x512xf32, #tpu.memory_space<vmem>>, vector<16xf32>,
        %parallel_loop3A_548 = arith.constant 416 : i32
        %parallel_loop3A_549 = vector.broadcast %parallel_loop3A_548 : i32 to vector<16xi32>
        %parallel_loop3A_550 = arith.addi %parallel_loop3A_285, %parallel_loop3A_549 : vector<16xi32>
        %parallel_loop3A_551 = arith.constant 511 : i32
        %parallel_loop3A_552 = vector.broadcast %parallel_loop3A_551 : i32 to vector<16xi32>
        %parallel_loop3A_553 = arith.andi %parallel_loop3A_550, %parallel_loop3A_552 : vector<16xi32>
        %parallel_loop3A_554 = tpu.vector_load_idx %arg6[%parallel_loop3A_287, %parallel_loop3A_553] : memref<32x512xf32, #tpu.memory_space<vmem>>[vector<16xi32>, vector<16xi32>], vector<16xf32>,
        %parallel_loop3A_555 = arith.index_cast %parallel_loop3A_275 : i32 to index
        %parallel_loop3A_556 = arith.constant 416 : index
        %parallel_loop3A_557 = tpu.vector_load %arg8[%parallel_loop3A_555, %parallel_loop3A_556] {strides = array<i32>} : memref<32x512xf32, #tpu.memory_space<vmem>>, vector<16xf32>,
        tpu.vector_store %arg8[%parallel_loop3A_555, %parallel_loop3A_556], %parallel_loop3A_554 {strides = array<i32>} : memref<32x512xf32, #tpu.memory_space<vmem>>, vector<16xf32>,
        %parallel_loop3A_558 = arith.constant 432 : i32
        %parallel_loop3A_559 = vector.broadcast %parallel_loop3A_558 : i32 to vector<16xi32>
        %parallel_loop3A_560 = arith.addi %parallel_loop3A_285, %parallel_loop3A_559 : vector<16xi32>
        %parallel_loop3A_561 = arith.constant 511 : i32
        %parallel_loop3A_562 = vector.broadcast %parallel_loop3A_561 : i32 to vector<16xi32>
        %parallel_loop3A_563 = arith.andi %parallel_loop3A_560, %parallel_loop3A_562 : vector<16xi32>
        %parallel_loop3A_564 = tpu.vector_load_idx %arg6[%parallel_loop3A_287, %parallel_loop3A_563] : memref<32x512xf32, #tpu.memory_space<vmem>>[vector<16xi32>, vector<16xi32>], vector<16xf32>,
        %parallel_loop3A_565 = arith.index_cast %parallel_loop3A_275 : i32 to index
        %parallel_loop3A_566 = arith.constant 432 : index
        %parallel_loop3A_567 = tpu.vector_load %arg8[%parallel_loop3A_565, %parallel_loop3A_566] {strides = array<i32>} : memref<32x512xf32, #tpu.memory_space<vmem>>, vector<16xf32>,
        tpu.vector_store %arg8[%parallel_loop3A_565, %parallel_loop3A_566], %parallel_loop3A_564 {strides = array<i32>} : memref<32x512xf32, #tpu.memory_space<vmem>>, vector<16xf32>,
        %parallel_loop3A_568 = arith.constant 448 : i32
        %parallel_loop3A_569 = vector.broadcast %parallel_loop3A_568 : i32 to vector<16xi32>
        %parallel_loop3A_570 = arith.addi %parallel_loop3A_285, %parallel_loop3A_569 : vector<16xi32>
        %parallel_loop3A_571 = arith.constant 511 : i32
        %parallel_loop3A_572 = vector.broadcast %parallel_loop3A_571 : i32 to vector<16xi32>
        %parallel_loop3A_573 = arith.andi %parallel_loop3A_570, %parallel_loop3A_572 : vector<16xi32>
        %parallel_loop3A_574 = tpu.vector_load_idx %arg6[%parallel_loop3A_287, %parallel_loop3A_573] : memref<32x512xf32, #tpu.memory_space<vmem>>[vector<16xi32>, vector<16xi32>], vector<16xf32>,
        %parallel_loop3A_575 = arith.index_cast %parallel_loop3A_275 : i32 to index
        %parallel_loop3A_576 = arith.constant 448 : index
        %parallel_loop3A_577 = tpu.vector_load %arg8[%parallel_loop3A_575, %parallel_loop3A_576] {strides = array<i32>} : memref<32x512xf32, #tpu.memory_space<vmem>>, vector<16xf32>,
        tpu.vector_store %arg8[%parallel_loop3A_575, %parallel_loop3A_576], %parallel_loop3A_574 {strides = array<i32>} : memref<32x512xf32, #tpu.memory_space<vmem>>, vector<16xf32>,
        %parallel_loop3A_578 = arith.constant 464 : i32
        %parallel_loop3A_579 = vector.broadcast %parallel_loop3A_578 : i32 to vector<16xi32>
        %parallel_loop3A_580 = arith.addi %parallel_loop3A_285, %parallel_loop3A_579 : vector<16xi32>
        %parallel_loop3A_581 = arith.constant 511 : i32
        %parallel_loop3A_582 = vector.broadcast %parallel_loop3A_581 : i32 to vector<16xi32>
        %parallel_loop3A_583 = arith.andi %parallel_loop3A_580, %parallel_loop3A_582 : vector<16xi32>
        %parallel_loop3A_584 = tpu.vector_load_idx %arg6[%parallel_loop3A_287, %parallel_loop3A_583] : memref<32x512xf32, #tpu.memory_space<vmem>>[vector<16xi32>, vector<16xi32>], vector<16xf32>,
        %parallel_loop3A_585 = arith.index_cast %parallel_loop3A_275 : i32 to index
        %parallel_loop3A_586 = arith.constant 464 : index
        %parallel_loop3A_587 = tpu.vector_load %arg8[%parallel_loop3A_585, %parallel_loop3A_586] {strides = array<i32>} : memref<32x512xf32, #tpu.memory_space<vmem>>, vector<16xf32>,
        tpu.vector_store %arg8[%parallel_loop3A_585, %parallel_loop3A_586], %parallel_loop3A_584 {strides = array<i32>} : memref<32x512xf32, #tpu.memory_space<vmem>>, vector<16xf32>,
        %parallel_loop3A_588 = arith.constant 480 : i32
        %parallel_loop3A_589 = vector.broadcast %parallel_loop3A_588 : i32 to vector<16xi32>
        %parallel_loop3A_590 = arith.addi %parallel_loop3A_285, %parallel_loop3A_589 : vector<16xi32>
        %parallel_loop3A_591 = arith.constant 511 : i32
        %parallel_loop3A_592 = vector.broadcast %parallel_loop3A_591 : i32 to vector<16xi32>
        %parallel_loop3A_593 = arith.andi %parallel_loop3A_590, %parallel_loop3A_592 : vector<16xi32>
        %parallel_loop3A_594 = tpu.vector_load_idx %arg6[%parallel_loop3A_287, %parallel_loop3A_593] : memref<32x512xf32, #tpu.memory_space<vmem>>[vector<16xi32>, vector<16xi32>], vector<16xf32>,
        %parallel_loop3A_595 = arith.index_cast %parallel_loop3A_275 : i32 to index
        %parallel_loop3A_596 = arith.constant 480 : index
        %parallel_loop3A_597 = tpu.vector_load %arg8[%parallel_loop3A_595, %parallel_loop3A_596] {strides = array<i32>} : memref<32x512xf32, #tpu.memory_space<vmem>>, vector<16xf32>,
        tpu.vector_store %arg8[%parallel_loop3A_595, %parallel_loop3A_596], %parallel_loop3A_594 {strides = array<i32>} : memref<32x512xf32, #tpu.memory_space<vmem>>, vector<16xf32>,
        %parallel_loop3A_598 = arith.constant 496 : i32
        %parallel_loop3A_599 = vector.broadcast %parallel_loop3A_598 : i32 to vector<16xi32>
        %parallel_loop3A_600 = arith.addi %parallel_loop3A_285, %parallel_loop3A_599 : vector<16xi32>
        %parallel_loop3A_601 = arith.constant 511 : i32
        %parallel_loop3A_602 = vector.broadcast %parallel_loop3A_601 : i32 to vector<16xi32>
        %parallel_loop3A_603 = arith.andi %parallel_loop3A_600, %parallel_loop3A_602 : vector<16xi32>
        %parallel_loop3A_604 = tpu.vector_load_idx %arg6[%parallel_loop3A_287, %parallel_loop3A_603] : memref<32x512xf32, #tpu.memory_space<vmem>>[vector<16xi32>, vector<16xi32>], vector<16xf32>,
        %parallel_loop3A_605 = arith.index_cast %parallel_loop3A_275 : i32 to index
        %parallel_loop3A_606 = arith.constant 496 : index
        %parallel_loop3A_607 = tpu.vector_load %arg8[%parallel_loop3A_605, %parallel_loop3A_606] {strides = array<i32>} : memref<32x512xf32, #tpu.memory_space<vmem>>, vector<16xf32>,
        tpu.vector_store %arg8[%parallel_loop3A_605, %parallel_loop3A_606], %parallel_loop3A_604 {strides = array<i32>} : memref<32x512xf32, #tpu.memory_space<vmem>>, vector<16xf32>,
      } {sc.loop_unroll_factor = 4 : i64, sc.parallel_access}
      %mul3A_127 = arith.constant 32 : i32
      %mul3A_128 = arith.muli %add3A_114, %mul3A_127 : i32
      %add3A_129 = arith.addi %mul3A_32, %mul3A_128 : i32
      %dma_start3A_130 = arith.constant 0 : i32
      %dma_start3A_131 = tpu.memref_slice %arg4[%select_n3A, %add3A_129, %dma_start3A_130] : memref<16x2048x512xf32, #tpu.memory_space<hbm>> -> memref<1x32x512xf32, #tpu.memory_space<hbm>>
      %dma_start3A_132 = tpu.memref_squeeze %dma_start3A_131 : memref<1x32x512xf32, #tpu.memory_space<hbm>> -> memref<32x512xf32, #tpu.memory_space<hbm>>
      %dma_start3A_133 = arith.constant 0 : i32
      %dma_start3A_134 = tpu.memref_slice %arg4[%select_n3A, %add3A_129, %dma_start3A_133] : memref<16x2048x512xf32, #tpu.memory_space<hbm>> -> memref<1x32x512xf32, #tpu.memory_space<hbm>>
      %dma_start3A_135 = tpu.memref_squeeze %dma_start3A_134 : memref<1x32x512xf32, #tpu.memory_space<hbm>> -> memref<32x512xf32, #tpu.memory_space<hbm>>
      tpu.enqueue_dma source(%arg8 : memref<32x512xf32, #tpu.memory_space<vmem>>) target(%dma_start3A_135 : memref<32x512xf32, #tpu.memory_space<hbm>>) target_semaphore(%arg14 : memref<!tpu.dma_semaphore, #tpu.memory_space<semaphore_mem>>)
      %add3A_136 = arith.constant 2 : i32
      %add3A_137 = arith.addi %add3A_114, %add3A_136 : i32
      %min3A_138 = arith.constant 31 : i32
      %min3A_139 = arith.minsi %add3A_137, %min3A_138 : i32
      %mul3A_140 = arith.constant 32 : i32
      %mul3A_141 = arith.muli %min3A_139, %mul3A_140 : i32
      %add3A_142 = arith.addi %mul3A_32, %mul3A_141 : i32
      %dma_start3A_143 = arith.constant 0 : i32
      %dma_start3A_144 = tpu.memref_slice %arg2[%select_n3A, %add3A_142, %dma_start3A_143] : memref<16x2048x512xf32, #tpu.memory_space<hbm>> -> memref<1x32x512xf32, #tpu.memory_space<hbm>>
      %dma_start3A_145 = tpu.memref_squeeze %dma_start3A_144 : memref<1x32x512xf32, #tpu.memory_space<hbm>> -> memref<32x512xf32, #tpu.memory_space<hbm>>
      %dma_start3A_146 = arith.constant 0 : i32
      %dma_start3A_147 = tpu.memref_slice %arg2[%select_n3A, %add3A_142, %dma_start3A_146] : memref<16x2048x512xf32, #tpu.memory_space<hbm>> -> memref<1x32x512xf32, #tpu.memory_space<hbm>>
      %dma_start3A_148 = tpu.memref_squeeze %dma_start3A_147 : memref<1x32x512xf32, #tpu.memory_space<hbm>> -> memref<32x512xf32, #tpu.memory_space<hbm>>
      tpu.enqueue_dma source(%dma_start3A_148 : memref<32x512xf32, #tpu.memory_space<hbm>>) target(%arg6 : memref<32x512xf32, #tpu.memory_space<vmem>>) target_semaphore(%arg12 : memref<!tpu.dma_semaphore, #tpu.memory_space<semaphore_mem>>)
      %mul3A_149 = arith.constant 4 : i32
      %mul3A_150 = arith.muli %mul3A_149, %scan3A_110 : i32
      %add3A_151 = arith.constant 1 : i32
      %add3A_152 = arith.addi %mul3A_150, %add3A_151 : i32
      %add3A_153 = arith.constant 0 : i32
      %add3A_154 = arith.addi %mul3A_32, %add3A_153 : i32
      %dma_wait3A_155 = arith.constant 0 : i32
      %dma_wait3A_156 = tpu.memref_slice %arg2[%select_n3A, %add3A_154, %dma_wait3A_155] : memref<16x2048x512xf32, #tpu.memory_space<hbm>> -> memref<1x32x512xf32, #tpu.memory_space<hbm>>
      %dma_wait3A_157 = tpu.memref_squeeze %dma_wait3A_156 : memref<1x32x512xf32, #tpu.memory_space<hbm>> -> memref<32x512xf32, #tpu.memory_space<hbm>>
      %dma_wait3A_158 = arith.constant 0 : i32
      %dma_wait3A_159 = tpu.memref_slice %arg2[%select_n3A, %add3A_154, %dma_wait3A_158] : memref<16x2048x512xf32, #tpu.memory_space<hbm>> -> memref<1x32x512xf32, #tpu.memory_space<hbm>>
      %dma_wait3A_160 = tpu.memref_squeeze %dma_wait3A_159 : memref<1x32x512xf32, #tpu.memory_space<hbm>> -> memref<32x512xf32, #tpu.memory_space<hbm>>
      tpu.wait_dma2 semaphore(%arg13 : memref<!tpu.dma_semaphore, #tpu.memory_space<semaphore_mem>>) src(%dma_wait3A_160 : memref<32x512xf32, #tpu.memory_space<hbm>>) dst(%arg7 : memref<32x512xf32, #tpu.memory_space<vmem>>)
      %gt3A_161 = arith.constant 0 : i32
      %gt3A_162 = arith.cmpi sgt, %scan3A_110, %gt3A_161 : i32
      %convert_element_type3A_163 = arith.extui %gt3A_162 : i1 to i32
      %cond3A_164 = arith.constant 0 : i32
      %cond3A_165 = arith.cmpi ne, %convert_element_type3A_163, %cond3A_164 : i32
      scf.if %cond3A_165 {
        %add3A_275 = arith.constant 0 : i32
        %add3A_276 = arith.addi %mul3A_32, %add3A_275 : i32
        %dma_wait3A_277 = arith.constant 0 : i32
        %dma_wait3A_278 = tpu.memref_slice %arg4[%select_n3A, %add3A_276, %dma_wait3A_277] : memref<16x2048x512xf32, #tpu.memory_space<hbm>> -> memref<1x32x512xf32, #tpu.memory_space<hbm>>
        %dma_wait3A_279 = tpu.memref_squeeze %dma_wait3A_278 : memref<1x32x512xf32, #tpu.memory_space<hbm>> -> memref<32x512xf32, #tpu.memory_space<hbm>>
        %dma_wait3A_280 = arith.constant 0 : i32
        %dma_wait3A_281 = tpu.memref_slice %arg4[%select_n3A, %add3A_276, %dma_wait3A_280] : memref<16x2048x512xf32, #tpu.memory_space<hbm>> -> memref<1x32x512xf32, #tpu.memory_space<hbm>>
        %dma_wait3A_282 = tpu.memref_squeeze %dma_wait3A_281 : memref<1x32x512xf32, #tpu.memory_space<hbm>> -> memref<32x512xf32, #tpu.memory_space<hbm>>
        tpu.wait_dma2 semaphore(%arg15 : memref<!tpu.dma_semaphore, #tpu.memory_space<semaphore_mem>>) src(%arg9 : memref<32x512xf32, #tpu.memory_space<vmem>>) dst(%dma_wait3A_282 : memref<32x512xf32, #tpu.memory_space<hbm>>)
      } else {
      }
      %parallel_loop3A_166 = arith.constant 0 : i32
      %parallel_loop3A_167 = arith.constant 32 : i32
      %parallel_loop3A_168 = arith.constant 1 : i32
      scf.for %parallel_loop3A_275 = %parallel_loop3A_166 to %parallel_loop3A_167 step %parallel_loop3A_168  : i32 {
        %parallel_loop3A_276 = arith.constant 32 : i32
        %parallel_loop3A_277 = arith.muli %add3A_152, %parallel_loop3A_276 : i32
        %parallel_loop3A_278 = arith.addi %parallel_loop3A_277, %parallel_loop3A_275 : i32
        %parallel_loop3A_279 = vector.broadcast %parallel_loop3A_278 : i32 to vector<16xi32>
        %parallel_loop3A_280 = arith.addi %mul3A_35, %parallel_loop3A_279 : vector<16xi32>
        %parallel_loop3A_281 = tpu.vector_load_idx %arg5[%parallel_loop3A_280] : memref<1024xi32, #tpu.memory_space<vmem>>[vector<16xi32>], vector<16xi32>,
        %parallel_loop3A_282 = arith.subi %iota3A, %parallel_loop3A_281 : vector<16xi32>
        %parallel_loop3A_283 = arith.constant 511 : i32
        %parallel_loop3A_284 = vector.broadcast %parallel_loop3A_283 : i32 to vector<16xi32>
        %parallel_loop3A_285 = arith.andi %parallel_loop3A_282, %parallel_loop3A_284 : vector<16xi32>
        %parallel_loop3A_286 = vector.broadcast %parallel_loop3A_275 : i32 to vector<16xi32>
        %parallel_loop3A_287 = arith.addi %mul3A_35, %parallel_loop3A_286 : vector<16xi32>
        %parallel_loop3A_288 = arith.constant 0 : i32
        %parallel_loop3A_289 = vector.broadcast %parallel_loop3A_288 : i32 to vector<16xi32>
        %parallel_loop3A_290 = arith.addi %parallel_loop3A_285, %parallel_loop3A_289 : vector<16xi32>
        %parallel_loop3A_291 = arith.constant 511 : i32
        %parallel_loop3A_292 = vector.broadcast %parallel_loop3A_291 : i32 to vector<16xi32>
        %parallel_loop3A_293 = arith.andi %parallel_loop3A_290, %parallel_loop3A_292 : vector<16xi32>
        %parallel_loop3A_294 = tpu.vector_load_idx %arg7[%parallel_loop3A_287, %parallel_loop3A_293] : memref<32x512xf32, #tpu.memory_space<vmem>>[vector<16xi32>, vector<16xi32>], vector<16xf32>,
        %parallel_loop3A_295 = arith.index_cast %parallel_loop3A_275 : i32 to index
        %parallel_loop3A_296 = arith.constant 0 : index
        %parallel_loop3A_297 = tpu.vector_load %arg9[%parallel_loop3A_295, %parallel_loop3A_296] {strides = array<i32>} : memref<32x512xf32, #tpu.memory_space<vmem>>, vector<16xf32>,
        tpu.vector_store %arg9[%parallel_loop3A_295, %parallel_loop3A_296], %parallel_loop3A_294 {strides = array<i32>} : memref<32x512xf32, #tpu.memory_space<vmem>>, vector<16xf32>,
        %parallel_loop3A_298 = arith.constant 16 : i32
        %parallel_loop3A_299 = vector.broadcast %parallel_loop3A_298 : i32 to vector<16xi32>
        %parallel_loop3A_300 = arith.addi %parallel_loop3A_285, %parallel_loop3A_299 : vector<16xi32>
        %parallel_loop3A_301 = arith.constant 511 : i32
        %parallel_loop3A_302 = vector.broadcast %parallel_loop3A_301 : i32 to vector<16xi32>
        %parallel_loop3A_303 = arith.andi %parallel_loop3A_300, %parallel_loop3A_302 : vector<16xi32>
        %parallel_loop3A_304 = tpu.vector_load_idx %arg7[%parallel_loop3A_287, %parallel_loop3A_303] : memref<32x512xf32, #tpu.memory_space<vmem>>[vector<16xi32>, vector<16xi32>], vector<16xf32>,
        %parallel_loop3A_305 = arith.index_cast %parallel_loop3A_275 : i32 to index
        %parallel_loop3A_306 = arith.constant 16 : index
        %parallel_loop3A_307 = tpu.vector_load %arg9[%parallel_loop3A_305, %parallel_loop3A_306] {strides = array<i32>} : memref<32x512xf32, #tpu.memory_space<vmem>>, vector<16xf32>,
        tpu.vector_store %arg9[%parallel_loop3A_305, %parallel_loop3A_306], %parallel_loop3A_304 {strides = array<i32>} : memref<32x512xf32, #tpu.memory_space<vmem>>, vector<16xf32>,
        %parallel_loop3A_308 = arith.constant 32 : i32
        %parallel_loop3A_309 = vector.broadcast %parallel_loop3A_308 : i32 to vector<16xi32>
        %parallel_loop3A_310 = arith.addi %parallel_loop3A_285, %parallel_loop3A_309 : vector<16xi32>
        %parallel_loop3A_311 = arith.constant 511 : i32
        %parallel_loop3A_312 = vector.broadcast %parallel_loop3A_311 : i32 to vector<16xi32>
        %parallel_loop3A_313 = arith.andi %parallel_loop3A_310, %parallel_loop3A_312 : vector<16xi32>
        %parallel_loop3A_314 = tpu.vector_load_idx %arg7[%parallel_loop3A_287, %parallel_loop3A_313] : memref<32x512xf32, #tpu.memory_space<vmem>>[vector<16xi32>, vector<16xi32>], vector<16xf32>,
        %parallel_loop3A_315 = arith.index_cast %parallel_loop3A_275 : i32 to index
        %parallel_loop3A_316 = arith.constant 32 : index
        %parallel_loop3A_317 = tpu.vector_load %arg9[%parallel_loop3A_315, %parallel_loop3A_316] {strides = array<i32>} : memref<32x512xf32, #tpu.memory_space<vmem>>, vector<16xf32>,
        tpu.vector_store %arg9[%parallel_loop3A_315, %parallel_loop3A_316], %parallel_loop3A_314 {strides = array<i32>} : memref<32x512xf32, #tpu.memory_space<vmem>>, vector<16xf32>,
        %parallel_loop3A_318 = arith.constant 48 : i32
        %parallel_loop3A_319 = vector.broadcast %parallel_loop3A_318 : i32 to vector<16xi32>
        %parallel_loop3A_320 = arith.addi %parallel_loop3A_285, %parallel_loop3A_319 : vector<16xi32>
        %parallel_loop3A_321 = arith.constant 511 : i32
        %parallel_loop3A_322 = vector.broadcast %parallel_loop3A_321 : i32 to vector<16xi32>
        %parallel_loop3A_323 = arith.andi %parallel_loop3A_320, %parallel_loop3A_322 : vector<16xi32>
        %parallel_loop3A_324 = tpu.vector_load_idx %arg7[%parallel_loop3A_287, %parallel_loop3A_323] : memref<32x512xf32, #tpu.memory_space<vmem>>[vector<16xi32>, vector<16xi32>], vector<16xf32>,
        %parallel_loop3A_325 = arith.index_cast %parallel_loop3A_275 : i32 to index
        %parallel_loop3A_326 = arith.constant 48 : index
        %parallel_loop3A_327 = tpu.vector_load %arg9[%parallel_loop3A_325, %parallel_loop3A_326] {strides = array<i32>} : memref<32x512xf32, #tpu.memory_space<vmem>>, vector<16xf32>,
        tpu.vector_store %arg9[%parallel_loop3A_325, %parallel_loop3A_326], %parallel_loop3A_324 {strides = array<i32>} : memref<32x512xf32, #tpu.memory_space<vmem>>, vector<16xf32>,
        %parallel_loop3A_328 = arith.constant 64 : i32
        %parallel_loop3A_329 = vector.broadcast %parallel_loop3A_328 : i32 to vector<16xi32>
        %parallel_loop3A_330 = arith.addi %parallel_loop3A_285, %parallel_loop3A_329 : vector<16xi32>
        %parallel_loop3A_331 = arith.constant 511 : i32
        %parallel_loop3A_332 = vector.broadcast %parallel_loop3A_331 : i32 to vector<16xi32>
        %parallel_loop3A_333 = arith.andi %parallel_loop3A_330, %parallel_loop3A_332 : vector<16xi32>
        %parallel_loop3A_334 = tpu.vector_load_idx %arg7[%parallel_loop3A_287, %parallel_loop3A_333] : memref<32x512xf32, #tpu.memory_space<vmem>>[vector<16xi32>, vector<16xi32>], vector<16xf32>,
        %parallel_loop3A_335 = arith.index_cast %parallel_loop3A_275 : i32 to index
        %parallel_loop3A_336 = arith.constant 64 : index
        %parallel_loop3A_337 = tpu.vector_load %arg9[%parallel_loop3A_335, %parallel_loop3A_336] {strides = array<i32>} : memref<32x512xf32, #tpu.memory_space<vmem>>, vector<16xf32>,
        tpu.vector_store %arg9[%parallel_loop3A_335, %parallel_loop3A_336], %parallel_loop3A_334 {strides = array<i32>} : memref<32x512xf32, #tpu.memory_space<vmem>>, vector<16xf32>,
        %parallel_loop3A_338 = arith.constant 80 : i32
        %parallel_loop3A_339 = vector.broadcast %parallel_loop3A_338 : i32 to vector<16xi32>
        %parallel_loop3A_340 = arith.addi %parallel_loop3A_285, %parallel_loop3A_339 : vector<16xi32>
        %parallel_loop3A_341 = arith.constant 511 : i32
        %parallel_loop3A_342 = vector.broadcast %parallel_loop3A_341 : i32 to vector<16xi32>
        %parallel_loop3A_343 = arith.andi %parallel_loop3A_340, %parallel_loop3A_342 : vector<16xi32>
        %parallel_loop3A_344 = tpu.vector_load_idx %arg7[%parallel_loop3A_287, %parallel_loop3A_343] : memref<32x512xf32, #tpu.memory_space<vmem>>[vector<16xi32>, vector<16xi32>], vector<16xf32>,
        %parallel_loop3A_345 = arith.index_cast %parallel_loop3A_275 : i32 to index
        %parallel_loop3A_346 = arith.constant 80 : index
        %parallel_loop3A_347 = tpu.vector_load %arg9[%parallel_loop3A_345, %parallel_loop3A_346] {strides = array<i32>} : memref<32x512xf32, #tpu.memory_space<vmem>>, vector<16xf32>,
        tpu.vector_store %arg9[%parallel_loop3A_345, %parallel_loop3A_346], %parallel_loop3A_344 {strides = array<i32>} : memref<32x512xf32, #tpu.memory_space<vmem>>, vector<16xf32>,
        %parallel_loop3A_348 = arith.constant 96 : i32
        %parallel_loop3A_349 = vector.broadcast %parallel_loop3A_348 : i32 to vector<16xi32>
        %parallel_loop3A_350 = arith.addi %parallel_loop3A_285, %parallel_loop3A_349 : vector<16xi32>
        %parallel_loop3A_351 = arith.constant 511 : i32
        %parallel_loop3A_352 = vector.broadcast %parallel_loop3A_351 : i32 to vector<16xi32>
        %parallel_loop3A_353 = arith.andi %parallel_loop3A_350, %parallel_loop3A_352 : vector<16xi32>
        %parallel_loop3A_354 = tpu.vector_load_idx %arg7[%parallel_loop3A_287, %parallel_loop3A_353] : memref<32x512xf32, #tpu.memory_space<vmem>>[vector<16xi32>, vector<16xi32>], vector<16xf32>,
        %parallel_loop3A_355 = arith.index_cast %parallel_loop3A_275 : i32 to index
        %parallel_loop3A_356 = arith.constant 96 : index
        %parallel_loop3A_357 = tpu.vector_load %arg9[%parallel_loop3A_355, %parallel_loop3A_356] {strides = array<i32>} : memref<32x512xf32, #tpu.memory_space<vmem>>, vector<16xf32>,
        tpu.vector_store %arg9[%parallel_loop3A_355, %parallel_loop3A_356], %parallel_loop3A_354 {strides = array<i32>} : memref<32x512xf32, #tpu.memory_space<vmem>>, vector<16xf32>,
        %parallel_loop3A_358 = arith.constant 112 : i32
        %parallel_loop3A_359 = vector.broadcast %parallel_loop3A_358 : i32 to vector<16xi32>
        %parallel_loop3A_360 = arith.addi %parallel_loop3A_285, %parallel_loop3A_359 : vector<16xi32>
        %parallel_loop3A_361 = arith.constant 511 : i32
        %parallel_loop3A_362 = vector.broadcast %parallel_loop3A_361 : i32 to vector<16xi32>
        %parallel_loop3A_363 = arith.andi %parallel_loop3A_360, %parallel_loop3A_362 : vector<16xi32>
        %parallel_loop3A_364 = tpu.vector_load_idx %arg7[%parallel_loop3A_287, %parallel_loop3A_363] : memref<32x512xf32, #tpu.memory_space<vmem>>[vector<16xi32>, vector<16xi32>], vector<16xf32>,
        %parallel_loop3A_365 = arith.index_cast %parallel_loop3A_275 : i32 to index
        %parallel_loop3A_366 = arith.constant 112 : index
        %parallel_loop3A_367 = tpu.vector_load %arg9[%parallel_loop3A_365, %parallel_loop3A_366] {strides = array<i32>} : memref<32x512xf32, #tpu.memory_space<vmem>>, vector<16xf32>,
        tpu.vector_store %arg9[%parallel_loop3A_365, %parallel_loop3A_366], %parallel_loop3A_364 {strides = array<i32>} : memref<32x512xf32, #tpu.memory_space<vmem>>, vector<16xf32>,
        %parallel_loop3A_368 = arith.constant 128 : i32
        %parallel_loop3A_369 = vector.broadcast %parallel_loop3A_368 : i32 to vector<16xi32>
        %parallel_loop3A_370 = arith.addi %parallel_loop3A_285, %parallel_loop3A_369 : vector<16xi32>
        %parallel_loop3A_371 = arith.constant 511 : i32
        %parallel_loop3A_372 = vector.broadcast %parallel_loop3A_371 : i32 to vector<16xi32>
        %parallel_loop3A_373 = arith.andi %parallel_loop3A_370, %parallel_loop3A_372 : vector<16xi32>
        %parallel_loop3A_374 = tpu.vector_load_idx %arg7[%parallel_loop3A_287, %parallel_loop3A_373] : memref<32x512xf32, #tpu.memory_space<vmem>>[vector<16xi32>, vector<16xi32>], vector<16xf32>,
        %parallel_loop3A_375 = arith.index_cast %parallel_loop3A_275 : i32 to index
        %parallel_loop3A_376 = arith.constant 128 : index
        %parallel_loop3A_377 = tpu.vector_load %arg9[%parallel_loop3A_375, %parallel_loop3A_376] {strides = array<i32>} : memref<32x512xf32, #tpu.memory_space<vmem>>, vector<16xf32>,
        tpu.vector_store %arg9[%parallel_loop3A_375, %parallel_loop3A_376], %parallel_loop3A_374 {strides = array<i32>} : memref<32x512xf32, #tpu.memory_space<vmem>>, vector<16xf32>,
        %parallel_loop3A_378 = arith.constant 144 : i32
        %parallel_loop3A_379 = vector.broadcast %parallel_loop3A_378 : i32 to vector<16xi32>
        %parallel_loop3A_380 = arith.addi %parallel_loop3A_285, %parallel_loop3A_379 : vector<16xi32>
        %parallel_loop3A_381 = arith.constant 511 : i32
        %parallel_loop3A_382 = vector.broadcast %parallel_loop3A_381 : i32 to vector<16xi32>
        %parallel_loop3A_383 = arith.andi %parallel_loop3A_380, %parallel_loop3A_382 : vector<16xi32>
        %parallel_loop3A_384 = tpu.vector_load_idx %arg7[%parallel_loop3A_287, %parallel_loop3A_383] : memref<32x512xf32, #tpu.memory_space<vmem>>[vector<16xi32>, vector<16xi32>], vector<16xf32>,
        %parallel_loop3A_385 = arith.index_cast %parallel_loop3A_275 : i32 to index
        %parallel_loop3A_386 = arith.constant 144 : index
        %parallel_loop3A_387 = tpu.vector_load %arg9[%parallel_loop3A_385, %parallel_loop3A_386] {strides = array<i32>} : memref<32x512xf32, #tpu.memory_space<vmem>>, vector<16xf32>,
        tpu.vector_store %arg9[%parallel_loop3A_385, %parallel_loop3A_386], %parallel_loop3A_384 {strides = array<i32>} : memref<32x512xf32, #tpu.memory_space<vmem>>, vector<16xf32>,
        %parallel_loop3A_388 = arith.constant 160 : i32
        %parallel_loop3A_389 = vector.broadcast %parallel_loop3A_388 : i32 to vector<16xi32>
        %parallel_loop3A_390 = arith.addi %parallel_loop3A_285, %parallel_loop3A_389 : vector<16xi32>
        %parallel_loop3A_391 = arith.constant 511 : i32
        %parallel_loop3A_392 = vector.broadcast %parallel_loop3A_391 : i32 to vector<16xi32>
        %parallel_loop3A_393 = arith.andi %parallel_loop3A_390, %parallel_loop3A_392 : vector<16xi32>
        %parallel_loop3A_394 = tpu.vector_load_idx %arg7[%parallel_loop3A_287, %parallel_loop3A_393] : memref<32x512xf32, #tpu.memory_space<vmem>>[vector<16xi32>, vector<16xi32>], vector<16xf32>,
        %parallel_loop3A_395 = arith.index_cast %parallel_loop3A_275 : i32 to index
        %parallel_loop3A_396 = arith.constant 160 : index
        %parallel_loop3A_397 = tpu.vector_load %arg9[%parallel_loop3A_395, %parallel_loop3A_396] {strides = array<i32>} : memref<32x512xf32, #tpu.memory_space<vmem>>, vector<16xf32>,
        tpu.vector_store %arg9[%parallel_loop3A_395, %parallel_loop3A_396], %parallel_loop3A_394 {strides = array<i32>} : memref<32x512xf32, #tpu.memory_space<vmem>>, vector<16xf32>,
        %parallel_loop3A_398 = arith.constant 176 : i32
        %parallel_loop3A_399 = vector.broadcast %parallel_loop3A_398 : i32 to vector<16xi32>
        %parallel_loop3A_400 = arith.addi %parallel_loop3A_285, %parallel_loop3A_399 : vector<16xi32>
        %parallel_loop3A_401 = arith.constant 511 : i32
        %parallel_loop3A_402 = vector.broadcast %parallel_loop3A_401 : i32 to vector<16xi32>
        %parallel_loop3A_403 = arith.andi %parallel_loop3A_400, %parallel_loop3A_402 : vector<16xi32>
        %parallel_loop3A_404 = tpu.vector_load_idx %arg7[%parallel_loop3A_287, %parallel_loop3A_403] : memref<32x512xf32, #tpu.memory_space<vmem>>[vector<16xi32>, vector<16xi32>], vector<16xf32>,
        %parallel_loop3A_405 = arith.index_cast %parallel_loop3A_275 : i32 to index
        %parallel_loop3A_406 = arith.constant 176 : index
        %parallel_loop3A_407 = tpu.vector_load %arg9[%parallel_loop3A_405, %parallel_loop3A_406] {strides = array<i32>} : memref<32x512xf32, #tpu.memory_space<vmem>>, vector<16xf32>,
        tpu.vector_store %arg9[%parallel_loop3A_405, %parallel_loop3A_406], %parallel_loop3A_404 {strides = array<i32>} : memref<32x512xf32, #tpu.memory_space<vmem>>, vector<16xf32>,
        %parallel_loop3A_408 = arith.constant 192 : i32
        %parallel_loop3A_409 = vector.broadcast %parallel_loop3A_408 : i32 to vector<16xi32>
        %parallel_loop3A_410 = arith.addi %parallel_loop3A_285, %parallel_loop3A_409 : vector<16xi32>
        %parallel_loop3A_411 = arith.constant 511 : i32
        %parallel_loop3A_412 = vector.broadcast %parallel_loop3A_411 : i32 to vector<16xi32>
        %parallel_loop3A_413 = arith.andi %parallel_loop3A_410, %parallel_loop3A_412 : vector<16xi32>
        %parallel_loop3A_414 = tpu.vector_load_idx %arg7[%parallel_loop3A_287, %parallel_loop3A_413] : memref<32x512xf32, #tpu.memory_space<vmem>>[vector<16xi32>, vector<16xi32>], vector<16xf32>,
        %parallel_loop3A_415 = arith.index_cast %parallel_loop3A_275 : i32 to index
        %parallel_loop3A_416 = arith.constant 192 : index
        %parallel_loop3A_417 = tpu.vector_load %arg9[%parallel_loop3A_415, %parallel_loop3A_416] {strides = array<i32>} : memref<32x512xf32, #tpu.memory_space<vmem>>, vector<16xf32>,
        tpu.vector_store %arg9[%parallel_loop3A_415, %parallel_loop3A_416], %parallel_loop3A_414 {strides = array<i32>} : memref<32x512xf32, #tpu.memory_space<vmem>>, vector<16xf32>,
        %parallel_loop3A_418 = arith.constant 208 : i32
        %parallel_loop3A_419 = vector.broadcast %parallel_loop3A_418 : i32 to vector<16xi32>
        %parallel_loop3A_420 = arith.addi %parallel_loop3A_285, %parallel_loop3A_419 : vector<16xi32>
        %parallel_loop3A_421 = arith.constant 511 : i32
        %parallel_loop3A_422 = vector.broadcast %parallel_loop3A_421 : i32 to vector<16xi32>
        %parallel_loop3A_423 = arith.andi %parallel_loop3A_420, %parallel_loop3A_422 : vector<16xi32>
        %parallel_loop3A_424 = tpu.vector_load_idx %arg7[%parallel_loop3A_287, %parallel_loop3A_423] : memref<32x512xf32, #tpu.memory_space<vmem>>[vector<16xi32>, vector<16xi32>], vector<16xf32>,
        %parallel_loop3A_425 = arith.index_cast %parallel_loop3A_275 : i32 to index
        %parallel_loop3A_426 = arith.constant 208 : index
        %parallel_loop3A_427 = tpu.vector_load %arg9[%parallel_loop3A_425, %parallel_loop3A_426] {strides = array<i32>} : memref<32x512xf32, #tpu.memory_space<vmem>>, vector<16xf32>,
        tpu.vector_store %arg9[%parallel_loop3A_425, %parallel_loop3A_426], %parallel_loop3A_424 {strides = array<i32>} : memref<32x512xf32, #tpu.memory_space<vmem>>, vector<16xf32>,
        %parallel_loop3A_428 = arith.constant 224 : i32
        %parallel_loop3A_429 = vector.broadcast %parallel_loop3A_428 : i32 to vector<16xi32>
        %parallel_loop3A_430 = arith.addi %parallel_loop3A_285, %parallel_loop3A_429 : vector<16xi32>
        %parallel_loop3A_431 = arith.constant 511 : i32
        %parallel_loop3A_432 = vector.broadcast %parallel_loop3A_431 : i32 to vector<16xi32>
        %parallel_loop3A_433 = arith.andi %parallel_loop3A_430, %parallel_loop3A_432 : vector<16xi32>
        %parallel_loop3A_434 = tpu.vector_load_idx %arg7[%parallel_loop3A_287, %parallel_loop3A_433] : memref<32x512xf32, #tpu.memory_space<vmem>>[vector<16xi32>, vector<16xi32>], vector<16xf32>,
        %parallel_loop3A_435 = arith.index_cast %parallel_loop3A_275 : i32 to index
        %parallel_loop3A_436 = arith.constant 224 : index
        %parallel_loop3A_437 = tpu.vector_load %arg9[%parallel_loop3A_435, %parallel_loop3A_436] {strides = array<i32>} : memref<32x512xf32, #tpu.memory_space<vmem>>, vector<16xf32>,
        tpu.vector_store %arg9[%parallel_loop3A_435, %parallel_loop3A_436], %parallel_loop3A_434 {strides = array<i32>} : memref<32x512xf32, #tpu.memory_space<vmem>>, vector<16xf32>,
        %parallel_loop3A_438 = arith.constant 240 : i32
        %parallel_loop3A_439 = vector.broadcast %parallel_loop3A_438 : i32 to vector<16xi32>
        %parallel_loop3A_440 = arith.addi %parallel_loop3A_285, %parallel_loop3A_439 : vector<16xi32>
        %parallel_loop3A_441 = arith.constant 511 : i32
        %parallel_loop3A_442 = vector.broadcast %parallel_loop3A_441 : i32 to vector<16xi32>
        %parallel_loop3A_443 = arith.andi %parallel_loop3A_440, %parallel_loop3A_442 : vector<16xi32>
        %parallel_loop3A_444 = tpu.vector_load_idx %arg7[%parallel_loop3A_287, %parallel_loop3A_443] : memref<32x512xf32, #tpu.memory_space<vmem>>[vector<16xi32>, vector<16xi32>], vector<16xf32>,
        %parallel_loop3A_445 = arith.index_cast %parallel_loop3A_275 : i32 to index
        %parallel_loop3A_446 = arith.constant 240 : index
        %parallel_loop3A_447 = tpu.vector_load %arg9[%parallel_loop3A_445, %parallel_loop3A_446] {strides = array<i32>} : memref<32x512xf32, #tpu.memory_space<vmem>>, vector<16xf32>,
        tpu.vector_store %arg9[%parallel_loop3A_445, %parallel_loop3A_446], %parallel_loop3A_444 {strides = array<i32>} : memref<32x512xf32, #tpu.memory_space<vmem>>, vector<16xf32>,
        %parallel_loop3A_448 = arith.constant 256 : i32
        %parallel_loop3A_449 = vector.broadcast %parallel_loop3A_448 : i32 to vector<16xi32>
        %parallel_loop3A_450 = arith.addi %parallel_loop3A_285, %parallel_loop3A_449 : vector<16xi32>
        %parallel_loop3A_451 = arith.constant 511 : i32
        %parallel_loop3A_452 = vector.broadcast %parallel_loop3A_451 : i32 to vector<16xi32>
        %parallel_loop3A_453 = arith.andi %parallel_loop3A_450, %parallel_loop3A_452 : vector<16xi32>
        %parallel_loop3A_454 = tpu.vector_load_idx %arg7[%parallel_loop3A_287, %parallel_loop3A_453] : memref<32x512xf32, #tpu.memory_space<vmem>>[vector<16xi32>, vector<16xi32>], vector<16xf32>,
        %parallel_loop3A_455 = arith.index_cast %parallel_loop3A_275 : i32 to index
        %parallel_loop3A_456 = arith.constant 256 : index
        %parallel_loop3A_457 = tpu.vector_load %arg9[%parallel_loop3A_455, %parallel_loop3A_456] {strides = array<i32>} : memref<32x512xf32, #tpu.memory_space<vmem>>, vector<16xf32>,
        tpu.vector_store %arg9[%parallel_loop3A_455, %parallel_loop3A_456], %parallel_loop3A_454 {strides = array<i32>} : memref<32x512xf32, #tpu.memory_space<vmem>>, vector<16xf32>,
        %parallel_loop3A_458 = arith.constant 272 : i32
        %parallel_loop3A_459 = vector.broadcast %parallel_loop3A_458 : i32 to vector<16xi32>
        %parallel_loop3A_460 = arith.addi %parallel_loop3A_285, %parallel_loop3A_459 : vector<16xi32>
        %parallel_loop3A_461 = arith.constant 511 : i32
        %parallel_loop3A_462 = vector.broadcast %parallel_loop3A_461 : i32 to vector<16xi32>
        %parallel_loop3A_463 = arith.andi %parallel_loop3A_460, %parallel_loop3A_462 : vector<16xi32>
        %parallel_loop3A_464 = tpu.vector_load_idx %arg7[%parallel_loop3A_287, %parallel_loop3A_463] : memref<32x512xf32, #tpu.memory_space<vmem>>[vector<16xi32>, vector<16xi32>], vector<16xf32>,
        %parallel_loop3A_465 = arith.index_cast %parallel_loop3A_275 : i32 to index
        %parallel_loop3A_466 = arith.constant 272 : index
        %parallel_loop3A_467 = tpu.vector_load %arg9[%parallel_loop3A_465, %parallel_loop3A_466] {strides = array<i32>} : memref<32x512xf32, #tpu.memory_space<vmem>>, vector<16xf32>,
        tpu.vector_store %arg9[%parallel_loop3A_465, %parallel_loop3A_466], %parallel_loop3A_464 {strides = array<i32>} : memref<32x512xf32, #tpu.memory_space<vmem>>, vector<16xf32>,
        %parallel_loop3A_468 = arith.constant 288 : i32
        %parallel_loop3A_469 = vector.broadcast %parallel_loop3A_468 : i32 to vector<16xi32>
        %parallel_loop3A_470 = arith.addi %parallel_loop3A_285, %parallel_loop3A_469 : vector<16xi32>
        %parallel_loop3A_471 = arith.constant 511 : i32
        %parallel_loop3A_472 = vector.broadcast %parallel_loop3A_471 : i32 to vector<16xi32>
        %parallel_loop3A_473 = arith.andi %parallel_loop3A_470, %parallel_loop3A_472 : vector<16xi32>
        %parallel_loop3A_474 = tpu.vector_load_idx %arg7[%parallel_loop3A_287, %parallel_loop3A_473] : memref<32x512xf32, #tpu.memory_space<vmem>>[vector<16xi32>, vector<16xi32>], vector<16xf32>,
        %parallel_loop3A_475 = arith.index_cast %parallel_loop3A_275 : i32 to index
        %parallel_loop3A_476 = arith.constant 288 : index
        %parallel_loop3A_477 = tpu.vector_load %arg9[%parallel_loop3A_475, %parallel_loop3A_476] {strides = array<i32>} : memref<32x512xf32, #tpu.memory_space<vmem>>, vector<16xf32>,
        tpu.vector_store %arg9[%parallel_loop3A_475, %parallel_loop3A_476], %parallel_loop3A_474 {strides = array<i32>} : memref<32x512xf32, #tpu.memory_space<vmem>>, vector<16xf32>,
        %parallel_loop3A_478 = arith.constant 304 : i32
        %parallel_loop3A_479 = vector.broadcast %parallel_loop3A_478 : i32 to vector<16xi32>
        %parallel_loop3A_480 = arith.addi %parallel_loop3A_285, %parallel_loop3A_479 : vector<16xi32>
        %parallel_loop3A_481 = arith.constant 511 : i32
        %parallel_loop3A_482 = vector.broadcast %parallel_loop3A_481 : i32 to vector<16xi32>
        %parallel_loop3A_483 = arith.andi %parallel_loop3A_480, %parallel_loop3A_482 : vector<16xi32>
        %parallel_loop3A_484 = tpu.vector_load_idx %arg7[%parallel_loop3A_287, %parallel_loop3A_483] : memref<32x512xf32, #tpu.memory_space<vmem>>[vector<16xi32>, vector<16xi32>], vector<16xf32>,
        %parallel_loop3A_485 = arith.index_cast %parallel_loop3A_275 : i32 to index
        %parallel_loop3A_486 = arith.constant 304 : index
        %parallel_loop3A_487 = tpu.vector_load %arg9[%parallel_loop3A_485, %parallel_loop3A_486] {strides = array<i32>} : memref<32x512xf32, #tpu.memory_space<vmem>>, vector<16xf32>,
        tpu.vector_store %arg9[%parallel_loop3A_485, %parallel_loop3A_486], %parallel_loop3A_484 {strides = array<i32>} : memref<32x512xf32, #tpu.memory_space<vmem>>, vector<16xf32>,
        %parallel_loop3A_488 = arith.constant 320 : i32
        %parallel_loop3A_489 = vector.broadcast %parallel_loop3A_488 : i32 to vector<16xi32>
        %parallel_loop3A_490 = arith.addi %parallel_loop3A_285, %parallel_loop3A_489 : vector<16xi32>
        %parallel_loop3A_491 = arith.constant 511 : i32
        %parallel_loop3A_492 = vector.broadcast %parallel_loop3A_491 : i32 to vector<16xi32>
        %parallel_loop3A_493 = arith.andi %parallel_loop3A_490, %parallel_loop3A_492 : vector<16xi32>
        %parallel_loop3A_494 = tpu.vector_load_idx %arg7[%parallel_loop3A_287, %parallel_loop3A_493] : memref<32x512xf32, #tpu.memory_space<vmem>>[vector<16xi32>, vector<16xi32>], vector<16xf32>,
        %parallel_loop3A_495 = arith.index_cast %parallel_loop3A_275 : i32 to index
        %parallel_loop3A_496 = arith.constant 320 : index
        %parallel_loop3A_497 = tpu.vector_load %arg9[%parallel_loop3A_495, %parallel_loop3A_496] {strides = array<i32>} : memref<32x512xf32, #tpu.memory_space<vmem>>, vector<16xf32>,
        tpu.vector_store %arg9[%parallel_loop3A_495, %parallel_loop3A_496], %parallel_loop3A_494 {strides = array<i32>} : memref<32x512xf32, #tpu.memory_space<vmem>>, vector<16xf32>,
        %parallel_loop3A_498 = arith.constant 336 : i32
        %parallel_loop3A_499 = vector.broadcast %parallel_loop3A_498 : i32 to vector<16xi32>
        %parallel_loop3A_500 = arith.addi %parallel_loop3A_285, %parallel_loop3A_499 : vector<16xi32>
        %parallel_loop3A_501 = arith.constant 511 : i32
        %parallel_loop3A_502 = vector.broadcast %parallel_loop3A_501 : i32 to vector<16xi32>
        %parallel_loop3A_503 = arith.andi %parallel_loop3A_500, %parallel_loop3A_502 : vector<16xi32>
        %parallel_loop3A_504 = tpu.vector_load_idx %arg7[%parallel_loop3A_287, %parallel_loop3A_503] : memref<32x512xf32, #tpu.memory_space<vmem>>[vector<16xi32>, vector<16xi32>], vector<16xf32>,
        %parallel_loop3A_505 = arith.index_cast %parallel_loop3A_275 : i32 to index
        %parallel_loop3A_506 = arith.constant 336 : index
        %parallel_loop3A_507 = tpu.vector_load %arg9[%parallel_loop3A_505, %parallel_loop3A_506] {strides = array<i32>} : memref<32x512xf32, #tpu.memory_space<vmem>>, vector<16xf32>,
        tpu.vector_store %arg9[%parallel_loop3A_505, %parallel_loop3A_506], %parallel_loop3A_504 {strides = array<i32>} : memref<32x512xf32, #tpu.memory_space<vmem>>, vector<16xf32>,
        %parallel_loop3A_508 = arith.constant 352 : i32
        %parallel_loop3A_509 = vector.broadcast %parallel_loop3A_508 : i32 to vector<16xi32>
        %parallel_loop3A_510 = arith.addi %parallel_loop3A_285, %parallel_loop3A_509 : vector<16xi32>
        %parallel_loop3A_511 = arith.constant 511 : i32
        %parallel_loop3A_512 = vector.broadcast %parallel_loop3A_511 : i32 to vector<16xi32>
        %parallel_loop3A_513 = arith.andi %parallel_loop3A_510, %parallel_loop3A_512 : vector<16xi32>
        %parallel_loop3A_514 = tpu.vector_load_idx %arg7[%parallel_loop3A_287, %parallel_loop3A_513] : memref<32x512xf32, #tpu.memory_space<vmem>>[vector<16xi32>, vector<16xi32>], vector<16xf32>,
        %parallel_loop3A_515 = arith.index_cast %parallel_loop3A_275 : i32 to index
        %parallel_loop3A_516 = arith.constant 352 : index
        %parallel_loop3A_517 = tpu.vector_load %arg9[%parallel_loop3A_515, %parallel_loop3A_516] {strides = array<i32>} : memref<32x512xf32, #tpu.memory_space<vmem>>, vector<16xf32>,
        tpu.vector_store %arg9[%parallel_loop3A_515, %parallel_loop3A_516], %parallel_loop3A_514 {strides = array<i32>} : memref<32x512xf32, #tpu.memory_space<vmem>>, vector<16xf32>,
        %parallel_loop3A_518 = arith.constant 368 : i32
        %parallel_loop3A_519 = vector.broadcast %parallel_loop3A_518 : i32 to vector<16xi32>
        %parallel_loop3A_520 = arith.addi %parallel_loop3A_285, %parallel_loop3A_519 : vector<16xi32>
        %parallel_loop3A_521 = arith.constant 511 : i32
        %parallel_loop3A_522 = vector.broadcast %parallel_loop3A_521 : i32 to vector<16xi32>
        %parallel_loop3A_523 = arith.andi %parallel_loop3A_520, %parallel_loop3A_522 : vector<16xi32>
        %parallel_loop3A_524 = tpu.vector_load_idx %arg7[%parallel_loop3A_287, %parallel_loop3A_523] : memref<32x512xf32, #tpu.memory_space<vmem>>[vector<16xi32>, vector<16xi32>], vector<16xf32>,
        %parallel_loop3A_525 = arith.index_cast %parallel_loop3A_275 : i32 to index
        %parallel_loop3A_526 = arith.constant 368 : index
        %parallel_loop3A_527 = tpu.vector_load %arg9[%parallel_loop3A_525, %parallel_loop3A_526] {strides = array<i32>} : memref<32x512xf32, #tpu.memory_space<vmem>>, vector<16xf32>,
        tpu.vector_store %arg9[%parallel_loop3A_525, %parallel_loop3A_526], %parallel_loop3A_524 {strides = array<i32>} : memref<32x512xf32, #tpu.memory_space<vmem>>, vector<16xf32>,
        %parallel_loop3A_528 = arith.constant 384 : i32
        %parallel_loop3A_529 = vector.broadcast %parallel_loop3A_528 : i32 to vector<16xi32>
        %parallel_loop3A_530 = arith.addi %parallel_loop3A_285, %parallel_loop3A_529 : vector<16xi32>
        %parallel_loop3A_531 = arith.constant 511 : i32
        %parallel_loop3A_532 = vector.broadcast %parallel_loop3A_531 : i32 to vector<16xi32>
        %parallel_loop3A_533 = arith.andi %parallel_loop3A_530, %parallel_loop3A_532 : vector<16xi32>
        %parallel_loop3A_534 = tpu.vector_load_idx %arg7[%parallel_loop3A_287, %parallel_loop3A_533] : memref<32x512xf32, #tpu.memory_space<vmem>>[vector<16xi32>, vector<16xi32>], vector<16xf32>,
        %parallel_loop3A_535 = arith.index_cast %parallel_loop3A_275 : i32 to index
        %parallel_loop3A_536 = arith.constant 384 : index
        %parallel_loop3A_537 = tpu.vector_load %arg9[%parallel_loop3A_535, %parallel_loop3A_536] {strides = array<i32>} : memref<32x512xf32, #tpu.memory_space<vmem>>, vector<16xf32>,
        tpu.vector_store %arg9[%parallel_loop3A_535, %parallel_loop3A_536], %parallel_loop3A_534 {strides = array<i32>} : memref<32x512xf32, #tpu.memory_space<vmem>>, vector<16xf32>,
        %parallel_loop3A_538 = arith.constant 400 : i32
        %parallel_loop3A_539 = vector.broadcast %parallel_loop3A_538 : i32 to vector<16xi32>
        %parallel_loop3A_540 = arith.addi %parallel_loop3A_285, %parallel_loop3A_539 : vector<16xi32>
        %parallel_loop3A_541 = arith.constant 511 : i32
        %parallel_loop3A_542 = vector.broadcast %parallel_loop3A_541 : i32 to vector<16xi32>
        %parallel_loop3A_543 = arith.andi %parallel_loop3A_540, %parallel_loop3A_542 : vector<16xi32>
        %parallel_loop3A_544 = tpu.vector_load_idx %arg7[%parallel_loop3A_287, %parallel_loop3A_543] : memref<32x512xf32, #tpu.memory_space<vmem>>[vector<16xi32>, vector<16xi32>], vector<16xf32>,
        %parallel_loop3A_545 = arith.index_cast %parallel_loop3A_275 : i32 to index
        %parallel_loop3A_546 = arith.constant 400 : index
        %parallel_loop3A_547 = tpu.vector_load %arg9[%parallel_loop3A_545, %parallel_loop3A_546] {strides = array<i32>} : memref<32x512xf32, #tpu.memory_space<vmem>>, vector<16xf32>,
        tpu.vector_store %arg9[%parallel_loop3A_545, %parallel_loop3A_546], %parallel_loop3A_544 {strides = array<i32>} : memref<32x512xf32, #tpu.memory_space<vmem>>, vector<16xf32>,
        %parallel_loop3A_548 = arith.constant 416 : i32
        %parallel_loop3A_549 = vector.broadcast %parallel_loop3A_548 : i32 to vector<16xi32>
        %parallel_loop3A_550 = arith.addi %parallel_loop3A_285, %parallel_loop3A_549 : vector<16xi32>
        %parallel_loop3A_551 = arith.constant 511 : i32
        %parallel_loop3A_552 = vector.broadcast %parallel_loop3A_551 : i32 to vector<16xi32>
        %parallel_loop3A_553 = arith.andi %parallel_loop3A_550, %parallel_loop3A_552 : vector<16xi32>
        %parallel_loop3A_554 = tpu.vector_load_idx %arg7[%parallel_loop3A_287, %parallel_loop3A_553] : memref<32x512xf32, #tpu.memory_space<vmem>>[vector<16xi32>, vector<16xi32>], vector<16xf32>,
        %parallel_loop3A_555 = arith.index_cast %parallel_loop3A_275 : i32 to index
        %parallel_loop3A_556 = arith.constant 416 : index
        %parallel_loop3A_557 = tpu.vector_load %arg9[%parallel_loop3A_555, %parallel_loop3A_556] {strides = array<i32>} : memref<32x512xf32, #tpu.memory_space<vmem>>, vector<16xf32>,
        tpu.vector_store %arg9[%parallel_loop3A_555, %parallel_loop3A_556], %parallel_loop3A_554 {strides = array<i32>} : memref<32x512xf32, #tpu.memory_space<vmem>>, vector<16xf32>,
        %parallel_loop3A_558 = arith.constant 432 : i32
        %parallel_loop3A_559 = vector.broadcast %parallel_loop3A_558 : i32 to vector<16xi32>
        %parallel_loop3A_560 = arith.addi %parallel_loop3A_285, %parallel_loop3A_559 : vector<16xi32>
        %parallel_loop3A_561 = arith.constant 511 : i32
        %parallel_loop3A_562 = vector.broadcast %parallel_loop3A_561 : i32 to vector<16xi32>
        %parallel_loop3A_563 = arith.andi %parallel_loop3A_560, %parallel_loop3A_562 : vector<16xi32>
        %parallel_loop3A_564 = tpu.vector_load_idx %arg7[%parallel_loop3A_287, %parallel_loop3A_563] : memref<32x512xf32, #tpu.memory_space<vmem>>[vector<16xi32>, vector<16xi32>], vector<16xf32>,
        %parallel_loop3A_565 = arith.index_cast %parallel_loop3A_275 : i32 to index
        %parallel_loop3A_566 = arith.constant 432 : index
        %parallel_loop3A_567 = tpu.vector_load %arg9[%parallel_loop3A_565, %parallel_loop3A_566] {strides = array<i32>} : memref<32x512xf32, #tpu.memory_space<vmem>>, vector<16xf32>,
        tpu.vector_store %arg9[%parallel_loop3A_565, %parallel_loop3A_566], %parallel_loop3A_564 {strides = array<i32>} : memref<32x512xf32, #tpu.memory_space<vmem>>, vector<16xf32>,
        %parallel_loop3A_568 = arith.constant 448 : i32
        %parallel_loop3A_569 = vector.broadcast %parallel_loop3A_568 : i32 to vector<16xi32>
        %parallel_loop3A_570 = arith.addi %parallel_loop3A_285, %parallel_loop3A_569 : vector<16xi32>
        %parallel_loop3A_571 = arith.constant 511 : i32
        %parallel_loop3A_572 = vector.broadcast %parallel_loop3A_571 : i32 to vector<16xi32>
        %parallel_loop3A_573 = arith.andi %parallel_loop3A_570, %parallel_loop3A_572 : vector<16xi32>
        %parallel_loop3A_574 = tpu.vector_load_idx %arg7[%parallel_loop3A_287, %parallel_loop3A_573] : memref<32x512xf32, #tpu.memory_space<vmem>>[vector<16xi32>, vector<16xi32>], vector<16xf32>,
        %parallel_loop3A_575 = arith.index_cast %parallel_loop3A_275 : i32 to index
        %parallel_loop3A_576 = arith.constant 448 : index
        %parallel_loop3A_577 = tpu.vector_load %arg9[%parallel_loop3A_575, %parallel_loop3A_576] {strides = array<i32>} : memref<32x512xf32, #tpu.memory_space<vmem>>, vector<16xf32>,
        tpu.vector_store %arg9[%parallel_loop3A_575, %parallel_loop3A_576], %parallel_loop3A_574 {strides = array<i32>} : memref<32x512xf32, #tpu.memory_space<vmem>>, vector<16xf32>,
        %parallel_loop3A_578 = arith.constant 464 : i32
        %parallel_loop3A_579 = vector.broadcast %parallel_loop3A_578 : i32 to vector<16xi32>
        %parallel_loop3A_580 = arith.addi %parallel_loop3A_285, %parallel_loop3A_579 : vector<16xi32>
        %parallel_loop3A_581 = arith.constant 511 : i32
        %parallel_loop3A_582 = vector.broadcast %parallel_loop3A_581 : i32 to vector<16xi32>
        %parallel_loop3A_583 = arith.andi %parallel_loop3A_580, %parallel_loop3A_582 : vector<16xi32>
        %parallel_loop3A_584 = tpu.vector_load_idx %arg7[%parallel_loop3A_287, %parallel_loop3A_583] : memref<32x512xf32, #tpu.memory_space<vmem>>[vector<16xi32>, vector<16xi32>], vector<16xf32>,
        %parallel_loop3A_585 = arith.index_cast %parallel_loop3A_275 : i32 to index
        %parallel_loop3A_586 = arith.constant 464 : index
        %parallel_loop3A_587 = tpu.vector_load %arg9[%parallel_loop3A_585, %parallel_loop3A_586] {strides = array<i32>} : memref<32x512xf32, #tpu.memory_space<vmem>>, vector<16xf32>,
        tpu.vector_store %arg9[%parallel_loop3A_585, %parallel_loop3A_586], %parallel_loop3A_584 {strides = array<i32>} : memref<32x512xf32, #tpu.memory_space<vmem>>, vector<16xf32>,
        %parallel_loop3A_588 = arith.constant 480 : i32
        %parallel_loop3A_589 = vector.broadcast %parallel_loop3A_588 : i32 to vector<16xi32>
        %parallel_loop3A_590 = arith.addi %parallel_loop3A_285, %parallel_loop3A_589 : vector<16xi32>
        %parallel_loop3A_591 = arith.constant 511 : i32
        %parallel_loop3A_592 = vector.broadcast %parallel_loop3A_591 : i32 to vector<16xi32>
        %parallel_loop3A_593 = arith.andi %parallel_loop3A_590, %parallel_loop3A_592 : vector<16xi32>
        %parallel_loop3A_594 = tpu.vector_load_idx %arg7[%parallel_loop3A_287, %parallel_loop3A_593] : memref<32x512xf32, #tpu.memory_space<vmem>>[vector<16xi32>, vector<16xi32>], vector<16xf32>,
        %parallel_loop3A_595 = arith.index_cast %parallel_loop3A_275 : i32 to index
        %parallel_loop3A_596 = arith.constant 480 : index
        %parallel_loop3A_597 = tpu.vector_load %arg9[%parallel_loop3A_595, %parallel_loop3A_596] {strides = array<i32>} : memref<32x512xf32, #tpu.memory_space<vmem>>, vector<16xf32>,
        tpu.vector_store %arg9[%parallel_loop3A_595, %parallel_loop3A_596], %parallel_loop3A_594 {strides = array<i32>} : memref<32x512xf32, #tpu.memory_space<vmem>>, vector<16xf32>,
        %parallel_loop3A_598 = arith.constant 496 : i32
        %parallel_loop3A_599 = vector.broadcast %parallel_loop3A_598 : i32 to vector<16xi32>
        %parallel_loop3A_600 = arith.addi %parallel_loop3A_285, %parallel_loop3A_599 : vector<16xi32>
        %parallel_loop3A_601 = arith.constant 511 : i32
        %parallel_loop3A_602 = vector.broadcast %parallel_loop3A_601 : i32 to vector<16xi32>
        %parallel_loop3A_603 = arith.andi %parallel_loop3A_600, %parallel_loop3A_602 : vector<16xi32>
        %parallel_loop3A_604 = tpu.vector_load_idx %arg7[%parallel_loop3A_287, %parallel_loop3A_603] : memref<32x512xf32, #tpu.memory_space<vmem>>[vector<16xi32>, vector<16xi32>], vector<16xf32>,
        %parallel_loop3A_605 = arith.index_cast %parallel_loop3A_275 : i32 to index
        %parallel_loop3A_606 = arith.constant 496 : index
        %parallel_loop3A_607 = tpu.vector_load %arg9[%parallel_loop3A_605, %parallel_loop3A_606] {strides = array<i32>} : memref<32x512xf32, #tpu.memory_space<vmem>>, vector<16xf32>,
        tpu.vector_store %arg9[%parallel_loop3A_605, %parallel_loop3A_606], %parallel_loop3A_604 {strides = array<i32>} : memref<32x512xf32, #tpu.memory_space<vmem>>, vector<16xf32>,
      } {sc.loop_unroll_factor = 4 : i64, sc.parallel_access}
      %mul3A_169 = arith.constant 32 : i32
      %mul3A_170 = arith.muli %add3A_152, %mul3A_169 : i32
      %add3A_171 = arith.addi %mul3A_32, %mul3A_170 : i32
      %dma_start3A_172 = arith.constant 0 : i32
      %dma_start3A_173 = tpu.memref_slice %arg4[%select_n3A, %add3A_171, %dma_start3A_172] : memref<16x2048x512xf32, #tpu.memory_space<hbm>> -> memref<1x32x512xf32, #tpu.memory_space<hbm>>
      %dma_start3A_174 = tpu.memref_squeeze %dma_start3A_173 : memref<1x32x512xf32, #tpu.memory_space<hbm>> -> memref<32x512xf32, #tpu.memory_space<hbm>>
      %dma_start3A_175 = arith.constant 0 : i32
      %dma_start3A_176 = tpu.memref_slice %arg4[%select_n3A, %add3A_171, %dma_start3A_175] : memref<16x2048x512xf32, #tpu.memory_space<hbm>> -> memref<1x32x512xf32, #tpu.memory_space<hbm>>
      %dma_start3A_177 = tpu.memref_squeeze %dma_start3A_176 : memref<1x32x512xf32, #tpu.memory_space<hbm>> -> memref<32x512xf32, #tpu.memory_space<hbm>>
      tpu.enqueue_dma source(%arg9 : memref<32x512xf32, #tpu.memory_space<vmem>>) target(%dma_start3A_177 : memref<32x512xf32, #tpu.memory_space<hbm>>) target_semaphore(%arg15 : memref<!tpu.dma_semaphore, #tpu.memory_space<semaphore_mem>>)
      %add3A_178 = arith.constant 2 : i32
      %add3A_179 = arith.addi %add3A_152, %add3A_178 : i32
      %min3A_180 = arith.constant 31 : i32
      %min3A_181 = arith.minsi %add3A_179, %min3A_180 : i32
      %mul3A_182 = arith.constant 32 : i32
      %mul3A_183 = arith.muli %min3A_181, %mul3A_182 : i32
      %add3A_184 = arith.addi %mul3A_32, %mul3A_183 : i32
      %dma_start3A_185 = arith.constant 0 : i32
      %dma_start3A_186 = tpu.memref_slice %arg2[%select_n3A, %add3A_184, %dma_start3A_185] : memref<16x2048x512xf32, #tpu.memory_space<hbm>> -> memref<1x32x512xf32, #tpu.memory_space<hbm>>
      %dma_start3A_187 = tpu.memref_squeeze %dma_start3A_186 : memref<1x32x512xf32, #tpu.memory_space<hbm>> -> memref<32x512xf32, #tpu.memory_space<hbm>>
      %dma_start3A_188 = arith.constant 0 : i32
      %dma_start3A_189 = tpu.memref_slice %arg2[%select_n3A, %add3A_184, %dma_start3A_188] : memref<16x2048x512xf32, #tpu.memory_space<hbm>> -> memref<1x32x512xf32, #tpu.memory_space<hbm>>
      %dma_start3A_190 = tpu.memref_squeeze %dma_start3A_189 : memref<1x32x512xf32, #tpu.memory_space<hbm>> -> memref<32x512xf32, #tpu.memory_space<hbm>>
      tpu.enqueue_dma source(%dma_start3A_190 : memref<32x512xf32, #tpu.memory_space<hbm>>) target(%arg7 : memref<32x512xf32, #tpu.memory_space<vmem>>) target_semaphore(%arg13 : memref<!tpu.dma_semaphore, #tpu.memory_space<semaphore_mem>>)
      %mul3A_191 = arith.constant 4 : i32
      %mul3A_192 = arith.muli %mul3A_191, %scan3A_110 : i32
      %add3A_193 = arith.constant 2 : i32
      %add3A_194 = arith.addi %mul3A_192, %add3A_193 : i32
      %add3A_195 = arith.constant 0 : i32
      %add3A_196 = arith.addi %mul3A_32, %add3A_195 : i32
      %dma_wait3A_197 = arith.constant 0 : i32
      %dma_wait3A_198 = tpu.memref_slice %arg2[%select_n3A, %add3A_196, %dma_wait3A_197] : memref<16x2048x512xf32, #tpu.memory_space<hbm>> -> memref<1x32x512xf32, #tpu.memory_space<hbm>>
      %dma_wait3A_199 = tpu.memref_squeeze %dma_wait3A_198 : memref<1x32x512xf32, #tpu.memory_space<hbm>> -> memref<32x512xf32, #tpu.memory_space<hbm>>
      %dma_wait3A_200 = arith.constant 0 : i32
      %dma_wait3A_201 = tpu.memref_slice %arg2[%select_n3A, %add3A_196, %dma_wait3A_200] : memref<16x2048x512xf32, #tpu.memory_space<hbm>> -> memref<1x32x512xf32, #tpu.memory_space<hbm>>
      %dma_wait3A_202 = tpu.memref_squeeze %dma_wait3A_201 : memref<1x32x512xf32, #tpu.memory_space<hbm>> -> memref<32x512xf32, #tpu.memory_space<hbm>>
      tpu.wait_dma2 semaphore(%arg12 : memref<!tpu.dma_semaphore, #tpu.memory_space<semaphore_mem>>) src(%dma_wait3A_202 : memref<32x512xf32, #tpu.memory_space<hbm>>) dst(%arg6 : memref<32x512xf32, #tpu.memory_space<vmem>>)
      %gt3A_203 = arith.constant 0 : i32
      %gt3A_204 = arith.cmpi sgt, %scan3A_110, %gt3A_203 : i32
      %convert_element_type3A_205 = arith.extui %gt3A_204 : i1 to i32
      %cond3A_206 = arith.constant 0 : i32
      %cond3A_207 = arith.cmpi ne, %convert_element_type3A_205, %cond3A_206 : i32
      scf.if %cond3A_207 {
        %add3A_275 = arith.constant 0 : i32
        %add3A_276 = arith.addi %mul3A_32, %add3A_275 : i32
        %dma_wait3A_277 = arith.constant 0 : i32
        %dma_wait3A_278 = tpu.memref_slice %arg4[%select_n3A, %add3A_276, %dma_wait3A_277] : memref<16x2048x512xf32, #tpu.memory_space<hbm>> -> memref<1x32x512xf32, #tpu.memory_space<hbm>>
        %dma_wait3A_279 = tpu.memref_squeeze %dma_wait3A_278 : memref<1x32x512xf32, #tpu.memory_space<hbm>> -> memref<32x512xf32, #tpu.memory_space<hbm>>
        %dma_wait3A_280 = arith.constant 0 : i32
        %dma_wait3A_281 = tpu.memref_slice %arg4[%select_n3A, %add3A_276, %dma_wait3A_280] : memref<16x2048x512xf32, #tpu.memory_space<hbm>> -> memref<1x32x512xf32, #tpu.memory_space<hbm>>
        %dma_wait3A_282 = tpu.memref_squeeze %dma_wait3A_281 : memref<1x32x512xf32, #tpu.memory_space<hbm>> -> memref<32x512xf32, #tpu.memory_space<hbm>>
        tpu.wait_dma2 semaphore(%arg16 : memref<!tpu.dma_semaphore, #tpu.memory_space<semaphore_mem>>) src(%arg10 : memref<32x512xf32, #tpu.memory_space<vmem>>) dst(%dma_wait3A_282 : memref<32x512xf32, #tpu.memory_space<hbm>>)
      } else {
      }
      %parallel_loop3A_208 = arith.constant 0 : i32
      %parallel_loop3A_209 = arith.constant 32 : i32
      %parallel_loop3A_210 = arith.constant 1 : i32
      scf.for %parallel_loop3A_275 = %parallel_loop3A_208 to %parallel_loop3A_209 step %parallel_loop3A_210  : i32 {
        %parallel_loop3A_276 = arith.constant 32 : i32
        %parallel_loop3A_277 = arith.muli %add3A_194, %parallel_loop3A_276 : i32
        %parallel_loop3A_278 = arith.addi %parallel_loop3A_277, %parallel_loop3A_275 : i32
        %parallel_loop3A_279 = vector.broadcast %parallel_loop3A_278 : i32 to vector<16xi32>
        %parallel_loop3A_280 = arith.addi %mul3A_35, %parallel_loop3A_279 : vector<16xi32>
        %parallel_loop3A_281 = tpu.vector_load_idx %arg5[%parallel_loop3A_280] : memref<1024xi32, #tpu.memory_space<vmem>>[vector<16xi32>], vector<16xi32>,
        %parallel_loop3A_282 = arith.subi %iota3A, %parallel_loop3A_281 : vector<16xi32>
        %parallel_loop3A_283 = arith.constant 511 : i32
        %parallel_loop3A_284 = vector.broadcast %parallel_loop3A_283 : i32 to vector<16xi32>
        %parallel_loop3A_285 = arith.andi %parallel_loop3A_282, %parallel_loop3A_284 : vector<16xi32>
        %parallel_loop3A_286 = vector.broadcast %parallel_loop3A_275 : i32 to vector<16xi32>
        %parallel_loop3A_287 = arith.addi %mul3A_35, %parallel_loop3A_286 : vector<16xi32>
        %parallel_loop3A_288 = arith.constant 0 : i32
        %parallel_loop3A_289 = vector.broadcast %parallel_loop3A_288 : i32 to vector<16xi32>
        %parallel_loop3A_290 = arith.addi %parallel_loop3A_285, %parallel_loop3A_289 : vector<16xi32>
        %parallel_loop3A_291 = arith.constant 511 : i32
        %parallel_loop3A_292 = vector.broadcast %parallel_loop3A_291 : i32 to vector<16xi32>
        %parallel_loop3A_293 = arith.andi %parallel_loop3A_290, %parallel_loop3A_292 : vector<16xi32>
        %parallel_loop3A_294 = tpu.vector_load_idx %arg6[%parallel_loop3A_287, %parallel_loop3A_293] : memref<32x512xf32, #tpu.memory_space<vmem>>[vector<16xi32>, vector<16xi32>], vector<16xf32>,
        %parallel_loop3A_295 = arith.index_cast %parallel_loop3A_275 : i32 to index
        %parallel_loop3A_296 = arith.constant 0 : index
        %parallel_loop3A_297 = tpu.vector_load %arg10[%parallel_loop3A_295, %parallel_loop3A_296] {strides = array<i32>} : memref<32x512xf32, #tpu.memory_space<vmem>>, vector<16xf32>,
        tpu.vector_store %arg10[%parallel_loop3A_295, %parallel_loop3A_296], %parallel_loop3A_294 {strides = array<i32>} : memref<32x512xf32, #tpu.memory_space<vmem>>, vector<16xf32>,
        %parallel_loop3A_298 = arith.constant 16 : i32
        %parallel_loop3A_299 = vector.broadcast %parallel_loop3A_298 : i32 to vector<16xi32>
        %parallel_loop3A_300 = arith.addi %parallel_loop3A_285, %parallel_loop3A_299 : vector<16xi32>
        %parallel_loop3A_301 = arith.constant 511 : i32
        %parallel_loop3A_302 = vector.broadcast %parallel_loop3A_301 : i32 to vector<16xi32>
        %parallel_loop3A_303 = arith.andi %parallel_loop3A_300, %parallel_loop3A_302 : vector<16xi32>
        %parallel_loop3A_304 = tpu.vector_load_idx %arg6[%parallel_loop3A_287, %parallel_loop3A_303] : memref<32x512xf32, #tpu.memory_space<vmem>>[vector<16xi32>, vector<16xi32>], vector<16xf32>,
        %parallel_loop3A_305 = arith.index_cast %parallel_loop3A_275 : i32 to index
        %parallel_loop3A_306 = arith.constant 16 : index
        %parallel_loop3A_307 = tpu.vector_load %arg10[%parallel_loop3A_305, %parallel_loop3A_306] {strides = array<i32>} : memref<32x512xf32, #tpu.memory_space<vmem>>, vector<16xf32>,
        tpu.vector_store %arg10[%parallel_loop3A_305, %parallel_loop3A_306], %parallel_loop3A_304 {strides = array<i32>} : memref<32x512xf32, #tpu.memory_space<vmem>>, vector<16xf32>,
        %parallel_loop3A_308 = arith.constant 32 : i32
        %parallel_loop3A_309 = vector.broadcast %parallel_loop3A_308 : i32 to vector<16xi32>
        %parallel_loop3A_310 = arith.addi %parallel_loop3A_285, %parallel_loop3A_309 : vector<16xi32>
        %parallel_loop3A_311 = arith.constant 511 : i32
        %parallel_loop3A_312 = vector.broadcast %parallel_loop3A_311 : i32 to vector<16xi32>
        %parallel_loop3A_313 = arith.andi %parallel_loop3A_310, %parallel_loop3A_312 : vector<16xi32>
        %parallel_loop3A_314 = tpu.vector_load_idx %arg6[%parallel_loop3A_287, %parallel_loop3A_313] : memref<32x512xf32, #tpu.memory_space<vmem>>[vector<16xi32>, vector<16xi32>], vector<16xf32>,
        %parallel_loop3A_315 = arith.index_cast %parallel_loop3A_275 : i32 to index
        %parallel_loop3A_316 = arith.constant 32 : index
        %parallel_loop3A_317 = tpu.vector_load %arg10[%parallel_loop3A_315, %parallel_loop3A_316] {strides = array<i32>} : memref<32x512xf32, #tpu.memory_space<vmem>>, vector<16xf32>,
        tpu.vector_store %arg10[%parallel_loop3A_315, %parallel_loop3A_316], %parallel_loop3A_314 {strides = array<i32>} : memref<32x512xf32, #tpu.memory_space<vmem>>, vector<16xf32>,
        %parallel_loop3A_318 = arith.constant 48 : i32
        %parallel_loop3A_319 = vector.broadcast %parallel_loop3A_318 : i32 to vector<16xi32>
        %parallel_loop3A_320 = arith.addi %parallel_loop3A_285, %parallel_loop3A_319 : vector<16xi32>
        %parallel_loop3A_321 = arith.constant 511 : i32
        %parallel_loop3A_322 = vector.broadcast %parallel_loop3A_321 : i32 to vector<16xi32>
        %parallel_loop3A_323 = arith.andi %parallel_loop3A_320, %parallel_loop3A_322 : vector<16xi32>
        %parallel_loop3A_324 = tpu.vector_load_idx %arg6[%parallel_loop3A_287, %parallel_loop3A_323] : memref<32x512xf32, #tpu.memory_space<vmem>>[vector<16xi32>, vector<16xi32>], vector<16xf32>,
        %parallel_loop3A_325 = arith.index_cast %parallel_loop3A_275 : i32 to index
        %parallel_loop3A_326 = arith.constant 48 : index
        %parallel_loop3A_327 = tpu.vector_load %arg10[%parallel_loop3A_325, %parallel_loop3A_326] {strides = array<i32>} : memref<32x512xf32, #tpu.memory_space<vmem>>, vector<16xf32>,
        tpu.vector_store %arg10[%parallel_loop3A_325, %parallel_loop3A_326], %parallel_loop3A_324 {strides = array<i32>} : memref<32x512xf32, #tpu.memory_space<vmem>>, vector<16xf32>,
        %parallel_loop3A_328 = arith.constant 64 : i32
        %parallel_loop3A_329 = vector.broadcast %parallel_loop3A_328 : i32 to vector<16xi32>
        %parallel_loop3A_330 = arith.addi %parallel_loop3A_285, %parallel_loop3A_329 : vector<16xi32>
        %parallel_loop3A_331 = arith.constant 511 : i32
        %parallel_loop3A_332 = vector.broadcast %parallel_loop3A_331 : i32 to vector<16xi32>
        %parallel_loop3A_333 = arith.andi %parallel_loop3A_330, %parallel_loop3A_332 : vector<16xi32>
        %parallel_loop3A_334 = tpu.vector_load_idx %arg6[%parallel_loop3A_287, %parallel_loop3A_333] : memref<32x512xf32, #tpu.memory_space<vmem>>[vector<16xi32>, vector<16xi32>], vector<16xf32>,
        %parallel_loop3A_335 = arith.index_cast %parallel_loop3A_275 : i32 to index
        %parallel_loop3A_336 = arith.constant 64 : index
        %parallel_loop3A_337 = tpu.vector_load %arg10[%parallel_loop3A_335, %parallel_loop3A_336] {strides = array<i32>} : memref<32x512xf32, #tpu.memory_space<vmem>>, vector<16xf32>,
        tpu.vector_store %arg10[%parallel_loop3A_335, %parallel_loop3A_336], %parallel_loop3A_334 {strides = array<i32>} : memref<32x512xf32, #tpu.memory_space<vmem>>, vector<16xf32>,
        %parallel_loop3A_338 = arith.constant 80 : i32
        %parallel_loop3A_339 = vector.broadcast %parallel_loop3A_338 : i32 to vector<16xi32>
        %parallel_loop3A_340 = arith.addi %parallel_loop3A_285, %parallel_loop3A_339 : vector<16xi32>
        %parallel_loop3A_341 = arith.constant 511 : i32
        %parallel_loop3A_342 = vector.broadcast %parallel_loop3A_341 : i32 to vector<16xi32>
        %parallel_loop3A_343 = arith.andi %parallel_loop3A_340, %parallel_loop3A_342 : vector<16xi32>
        %parallel_loop3A_344 = tpu.vector_load_idx %arg6[%parallel_loop3A_287, %parallel_loop3A_343] : memref<32x512xf32, #tpu.memory_space<vmem>>[vector<16xi32>, vector<16xi32>], vector<16xf32>,
        %parallel_loop3A_345 = arith.index_cast %parallel_loop3A_275 : i32 to index
        %parallel_loop3A_346 = arith.constant 80 : index
        %parallel_loop3A_347 = tpu.vector_load %arg10[%parallel_loop3A_345, %parallel_loop3A_346] {strides = array<i32>} : memref<32x512xf32, #tpu.memory_space<vmem>>, vector<16xf32>,
        tpu.vector_store %arg10[%parallel_loop3A_345, %parallel_loop3A_346], %parallel_loop3A_344 {strides = array<i32>} : memref<32x512xf32, #tpu.memory_space<vmem>>, vector<16xf32>,
        %parallel_loop3A_348 = arith.constant 96 : i32
        %parallel_loop3A_349 = vector.broadcast %parallel_loop3A_348 : i32 to vector<16xi32>
        %parallel_loop3A_350 = arith.addi %parallel_loop3A_285, %parallel_loop3A_349 : vector<16xi32>
        %parallel_loop3A_351 = arith.constant 511 : i32
        %parallel_loop3A_352 = vector.broadcast %parallel_loop3A_351 : i32 to vector<16xi32>
        %parallel_loop3A_353 = arith.andi %parallel_loop3A_350, %parallel_loop3A_352 : vector<16xi32>
        %parallel_loop3A_354 = tpu.vector_load_idx %arg6[%parallel_loop3A_287, %parallel_loop3A_353] : memref<32x512xf32, #tpu.memory_space<vmem>>[vector<16xi32>, vector<16xi32>], vector<16xf32>,
        %parallel_loop3A_355 = arith.index_cast %parallel_loop3A_275 : i32 to index
        %parallel_loop3A_356 = arith.constant 96 : index
        %parallel_loop3A_357 = tpu.vector_load %arg10[%parallel_loop3A_355, %parallel_loop3A_356] {strides = array<i32>} : memref<32x512xf32, #tpu.memory_space<vmem>>, vector<16xf32>,
        tpu.vector_store %arg10[%parallel_loop3A_355, %parallel_loop3A_356], %parallel_loop3A_354 {strides = array<i32>} : memref<32x512xf32, #tpu.memory_space<vmem>>, vector<16xf32>,
        %parallel_loop3A_358 = arith.constant 112 : i32
        %parallel_loop3A_359 = vector.broadcast %parallel_loop3A_358 : i32 to vector<16xi32>
        %parallel_loop3A_360 = arith.addi %parallel_loop3A_285, %parallel_loop3A_359 : vector<16xi32>
        %parallel_loop3A_361 = arith.constant 511 : i32
        %parallel_loop3A_362 = vector.broadcast %parallel_loop3A_361 : i32 to vector<16xi32>
        %parallel_loop3A_363 = arith.andi %parallel_loop3A_360, %parallel_loop3A_362 : vector<16xi32>
        %parallel_loop3A_364 = tpu.vector_load_idx %arg6[%parallel_loop3A_287, %parallel_loop3A_363] : memref<32x512xf32, #tpu.memory_space<vmem>>[vector<16xi32>, vector<16xi32>], vector<16xf32>,
        %parallel_loop3A_365 = arith.index_cast %parallel_loop3A_275 : i32 to index
        %parallel_loop3A_366 = arith.constant 112 : index
        %parallel_loop3A_367 = tpu.vector_load %arg10[%parallel_loop3A_365, %parallel_loop3A_366] {strides = array<i32>} : memref<32x512xf32, #tpu.memory_space<vmem>>, vector<16xf32>,
        tpu.vector_store %arg10[%parallel_loop3A_365, %parallel_loop3A_366], %parallel_loop3A_364 {strides = array<i32>} : memref<32x512xf32, #tpu.memory_space<vmem>>, vector<16xf32>,
        %parallel_loop3A_368 = arith.constant 128 : i32
        %parallel_loop3A_369 = vector.broadcast %parallel_loop3A_368 : i32 to vector<16xi32>
        %parallel_loop3A_370 = arith.addi %parallel_loop3A_285, %parallel_loop3A_369 : vector<16xi32>
        %parallel_loop3A_371 = arith.constant 511 : i32
        %parallel_loop3A_372 = vector.broadcast %parallel_loop3A_371 : i32 to vector<16xi32>
        %parallel_loop3A_373 = arith.andi %parallel_loop3A_370, %parallel_loop3A_372 : vector<16xi32>
        %parallel_loop3A_374 = tpu.vector_load_idx %arg6[%parallel_loop3A_287, %parallel_loop3A_373] : memref<32x512xf32, #tpu.memory_space<vmem>>[vector<16xi32>, vector<16xi32>], vector<16xf32>,
        %parallel_loop3A_375 = arith.index_cast %parallel_loop3A_275 : i32 to index
        %parallel_loop3A_376 = arith.constant 128 : index
        %parallel_loop3A_377 = tpu.vector_load %arg10[%parallel_loop3A_375, %parallel_loop3A_376] {strides = array<i32>} : memref<32x512xf32, #tpu.memory_space<vmem>>, vector<16xf32>,
        tpu.vector_store %arg10[%parallel_loop3A_375, %parallel_loop3A_376], %parallel_loop3A_374 {strides = array<i32>} : memref<32x512xf32, #tpu.memory_space<vmem>>, vector<16xf32>,
        %parallel_loop3A_378 = arith.constant 144 : i32
        %parallel_loop3A_379 = vector.broadcast %parallel_loop3A_378 : i32 to vector<16xi32>
        %parallel_loop3A_380 = arith.addi %parallel_loop3A_285, %parallel_loop3A_379 : vector<16xi32>
        %parallel_loop3A_381 = arith.constant 511 : i32
        %parallel_loop3A_382 = vector.broadcast %parallel_loop3A_381 : i32 to vector<16xi32>
        %parallel_loop3A_383 = arith.andi %parallel_loop3A_380, %parallel_loop3A_382 : vector<16xi32>
        %parallel_loop3A_384 = tpu.vector_load_idx %arg6[%parallel_loop3A_287, %parallel_loop3A_383] : memref<32x512xf32, #tpu.memory_space<vmem>>[vector<16xi32>, vector<16xi32>], vector<16xf32>,
        %parallel_loop3A_385 = arith.index_cast %parallel_loop3A_275 : i32 to index
        %parallel_loop3A_386 = arith.constant 144 : index
        %parallel_loop3A_387 = tpu.vector_load %arg10[%parallel_loop3A_385, %parallel_loop3A_386] {strides = array<i32>} : memref<32x512xf32, #tpu.memory_space<vmem>>, vector<16xf32>,
        tpu.vector_store %arg10[%parallel_loop3A_385, %parallel_loop3A_386], %parallel_loop3A_384 {strides = array<i32>} : memref<32x512xf32, #tpu.memory_space<vmem>>, vector<16xf32>,
        %parallel_loop3A_388 = arith.constant 160 : i32
        %parallel_loop3A_389 = vector.broadcast %parallel_loop3A_388 : i32 to vector<16xi32>
        %parallel_loop3A_390 = arith.addi %parallel_loop3A_285, %parallel_loop3A_389 : vector<16xi32>
        %parallel_loop3A_391 = arith.constant 511 : i32
        %parallel_loop3A_392 = vector.broadcast %parallel_loop3A_391 : i32 to vector<16xi32>
        %parallel_loop3A_393 = arith.andi %parallel_loop3A_390, %parallel_loop3A_392 : vector<16xi32>
        %parallel_loop3A_394 = tpu.vector_load_idx %arg6[%parallel_loop3A_287, %parallel_loop3A_393] : memref<32x512xf32, #tpu.memory_space<vmem>>[vector<16xi32>, vector<16xi32>], vector<16xf32>,
        %parallel_loop3A_395 = arith.index_cast %parallel_loop3A_275 : i32 to index
        %parallel_loop3A_396 = arith.constant 160 : index
        %parallel_loop3A_397 = tpu.vector_load %arg10[%parallel_loop3A_395, %parallel_loop3A_396] {strides = array<i32>} : memref<32x512xf32, #tpu.memory_space<vmem>>, vector<16xf32>,
        tpu.vector_store %arg10[%parallel_loop3A_395, %parallel_loop3A_396], %parallel_loop3A_394 {strides = array<i32>} : memref<32x512xf32, #tpu.memory_space<vmem>>, vector<16xf32>,
        %parallel_loop3A_398 = arith.constant 176 : i32
        %parallel_loop3A_399 = vector.broadcast %parallel_loop3A_398 : i32 to vector<16xi32>
        %parallel_loop3A_400 = arith.addi %parallel_loop3A_285, %parallel_loop3A_399 : vector<16xi32>
        %parallel_loop3A_401 = arith.constant 511 : i32
        %parallel_loop3A_402 = vector.broadcast %parallel_loop3A_401 : i32 to vector<16xi32>
        %parallel_loop3A_403 = arith.andi %parallel_loop3A_400, %parallel_loop3A_402 : vector<16xi32>
        %parallel_loop3A_404 = tpu.vector_load_idx %arg6[%parallel_loop3A_287, %parallel_loop3A_403] : memref<32x512xf32, #tpu.memory_space<vmem>>[vector<16xi32>, vector<16xi32>], vector<16xf32>,
        %parallel_loop3A_405 = arith.index_cast %parallel_loop3A_275 : i32 to index
        %parallel_loop3A_406 = arith.constant 176 : index
        %parallel_loop3A_407 = tpu.vector_load %arg10[%parallel_loop3A_405, %parallel_loop3A_406] {strides = array<i32>} : memref<32x512xf32, #tpu.memory_space<vmem>>, vector<16xf32>,
        tpu.vector_store %arg10[%parallel_loop3A_405, %parallel_loop3A_406], %parallel_loop3A_404 {strides = array<i32>} : memref<32x512xf32, #tpu.memory_space<vmem>>, vector<16xf32>,
        %parallel_loop3A_408 = arith.constant 192 : i32
        %parallel_loop3A_409 = vector.broadcast %parallel_loop3A_408 : i32 to vector<16xi32>
        %parallel_loop3A_410 = arith.addi %parallel_loop3A_285, %parallel_loop3A_409 : vector<16xi32>
        %parallel_loop3A_411 = arith.constant 511 : i32
        %parallel_loop3A_412 = vector.broadcast %parallel_loop3A_411 : i32 to vector<16xi32>
        %parallel_loop3A_413 = arith.andi %parallel_loop3A_410, %parallel_loop3A_412 : vector<16xi32>
        %parallel_loop3A_414 = tpu.vector_load_idx %arg6[%parallel_loop3A_287, %parallel_loop3A_413] : memref<32x512xf32, #tpu.memory_space<vmem>>[vector<16xi32>, vector<16xi32>], vector<16xf32>,
        %parallel_loop3A_415 = arith.index_cast %parallel_loop3A_275 : i32 to index
        %parallel_loop3A_416 = arith.constant 192 : index
        %parallel_loop3A_417 = tpu.vector_load %arg10[%parallel_loop3A_415, %parallel_loop3A_416] {strides = array<i32>} : memref<32x512xf32, #tpu.memory_space<vmem>>, vector<16xf32>,
        tpu.vector_store %arg10[%parallel_loop3A_415, %parallel_loop3A_416], %parallel_loop3A_414 {strides = array<i32>} : memref<32x512xf32, #tpu.memory_space<vmem>>, vector<16xf32>,
        %parallel_loop3A_418 = arith.constant 208 : i32
        %parallel_loop3A_419 = vector.broadcast %parallel_loop3A_418 : i32 to vector<16xi32>
        %parallel_loop3A_420 = arith.addi %parallel_loop3A_285, %parallel_loop3A_419 : vector<16xi32>
        %parallel_loop3A_421 = arith.constant 511 : i32
        %parallel_loop3A_422 = vector.broadcast %parallel_loop3A_421 : i32 to vector<16xi32>
        %parallel_loop3A_423 = arith.andi %parallel_loop3A_420, %parallel_loop3A_422 : vector<16xi32>
        %parallel_loop3A_424 = tpu.vector_load_idx %arg6[%parallel_loop3A_287, %parallel_loop3A_423] : memref<32x512xf32, #tpu.memory_space<vmem>>[vector<16xi32>, vector<16xi32>], vector<16xf32>,
        %parallel_loop3A_425 = arith.index_cast %parallel_loop3A_275 : i32 to index
        %parallel_loop3A_426 = arith.constant 208 : index
        %parallel_loop3A_427 = tpu.vector_load %arg10[%parallel_loop3A_425, %parallel_loop3A_426] {strides = array<i32>} : memref<32x512xf32, #tpu.memory_space<vmem>>, vector<16xf32>,
        tpu.vector_store %arg10[%parallel_loop3A_425, %parallel_loop3A_426], %parallel_loop3A_424 {strides = array<i32>} : memref<32x512xf32, #tpu.memory_space<vmem>>, vector<16xf32>,
        %parallel_loop3A_428 = arith.constant 224 : i32
        %parallel_loop3A_429 = vector.broadcast %parallel_loop3A_428 : i32 to vector<16xi32>
        %parallel_loop3A_430 = arith.addi %parallel_loop3A_285, %parallel_loop3A_429 : vector<16xi32>
        %parallel_loop3A_431 = arith.constant 511 : i32
        %parallel_loop3A_432 = vector.broadcast %parallel_loop3A_431 : i32 to vector<16xi32>
        %parallel_loop3A_433 = arith.andi %parallel_loop3A_430, %parallel_loop3A_432 : vector<16xi32>
        %parallel_loop3A_434 = tpu.vector_load_idx %arg6[%parallel_loop3A_287, %parallel_loop3A_433] : memref<32x512xf32, #tpu.memory_space<vmem>>[vector<16xi32>, vector<16xi32>], vector<16xf32>,
        %parallel_loop3A_435 = arith.index_cast %parallel_loop3A_275 : i32 to index
        %parallel_loop3A_436 = arith.constant 224 : index
        %parallel_loop3A_437 = tpu.vector_load %arg10[%parallel_loop3A_435, %parallel_loop3A_436] {strides = array<i32>} : memref<32x512xf32, #tpu.memory_space<vmem>>, vector<16xf32>,
        tpu.vector_store %arg10[%parallel_loop3A_435, %parallel_loop3A_436], %parallel_loop3A_434 {strides = array<i32>} : memref<32x512xf32, #tpu.memory_space<vmem>>, vector<16xf32>,
        %parallel_loop3A_438 = arith.constant 240 : i32
        %parallel_loop3A_439 = vector.broadcast %parallel_loop3A_438 : i32 to vector<16xi32>
        %parallel_loop3A_440 = arith.addi %parallel_loop3A_285, %parallel_loop3A_439 : vector<16xi32>
        %parallel_loop3A_441 = arith.constant 511 : i32
        %parallel_loop3A_442 = vector.broadcast %parallel_loop3A_441 : i32 to vector<16xi32>
        %parallel_loop3A_443 = arith.andi %parallel_loop3A_440, %parallel_loop3A_442 : vector<16xi32>
        %parallel_loop3A_444 = tpu.vector_load_idx %arg6[%parallel_loop3A_287, %parallel_loop3A_443] : memref<32x512xf32, #tpu.memory_space<vmem>>[vector<16xi32>, vector<16xi32>], vector<16xf32>,
        %parallel_loop3A_445 = arith.index_cast %parallel_loop3A_275 : i32 to index
        %parallel_loop3A_446 = arith.constant 240 : index
        %parallel_loop3A_447 = tpu.vector_load %arg10[%parallel_loop3A_445, %parallel_loop3A_446] {strides = array<i32>} : memref<32x512xf32, #tpu.memory_space<vmem>>, vector<16xf32>,
        tpu.vector_store %arg10[%parallel_loop3A_445, %parallel_loop3A_446], %parallel_loop3A_444 {strides = array<i32>} : memref<32x512xf32, #tpu.memory_space<vmem>>, vector<16xf32>,
        %parallel_loop3A_448 = arith.constant 256 : i32
        %parallel_loop3A_449 = vector.broadcast %parallel_loop3A_448 : i32 to vector<16xi32>
        %parallel_loop3A_450 = arith.addi %parallel_loop3A_285, %parallel_loop3A_449 : vector<16xi32>
        %parallel_loop3A_451 = arith.constant 511 : i32
        %parallel_loop3A_452 = vector.broadcast %parallel_loop3A_451 : i32 to vector<16xi32>
        %parallel_loop3A_453 = arith.andi %parallel_loop3A_450, %parallel_loop3A_452 : vector<16xi32>
        %parallel_loop3A_454 = tpu.vector_load_idx %arg6[%parallel_loop3A_287, %parallel_loop3A_453] : memref<32x512xf32, #tpu.memory_space<vmem>>[vector<16xi32>, vector<16xi32>], vector<16xf32>,
        %parallel_loop3A_455 = arith.index_cast %parallel_loop3A_275 : i32 to index
        %parallel_loop3A_456 = arith.constant 256 : index
        %parallel_loop3A_457 = tpu.vector_load %arg10[%parallel_loop3A_455, %parallel_loop3A_456] {strides = array<i32>} : memref<32x512xf32, #tpu.memory_space<vmem>>, vector<16xf32>,
        tpu.vector_store %arg10[%parallel_loop3A_455, %parallel_loop3A_456], %parallel_loop3A_454 {strides = array<i32>} : memref<32x512xf32, #tpu.memory_space<vmem>>, vector<16xf32>,
        %parallel_loop3A_458 = arith.constant 272 : i32
        %parallel_loop3A_459 = vector.broadcast %parallel_loop3A_458 : i32 to vector<16xi32>
        %parallel_loop3A_460 = arith.addi %parallel_loop3A_285, %parallel_loop3A_459 : vector<16xi32>
        %parallel_loop3A_461 = arith.constant 511 : i32
        %parallel_loop3A_462 = vector.broadcast %parallel_loop3A_461 : i32 to vector<16xi32>
        %parallel_loop3A_463 = arith.andi %parallel_loop3A_460, %parallel_loop3A_462 : vector<16xi32>
        %parallel_loop3A_464 = tpu.vector_load_idx %arg6[%parallel_loop3A_287, %parallel_loop3A_463] : memref<32x512xf32, #tpu.memory_space<vmem>>[vector<16xi32>, vector<16xi32>], vector<16xf32>,
        %parallel_loop3A_465 = arith.index_cast %parallel_loop3A_275 : i32 to index
        %parallel_loop3A_466 = arith.constant 272 : index
        %parallel_loop3A_467 = tpu.vector_load %arg10[%parallel_loop3A_465, %parallel_loop3A_466] {strides = array<i32>} : memref<32x512xf32, #tpu.memory_space<vmem>>, vector<16xf32>,
        tpu.vector_store %arg10[%parallel_loop3A_465, %parallel_loop3A_466], %parallel_loop3A_464 {strides = array<i32>} : memref<32x512xf32, #tpu.memory_space<vmem>>, vector<16xf32>,
        %parallel_loop3A_468 = arith.constant 288 : i32
        %parallel_loop3A_469 = vector.broadcast %parallel_loop3A_468 : i32 to vector<16xi32>
        %parallel_loop3A_470 = arith.addi %parallel_loop3A_285, %parallel_loop3A_469 : vector<16xi32>
        %parallel_loop3A_471 = arith.constant 511 : i32
        %parallel_loop3A_472 = vector.broadcast %parallel_loop3A_471 : i32 to vector<16xi32>
        %parallel_loop3A_473 = arith.andi %parallel_loop3A_470, %parallel_loop3A_472 : vector<16xi32>
        %parallel_loop3A_474 = tpu.vector_load_idx %arg6[%parallel_loop3A_287, %parallel_loop3A_473] : memref<32x512xf32, #tpu.memory_space<vmem>>[vector<16xi32>, vector<16xi32>], vector<16xf32>,
        %parallel_loop3A_475 = arith.index_cast %parallel_loop3A_275 : i32 to index
        %parallel_loop3A_476 = arith.constant 288 : index
        %parallel_loop3A_477 = tpu.vector_load %arg10[%parallel_loop3A_475, %parallel_loop3A_476] {strides = array<i32>} : memref<32x512xf32, #tpu.memory_space<vmem>>, vector<16xf32>,
        tpu.vector_store %arg10[%parallel_loop3A_475, %parallel_loop3A_476], %parallel_loop3A_474 {strides = array<i32>} : memref<32x512xf32, #tpu.memory_space<vmem>>, vector<16xf32>,
        %parallel_loop3A_478 = arith.constant 304 : i32
        %parallel_loop3A_479 = vector.broadcast %parallel_loop3A_478 : i32 to vector<16xi32>
        %parallel_loop3A_480 = arith.addi %parallel_loop3A_285, %parallel_loop3A_479 : vector<16xi32>
        %parallel_loop3A_481 = arith.constant 511 : i32
        %parallel_loop3A_482 = vector.broadcast %parallel_loop3A_481 : i32 to vector<16xi32>
        %parallel_loop3A_483 = arith.andi %parallel_loop3A_480, %parallel_loop3A_482 : vector<16xi32>
        %parallel_loop3A_484 = tpu.vector_load_idx %arg6[%parallel_loop3A_287, %parallel_loop3A_483] : memref<32x512xf32, #tpu.memory_space<vmem>>[vector<16xi32>, vector<16xi32>], vector<16xf32>,
        %parallel_loop3A_485 = arith.index_cast %parallel_loop3A_275 : i32 to index
        %parallel_loop3A_486 = arith.constant 304 : index
        %parallel_loop3A_487 = tpu.vector_load %arg10[%parallel_loop3A_485, %parallel_loop3A_486] {strides = array<i32>} : memref<32x512xf32, #tpu.memory_space<vmem>>, vector<16xf32>,
        tpu.vector_store %arg10[%parallel_loop3A_485, %parallel_loop3A_486], %parallel_loop3A_484 {strides = array<i32>} : memref<32x512xf32, #tpu.memory_space<vmem>>, vector<16xf32>,
        %parallel_loop3A_488 = arith.constant 320 : i32
        %parallel_loop3A_489 = vector.broadcast %parallel_loop3A_488 : i32 to vector<16xi32>
        %parallel_loop3A_490 = arith.addi %parallel_loop3A_285, %parallel_loop3A_489 : vector<16xi32>
        %parallel_loop3A_491 = arith.constant 511 : i32
        %parallel_loop3A_492 = vector.broadcast %parallel_loop3A_491 : i32 to vector<16xi32>
        %parallel_loop3A_493 = arith.andi %parallel_loop3A_490, %parallel_loop3A_492 : vector<16xi32>
        %parallel_loop3A_494 = tpu.vector_load_idx %arg6[%parallel_loop3A_287, %parallel_loop3A_493] : memref<32x512xf32, #tpu.memory_space<vmem>>[vector<16xi32>, vector<16xi32>], vector<16xf32>,
        %parallel_loop3A_495 = arith.index_cast %parallel_loop3A_275 : i32 to index
        %parallel_loop3A_496 = arith.constant 320 : index
        %parallel_loop3A_497 = tpu.vector_load %arg10[%parallel_loop3A_495, %parallel_loop3A_496] {strides = array<i32>} : memref<32x512xf32, #tpu.memory_space<vmem>>, vector<16xf32>,
        tpu.vector_store %arg10[%parallel_loop3A_495, %parallel_loop3A_496], %parallel_loop3A_494 {strides = array<i32>} : memref<32x512xf32, #tpu.memory_space<vmem>>, vector<16xf32>,
        %parallel_loop3A_498 = arith.constant 336 : i32
        %parallel_loop3A_499 = vector.broadcast %parallel_loop3A_498 : i32 to vector<16xi32>
        %parallel_loop3A_500 = arith.addi %parallel_loop3A_285, %parallel_loop3A_499 : vector<16xi32>
        %parallel_loop3A_501 = arith.constant 511 : i32
        %parallel_loop3A_502 = vector.broadcast %parallel_loop3A_501 : i32 to vector<16xi32>
        %parallel_loop3A_503 = arith.andi %parallel_loop3A_500, %parallel_loop3A_502 : vector<16xi32>
        %parallel_loop3A_504 = tpu.vector_load_idx %arg6[%parallel_loop3A_287, %parallel_loop3A_503] : memref<32x512xf32, #tpu.memory_space<vmem>>[vector<16xi32>, vector<16xi32>], vector<16xf32>,
        %parallel_loop3A_505 = arith.index_cast %parallel_loop3A_275 : i32 to index
        %parallel_loop3A_506 = arith.constant 336 : index
        %parallel_loop3A_507 = tpu.vector_load %arg10[%parallel_loop3A_505, %parallel_loop3A_506] {strides = array<i32>} : memref<32x512xf32, #tpu.memory_space<vmem>>, vector<16xf32>,
        tpu.vector_store %arg10[%parallel_loop3A_505, %parallel_loop3A_506], %parallel_loop3A_504 {strides = array<i32>} : memref<32x512xf32, #tpu.memory_space<vmem>>, vector<16xf32>,
        %parallel_loop3A_508 = arith.constant 352 : i32
        %parallel_loop3A_509 = vector.broadcast %parallel_loop3A_508 : i32 to vector<16xi32>
        %parallel_loop3A_510 = arith.addi %parallel_loop3A_285, %parallel_loop3A_509 : vector<16xi32>
        %parallel_loop3A_511 = arith.constant 511 : i32
        %parallel_loop3A_512 = vector.broadcast %parallel_loop3A_511 : i32 to vector<16xi32>
        %parallel_loop3A_513 = arith.andi %parallel_loop3A_510, %parallel_loop3A_512 : vector<16xi32>
        %parallel_loop3A_514 = tpu.vector_load_idx %arg6[%parallel_loop3A_287, %parallel_loop3A_513] : memref<32x512xf32, #tpu.memory_space<vmem>>[vector<16xi32>, vector<16xi32>], vector<16xf32>,
        %parallel_loop3A_515 = arith.index_cast %parallel_loop3A_275 : i32 to index
        %parallel_loop3A_516 = arith.constant 352 : index
        %parallel_loop3A_517 = tpu.vector_load %arg10[%parallel_loop3A_515, %parallel_loop3A_516] {strides = array<i32>} : memref<32x512xf32, #tpu.memory_space<vmem>>, vector<16xf32>,
        tpu.vector_store %arg10[%parallel_loop3A_515, %parallel_loop3A_516], %parallel_loop3A_514 {strides = array<i32>} : memref<32x512xf32, #tpu.memory_space<vmem>>, vector<16xf32>,
        %parallel_loop3A_518 = arith.constant 368 : i32
        %parallel_loop3A_519 = vector.broadcast %parallel_loop3A_518 : i32 to vector<16xi32>
        %parallel_loop3A_520 = arith.addi %parallel_loop3A_285, %parallel_loop3A_519 : vector<16xi32>
        %parallel_loop3A_521 = arith.constant 511 : i32
        %parallel_loop3A_522 = vector.broadcast %parallel_loop3A_521 : i32 to vector<16xi32>
        %parallel_loop3A_523 = arith.andi %parallel_loop3A_520, %parallel_loop3A_522 : vector<16xi32>
        %parallel_loop3A_524 = tpu.vector_load_idx %arg6[%parallel_loop3A_287, %parallel_loop3A_523] : memref<32x512xf32, #tpu.memory_space<vmem>>[vector<16xi32>, vector<16xi32>], vector<16xf32>,
        %parallel_loop3A_525 = arith.index_cast %parallel_loop3A_275 : i32 to index
        %parallel_loop3A_526 = arith.constant 368 : index
        %parallel_loop3A_527 = tpu.vector_load %arg10[%parallel_loop3A_525, %parallel_loop3A_526] {strides = array<i32>} : memref<32x512xf32, #tpu.memory_space<vmem>>, vector<16xf32>,
        tpu.vector_store %arg10[%parallel_loop3A_525, %parallel_loop3A_526], %parallel_loop3A_524 {strides = array<i32>} : memref<32x512xf32, #tpu.memory_space<vmem>>, vector<16xf32>,
        %parallel_loop3A_528 = arith.constant 384 : i32
        %parallel_loop3A_529 = vector.broadcast %parallel_loop3A_528 : i32 to vector<16xi32>
        %parallel_loop3A_530 = arith.addi %parallel_loop3A_285, %parallel_loop3A_529 : vector<16xi32>
        %parallel_loop3A_531 = arith.constant 511 : i32
        %parallel_loop3A_532 = vector.broadcast %parallel_loop3A_531 : i32 to vector<16xi32>
        %parallel_loop3A_533 = arith.andi %parallel_loop3A_530, %parallel_loop3A_532 : vector<16xi32>
        %parallel_loop3A_534 = tpu.vector_load_idx %arg6[%parallel_loop3A_287, %parallel_loop3A_533] : memref<32x512xf32, #tpu.memory_space<vmem>>[vector<16xi32>, vector<16xi32>], vector<16xf32>,
        %parallel_loop3A_535 = arith.index_cast %parallel_loop3A_275 : i32 to index
        %parallel_loop3A_536 = arith.constant 384 : index
        %parallel_loop3A_537 = tpu.vector_load %arg10[%parallel_loop3A_535, %parallel_loop3A_536] {strides = array<i32>} : memref<32x512xf32, #tpu.memory_space<vmem>>, vector<16xf32>,
        tpu.vector_store %arg10[%parallel_loop3A_535, %parallel_loop3A_536], %parallel_loop3A_534 {strides = array<i32>} : memref<32x512xf32, #tpu.memory_space<vmem>>, vector<16xf32>,
        %parallel_loop3A_538 = arith.constant 400 : i32
        %parallel_loop3A_539 = vector.broadcast %parallel_loop3A_538 : i32 to vector<16xi32>
        %parallel_loop3A_540 = arith.addi %parallel_loop3A_285, %parallel_loop3A_539 : vector<16xi32>
        %parallel_loop3A_541 = arith.constant 511 : i32
        %parallel_loop3A_542 = vector.broadcast %parallel_loop3A_541 : i32 to vector<16xi32>
        %parallel_loop3A_543 = arith.andi %parallel_loop3A_540, %parallel_loop3A_542 : vector<16xi32>
        %parallel_loop3A_544 = tpu.vector_load_idx %arg6[%parallel_loop3A_287, %parallel_loop3A_543] : memref<32x512xf32, #tpu.memory_space<vmem>>[vector<16xi32>, vector<16xi32>], vector<16xf32>,
        %parallel_loop3A_545 = arith.index_cast %parallel_loop3A_275 : i32 to index
        %parallel_loop3A_546 = arith.constant 400 : index
        %parallel_loop3A_547 = tpu.vector_load %arg10[%parallel_loop3A_545, %parallel_loop3A_546] {strides = array<i32>} : memref<32x512xf32, #tpu.memory_space<vmem>>, vector<16xf32>,
        tpu.vector_store %arg10[%parallel_loop3A_545, %parallel_loop3A_546], %parallel_loop3A_544 {strides = array<i32>} : memref<32x512xf32, #tpu.memory_space<vmem>>, vector<16xf32>,
        %parallel_loop3A_548 = arith.constant 416 : i32
        %parallel_loop3A_549 = vector.broadcast %parallel_loop3A_548 : i32 to vector<16xi32>
        %parallel_loop3A_550 = arith.addi %parallel_loop3A_285, %parallel_loop3A_549 : vector<16xi32>
        %parallel_loop3A_551 = arith.constant 511 : i32
        %parallel_loop3A_552 = vector.broadcast %parallel_loop3A_551 : i32 to vector<16xi32>
        %parallel_loop3A_553 = arith.andi %parallel_loop3A_550, %parallel_loop3A_552 : vector<16xi32>
        %parallel_loop3A_554 = tpu.vector_load_idx %arg6[%parallel_loop3A_287, %parallel_loop3A_553] : memref<32x512xf32, #tpu.memory_space<vmem>>[vector<16xi32>, vector<16xi32>], vector<16xf32>,
        %parallel_loop3A_555 = arith.index_cast %parallel_loop3A_275 : i32 to index
        %parallel_loop3A_556 = arith.constant 416 : index
        %parallel_loop3A_557 = tpu.vector_load %arg10[%parallel_loop3A_555, %parallel_loop3A_556] {strides = array<i32>} : memref<32x512xf32, #tpu.memory_space<vmem>>, vector<16xf32>,
        tpu.vector_store %arg10[%parallel_loop3A_555, %parallel_loop3A_556], %parallel_loop3A_554 {strides = array<i32>} : memref<32x512xf32, #tpu.memory_space<vmem>>, vector<16xf32>,
        %parallel_loop3A_558 = arith.constant 432 : i32
        %parallel_loop3A_559 = vector.broadcast %parallel_loop3A_558 : i32 to vector<16xi32>
        %parallel_loop3A_560 = arith.addi %parallel_loop3A_285, %parallel_loop3A_559 : vector<16xi32>
        %parallel_loop3A_561 = arith.constant 511 : i32
        %parallel_loop3A_562 = vector.broadcast %parallel_loop3A_561 : i32 to vector<16xi32>
        %parallel_loop3A_563 = arith.andi %parallel_loop3A_560, %parallel_loop3A_562 : vector<16xi32>
        %parallel_loop3A_564 = tpu.vector_load_idx %arg6[%parallel_loop3A_287, %parallel_loop3A_563] : memref<32x512xf32, #tpu.memory_space<vmem>>[vector<16xi32>, vector<16xi32>], vector<16xf32>,
        %parallel_loop3A_565 = arith.index_cast %parallel_loop3A_275 : i32 to index
        %parallel_loop3A_566 = arith.constant 432 : index
        %parallel_loop3A_567 = tpu.vector_load %arg10[%parallel_loop3A_565, %parallel_loop3A_566] {strides = array<i32>} : memref<32x512xf32, #tpu.memory_space<vmem>>, vector<16xf32>,
        tpu.vector_store %arg10[%parallel_loop3A_565, %parallel_loop3A_566], %parallel_loop3A_564 {strides = array<i32>} : memref<32x512xf32, #tpu.memory_space<vmem>>, vector<16xf32>,
        %parallel_loop3A_568 = arith.constant 448 : i32
        %parallel_loop3A_569 = vector.broadcast %parallel_loop3A_568 : i32 to vector<16xi32>
        %parallel_loop3A_570 = arith.addi %parallel_loop3A_285, %parallel_loop3A_569 : vector<16xi32>
        %parallel_loop3A_571 = arith.constant 511 : i32
        %parallel_loop3A_572 = vector.broadcast %parallel_loop3A_571 : i32 to vector<16xi32>
        %parallel_loop3A_573 = arith.andi %parallel_loop3A_570, %parallel_loop3A_572 : vector<16xi32>
        %parallel_loop3A_574 = tpu.vector_load_idx %arg6[%parallel_loop3A_287, %parallel_loop3A_573] : memref<32x512xf32, #tpu.memory_space<vmem>>[vector<16xi32>, vector<16xi32>], vector<16xf32>,
        %parallel_loop3A_575 = arith.index_cast %parallel_loop3A_275 : i32 to index
        %parallel_loop3A_576 = arith.constant 448 : index
        %parallel_loop3A_577 = tpu.vector_load %arg10[%parallel_loop3A_575, %parallel_loop3A_576] {strides = array<i32>} : memref<32x512xf32, #tpu.memory_space<vmem>>, vector<16xf32>,
        tpu.vector_store %arg10[%parallel_loop3A_575, %parallel_loop3A_576], %parallel_loop3A_574 {strides = array<i32>} : memref<32x512xf32, #tpu.memory_space<vmem>>, vector<16xf32>,
        %parallel_loop3A_578 = arith.constant 464 : i32
        %parallel_loop3A_579 = vector.broadcast %parallel_loop3A_578 : i32 to vector<16xi32>
        %parallel_loop3A_580 = arith.addi %parallel_loop3A_285, %parallel_loop3A_579 : vector<16xi32>
        %parallel_loop3A_581 = arith.constant 511 : i32
        %parallel_loop3A_582 = vector.broadcast %parallel_loop3A_581 : i32 to vector<16xi32>
        %parallel_loop3A_583 = arith.andi %parallel_loop3A_580, %parallel_loop3A_582 : vector<16xi32>
        %parallel_loop3A_584 = tpu.vector_load_idx %arg6[%parallel_loop3A_287, %parallel_loop3A_583] : memref<32x512xf32, #tpu.memory_space<vmem>>[vector<16xi32>, vector<16xi32>], vector<16xf32>,
        %parallel_loop3A_585 = arith.index_cast %parallel_loop3A_275 : i32 to index
        %parallel_loop3A_586 = arith.constant 464 : index
        %parallel_loop3A_587 = tpu.vector_load %arg10[%parallel_loop3A_585, %parallel_loop3A_586] {strides = array<i32>} : memref<32x512xf32, #tpu.memory_space<vmem>>, vector<16xf32>,
        tpu.vector_store %arg10[%parallel_loop3A_585, %parallel_loop3A_586], %parallel_loop3A_584 {strides = array<i32>} : memref<32x512xf32, #tpu.memory_space<vmem>>, vector<16xf32>,
        %parallel_loop3A_588 = arith.constant 480 : i32
        %parallel_loop3A_589 = vector.broadcast %parallel_loop3A_588 : i32 to vector<16xi32>
        %parallel_loop3A_590 = arith.addi %parallel_loop3A_285, %parallel_loop3A_589 : vector<16xi32>
        %parallel_loop3A_591 = arith.constant 511 : i32
        %parallel_loop3A_592 = vector.broadcast %parallel_loop3A_591 : i32 to vector<16xi32>
        %parallel_loop3A_593 = arith.andi %parallel_loop3A_590, %parallel_loop3A_592 : vector<16xi32>
        %parallel_loop3A_594 = tpu.vector_load_idx %arg6[%parallel_loop3A_287, %parallel_loop3A_593] : memref<32x512xf32, #tpu.memory_space<vmem>>[vector<16xi32>, vector<16xi32>], vector<16xf32>,
        %parallel_loop3A_595 = arith.index_cast %parallel_loop3A_275 : i32 to index
        %parallel_loop3A_596 = arith.constant 480 : index
        %parallel_loop3A_597 = tpu.vector_load %arg10[%parallel_loop3A_595, %parallel_loop3A_596] {strides = array<i32>} : memref<32x512xf32, #tpu.memory_space<vmem>>, vector<16xf32>,
        tpu.vector_store %arg10[%parallel_loop3A_595, %parallel_loop3A_596], %parallel_loop3A_594 {strides = array<i32>} : memref<32x512xf32, #tpu.memory_space<vmem>>, vector<16xf32>,
        %parallel_loop3A_598 = arith.constant 496 : i32
        %parallel_loop3A_599 = vector.broadcast %parallel_loop3A_598 : i32 to vector<16xi32>
        %parallel_loop3A_600 = arith.addi %parallel_loop3A_285, %parallel_loop3A_599 : vector<16xi32>
        %parallel_loop3A_601 = arith.constant 511 : i32
        %parallel_loop3A_602 = vector.broadcast %parallel_loop3A_601 : i32 to vector<16xi32>
        %parallel_loop3A_603 = arith.andi %parallel_loop3A_600, %parallel_loop3A_602 : vector<16xi32>
        %parallel_loop3A_604 = tpu.vector_load_idx %arg6[%parallel_loop3A_287, %parallel_loop3A_603] : memref<32x512xf32, #tpu.memory_space<vmem>>[vector<16xi32>, vector<16xi32>], vector<16xf32>,
        %parallel_loop3A_605 = arith.index_cast %parallel_loop3A_275 : i32 to index
        %parallel_loop3A_606 = arith.constant 496 : index
        %parallel_loop3A_607 = tpu.vector_load %arg10[%parallel_loop3A_605, %parallel_loop3A_606] {strides = array<i32>} : memref<32x512xf32, #tpu.memory_space<vmem>>, vector<16xf32>,
        tpu.vector_store %arg10[%parallel_loop3A_605, %parallel_loop3A_606], %parallel_loop3A_604 {strides = array<i32>} : memref<32x512xf32, #tpu.memory_space<vmem>>, vector<16xf32>,
      } {sc.loop_unroll_factor = 4 : i64, sc.parallel_access}
      %mul3A_211 = arith.constant 32 : i32
      %mul3A_212 = arith.muli %add3A_194, %mul3A_211 : i32
      %add3A_213 = arith.addi %mul3A_32, %mul3A_212 : i32
      %dma_start3A_214 = arith.constant 0 : i32
      %dma_start3A_215 = tpu.memref_slice %arg4[%select_n3A, %add3A_213, %dma_start3A_214] : memref<16x2048x512xf32, #tpu.memory_space<hbm>> -> memref<1x32x512xf32, #tpu.memory_space<hbm>>
      %dma_start3A_216 = tpu.memref_squeeze %dma_start3A_215 : memref<1x32x512xf32, #tpu.memory_space<hbm>> -> memref<32x512xf32, #tpu.memory_space<hbm>>
      %dma_start3A_217 = arith.constant 0 : i32
      %dma_start3A_218 = tpu.memref_slice %arg4[%select_n3A, %add3A_213, %dma_start3A_217] : memref<16x2048x512xf32, #tpu.memory_space<hbm>> -> memref<1x32x512xf32, #tpu.memory_space<hbm>>
      %dma_start3A_219 = tpu.memref_squeeze %dma_start3A_218 : memref<1x32x512xf32, #tpu.memory_space<hbm>> -> memref<32x512xf32, #tpu.memory_space<hbm>>
      tpu.enqueue_dma source(%arg10 : memref<32x512xf32, #tpu.memory_space<vmem>>) target(%dma_start3A_219 : memref<32x512xf32, #tpu.memory_space<hbm>>) target_semaphore(%arg16 : memref<!tpu.dma_semaphore, #tpu.memory_space<semaphore_mem>>)
      %add3A_220 = arith.constant 2 : i32
      %add3A_221 = arith.addi %add3A_194, %add3A_220 : i32
      %min3A_222 = arith.constant 31 : i32
      %min3A_223 = arith.minsi %add3A_221, %min3A_222 : i32
      %mul3A_224 = arith.constant 32 : i32
      %mul3A_225 = arith.muli %min3A_223, %mul3A_224 : i32
      %add3A_226 = arith.addi %mul3A_32, %mul3A_225 : i32
      %dma_start3A_227 = arith.constant 0 : i32
      %dma_start3A_228 = tpu.memref_slice %arg2[%select_n3A, %add3A_226, %dma_start3A_227] : memref<16x2048x512xf32, #tpu.memory_space<hbm>> -> memref<1x32x512xf32, #tpu.memory_space<hbm>>
      %dma_start3A_229 = tpu.memref_squeeze %dma_start3A_228 : memref<1x32x512xf32, #tpu.memory_space<hbm>> -> memref<32x512xf32, #tpu.memory_space<hbm>>
      %dma_start3A_230 = arith.constant 0 : i32
      %dma_start3A_231 = tpu.memref_slice %arg2[%select_n3A, %add3A_226, %dma_start3A_230] : memref<16x2048x512xf32, #tpu.memory_space<hbm>> -> memref<1x32x512xf32, #tpu.memory_space<hbm>>
      %dma_start3A_232 = tpu.memref_squeeze %dma_start3A_231 : memref<1x32x512xf32, #tpu.memory_space<hbm>> -> memref<32x512xf32, #tpu.memory_space<hbm>>
      tpu.enqueue_dma source(%dma_start3A_232 : memref<32x512xf32, #tpu.memory_space<hbm>>) target(%arg6 : memref<32x512xf32, #tpu.memory_space<vmem>>) target_semaphore(%arg12 : memref<!tpu.dma_semaphore, #tpu.memory_space<semaphore_mem>>)
      %mul3A_233 = arith.constant 4 : i32
      %mul3A_234 = arith.muli %mul3A_233, %scan3A_110 : i32
      %add3A_235 = arith.constant 3 : i32
      %add3A_236 = arith.addi %mul3A_234, %add3A_235 : i32
      %add3A_237 = arith.constant 0 : i32
      %add3A_238 = arith.addi %mul3A_32, %add3A_237 : i32
      %dma_wait3A_239 = arith.constant 0 : i32
      %dma_wait3A_240 = tpu.memref_slice %arg2[%select_n3A, %add3A_238, %dma_wait3A_239] : memref<16x2048x512xf32, #tpu.memory_space<hbm>> -> memref<1x32x512xf32, #tpu.memory_space<hbm>>
      %dma_wait3A_241 = tpu.memref_squeeze %dma_wait3A_240 : memref<1x32x512xf32, #tpu.memory_space<hbm>> -> memref<32x512xf32, #tpu.memory_space<hbm>>
      %dma_wait3A_242 = arith.constant 0 : i32
      %dma_wait3A_243 = tpu.memref_slice %arg2[%select_n3A, %add3A_238, %dma_wait3A_242] : memref<16x2048x512xf32, #tpu.memory_space<hbm>> -> memref<1x32x512xf32, #tpu.memory_space<hbm>>
      %dma_wait3A_244 = tpu.memref_squeeze %dma_wait3A_243 : memref<1x32x512xf32, #tpu.memory_space<hbm>> -> memref<32x512xf32, #tpu.memory_space<hbm>>
      tpu.wait_dma2 semaphore(%arg13 : memref<!tpu.dma_semaphore, #tpu.memory_space<semaphore_mem>>) src(%dma_wait3A_244 : memref<32x512xf32, #tpu.memory_space<hbm>>) dst(%arg7 : memref<32x512xf32, #tpu.memory_space<vmem>>)
      %gt3A_245 = arith.constant 0 : i32
      %gt3A_246 = arith.cmpi sgt, %scan3A_110, %gt3A_245 : i32
      %convert_element_type3A_247 = arith.extui %gt3A_246 : i1 to i32
      %cond3A_248 = arith.constant 0 : i32
      %cond3A_249 = arith.cmpi ne, %convert_element_type3A_247, %cond3A_248 : i32
      scf.if %cond3A_249 {
        %add3A_275 = arith.constant 0 : i32
        %add3A_276 = arith.addi %mul3A_32, %add3A_275 : i32
        %dma_wait3A_277 = arith.constant 0 : i32
        %dma_wait3A_278 = tpu.memref_slice %arg4[%select_n3A, %add3A_276, %dma_wait3A_277] : memref<16x2048x512xf32, #tpu.memory_space<hbm>> -> memref<1x32x512xf32, #tpu.memory_space<hbm>>
        %dma_wait3A_279 = tpu.memref_squeeze %dma_wait3A_278 : memref<1x32x512xf32, #tpu.memory_space<hbm>> -> memref<32x512xf32, #tpu.memory_space<hbm>>
        %dma_wait3A_280 = arith.constant 0 : i32
        %dma_wait3A_281 = tpu.memref_slice %arg4[%select_n3A, %add3A_276, %dma_wait3A_280] : memref<16x2048x512xf32, #tpu.memory_space<hbm>> -> memref<1x32x512xf32, #tpu.memory_space<hbm>>
        %dma_wait3A_282 = tpu.memref_squeeze %dma_wait3A_281 : memref<1x32x512xf32, #tpu.memory_space<hbm>> -> memref<32x512xf32, #tpu.memory_space<hbm>>
        tpu.wait_dma2 semaphore(%arg17 : memref<!tpu.dma_semaphore, #tpu.memory_space<semaphore_mem>>) src(%arg11 : memref<32x512xf32, #tpu.memory_space<vmem>>) dst(%dma_wait3A_282 : memref<32x512xf32, #tpu.memory_space<hbm>>)
      } else {
      }
      %parallel_loop3A_250 = arith.constant 0 : i32
      %parallel_loop3A_251 = arith.constant 32 : i32
      %parallel_loop3A_252 = arith.constant 1 : i32
      scf.for %parallel_loop3A_275 = %parallel_loop3A_250 to %parallel_loop3A_251 step %parallel_loop3A_252  : i32 {
        %parallel_loop3A_276 = arith.constant 32 : i32
        %parallel_loop3A_277 = arith.muli %add3A_236, %parallel_loop3A_276 : i32
        %parallel_loop3A_278 = arith.addi %parallel_loop3A_277, %parallel_loop3A_275 : i32
        %parallel_loop3A_279 = vector.broadcast %parallel_loop3A_278 : i32 to vector<16xi32>
        %parallel_loop3A_280 = arith.addi %mul3A_35, %parallel_loop3A_279 : vector<16xi32>
        %parallel_loop3A_281 = tpu.vector_load_idx %arg5[%parallel_loop3A_280] : memref<1024xi32, #tpu.memory_space<vmem>>[vector<16xi32>], vector<16xi32>,
        %parallel_loop3A_282 = arith.subi %iota3A, %parallel_loop3A_281 : vector<16xi32>
        %parallel_loop3A_283 = arith.constant 511 : i32
        %parallel_loop3A_284 = vector.broadcast %parallel_loop3A_283 : i32 to vector<16xi32>
        %parallel_loop3A_285 = arith.andi %parallel_loop3A_282, %parallel_loop3A_284 : vector<16xi32>
        %parallel_loop3A_286 = vector.broadcast %parallel_loop3A_275 : i32 to vector<16xi32>
        %parallel_loop3A_287 = arith.addi %mul3A_35, %parallel_loop3A_286 : vector<16xi32>
        %parallel_loop3A_288 = arith.constant 0 : i32
        %parallel_loop3A_289 = vector.broadcast %parallel_loop3A_288 : i32 to vector<16xi32>
        %parallel_loop3A_290 = arith.addi %parallel_loop3A_285, %parallel_loop3A_289 : vector<16xi32>
        %parallel_loop3A_291 = arith.constant 511 : i32
        %parallel_loop3A_292 = vector.broadcast %parallel_loop3A_291 : i32 to vector<16xi32>
        %parallel_loop3A_293 = arith.andi %parallel_loop3A_290, %parallel_loop3A_292 : vector<16xi32>
        %parallel_loop3A_294 = tpu.vector_load_idx %arg7[%parallel_loop3A_287, %parallel_loop3A_293] : memref<32x512xf32, #tpu.memory_space<vmem>>[vector<16xi32>, vector<16xi32>], vector<16xf32>,
        %parallel_loop3A_295 = arith.index_cast %parallel_loop3A_275 : i32 to index
        %parallel_loop3A_296 = arith.constant 0 : index
        %parallel_loop3A_297 = tpu.vector_load %arg11[%parallel_loop3A_295, %parallel_loop3A_296] {strides = array<i32>} : memref<32x512xf32, #tpu.memory_space<vmem>>, vector<16xf32>,
        tpu.vector_store %arg11[%parallel_loop3A_295, %parallel_loop3A_296], %parallel_loop3A_294 {strides = array<i32>} : memref<32x512xf32, #tpu.memory_space<vmem>>, vector<16xf32>,
        %parallel_loop3A_298 = arith.constant 16 : i32
        %parallel_loop3A_299 = vector.broadcast %parallel_loop3A_298 : i32 to vector<16xi32>
        %parallel_loop3A_300 = arith.addi %parallel_loop3A_285, %parallel_loop3A_299 : vector<16xi32>
        %parallel_loop3A_301 = arith.constant 511 : i32
        %parallel_loop3A_302 = vector.broadcast %parallel_loop3A_301 : i32 to vector<16xi32>
        %parallel_loop3A_303 = arith.andi %parallel_loop3A_300, %parallel_loop3A_302 : vector<16xi32>
        %parallel_loop3A_304 = tpu.vector_load_idx %arg7[%parallel_loop3A_287, %parallel_loop3A_303] : memref<32x512xf32, #tpu.memory_space<vmem>>[vector<16xi32>, vector<16xi32>], vector<16xf32>,
        %parallel_loop3A_305 = arith.index_cast %parallel_loop3A_275 : i32 to index
        %parallel_loop3A_306 = arith.constant 16 : index
        %parallel_loop3A_307 = tpu.vector_load %arg11[%parallel_loop3A_305, %parallel_loop3A_306] {strides = array<i32>} : memref<32x512xf32, #tpu.memory_space<vmem>>, vector<16xf32>,
        tpu.vector_store %arg11[%parallel_loop3A_305, %parallel_loop3A_306], %parallel_loop3A_304 {strides = array<i32>} : memref<32x512xf32, #tpu.memory_space<vmem>>, vector<16xf32>,
        %parallel_loop3A_308 = arith.constant 32 : i32
        %parallel_loop3A_309 = vector.broadcast %parallel_loop3A_308 : i32 to vector<16xi32>
        %parallel_loop3A_310 = arith.addi %parallel_loop3A_285, %parallel_loop3A_309 : vector<16xi32>
        %parallel_loop3A_311 = arith.constant 511 : i32
        %parallel_loop3A_312 = vector.broadcast %parallel_loop3A_311 : i32 to vector<16xi32>
        %parallel_loop3A_313 = arith.andi %parallel_loop3A_310, %parallel_loop3A_312 : vector<16xi32>
        %parallel_loop3A_314 = tpu.vector_load_idx %arg7[%parallel_loop3A_287, %parallel_loop3A_313] : memref<32x512xf32, #tpu.memory_space<vmem>>[vector<16xi32>, vector<16xi32>], vector<16xf32>,
        %parallel_loop3A_315 = arith.index_cast %parallel_loop3A_275 : i32 to index
        %parallel_loop3A_316 = arith.constant 32 : index
        %parallel_loop3A_317 = tpu.vector_load %arg11[%parallel_loop3A_315, %parallel_loop3A_316] {strides = array<i32>} : memref<32x512xf32, #tpu.memory_space<vmem>>, vector<16xf32>,
        tpu.vector_store %arg11[%parallel_loop3A_315, %parallel_loop3A_316], %parallel_loop3A_314 {strides = array<i32>} : memref<32x512xf32, #tpu.memory_space<vmem>>, vector<16xf32>,
        %parallel_loop3A_318 = arith.constant 48 : i32
        %parallel_loop3A_319 = vector.broadcast %parallel_loop3A_318 : i32 to vector<16xi32>
        %parallel_loop3A_320 = arith.addi %parallel_loop3A_285, %parallel_loop3A_319 : vector<16xi32>
        %parallel_loop3A_321 = arith.constant 511 : i32
        %parallel_loop3A_322 = vector.broadcast %parallel_loop3A_321 : i32 to vector<16xi32>
        %parallel_loop3A_323 = arith.andi %parallel_loop3A_320, %parallel_loop3A_322 : vector<16xi32>
        %parallel_loop3A_324 = tpu.vector_load_idx %arg7[%parallel_loop3A_287, %parallel_loop3A_323] : memref<32x512xf32, #tpu.memory_space<vmem>>[vector<16xi32>, vector<16xi32>], vector<16xf32>,
        %parallel_loop3A_325 = arith.index_cast %parallel_loop3A_275 : i32 to index
        %parallel_loop3A_326 = arith.constant 48 : index
        %parallel_loop3A_327 = tpu.vector_load %arg11[%parallel_loop3A_325, %parallel_loop3A_326] {strides = array<i32>} : memref<32x512xf32, #tpu.memory_space<vmem>>, vector<16xf32>,
        tpu.vector_store %arg11[%parallel_loop3A_325, %parallel_loop3A_326], %parallel_loop3A_324 {strides = array<i32>} : memref<32x512xf32, #tpu.memory_space<vmem>>, vector<16xf32>,
        %parallel_loop3A_328 = arith.constant 64 : i32
        %parallel_loop3A_329 = vector.broadcast %parallel_loop3A_328 : i32 to vector<16xi32>
        %parallel_loop3A_330 = arith.addi %parallel_loop3A_285, %parallel_loop3A_329 : vector<16xi32>
        %parallel_loop3A_331 = arith.constant 511 : i32
        %parallel_loop3A_332 = vector.broadcast %parallel_loop3A_331 : i32 to vector<16xi32>
        %parallel_loop3A_333 = arith.andi %parallel_loop3A_330, %parallel_loop3A_332 : vector<16xi32>
        %parallel_loop3A_334 = tpu.vector_load_idx %arg7[%parallel_loop3A_287, %parallel_loop3A_333] : memref<32x512xf32, #tpu.memory_space<vmem>>[vector<16xi32>, vector<16xi32>], vector<16xf32>,
        %parallel_loop3A_335 = arith.index_cast %parallel_loop3A_275 : i32 to index
        %parallel_loop3A_336 = arith.constant 64 : index
        %parallel_loop3A_337 = tpu.vector_load %arg11[%parallel_loop3A_335, %parallel_loop3A_336] {strides = array<i32>} : memref<32x512xf32, #tpu.memory_space<vmem>>, vector<16xf32>,
        tpu.vector_store %arg11[%parallel_loop3A_335, %parallel_loop3A_336], %parallel_loop3A_334 {strides = array<i32>} : memref<32x512xf32, #tpu.memory_space<vmem>>, vector<16xf32>,
        %parallel_loop3A_338 = arith.constant 80 : i32
        %parallel_loop3A_339 = vector.broadcast %parallel_loop3A_338 : i32 to vector<16xi32>
        %parallel_loop3A_340 = arith.addi %parallel_loop3A_285, %parallel_loop3A_339 : vector<16xi32>
        %parallel_loop3A_341 = arith.constant 511 : i32
        %parallel_loop3A_342 = vector.broadcast %parallel_loop3A_341 : i32 to vector<16xi32>
        %parallel_loop3A_343 = arith.andi %parallel_loop3A_340, %parallel_loop3A_342 : vector<16xi32>
        %parallel_loop3A_344 = tpu.vector_load_idx %arg7[%parallel_loop3A_287, %parallel_loop3A_343] : memref<32x512xf32, #tpu.memory_space<vmem>>[vector<16xi32>, vector<16xi32>], vector<16xf32>,
        %parallel_loop3A_345 = arith.index_cast %parallel_loop3A_275 : i32 to index
        %parallel_loop3A_346 = arith.constant 80 : index
        %parallel_loop3A_347 = tpu.vector_load %arg11[%parallel_loop3A_345, %parallel_loop3A_346] {strides = array<i32>} : memref<32x512xf32, #tpu.memory_space<vmem>>, vector<16xf32>,
        tpu.vector_store %arg11[%parallel_loop3A_345, %parallel_loop3A_346], %parallel_loop3A_344 {strides = array<i32>} : memref<32x512xf32, #tpu.memory_space<vmem>>, vector<16xf32>,
        %parallel_loop3A_348 = arith.constant 96 : i32
        %parallel_loop3A_349 = vector.broadcast %parallel_loop3A_348 : i32 to vector<16xi32>
        %parallel_loop3A_350 = arith.addi %parallel_loop3A_285, %parallel_loop3A_349 : vector<16xi32>
        %parallel_loop3A_351 = arith.constant 511 : i32
        %parallel_loop3A_352 = vector.broadcast %parallel_loop3A_351 : i32 to vector<16xi32>
        %parallel_loop3A_353 = arith.andi %parallel_loop3A_350, %parallel_loop3A_352 : vector<16xi32>
        %parallel_loop3A_354 = tpu.vector_load_idx %arg7[%parallel_loop3A_287, %parallel_loop3A_353] : memref<32x512xf32, #tpu.memory_space<vmem>>[vector<16xi32>, vector<16xi32>], vector<16xf32>,
        %parallel_loop3A_355 = arith.index_cast %parallel_loop3A_275 : i32 to index
        %parallel_loop3A_356 = arith.constant 96 : index
        %parallel_loop3A_357 = tpu.vector_load %arg11[%parallel_loop3A_355, %parallel_loop3A_356] {strides = array<i32>} : memref<32x512xf32, #tpu.memory_space<vmem>>, vector<16xf32>,
        tpu.vector_store %arg11[%parallel_loop3A_355, %parallel_loop3A_356], %parallel_loop3A_354 {strides = array<i32>} : memref<32x512xf32, #tpu.memory_space<vmem>>, vector<16xf32>,
        %parallel_loop3A_358 = arith.constant 112 : i32
        %parallel_loop3A_359 = vector.broadcast %parallel_loop3A_358 : i32 to vector<16xi32>
        %parallel_loop3A_360 = arith.addi %parallel_loop3A_285, %parallel_loop3A_359 : vector<16xi32>
        %parallel_loop3A_361 = arith.constant 511 : i32
        %parallel_loop3A_362 = vector.broadcast %parallel_loop3A_361 : i32 to vector<16xi32>
        %parallel_loop3A_363 = arith.andi %parallel_loop3A_360, %parallel_loop3A_362 : vector<16xi32>
        %parallel_loop3A_364 = tpu.vector_load_idx %arg7[%parallel_loop3A_287, %parallel_loop3A_363] : memref<32x512xf32, #tpu.memory_space<vmem>>[vector<16xi32>, vector<16xi32>], vector<16xf32>,
        %parallel_loop3A_365 = arith.index_cast %parallel_loop3A_275 : i32 to index
        %parallel_loop3A_366 = arith.constant 112 : index
        %parallel_loop3A_367 = tpu.vector_load %arg11[%parallel_loop3A_365, %parallel_loop3A_366] {strides = array<i32>} : memref<32x512xf32, #tpu.memory_space<vmem>>, vector<16xf32>,
        tpu.vector_store %arg11[%parallel_loop3A_365, %parallel_loop3A_366], %parallel_loop3A_364 {strides = array<i32>} : memref<32x512xf32, #tpu.memory_space<vmem>>, vector<16xf32>,
        %parallel_loop3A_368 = arith.constant 128 : i32
        %parallel_loop3A_369 = vector.broadcast %parallel_loop3A_368 : i32 to vector<16xi32>
        %parallel_loop3A_370 = arith.addi %parallel_loop3A_285, %parallel_loop3A_369 : vector<16xi32>
        %parallel_loop3A_371 = arith.constant 511 : i32
        %parallel_loop3A_372 = vector.broadcast %parallel_loop3A_371 : i32 to vector<16xi32>
        %parallel_loop3A_373 = arith.andi %parallel_loop3A_370, %parallel_loop3A_372 : vector<16xi32>
        %parallel_loop3A_374 = tpu.vector_load_idx %arg7[%parallel_loop3A_287, %parallel_loop3A_373] : memref<32x512xf32, #tpu.memory_space<vmem>>[vector<16xi32>, vector<16xi32>], vector<16xf32>,
        %parallel_loop3A_375 = arith.index_cast %parallel_loop3A_275 : i32 to index
        %parallel_loop3A_376 = arith.constant 128 : index
        %parallel_loop3A_377 = tpu.vector_load %arg11[%parallel_loop3A_375, %parallel_loop3A_376] {strides = array<i32>} : memref<32x512xf32, #tpu.memory_space<vmem>>, vector<16xf32>,
        tpu.vector_store %arg11[%parallel_loop3A_375, %parallel_loop3A_376], %parallel_loop3A_374 {strides = array<i32>} : memref<32x512xf32, #tpu.memory_space<vmem>>, vector<16xf32>,
        %parallel_loop3A_378 = arith.constant 144 : i32
        %parallel_loop3A_379 = vector.broadcast %parallel_loop3A_378 : i32 to vector<16xi32>
        %parallel_loop3A_380 = arith.addi %parallel_loop3A_285, %parallel_loop3A_379 : vector<16xi32>
        %parallel_loop3A_381 = arith.constant 511 : i32
        %parallel_loop3A_382 = vector.broadcast %parallel_loop3A_381 : i32 to vector<16xi32>
        %parallel_loop3A_383 = arith.andi %parallel_loop3A_380, %parallel_loop3A_382 : vector<16xi32>
        %parallel_loop3A_384 = tpu.vector_load_idx %arg7[%parallel_loop3A_287, %parallel_loop3A_383] : memref<32x512xf32, #tpu.memory_space<vmem>>[vector<16xi32>, vector<16xi32>], vector<16xf32>,
        %parallel_loop3A_385 = arith.index_cast %parallel_loop3A_275 : i32 to index
        %parallel_loop3A_386 = arith.constant 144 : index
        %parallel_loop3A_387 = tpu.vector_load %arg11[%parallel_loop3A_385, %parallel_loop3A_386] {strides = array<i32>} : memref<32x512xf32, #tpu.memory_space<vmem>>, vector<16xf32>,
        tpu.vector_store %arg11[%parallel_loop3A_385, %parallel_loop3A_386], %parallel_loop3A_384 {strides = array<i32>} : memref<32x512xf32, #tpu.memory_space<vmem>>, vector<16xf32>,
        %parallel_loop3A_388 = arith.constant 160 : i32
        %parallel_loop3A_389 = vector.broadcast %parallel_loop3A_388 : i32 to vector<16xi32>
        %parallel_loop3A_390 = arith.addi %parallel_loop3A_285, %parallel_loop3A_389 : vector<16xi32>
        %parallel_loop3A_391 = arith.constant 511 : i32
        %parallel_loop3A_392 = vector.broadcast %parallel_loop3A_391 : i32 to vector<16xi32>
        %parallel_loop3A_393 = arith.andi %parallel_loop3A_390, %parallel_loop3A_392 : vector<16xi32>
        %parallel_loop3A_394 = tpu.vector_load_idx %arg7[%parallel_loop3A_287, %parallel_loop3A_393] : memref<32x512xf32, #tpu.memory_space<vmem>>[vector<16xi32>, vector<16xi32>], vector<16xf32>,
        %parallel_loop3A_395 = arith.index_cast %parallel_loop3A_275 : i32 to index
        %parallel_loop3A_396 = arith.constant 160 : index
        %parallel_loop3A_397 = tpu.vector_load %arg11[%parallel_loop3A_395, %parallel_loop3A_396] {strides = array<i32>} : memref<32x512xf32, #tpu.memory_space<vmem>>, vector<16xf32>,
        tpu.vector_store %arg11[%parallel_loop3A_395, %parallel_loop3A_396], %parallel_loop3A_394 {strides = array<i32>} : memref<32x512xf32, #tpu.memory_space<vmem>>, vector<16xf32>,
        %parallel_loop3A_398 = arith.constant 176 : i32
        %parallel_loop3A_399 = vector.broadcast %parallel_loop3A_398 : i32 to vector<16xi32>
        %parallel_loop3A_400 = arith.addi %parallel_loop3A_285, %parallel_loop3A_399 : vector<16xi32>
        %parallel_loop3A_401 = arith.constant 511 : i32
        %parallel_loop3A_402 = vector.broadcast %parallel_loop3A_401 : i32 to vector<16xi32>
        %parallel_loop3A_403 = arith.andi %parallel_loop3A_400, %parallel_loop3A_402 : vector<16xi32>
        %parallel_loop3A_404 = tpu.vector_load_idx %arg7[%parallel_loop3A_287, %parallel_loop3A_403] : memref<32x512xf32, #tpu.memory_space<vmem>>[vector<16xi32>, vector<16xi32>], vector<16xf32>,
        %parallel_loop3A_405 = arith.index_cast %parallel_loop3A_275 : i32 to index
        %parallel_loop3A_406 = arith.constant 176 : index
        %parallel_loop3A_407 = tpu.vector_load %arg11[%parallel_loop3A_405, %parallel_loop3A_406] {strides = array<i32>} : memref<32x512xf32, #tpu.memory_space<vmem>>, vector<16xf32>,
        tpu.vector_store %arg11[%parallel_loop3A_405, %parallel_loop3A_406], %parallel_loop3A_404 {strides = array<i32>} : memref<32x512xf32, #tpu.memory_space<vmem>>, vector<16xf32>,
        %parallel_loop3A_408 = arith.constant 192 : i32
        %parallel_loop3A_409 = vector.broadcast %parallel_loop3A_408 : i32 to vector<16xi32>
        %parallel_loop3A_410 = arith.addi %parallel_loop3A_285, %parallel_loop3A_409 : vector<16xi32>
        %parallel_loop3A_411 = arith.constant 511 : i32
        %parallel_loop3A_412 = vector.broadcast %parallel_loop3A_411 : i32 to vector<16xi32>
        %parallel_loop3A_413 = arith.andi %parallel_loop3A_410, %parallel_loop3A_412 : vector<16xi32>
        %parallel_loop3A_414 = tpu.vector_load_idx %arg7[%parallel_loop3A_287, %parallel_loop3A_413] : memref<32x512xf32, #tpu.memory_space<vmem>>[vector<16xi32>, vector<16xi32>], vector<16xf32>,
        %parallel_loop3A_415 = arith.index_cast %parallel_loop3A_275 : i32 to index
        %parallel_loop3A_416 = arith.constant 192 : index
        %parallel_loop3A_417 = tpu.vector_load %arg11[%parallel_loop3A_415, %parallel_loop3A_416] {strides = array<i32>} : memref<32x512xf32, #tpu.memory_space<vmem>>, vector<16xf32>,
        tpu.vector_store %arg11[%parallel_loop3A_415, %parallel_loop3A_416], %parallel_loop3A_414 {strides = array<i32>} : memref<32x512xf32, #tpu.memory_space<vmem>>, vector<16xf32>,
        %parallel_loop3A_418 = arith.constant 208 : i32
        %parallel_loop3A_419 = vector.broadcast %parallel_loop3A_418 : i32 to vector<16xi32>
        %parallel_loop3A_420 = arith.addi %parallel_loop3A_285, %parallel_loop3A_419 : vector<16xi32>
        %parallel_loop3A_421 = arith.constant 511 : i32
        %parallel_loop3A_422 = vector.broadcast %parallel_loop3A_421 : i32 to vector<16xi32>
        %parallel_loop3A_423 = arith.andi %parallel_loop3A_420, %parallel_loop3A_422 : vector<16xi32>
        %parallel_loop3A_424 = tpu.vector_load_idx %arg7[%parallel_loop3A_287, %parallel_loop3A_423] : memref<32x512xf32, #tpu.memory_space<vmem>>[vector<16xi32>, vector<16xi32>], vector<16xf32>,
        %parallel_loop3A_425 = arith.index_cast %parallel_loop3A_275 : i32 to index
        %parallel_loop3A_426 = arith.constant 208 : index
        %parallel_loop3A_427 = tpu.vector_load %arg11[%parallel_loop3A_425, %parallel_loop3A_426] {strides = array<i32>} : memref<32x512xf32, #tpu.memory_space<vmem>>, vector<16xf32>,
        tpu.vector_store %arg11[%parallel_loop3A_425, %parallel_loop3A_426], %parallel_loop3A_424 {strides = array<i32>} : memref<32x512xf32, #tpu.memory_space<vmem>>, vector<16xf32>,
        %parallel_loop3A_428 = arith.constant 224 : i32
        %parallel_loop3A_429 = vector.broadcast %parallel_loop3A_428 : i32 to vector<16xi32>
        %parallel_loop3A_430 = arith.addi %parallel_loop3A_285, %parallel_loop3A_429 : vector<16xi32>
        %parallel_loop3A_431 = arith.constant 511 : i32
        %parallel_loop3A_432 = vector.broadcast %parallel_loop3A_431 : i32 to vector<16xi32>
        %parallel_loop3A_433 = arith.andi %parallel_loop3A_430, %parallel_loop3A_432 : vector<16xi32>
        %parallel_loop3A_434 = tpu.vector_load_idx %arg7[%parallel_loop3A_287, %parallel_loop3A_433] : memref<32x512xf32, #tpu.memory_space<vmem>>[vector<16xi32>, vector<16xi32>], vector<16xf32>,
        %parallel_loop3A_435 = arith.index_cast %parallel_loop3A_275 : i32 to index
        %parallel_loop3A_436 = arith.constant 224 : index
        %parallel_loop3A_437 = tpu.vector_load %arg11[%parallel_loop3A_435, %parallel_loop3A_436] {strides = array<i32>} : memref<32x512xf32, #tpu.memory_space<vmem>>, vector<16xf32>,
        tpu.vector_store %arg11[%parallel_loop3A_435, %parallel_loop3A_436], %parallel_loop3A_434 {strides = array<i32>} : memref<32x512xf32, #tpu.memory_space<vmem>>, vector<16xf32>,
        %parallel_loop3A_438 = arith.constant 240 : i32
        %parallel_loop3A_439 = vector.broadcast %parallel_loop3A_438 : i32 to vector<16xi32>
        %parallel_loop3A_440 = arith.addi %parallel_loop3A_285, %parallel_loop3A_439 : vector<16xi32>
        %parallel_loop3A_441 = arith.constant 511 : i32
        %parallel_loop3A_442 = vector.broadcast %parallel_loop3A_441 : i32 to vector<16xi32>
        %parallel_loop3A_443 = arith.andi %parallel_loop3A_440, %parallel_loop3A_442 : vector<16xi32>
        %parallel_loop3A_444 = tpu.vector_load_idx %arg7[%parallel_loop3A_287, %parallel_loop3A_443] : memref<32x512xf32, #tpu.memory_space<vmem>>[vector<16xi32>, vector<16xi32>], vector<16xf32>,
        %parallel_loop3A_445 = arith.index_cast %parallel_loop3A_275 : i32 to index
        %parallel_loop3A_446 = arith.constant 240 : index
        %parallel_loop3A_447 = tpu.vector_load %arg11[%parallel_loop3A_445, %parallel_loop3A_446] {strides = array<i32>} : memref<32x512xf32, #tpu.memory_space<vmem>>, vector<16xf32>,
        tpu.vector_store %arg11[%parallel_loop3A_445, %parallel_loop3A_446], %parallel_loop3A_444 {strides = array<i32>} : memref<32x512xf32, #tpu.memory_space<vmem>>, vector<16xf32>,
        %parallel_loop3A_448 = arith.constant 256 : i32
        %parallel_loop3A_449 = vector.broadcast %parallel_loop3A_448 : i32 to vector<16xi32>
        %parallel_loop3A_450 = arith.addi %parallel_loop3A_285, %parallel_loop3A_449 : vector<16xi32>
        %parallel_loop3A_451 = arith.constant 511 : i32
        %parallel_loop3A_452 = vector.broadcast %parallel_loop3A_451 : i32 to vector<16xi32>
        %parallel_loop3A_453 = arith.andi %parallel_loop3A_450, %parallel_loop3A_452 : vector<16xi32>
        %parallel_loop3A_454 = tpu.vector_load_idx %arg7[%parallel_loop3A_287, %parallel_loop3A_453] : memref<32x512xf32, #tpu.memory_space<vmem>>[vector<16xi32>, vector<16xi32>], vector<16xf32>,
        %parallel_loop3A_455 = arith.index_cast %parallel_loop3A_275 : i32 to index
        %parallel_loop3A_456 = arith.constant 256 : index
        %parallel_loop3A_457 = tpu.vector_load %arg11[%parallel_loop3A_455, %parallel_loop3A_456] {strides = array<i32>} : memref<32x512xf32, #tpu.memory_space<vmem>>, vector<16xf32>,
        tpu.vector_store %arg11[%parallel_loop3A_455, %parallel_loop3A_456], %parallel_loop3A_454 {strides = array<i32>} : memref<32x512xf32, #tpu.memory_space<vmem>>, vector<16xf32>,
        %parallel_loop3A_458 = arith.constant 272 : i32
        %parallel_loop3A_459 = vector.broadcast %parallel_loop3A_458 : i32 to vector<16xi32>
        %parallel_loop3A_460 = arith.addi %parallel_loop3A_285, %parallel_loop3A_459 : vector<16xi32>
        %parallel_loop3A_461 = arith.constant 511 : i32
        %parallel_loop3A_462 = vector.broadcast %parallel_loop3A_461 : i32 to vector<16xi32>
        %parallel_loop3A_463 = arith.andi %parallel_loop3A_460, %parallel_loop3A_462 : vector<16xi32>
        %parallel_loop3A_464 = tpu.vector_load_idx %arg7[%parallel_loop3A_287, %parallel_loop3A_463] : memref<32x512xf32, #tpu.memory_space<vmem>>[vector<16xi32>, vector<16xi32>], vector<16xf32>,
        %parallel_loop3A_465 = arith.index_cast %parallel_loop3A_275 : i32 to index
        %parallel_loop3A_466 = arith.constant 272 : index
        %parallel_loop3A_467 = tpu.vector_load %arg11[%parallel_loop3A_465, %parallel_loop3A_466] {strides = array<i32>} : memref<32x512xf32, #tpu.memory_space<vmem>>, vector<16xf32>,
        tpu.vector_store %arg11[%parallel_loop3A_465, %parallel_loop3A_466], %parallel_loop3A_464 {strides = array<i32>} : memref<32x512xf32, #tpu.memory_space<vmem>>, vector<16xf32>,
        %parallel_loop3A_468 = arith.constant 288 : i32
        %parallel_loop3A_469 = vector.broadcast %parallel_loop3A_468 : i32 to vector<16xi32>
        %parallel_loop3A_470 = arith.addi %parallel_loop3A_285, %parallel_loop3A_469 : vector<16xi32>
        %parallel_loop3A_471 = arith.constant 511 : i32
        %parallel_loop3A_472 = vector.broadcast %parallel_loop3A_471 : i32 to vector<16xi32>
        %parallel_loop3A_473 = arith.andi %parallel_loop3A_470, %parallel_loop3A_472 : vector<16xi32>
        %parallel_loop3A_474 = tpu.vector_load_idx %arg7[%parallel_loop3A_287, %parallel_loop3A_473] : memref<32x512xf32, #tpu.memory_space<vmem>>[vector<16xi32>, vector<16xi32>], vector<16xf32>,
        %parallel_loop3A_475 = arith.index_cast %parallel_loop3A_275 : i32 to index
        %parallel_loop3A_476 = arith.constant 288 : index
        %parallel_loop3A_477 = tpu.vector_load %arg11[%parallel_loop3A_475, %parallel_loop3A_476] {strides = array<i32>} : memref<32x512xf32, #tpu.memory_space<vmem>>, vector<16xf32>,
        tpu.vector_store %arg11[%parallel_loop3A_475, %parallel_loop3A_476], %parallel_loop3A_474 {strides = array<i32>} : memref<32x512xf32, #tpu.memory_space<vmem>>, vector<16xf32>,
        %parallel_loop3A_478 = arith.constant 304 : i32
        %parallel_loop3A_479 = vector.broadcast %parallel_loop3A_478 : i32 to vector<16xi32>
        %parallel_loop3A_480 = arith.addi %parallel_loop3A_285, %parallel_loop3A_479 : vector<16xi32>
        %parallel_loop3A_481 = arith.constant 511 : i32
        %parallel_loop3A_482 = vector.broadcast %parallel_loop3A_481 : i32 to vector<16xi32>
        %parallel_loop3A_483 = arith.andi %parallel_loop3A_480, %parallel_loop3A_482 : vector<16xi32>
        %parallel_loop3A_484 = tpu.vector_load_idx %arg7[%parallel_loop3A_287, %parallel_loop3A_483] : memref<32x512xf32, #tpu.memory_space<vmem>>[vector<16xi32>, vector<16xi32>], vector<16xf32>,
        %parallel_loop3A_485 = arith.index_cast %parallel_loop3A_275 : i32 to index
        %parallel_loop3A_486 = arith.constant 304 : index
        %parallel_loop3A_487 = tpu.vector_load %arg11[%parallel_loop3A_485, %parallel_loop3A_486] {strides = array<i32>} : memref<32x512xf32, #tpu.memory_space<vmem>>, vector<16xf32>,
        tpu.vector_store %arg11[%parallel_loop3A_485, %parallel_loop3A_486], %parallel_loop3A_484 {strides = array<i32>} : memref<32x512xf32, #tpu.memory_space<vmem>>, vector<16xf32>,
        %parallel_loop3A_488 = arith.constant 320 : i32
        %parallel_loop3A_489 = vector.broadcast %parallel_loop3A_488 : i32 to vector<16xi32>
        %parallel_loop3A_490 = arith.addi %parallel_loop3A_285, %parallel_loop3A_489 : vector<16xi32>
        %parallel_loop3A_491 = arith.constant 511 : i32
        %parallel_loop3A_492 = vector.broadcast %parallel_loop3A_491 : i32 to vector<16xi32>
        %parallel_loop3A_493 = arith.andi %parallel_loop3A_490, %parallel_loop3A_492 : vector<16xi32>
        %parallel_loop3A_494 = tpu.vector_load_idx %arg7[%parallel_loop3A_287, %parallel_loop3A_493] : memref<32x512xf32, #tpu.memory_space<vmem>>[vector<16xi32>, vector<16xi32>], vector<16xf32>,
        %parallel_loop3A_495 = arith.index_cast %parallel_loop3A_275 : i32 to index
        %parallel_loop3A_496 = arith.constant 320 : index
        %parallel_loop3A_497 = tpu.vector_load %arg11[%parallel_loop3A_495, %parallel_loop3A_496] {strides = array<i32>} : memref<32x512xf32, #tpu.memory_space<vmem>>, vector<16xf32>,
        tpu.vector_store %arg11[%parallel_loop3A_495, %parallel_loop3A_496], %parallel_loop3A_494 {strides = array<i32>} : memref<32x512xf32, #tpu.memory_space<vmem>>, vector<16xf32>,
        %parallel_loop3A_498 = arith.constant 336 : i32
        %parallel_loop3A_499 = vector.broadcast %parallel_loop3A_498 : i32 to vector<16xi32>
        %parallel_loop3A_500 = arith.addi %parallel_loop3A_285, %parallel_loop3A_499 : vector<16xi32>
        %parallel_loop3A_501 = arith.constant 511 : i32
        %parallel_loop3A_502 = vector.broadcast %parallel_loop3A_501 : i32 to vector<16xi32>
        %parallel_loop3A_503 = arith.andi %parallel_loop3A_500, %parallel_loop3A_502 : vector<16xi32>
        %parallel_loop3A_504 = tpu.vector_load_idx %arg7[%parallel_loop3A_287, %parallel_loop3A_503] : memref<32x512xf32, #tpu.memory_space<vmem>>[vector<16xi32>, vector<16xi32>], vector<16xf32>,
        %parallel_loop3A_505 = arith.index_cast %parallel_loop3A_275 : i32 to index
        %parallel_loop3A_506 = arith.constant 336 : index
        %parallel_loop3A_507 = tpu.vector_load %arg11[%parallel_loop3A_505, %parallel_loop3A_506] {strides = array<i32>} : memref<32x512xf32, #tpu.memory_space<vmem>>, vector<16xf32>,
        tpu.vector_store %arg11[%parallel_loop3A_505, %parallel_loop3A_506], %parallel_loop3A_504 {strides = array<i32>} : memref<32x512xf32, #tpu.memory_space<vmem>>, vector<16xf32>,
        %parallel_loop3A_508 = arith.constant 352 : i32
        %parallel_loop3A_509 = vector.broadcast %parallel_loop3A_508 : i32 to vector<16xi32>
        %parallel_loop3A_510 = arith.addi %parallel_loop3A_285, %parallel_loop3A_509 : vector<16xi32>
        %parallel_loop3A_511 = arith.constant 511 : i32
        %parallel_loop3A_512 = vector.broadcast %parallel_loop3A_511 : i32 to vector<16xi32>
        %parallel_loop3A_513 = arith.andi %parallel_loop3A_510, %parallel_loop3A_512 : vector<16xi32>
        %parallel_loop3A_514 = tpu.vector_load_idx %arg7[%parallel_loop3A_287, %parallel_loop3A_513] : memref<32x512xf32, #tpu.memory_space<vmem>>[vector<16xi32>, vector<16xi32>], vector<16xf32>,
        %parallel_loop3A_515 = arith.index_cast %parallel_loop3A_275 : i32 to index
        %parallel_loop3A_516 = arith.constant 352 : index
        %parallel_loop3A_517 = tpu.vector_load %arg11[%parallel_loop3A_515, %parallel_loop3A_516] {strides = array<i32>} : memref<32x512xf32, #tpu.memory_space<vmem>>, vector<16xf32>,
        tpu.vector_store %arg11[%parallel_loop3A_515, %parallel_loop3A_516], %parallel_loop3A_514 {strides = array<i32>} : memref<32x512xf32, #tpu.memory_space<vmem>>, vector<16xf32>,
        %parallel_loop3A_518 = arith.constant 368 : i32
        %parallel_loop3A_519 = vector.broadcast %parallel_loop3A_518 : i32 to vector<16xi32>
        %parallel_loop3A_520 = arith.addi %parallel_loop3A_285, %parallel_loop3A_519 : vector<16xi32>
        %parallel_loop3A_521 = arith.constant 511 : i32
        %parallel_loop3A_522 = vector.broadcast %parallel_loop3A_521 : i32 to vector<16xi32>
        %parallel_loop3A_523 = arith.andi %parallel_loop3A_520, %parallel_loop3A_522 : vector<16xi32>
        %parallel_loop3A_524 = tpu.vector_load_idx %arg7[%parallel_loop3A_287, %parallel_loop3A_523] : memref<32x512xf32, #tpu.memory_space<vmem>>[vector<16xi32>, vector<16xi32>], vector<16xf32>,
        %parallel_loop3A_525 = arith.index_cast %parallel_loop3A_275 : i32 to index
        %parallel_loop3A_526 = arith.constant 368 : index
        %parallel_loop3A_527 = tpu.vector_load %arg11[%parallel_loop3A_525, %parallel_loop3A_526] {strides = array<i32>} : memref<32x512xf32, #tpu.memory_space<vmem>>, vector<16xf32>,
        tpu.vector_store %arg11[%parallel_loop3A_525, %parallel_loop3A_526], %parallel_loop3A_524 {strides = array<i32>} : memref<32x512xf32, #tpu.memory_space<vmem>>, vector<16xf32>,
        %parallel_loop3A_528 = arith.constant 384 : i32
        %parallel_loop3A_529 = vector.broadcast %parallel_loop3A_528 : i32 to vector<16xi32>
        %parallel_loop3A_530 = arith.addi %parallel_loop3A_285, %parallel_loop3A_529 : vector<16xi32>
        %parallel_loop3A_531 = arith.constant 511 : i32
        %parallel_loop3A_532 = vector.broadcast %parallel_loop3A_531 : i32 to vector<16xi32>
        %parallel_loop3A_533 = arith.andi %parallel_loop3A_530, %parallel_loop3A_532 : vector<16xi32>
        %parallel_loop3A_534 = tpu.vector_load_idx %arg7[%parallel_loop3A_287, %parallel_loop3A_533] : memref<32x512xf32, #tpu.memory_space<vmem>>[vector<16xi32>, vector<16xi32>], vector<16xf32>,
        %parallel_loop3A_535 = arith.index_cast %parallel_loop3A_275 : i32 to index
        %parallel_loop3A_536 = arith.constant 384 : index
        %parallel_loop3A_537 = tpu.vector_load %arg11[%parallel_loop3A_535, %parallel_loop3A_536] {strides = array<i32>} : memref<32x512xf32, #tpu.memory_space<vmem>>, vector<16xf32>,
        tpu.vector_store %arg11[%parallel_loop3A_535, %parallel_loop3A_536], %parallel_loop3A_534 {strides = array<i32>} : memref<32x512xf32, #tpu.memory_space<vmem>>, vector<16xf32>,
        %parallel_loop3A_538 = arith.constant 400 : i32
        %parallel_loop3A_539 = vector.broadcast %parallel_loop3A_538 : i32 to vector<16xi32>
        %parallel_loop3A_540 = arith.addi %parallel_loop3A_285, %parallel_loop3A_539 : vector<16xi32>
        %parallel_loop3A_541 = arith.constant 511 : i32
        %parallel_loop3A_542 = vector.broadcast %parallel_loop3A_541 : i32 to vector<16xi32>
        %parallel_loop3A_543 = arith.andi %parallel_loop3A_540, %parallel_loop3A_542 : vector<16xi32>
        %parallel_loop3A_544 = tpu.vector_load_idx %arg7[%parallel_loop3A_287, %parallel_loop3A_543] : memref<32x512xf32, #tpu.memory_space<vmem>>[vector<16xi32>, vector<16xi32>], vector<16xf32>,
        %parallel_loop3A_545 = arith.index_cast %parallel_loop3A_275 : i32 to index
        %parallel_loop3A_546 = arith.constant 400 : index
        %parallel_loop3A_547 = tpu.vector_load %arg11[%parallel_loop3A_545, %parallel_loop3A_546] {strides = array<i32>} : memref<32x512xf32, #tpu.memory_space<vmem>>, vector<16xf32>,
        tpu.vector_store %arg11[%parallel_loop3A_545, %parallel_loop3A_546], %parallel_loop3A_544 {strides = array<i32>} : memref<32x512xf32, #tpu.memory_space<vmem>>, vector<16xf32>,
        %parallel_loop3A_548 = arith.constant 416 : i32
        %parallel_loop3A_549 = vector.broadcast %parallel_loop3A_548 : i32 to vector<16xi32>
        %parallel_loop3A_550 = arith.addi %parallel_loop3A_285, %parallel_loop3A_549 : vector<16xi32>
        %parallel_loop3A_551 = arith.constant 511 : i32
        %parallel_loop3A_552 = vector.broadcast %parallel_loop3A_551 : i32 to vector<16xi32>
        %parallel_loop3A_553 = arith.andi %parallel_loop3A_550, %parallel_loop3A_552 : vector<16xi32>
        %parallel_loop3A_554 = tpu.vector_load_idx %arg7[%parallel_loop3A_287, %parallel_loop3A_553] : memref<32x512xf32, #tpu.memory_space<vmem>>[vector<16xi32>, vector<16xi32>], vector<16xf32>,
        %parallel_loop3A_555 = arith.index_cast %parallel_loop3A_275 : i32 to index
        %parallel_loop3A_556 = arith.constant 416 : index
        %parallel_loop3A_557 = tpu.vector_load %arg11[%parallel_loop3A_555, %parallel_loop3A_556] {strides = array<i32>} : memref<32x512xf32, #tpu.memory_space<vmem>>, vector<16xf32>,
        tpu.vector_store %arg11[%parallel_loop3A_555, %parallel_loop3A_556], %parallel_loop3A_554 {strides = array<i32>} : memref<32x512xf32, #tpu.memory_space<vmem>>, vector<16xf32>,
        %parallel_loop3A_558 = arith.constant 432 : i32
        %parallel_loop3A_559 = vector.broadcast %parallel_loop3A_558 : i32 to vector<16xi32>
        %parallel_loop3A_560 = arith.addi %parallel_loop3A_285, %parallel_loop3A_559 : vector<16xi32>
        %parallel_loop3A_561 = arith.constant 511 : i32
        %parallel_loop3A_562 = vector.broadcast %parallel_loop3A_561 : i32 to vector<16xi32>
        %parallel_loop3A_563 = arith.andi %parallel_loop3A_560, %parallel_loop3A_562 : vector<16xi32>
        %parallel_loop3A_564 = tpu.vector_load_idx %arg7[%parallel_loop3A_287, %parallel_loop3A_563] : memref<32x512xf32, #tpu.memory_space<vmem>>[vector<16xi32>, vector<16xi32>], vector<16xf32>,
        %parallel_loop3A_565 = arith.index_cast %parallel_loop3A_275 : i32 to index
        %parallel_loop3A_566 = arith.constant 432 : index
        %parallel_loop3A_567 = tpu.vector_load %arg11[%parallel_loop3A_565, %parallel_loop3A_566] {strides = array<i32>} : memref<32x512xf32, #tpu.memory_space<vmem>>, vector<16xf32>,
        tpu.vector_store %arg11[%parallel_loop3A_565, %parallel_loop3A_566], %parallel_loop3A_564 {strides = array<i32>} : memref<32x512xf32, #tpu.memory_space<vmem>>, vector<16xf32>,
        %parallel_loop3A_568 = arith.constant 448 : i32
        %parallel_loop3A_569 = vector.broadcast %parallel_loop3A_568 : i32 to vector<16xi32>
        %parallel_loop3A_570 = arith.addi %parallel_loop3A_285, %parallel_loop3A_569 : vector<16xi32>
        %parallel_loop3A_571 = arith.constant 511 : i32
        %parallel_loop3A_572 = vector.broadcast %parallel_loop3A_571 : i32 to vector<16xi32>
        %parallel_loop3A_573 = arith.andi %parallel_loop3A_570, %parallel_loop3A_572 : vector<16xi32>
        %parallel_loop3A_574 = tpu.vector_load_idx %arg7[%parallel_loop3A_287, %parallel_loop3A_573] : memref<32x512xf32, #tpu.memory_space<vmem>>[vector<16xi32>, vector<16xi32>], vector<16xf32>,
        %parallel_loop3A_575 = arith.index_cast %parallel_loop3A_275 : i32 to index
        %parallel_loop3A_576 = arith.constant 448 : index
        %parallel_loop3A_577 = tpu.vector_load %arg11[%parallel_loop3A_575, %parallel_loop3A_576] {strides = array<i32>} : memref<32x512xf32, #tpu.memory_space<vmem>>, vector<16xf32>,
        tpu.vector_store %arg11[%parallel_loop3A_575, %parallel_loop3A_576], %parallel_loop3A_574 {strides = array<i32>} : memref<32x512xf32, #tpu.memory_space<vmem>>, vector<16xf32>,
        %parallel_loop3A_578 = arith.constant 464 : i32
        %parallel_loop3A_579 = vector.broadcast %parallel_loop3A_578 : i32 to vector<16xi32>
        %parallel_loop3A_580 = arith.addi %parallel_loop3A_285, %parallel_loop3A_579 : vector<16xi32>
        %parallel_loop3A_581 = arith.constant 511 : i32
        %parallel_loop3A_582 = vector.broadcast %parallel_loop3A_581 : i32 to vector<16xi32>
        %parallel_loop3A_583 = arith.andi %parallel_loop3A_580, %parallel_loop3A_582 : vector<16xi32>
        %parallel_loop3A_584 = tpu.vector_load_idx %arg7[%parallel_loop3A_287, %parallel_loop3A_583] : memref<32x512xf32, #tpu.memory_space<vmem>>[vector<16xi32>, vector<16xi32>], vector<16xf32>,
        %parallel_loop3A_585 = arith.index_cast %parallel_loop3A_275 : i32 to index
        %parallel_loop3A_586 = arith.constant 464 : index
        %parallel_loop3A_587 = tpu.vector_load %arg11[%parallel_loop3A_585, %parallel_loop3A_586] {strides = array<i32>} : memref<32x512xf32, #tpu.memory_space<vmem>>, vector<16xf32>,
        tpu.vector_store %arg11[%parallel_loop3A_585, %parallel_loop3A_586], %parallel_loop3A_584 {strides = array<i32>} : memref<32x512xf32, #tpu.memory_space<vmem>>, vector<16xf32>,
        %parallel_loop3A_588 = arith.constant 480 : i32
        %parallel_loop3A_589 = vector.broadcast %parallel_loop3A_588 : i32 to vector<16xi32>
        %parallel_loop3A_590 = arith.addi %parallel_loop3A_285, %parallel_loop3A_589 : vector<16xi32>
        %parallel_loop3A_591 = arith.constant 511 : i32
        %parallel_loop3A_592 = vector.broadcast %parallel_loop3A_591 : i32 to vector<16xi32>
        %parallel_loop3A_593 = arith.andi %parallel_loop3A_590, %parallel_loop3A_592 : vector<16xi32>
        %parallel_loop3A_594 = tpu.vector_load_idx %arg7[%parallel_loop3A_287, %parallel_loop3A_593] : memref<32x512xf32, #tpu.memory_space<vmem>>[vector<16xi32>, vector<16xi32>], vector<16xf32>,
        %parallel_loop3A_595 = arith.index_cast %parallel_loop3A_275 : i32 to index
        %parallel_loop3A_596 = arith.constant 480 : index
        %parallel_loop3A_597 = tpu.vector_load %arg11[%parallel_loop3A_595, %parallel_loop3A_596] {strides = array<i32>} : memref<32x512xf32, #tpu.memory_space<vmem>>, vector<16xf32>,
        tpu.vector_store %arg11[%parallel_loop3A_595, %parallel_loop3A_596], %parallel_loop3A_594 {strides = array<i32>} : memref<32x512xf32, #tpu.memory_space<vmem>>, vector<16xf32>,
        %parallel_loop3A_598 = arith.constant 496 : i32
        %parallel_loop3A_599 = vector.broadcast %parallel_loop3A_598 : i32 to vector<16xi32>
        %parallel_loop3A_600 = arith.addi %parallel_loop3A_285, %parallel_loop3A_599 : vector<16xi32>
        %parallel_loop3A_601 = arith.constant 511 : i32
        %parallel_loop3A_602 = vector.broadcast %parallel_loop3A_601 : i32 to vector<16xi32>
        %parallel_loop3A_603 = arith.andi %parallel_loop3A_600, %parallel_loop3A_602 : vector<16xi32>
        %parallel_loop3A_604 = tpu.vector_load_idx %arg7[%parallel_loop3A_287, %parallel_loop3A_603] : memref<32x512xf32, #tpu.memory_space<vmem>>[vector<16xi32>, vector<16xi32>], vector<16xf32>,
        %parallel_loop3A_605 = arith.index_cast %parallel_loop3A_275 : i32 to index
        %parallel_loop3A_606 = arith.constant 496 : index
        %parallel_loop3A_607 = tpu.vector_load %arg11[%parallel_loop3A_605, %parallel_loop3A_606] {strides = array<i32>} : memref<32x512xf32, #tpu.memory_space<vmem>>, vector<16xf32>,
        tpu.vector_store %arg11[%parallel_loop3A_605, %parallel_loop3A_606], %parallel_loop3A_604 {strides = array<i32>} : memref<32x512xf32, #tpu.memory_space<vmem>>, vector<16xf32>,
      } {sc.loop_unroll_factor = 4 : i64, sc.parallel_access}
      %mul3A_253 = arith.constant 32 : i32
      %mul3A_254 = arith.muli %add3A_236, %mul3A_253 : i32
      %add3A_255 = arith.addi %mul3A_32, %mul3A_254 : i32
      %dma_start3A_256 = arith.constant 0 : i32
      %dma_start3A_257 = tpu.memref_slice %arg4[%select_n3A, %add3A_255, %dma_start3A_256] : memref<16x2048x512xf32, #tpu.memory_space<hbm>> -> memref<1x32x512xf32, #tpu.memory_space<hbm>>
      %dma_start3A_258 = tpu.memref_squeeze %dma_start3A_257 : memref<1x32x512xf32, #tpu.memory_space<hbm>> -> memref<32x512xf32, #tpu.memory_space<hbm>>
      %dma_start3A_259 = arith.constant 0 : i32
      %dma_start3A_260 = tpu.memref_slice %arg4[%select_n3A, %add3A_255, %dma_start3A_259] : memref<16x2048x512xf32, #tpu.memory_space<hbm>> -> memref<1x32x512xf32, #tpu.memory_space<hbm>>
      %dma_start3A_261 = tpu.memref_squeeze %dma_start3A_260 : memref<1x32x512xf32, #tpu.memory_space<hbm>> -> memref<32x512xf32, #tpu.memory_space<hbm>>
      tpu.enqueue_dma source(%arg11 : memref<32x512xf32, #tpu.memory_space<vmem>>) target(%dma_start3A_261 : memref<32x512xf32, #tpu.memory_space<hbm>>) target_semaphore(%arg17 : memref<!tpu.dma_semaphore, #tpu.memory_space<semaphore_mem>>)
      %add3A_262 = arith.constant 2 : i32
      %add3A_263 = arith.addi %add3A_236, %add3A_262 : i32
      %min3A_264 = arith.constant 31 : i32
      %min3A_265 = arith.minsi %add3A_263, %min3A_264 : i32
      %mul3A_266 = arith.constant 32 : i32
      %mul3A_267 = arith.muli %min3A_265, %mul3A_266 : i32
      %add3A_268 = arith.addi %mul3A_32, %mul3A_267 : i32
      %dma_start3A_269 = arith.constant 0 : i32
      %dma_start3A_270 = tpu.memref_slice %arg2[%select_n3A, %add3A_268, %dma_start3A_269] : memref<16x2048x512xf32, #tpu.memory_space<hbm>> -> memref<1x32x512xf32, #tpu.memory_space<hbm>>
      %dma_start3A_271 = tpu.memref_squeeze %dma_start3A_270 : memref<1x32x512xf32, #tpu.memory_space<hbm>> -> memref<32x512xf32, #tpu.memory_space<hbm>>
      %dma_start3A_272 = arith.constant 0 : i32
      %dma_start3A_273 = tpu.memref_slice %arg2[%select_n3A, %add3A_268, %dma_start3A_272] : memref<16x2048x512xf32, #tpu.memory_space<hbm>> -> memref<1x32x512xf32, #tpu.memory_space<hbm>>
      %dma_start3A_274 = tpu.memref_squeeze %dma_start3A_273 : memref<1x32x512xf32, #tpu.memory_space<hbm>> -> memref<32x512xf32, #tpu.memory_space<hbm>>
      tpu.enqueue_dma source(%dma_start3A_274 : memref<32x512xf32, #tpu.memory_space<hbm>>) target(%arg7 : memref<32x512xf32, #tpu.memory_space<vmem>>) target_semaphore(%arg13 : memref<!tpu.dma_semaphore, #tpu.memory_space<semaphore_mem>>)
    }
    %scan3A_62 = arith.constant 8 : i32
    %add3A_63 = arith.constant 0 : i32
    %add3A_64 = arith.addi %mul3A_32, %add3A_63 : i32
    %dma_wait3A = arith.constant 0 : i32
    %dma_wait3A_65 = tpu.memref_slice %arg2[%select_n3A, %add3A_64, %dma_wait3A] : memref<16x2048x512xf32, #tpu.memory_space<hbm>> -> memref<1x32x512xf32, #tpu.memory_space<hbm>>
    %dma_wait3A_66 = tpu.memref_squeeze %dma_wait3A_65 : memref<1x32x512xf32, #tpu.memory_space<hbm>> -> memref<32x512xf32, #tpu.memory_space<hbm>>
    %dma_wait3A_67 = arith.constant 0 : i32
    %dma_wait3A_68 = tpu.memref_slice %arg2[%select_n3A, %add3A_64, %dma_wait3A_67] : memref<16x2048x512xf32, #tpu.memory_space<hbm>> -> memref<1x32x512xf32, #tpu.memory_space<hbm>>
    %dma_wait3A_69 = tpu.memref_squeeze %dma_wait3A_68 : memref<1x32x512xf32, #tpu.memory_space<hbm>> -> memref<32x512xf32, #tpu.memory_space<hbm>>
    tpu.wait_dma2 semaphore(%arg12 : memref<!tpu.dma_semaphore, #tpu.memory_space<semaphore_mem>>) src(%dma_wait3A_69 : memref<32x512xf32, #tpu.memory_space<hbm>>) dst(%arg6 : memref<32x512xf32, #tpu.memory_space<vmem>>)
    %add3A_70 = arith.constant 0 : i32
    %add3A_71 = arith.addi %mul3A_32, %add3A_70 : i32
    %dma_wait3A_72 = arith.constant 0 : i32
    %dma_wait3A_73 = tpu.memref_slice %arg2[%select_n3A, %add3A_71, %dma_wait3A_72] : memref<16x2048x512xf32, #tpu.memory_space<hbm>> -> memref<1x32x512xf32, #tpu.memory_space<hbm>>
    %dma_wait3A_74 = tpu.memref_squeeze %dma_wait3A_73 : memref<1x32x512xf32, #tpu.memory_space<hbm>> -> memref<32x512xf32, #tpu.memory_space<hbm>>
    %dma_wait3A_75 = arith.constant 0 : i32
    %dma_wait3A_76 = tpu.memref_slice %arg2[%select_n3A, %add3A_71, %dma_wait3A_75] : memref<16x2048x512xf32, #tpu.memory_space<hbm>> -> memref<1x32x512xf32, #tpu.memory_space<hbm>>
    %dma_wait3A_77 = tpu.memref_squeeze %dma_wait3A_76 : memref<1x32x512xf32, #tpu.memory_space<hbm>> -> memref<32x512xf32, #tpu.memory_space<hbm>>
    tpu.wait_dma2 semaphore(%arg13 : memref<!tpu.dma_semaphore, #tpu.memory_space<semaphore_mem>>) src(%dma_wait3A_77 : memref<32x512xf32, #tpu.memory_space<hbm>>) dst(%arg7 : memref<32x512xf32, #tpu.memory_space<vmem>>)
    %add3A_78 = arith.constant 0 : i32
    %add3A_79 = arith.addi %mul3A_32, %add3A_78 : i32
    %dma_wait3A_80 = arith.constant 0 : i32
    %dma_wait3A_81 = tpu.memref_slice %arg4[%select_n3A, %add3A_79, %dma_wait3A_80] : memref<16x2048x512xf32, #tpu.memory_space<hbm>> -> memref<1x32x512xf32, #tpu.memory_space<hbm>>
    %dma_wait3A_82 = tpu.memref_squeeze %dma_wait3A_81 : memref<1x32x512xf32, #tpu.memory_space<hbm>> -> memref<32x512xf32, #tpu.memory_space<hbm>>
    %dma_wait3A_83 = arith.constant 0 : i32
    %dma_wait3A_84 = tpu.memref_slice %arg4[%select_n3A, %add3A_79, %dma_wait3A_83] : memref<16x2048x512xf32, #tpu.memory_space<hbm>> -> memref<1x32x512xf32, #tpu.memory_space<hbm>>
    %dma_wait3A_85 = tpu.memref_squeeze %dma_wait3A_84 : memref<1x32x512xf32, #tpu.memory_space<hbm>> -> memref<32x512xf32, #tpu.memory_space<hbm>>
    tpu.wait_dma2 semaphore(%arg14 : memref<!tpu.dma_semaphore, #tpu.memory_space<semaphore_mem>>) src(%arg8 : memref<32x512xf32, #tpu.memory_space<vmem>>) dst(%dma_wait3A_85 : memref<32x512xf32, #tpu.memory_space<hbm>>)
    %add3A_86 = arith.constant 0 : i32
    %add3A_87 = arith.addi %mul3A_32, %add3A_86 : i32
    %dma_wait3A_88 = arith.constant 0 : i32
    %dma_wait3A_89 = tpu.memref_slice %arg4[%select_n3A, %add3A_87, %dma_wait3A_88] : memref<16x2048x512xf32, #tpu.memory_space<hbm>> -> memref<1x32x512xf32, #tpu.memory_space<hbm>>
    %dma_wait3A_90 = tpu.memref_squeeze %dma_wait3A_89 : memref<1x32x512xf32, #tpu.memory_space<hbm>> -> memref<32x512xf32, #tpu.memory_space<hbm>>
    %dma_wait3A_91 = arith.constant 0 : i32
    %dma_wait3A_92 = tpu.memref_slice %arg4[%select_n3A, %add3A_87, %dma_wait3A_91] : memref<16x2048x512xf32, #tpu.memory_space<hbm>> -> memref<1x32x512xf32, #tpu.memory_space<hbm>>
    %dma_wait3A_93 = tpu.memref_squeeze %dma_wait3A_92 : memref<1x32x512xf32, #tpu.memory_space<hbm>> -> memref<32x512xf32, #tpu.memory_space<hbm>>
    tpu.wait_dma2 semaphore(%arg15 : memref<!tpu.dma_semaphore, #tpu.memory_space<semaphore_mem>>) src(%arg9 : memref<32x512xf32, #tpu.memory_space<vmem>>) dst(%dma_wait3A_93 : memref<32x512xf32, #tpu.memory_space<hbm>>)
    %add3A_94 = arith.constant 0 : i32
    %add3A_95 = arith.addi %mul3A_32, %add3A_94 : i32
    %dma_wait3A_96 = arith.constant 0 : i32
    %dma_wait3A_97 = tpu.memref_slice %arg4[%select_n3A, %add3A_95, %dma_wait3A_96] : memref<16x2048x512xf32, #tpu.memory_space<hbm>> -> memref<1x32x512xf32, #tpu.memory_space<hbm>>
    %dma_wait3A_98 = tpu.memref_squeeze %dma_wait3A_97 : memref<1x32x512xf32, #tpu.memory_space<hbm>> -> memref<32x512xf32, #tpu.memory_space<hbm>>
    %dma_wait3A_99 = arith.constant 0 : i32
    %dma_wait3A_100 = tpu.memref_slice %arg4[%select_n3A, %add3A_95, %dma_wait3A_99] : memref<16x2048x512xf32, #tpu.memory_space<hbm>> -> memref<1x32x512xf32, #tpu.memory_space<hbm>>
    %dma_wait3A_101 = tpu.memref_squeeze %dma_wait3A_100 : memref<1x32x512xf32, #tpu.memory_space<hbm>> -> memref<32x512xf32, #tpu.memory_space<hbm>>
    tpu.wait_dma2 semaphore(%arg16 : memref<!tpu.dma_semaphore, #tpu.memory_space<semaphore_mem>>) src(%arg10 : memref<32x512xf32, #tpu.memory_space<vmem>>) dst(%dma_wait3A_101 : memref<32x512xf32, #tpu.memory_space<hbm>>)
    %add3A_102 = arith.constant 0 : i32
    %add3A_103 = arith.addi %mul3A_32, %add3A_102 : i32
    %dma_wait3A_104 = arith.constant 0 : i32
    %dma_wait3A_105 = tpu.memref_slice %arg4[%select_n3A, %add3A_103, %dma_wait3A_104] : memref<16x2048x512xf32, #tpu.memory_space<hbm>> -> memref<1x32x512xf32, #tpu.memory_space<hbm>>
    %dma_wait3A_106 = tpu.memref_squeeze %dma_wait3A_105 : memref<1x32x512xf32, #tpu.memory_space<hbm>> -> memref<32x512xf32, #tpu.memory_space<hbm>>
    %dma_wait3A_107 = arith.constant 0 : i32
    %dma_wait3A_108 = tpu.memref_slice %arg4[%select_n3A, %add3A_103, %dma_wait3A_107] : memref<16x2048x512xf32, #tpu.memory_space<hbm>> -> memref<1x32x512xf32, #tpu.memory_space<hbm>>
    %dma_wait3A_109 = tpu.memref_squeeze %dma_wait3A_108 : memref<1x32x512xf32, #tpu.memory_space<hbm>> -> memref<32x512xf32, #tpu.memory_space<hbm>>
    tpu.wait_dma2 semaphore(%arg17 : memref<!tpu.dma_semaphore, #tpu.memory_space<semaphore_mem>>) src(%arg11 : memref<32x512xf32, #tpu.memory_space<vmem>>) dst(%dma_wait3A_109 : memref<32x512xf32, #tpu.memory_space<hbm>>)
    return
  }
}

</mosaic_0001>

<sc_bundles>
// kernel: kernel.3.cloned.1.call-start
scs
__scs_entry_jumppad:
0x0: {  	(pc) =	sbr.rel $0x88, $3  }
0x1: {  	(tag) =	ssettag $0x0;
	lr =	simm.s32 $0x1  }
0x2: {  	[smem:$0x3F9F] =	sst lr;
	_ =	strace $0xD0000000  }
0x3: {  	_ = 	snop  }
0x4: {  	_ = 	snop  }
0x5: {  	_ = 	snop  }
0x6: {  	_ = 	snop  }
0x7: {  	_ = 	snop  }
__scs_overlays_trampoline_lowered:
0x8: {  	[smem:$0x3FAE] =	sst s0  }
0x9: {  	[smem:$0x3FAF] =	sst s1  }
0xa: {  	[smem:$0x3FB0] =	sst s2  }
0xb: {  	[smem:$0x3FB1] =	sst s3  }
0xc: {  	[smem:$0x3FB2] =	sst s4  }
0xd: {  	[smem:$0x3FB3] =	sst s5  }
0xe: {  	[smem:$0x3FB4] =	sst s6  }
0xf: {  	[smem:$0x3FB5] =	sst s7  }
0x10: {  	[smem:$0x3FB6] =	sst s8  }
0x11: {  	[smem:$0x3FB7] =	sst s9;
	s0 =	simm.s32 @!p0 $0x0  }
0x12: {  	s1 =	sld [smem:$0x3F9D];
	s0 =	simm.s32 @p0 $0x1  }
0x13: {  	[smem:$0x3FB8] =	sst s0;
	s0 =	simm.s32 @!p1 $0x0  }
0x14: {  	s2 =	sld [smem:$0x3F9C];
	s0 =	simm.s32 @p1 $0x1  }
0x15: {  	[smem:$0x3FB9] =	sst s0;
	s0 =	simm.s32 @!p2 $0x0  }
0x16: {  	s3 =	sld [smem:$0x3FDB];
	s0 =	simm.s32 @p2 $0x1  }
0x17: {  	s4 =	simm.s32 $0x1BF5;
	[smem:$0x3FBB] =	sst s0  }
0x18: {  	s0 =	sld [smem:$0x3F9E];
	_ =	swait.ge [sflag:s4], $0x0  }
0x19: {  	s7 =	sld [smem:$0x3F9F]  }
0x1a: {  	s8 =	sadd.s32 $0xFFFFE003, lr  }
0x1b: {  	s9 =	sadd.s32 $0xFFFFFEF7, lr;
	s5 =	simm.s32 $0xFFFFFFFF;
	p2 =	slt.u32 s8, $0xFFFFF086  }
0x1c: {  	p1 =	slt.u32 s9, $0xF7A;
	s5 =	simm.s32 @!p2 $0x0  }
0x1d: {  	s5 =	simm.s32 @p1 $0x1;
	p0 =	seq.s32 s7, s2  }
0x1e: {  	s7 =	smul.u32 @!p0 $0xF7A, s2;
	p2 =	seq.s32 @!p0 s5, $0x0  }
0x1f: {  	s9 =	smul.u32 $0xF7A, s1;
	s8 =	simm.s32 @!p0 $0x1BF5;
	p2 =	por !p2, p0  }
0x20: {  	[sflag:s8] =	ssyncset.s32 @!p0 $0xFFFFF086;
	s6 =	sadd.s32 @!p0 s3, s7;
	s7 =	simm.s32 @!p0 $0x108  }
0x21: {  	s3 =	sadd.s32 s3, s9;
	s6 =	sadd.s32 @!p0 $0x88, s6;
	s7 =	simm.s32 @p2 $0x1082  }
0x22: {  	[simem:s7], [sflag:s8] =	dma.local @!p0 [hbm:s6], $0xF7A  }
0x23: {  	s9 =	sor.u32 $0xD0000000, s2;
	s6 =	simm.s32 $0x108;
	_ =	swait.ge @!p0 [sflag:s8], $0x0  }
0x24: {  	s3 =	sadd.s32 $0x88, s3;
	s6 =	simm.s32 @!p1 $0x1082;
	[sflag:s4] =	ssyncset.s32 $0xFFFFF086  }
0x25: {  	[simem:s6], [sflag:s4] =	dma.local [hbm:s3], $0xF7A  }
0x26: {  	[smem:$0x3F9F] =	sst s1;
	(tag) =	ssettag s2;
	_ =	strace s9  }
0x27: {  	s1 =	sld [smem:$0x3FAF]  }
0x28: {  	s2 =	sld [smem:$0x3FB0]  }
0x29: {  	s4 =	sld [smem:$0x3FB2]  }
0x2a: {  	p0 =	seq.s32 s5, $0x0;
	s5 =	sld [smem:$0x3FB3]  }
0x2b: {  	s6 =	sld [smem:$0x3FB4]  }
0x2c: {  	s7 =	sld [smem:$0x3FB5]  }
0x2d: {  	s3 =	simm.s32 $0x108;
	s8 =	sld [smem:$0x3FB6]  }
0x2e: {  	s3 =	simm.s32 @!p0 $0x1082;
	s9 =	sld [smem:$0x3FB7]  }
0x2f: {  	lr =	sadd.s32 s0, s3;
	s0 =	sld [smem:$0x3FAE]  }
0x30: {  	s3 =	sld [smem:$0x3FB1]  }
0x31: {  	[smem:$0x3FBA] =	sst s10  }
0x32: {  	s10 =	sld [smem:$0x3FB8];
	_ =	sdelay $0x3  }
0x33: {  	p0 =	seq.s32 s10, $0x1;
	s10 =	sld [smem:$0x3FBA];
	_ =	sdelay $0x3  }
0x34: {  	[smem:$0x3FBA] =	sst s10  }
0x35: {  	s10 =	sld [smem:$0x3FB9];
	_ =	sdelay $0x3  }
0x36: {  	p1 =	seq.s32 s10, $0x1;
	s10 =	sld [smem:$0x3FBA];
	_ =	sdelay $0x3  }
0x37: {  	[smem:$0x3FBA] =	sst s10  }
0x38: {  	s10 =	sld [smem:$0x3FBB]  }
0x39: {  	_ = 	snop;
	(pc) =	sbr.ind lr, $3  }
0x3a: {  	_ = 	snop  }
0x3b: {  	_ = 	snop  }
0x3c: {  	p2 =	seq.s32 s10, $0x1;
	s10 =	sld [smem:$0x3FBA]  }
0x3d: {  	_ =	shalt  }
0x3e: {  	_ =	shalt  }
0x3f: {  	_ =	shalt  }
0x40: {  	_ =	shalt  }
0x41: {  	_ =	shalt  }
0x42: {  	_ =	shalt  }
0x43: {  	_ =	shalt  }
0x44: {  	_ =	shalt  }
0x45: {  	_ =	shalt  }
0x46: {  	_ =	shalt  }
0x47: {  	_ =	shalt  }
0x48: {  	_ =	shalt  }
0x49: {  	_ =	shalt  }
0x4a: {  	_ =	shalt  }
0x4b: {  	_ =	shalt  }
0x4c: {  	_ =	shalt  }
0x4d: {  	_ =	shalt  }
0x4e: {  	_ =	shalt  }
0x4f: {  	_ =	shalt  }
0x50: {  	_ =	shalt  }
0x51: {  	_ =	shalt  }
0x52: {  	_ =	shalt  }
0x53: {  	_ =	shalt  }
0x54: {  	_ =	shalt  }
0x55: {  	_ =	shalt  }
0x56: {  	_ =	shalt  }
0x57: {  	_ =	shalt  }
0x58: {  	_ =	shalt  }
0x59: {  	_ =	shalt  }
0x5a: {  	_ =	shalt  }
0x5b: {  	_ =	shalt  }
0x5c: {  	_ =	shalt  }
0x5d: {  	_ =	shalt  }
0x5e: {  	_ =	shalt  }
0x5f: {  	_ =	shalt  }
0x60: {  	_ =	shalt  }
0x61: {  	_ =	shalt  }
0x62: {  	_ =	shalt  }
0x63: {  	_ =	shalt  }
0x64: {  	_ =	shalt  }
0x65: {  	_ =	shalt  }
0x66: {  	_ =	shalt  }
0x67: {  	_ =	shalt  }
0x68: {  	_ =	shalt  }
0x69: {  	_ =	shalt  }
0x6a: {  	_ =	shalt  }
0x6b: {  	_ =	shalt  }
0x6c: {  	_ =	shalt  }
0x6d: {  	_ =	shalt  }
0x6e: {  	_ =	shalt  }
0x6f: {  	_ =	shalt  }
0x70: {  	_ =	shalt  }
0x71: {  	_ =	shalt  }
0x72: {  	_ =	shalt  }
0x73: {  	_ =	shalt  }
0x74: {  	_ =	shalt  }
0x75: {  	_ =	shalt  }
0x76: {  	_ =	shalt  }
0x77: {  	_ =	shalt  }
0x78: {  	_ =	shalt  }
0x79: {  	_ =	shalt  }
0x7a: {  	_ =	shalt  }
0x7b: {  	_ =	shalt  }
0x7c: {  	_ =	shalt  }
0x7d: {  	_ =	shalt  }
0x7e: {  	_ =	shalt  }
0x7f: {  	_ =	shalt  }
0x80: {  	_ =	shalt  }
0x81: {  	_ =	shalt  }
0x82: {  	_ =	shalt  }
0x83: {  	_ =	shalt  }
0x84: {  	_ =	shalt  }
0x85: {  	_ =	shalt  }
0x86: {  	_ =	shalt  }
0x87: {  	_ =	shalt  }
.Lfunc_end0:
.L_simem_size_0:
called_computation_lowered:
.L_overlay_start_0:
0x88: {  	s2 =	sld [smem:$0x3FD9]  }
0x89: {  	s3 =	sld [smem:$0x3FFE];
	_ =	sdelay $0x1  }
0x8a: {  	s1 =	srdreg.scid  }
0x8b: {  	s0 =	sand.u32 $0x1, s1  }
0x8c: {  	s18 =	sshll.u32 s0, $0xA;
	s2 =	sadd.s32 s3, s2  }
0x8d: {  	s2 =	sadd.s32 s2, s18  }
0x8e: {  	[smem:$0x3FC6] =	sst s2  }
0x8f: {  	_ = 	snop  }
0x90: {  	s2 =	sld [smem:$0x3FC9]  }
0x91: {  	s19 =	sld [smem:$0x3FC8]  }
0x92: {  	s4 =	sld [smem:$0x3FD0];
	(tm) =	ssettm $0x1  }
0x93: {  	s5 =	sld [smem:$0x3FFB];
	_ =	sdelay $0x3  }
0x94: {  	_ =	strace s5  }
0x95: {  	s5 =	sld [smem:$0x3FFC];
	_ =	sdelay $0x3  }
0x96: {  	_ =	strace s5  }
0x97: {  	s5 =	sld [smem:$0x3FFD];
	_ =	sdelay $0x3  }
0x98: {  	_ =	strace s5  }
0x99: {  	_ =	strace $0x8FFFFFFF  }
0x9a: {  	s20 =	sld [smem:$0x3FDB];
	_ =	sdelay $0x1  }
0x9b: {  	s6 =	simm.s32 $_scs_section_size  }
0x9c: {  	s7 =	simm.s32 $_size__tile_overlayer_lowered;
	s8 =	simm.s32 $_tile_overlayer_lowered  }
0x9d: {  	s23 =	simm.s32 $0x1BFF;
	s22 =	sshll.u32 s8, $0x1;
	s5 =	sadd.s32 s6, s20  }
0x9e: {  	s9 =	simm.s32 $0x0;
	s21 =	sshll.u32 s7, $0x1;
	s7 =	sadd.s32 s22, s5  }
0x9f: {  	[timem:s9], [sflag:s23] =	dma.local [hbm:s7], s21  }
0xa0: {  	_ =	swait.ge [sflag:s23], s21  }
0xa1: {  	s6 =	ssub.s32 $0x0, s21;
	[sflag:s23] =	ssyncset.done $0x0  }
0xa2: {  	[sflag:s23] =	ssyncadd.s32 s6;
	_ =	sdelay $0x1  }
0xa3: {  	s24 =	simm.s32 $0x1B8B  }
0xa4: {  	_ =	swait.ge [sflag:s24], $0x1  }
0xa5: {  	[sflag:s24] =	ssyncset.done $0x0  }
0xa6: {  	s25 =	simm.s32 $0x1B8E;
	[sflag:s24] =	ssyncadd.s32 $0xFFFFFFFF  }
0xa7: {  	s26 =	simm.s32 $execute0_lowered;
	[smem:$0x3FD2] =	sst s25  }
0xa8: {  	s6 =	sshll.u32 s26, $0x1;
	_ =	strace $0x80000046;
	[dreg:$0x1] =	wrdreg $0xFFFFFFFF  }
0xa9: {  	s28 =	simm.s32 $_size_execute0_lowered;
	s5 =	sadd.s32 s5, s6;
	[dreg:$0x0] =	wrdreg $0x0  }
0xaa: {  	s6 =	sshll.u32 s28, $0x1;
	[dreg:$0x2] =	wrdreg s5  }
0xab: {  	[dreg:$0x3] =	wrdreg s6  }
0xac: {  	[dreg:$0x4] =	wrdreg $0xC0  }
0xad: {  	_ =	task [dreg:s9], $0x5FFFF  }
0xae: {  	[dreg:$0x1] =	wrdreg $0xFFFFFFFF  }
0xaf: {  	[dreg:$0x0] =	wrdreg $0x60  }
0xb0: {  	[dreg:$0x2] =	wrdreg s2  }
0xb1: {  	[dreg:$0x3] =	wrdreg s19  }
0xb2: {  	[dreg:$0x4] =	wrdreg s4  }
0xb3: {  	[dreg:$0x5] =	wrdreg $0x9  }
0xb4: {  	_ =	task.clear_ibuf [dreg:s9], $0x6FFFF;
	_ =	strace $0x90000046  }
0xb5: {  	s29 =	simm.s32 $0x9;
	_ =	strace $0x80000048  }
0xb6: {  	_ =	swait.ge [sflag:s29], $0x1  }
0xb7: {  	[sflag:s29] =	ssyncadd.s32 $0xFFFFFFFF  }
0xb8: {  	_ =	strace $0x90000048  }
0xb9: {  	_ =	sfence  }
0xba: {  	s30 =	sld [smem:$0x0];
	_ =	sdelay $0x2  }
0xbb: {  	s31 =	sshll.u32 s1, $0xD;
	s1 =	sshrl.u32 s1, $0x2  }
0xbc: {  	s3 =	sand.u32 $0x4000, s31;
	s1 =	sadd.s32 s1, s30  }
0xbd: {  	s0 =	sor.u32 s3, s0;
	s1 =	sshll.u32 s1, $0x11  }
0xbe: {  	s0 =	sor.u32 s1, s0  }
0xbf: {  	s0 =	sadd.s32 $0x8F2B, s0  }
0xc0: {  	[sflag:s0] =	ssyncadd.remote.s32 $0x1  }
0xc1: {  	_ =	sfence.sel $0xFFFF  }
0xc2: {  	[dreg:$0x0] =	wrdreg $0xFFFFFFFF;
	(pc) =	sbr.abs _section_cstart, $3  }
0xc3: {  	[dreg:$0x1] =	wrdreg $0xFFFFFFFF  }
0xc4: {  	_ =	task.clear_ibuf [dreg:s9], $0x2FFFF;
	_ =	strace $0x9FFFFFFF  }
0xc5: {  	(tm) =	ssettm $0x7FFFFFFF  }
tec
execute0_lowered:
.L_overlay_start_1:
0x0: {  	(tag) =	ssettag $0x1  }
0x1: {  	s0 =	srdreg.scid  }
0x2: {  	s6 =	stileid.u32;
	s0 =	sand.u32 $0x1, s0  }
0x3: {  	s1 =	rddreg [dreg:$0x0];
	s4 =	sor.u32 s0, s6  }
0x4: {  	s2 =	rddreg [dreg:$0x1];
	v58 =	vlaneseq.u32;
	p0 =	seq.s32 s4, $0x0;
	s4 =	simm.s32 $0x0  }
0x5: {  	v0 =	vor.u32 $0x100, v58;
	[smem:$0x7FF] =	sst s4  }
0x6: {  	s3 =	rddreg [dreg:$0x2];
	v20 =	vor.u32 $0x90, v58;
	_ =	strace $0x80000047;
	[tilespmem:$0x1FEB0] =	vst v0  }
0x7: {  	v21 =	vor.u32 $0xA0, v58;
	[tilespmem:$0x1FEC0] =	vst v20  }
0x8: {  	v22 =	vor.u32 $0xB0, v58;
	[tilespmem:$0x1FED0] =	vst v21  }
0x9: {  	v19 =	vor.u32 $0xC0, v58;
	[tilespmem:$0x1FEE0] =	vst v22  }
0xa: {  	v18 =	vor.u32 $0xD0, v58;
	[tilespmem:$0x1FEF0] =	vst v19  }
0xb: {  	v24 =	vor.u32 $0xE0, v58;
	[tilespmem:$0x1FF00] =	vst v18  }
0xc: {  	v59 =	vor.u32 $0xF0, v58;
	[tilespmem:$0x1FF10] =	vst v24  }
0xd: {  	s5 =	simm.s32 $0x1;
	v17 =	vor.u32 $0x110, v58;
	[tilespmem:$0x1FF20] =	vst v59  }
0xe: {  	s14 =	simm.s32 $0x400;
	s16 =	simm.s32 $0x4400;
	v25 =	vor.u32 $0x120, v58;
	p1 =	seq.s32 s0, $0x1;
	[tilespmem:$0x1FF30] =	vst v17  }
0xf: {  	s17 =	simm.s32 $0x8400;
	s18 =	simm.s32 $0x2;
	v16 =	vor.u32 $0x130, v58;
	p0 =	por !p0, !p1;
	[tilespmem:$0x1FF40] =	vst v25  }
0x10: {  	s19 =	simm.s32 $0xC400;
	s20 =	simm.s32 $0x10400;
	v15 =	vor.u32 $0x140, v58;
	p0 =	por !p0, !p0;
	[tilespmem:$0x1FF50] =	vst v16  }
0x11: {  	s21 =	simm.s32 $0x14400;
	v51 =	vor.u32 $0x150, v58;
	s24 =	ssub.s32 $0x2, s0;
	[tilespmem:$0x1FF60] =	vst v15;
	s5 =	simm.s32 @!p0 $0x0  }
0x12: {  	v14 =	vor.u32 $0x160, v58;
	s7 =	sshll.u32 s0, $0x13;
	s26 =	sshrl.u32 s24, $0x1;
	[tilespmem:$0x1FF70] =	vst v51;
	s5 =	ssub.s32 s6, s5  }
0x13: {  	v49 =	vor.u32 $0x170, v58;
	s0 =	sshll.u32 s0, $0xD;
	s28 =	ssub.s32 s24, s26;
	[tilespmem:$0x1FF80] =	vst v14;
	s8 =	sshll.u32 s5, $0xB  }
0x14: {  	v39 =	vor.u32 $0x180, v58;
	[tilespmem:$0x1FF90] =	vst v49;
	s9 =	sshll.u32 s5, $0x7;
	s5 =	sshll.u32 s5, $0x14;
	s8 =	sand.u32 $0xFFFFC000, s8  }
0x15: {  	v13 =	vor.u32 $0x1A0, v58;
	[tilespmem:$0x1FFA0] =	vst v39;
	s25 =	sand.u32 $0x380, s9;
	s5 =	sor.u32 s7, s5;
	s0 =	sor.u32 s0, s8  }
0x16: {  	v40 =	vor.u32 $0x10, v58;
	v38 =	vor.u32 $0x190, v58;
	s31 =	smax.u32 s28, $0x1;
	[tilespmem:$0x1FFB0] =	vst v13;
	s29 =	sshrl.u32 s5, $0x3;
	s0 =	sor.u32 s25, s0  }
0x17: {  	v23 =	vor.u32 $0x20, v58;
	v26 =	vor.u32 $0x30, v58;
	v54 =	vor.u32 $0x1E0, v58;
	[tilespmem:$0x1FFC0] =	vst v38;
	[dreg:$0x7] =	wrdreg s31;
	s30 =	sadd.s32 s1, s29;
	s0 =	sshrl.u32 s0, $0x3  }
0x18: {  	v27 =	vor.u32 $0x40, v58;
	v28 =	vor.u32 $0x50, v58;
	v34 =	vor.u32 $0x1F0, v58;
	s26 =	simm.s32 $0x0;
	[tilespmem:$0x1FFD0] =	vst v54;
	[dreg:$0x5] =	wrdreg s30;
	s0 =	sadd.s32 s2, s0  }
0x19: {  	v29 =	vor.u32 $0x60, v58;
	v30 =	vor.u32 $0x70, v58;
	v52 =	vor.u32 $0x1D0, v58;
	[tilespmem:$0x1FFE0] =	vst v34;
	s6 =	simm.s32 $0x1;
	[dreg:$0x4] =	wrdreg s0;
	s0 =	sadd.s32 $0x800, s30  }
0x1a: {  	v31 =	vor.u32 $0x80, v58;
	v48 =	vor.u32 $0x1B0, v58;
	v56 =	vor.u32 $0x1C0, v58;
	[tilespmem:$0x1FFF0] =	vst v52;
	s10 =	sor.u32 $0x10000, s5;
	s11 =	sor.u32 $0x14000, s5;
	[dreg:$0x6] =	wrdreg s0  }
.LBB2_1:
0x1b: {  	s0 =	rddreg [dreg:$0x4];
	s2 =	simm.s32 $0x80;
	s25 =	simm.s32 $0x7  }
0x1c: {  	[tilespmem:s4], [sflag:$0x7] =	stream.strided.gather [hbm4b:s0+s2], $0x400, s14, s2, $0x38;
	[tilespmem:$0x18400] =	vst v63  }
0x1d: {  	_ =	swait.ge [sflag:s25], $0x400  }
0x1e: {  	[sflag:s25] =	ssyncset.done $0x0  }
0x1f: {  	s30 =	rddreg [dreg:$0x5];
	[sflag:s25] =	ssyncadd.s32 $0xFFFFFC00  }
0x20: {  	[tilespmem:s14], [sflag:$0x1] =	stream.linear.gather [hbm4b:s30+s4], $0x4000, $0x38;
	[tilespmem:$0x18400] =	vst v63  }
0x21: {  	s28 =	simm.s32 $0x0;
	s29 =	simm.s32 $0x0;
	s31 =	rddreg [dreg:$0x6]  }
0x22: {  	[tilespmem:s16], [sflag:$0x2] =	stream.linear.gather [hbm4b:s31+s4], $0x4000, $0x38;
	[tilespmem:$0x18400] =	vst v63  }
.LBB2_2:
0x23: {  	_ =	swait.ge [sflag:s6], $0x4000  }
0x24: {  	p0 =	seq.s32 s29, $0x0;
	[sflag:s6] =	ssyncset.done $0x0  }
0x25: {  	s30 =	sshll.u32 s29, $0x2;
	s0 =	simm.s32 @!p0 $0x3;
	[sflag:s6] =	ssyncadd.s32 $0xFFFFC000  }
0x26: {  	s2 =	simm.s32 $0x0;
	p1 =	por $0x0, $0x0;
	_ =	swait.ge @!p0 [sflag:s0], $0x4000  }
0x27: {  	s7 =	simm.s32 $0x0;
	s9 =	simm.s32 $0x0;
	[sflag:s0] =	ssyncset.done @!p0 $0x0  }
0x28: {  	s8 =	simm.s32 $0x0;
	v42 =	vmov v48;
	v55 =	vmov v56;
	v53 =	vld [tilespmem:$0x1FEB0];
	[sflag:s0] =	ssyncadd.s32 @!p0 $0xFFFFC000;
	s0 =	simm.s32 $0x180  }
.LBB2_3:
0x29: {  	s12 =	sadd.s32 s8, s28  }
0x2a: {  	v0 =	vmov s12  }
0x2b: {  	v0 =	vand.u32 $0xFFFFFFFC, v0  }
0x2c: {  	v0 =	vbroadcast v0, $0x0;
	_ =	sdelay $0x5  }
0x2d: {  	v6 =	vld.idx.msk [tilespmem:v0+s4+$0x0], $0xffff;
	_ =	sdelay $0x1  }
0x2e: {  	v54 =	vmov s8  }
0x2f: {  	v2 =	vshll.u32 v54, $0x9;
	v0 =	vshll.u32 v54, $0x7  }
0x30: {  	v2 =	vand.u32 $0x3000, v2;
	v4 =	vand.u32 $0x200, v0  }
0x31: {  	v1 =	vsub.s32 v58, v6;
	v5 =	vsub.s32 v40, v6;
	v62 =	vsub.s32 v23, v6  }
0x32: {  	v7 =	vsub.s32 v26, v6;
	v32 =	vsub.s32 v27, v6;
	v35 =	vsub.s32 v28, v6  }
0x33: {  	v41 =	vsub.s32 v29, v6;
	v45 =	vsub.s32 v30, v6;
	v3 =	vand.u32 $0x7F, v1  }
0x34: {  	v1 =	vshll.u32 v1, $0x3;
	v57 =	vshll.u32 v5, $0x3;
	v60 =	vand.u32 $0x7F, v5  }
0x35: {  	v63 =	vshll.u32 v62, $0x3;
	v8 =	vshll.u32 v7, $0x3;
	v7 =	vand.u32 $0x7F, v7  }
0x36: {  	v33 =	vshll.u32 v32, $0x3;
	v36 =	vshll.u32 v35, $0x3;
	v37 =	vand.u32 $0x7F, v35  }
0x37: {  	v44 =	vshll.u32 v41, $0x3;
	v47 =	vshll.u32 v45, $0x3;
	v50 =	vand.u32 $0x7F, v45  }
0x38: {  	v35 =	vsub.s32 v22, v6;
	v45 =	vsub.s32 v18, v6;
	v1 =	vand.u32 $0xC00, v1  }
0x39: {  	v8 =	vand.u32 $0xC00, v8;
	v38 =	vand.u32 $0xC00, v36;
	v36 =	vand.u32 $0x7F, v35  }
0x3a: {  	v56 =	vor.u32 v1, v3;
	v1 =	vand.u32 $0xC00, v57;
	v3 =	vand.u32 $0xC00, v63  }
0x3b: {  	v10 =	vor.u32 v8, v7;
	v7 =	vand.u32 $0x7F, v41;
	v63 =	vsub.s32 v20, v6  }
0x3c: {  	v41 =	vsub.s32 v19, v6;
	v0 =	vor.u32 v2, v56;
	v61 =	vor.u32 v1, v60  }
0x3d: {  	v1 =	vand.u32 $0x7F, v62;
	v11 =	vor.u32 v2, v10;
	v8 =	vand.u32 $0x7F, v63  }
0x3e: {  	v25 =	vmovc v31;
	v5 =	vor.u32 v4, v0;
	v0 =	vor.u32 v2, v61;
	v1 =	vor.u32 v3, v1  }
0x3f: {  	v56 =	vor.u32 v4, v11;
	v61 =	vsub.s32 v25, v6;
	v3 =	vor.u32 v4, v0  }
0x40: {  	v9 =	vor.u32 v2, v1;
	v1 =	vand.u32 $0x7F, v32;
	v0 =	vand.u32 $0xC00, v33  }
0x41: {  	v62 =	vshll.u32 v61, $0x3;
	v32 =	vsub.s32 v21, v6;
	v57 =	vor.u32 v4, v9  }
0x42: {  	v0 =	vor.u32 v0, v1;
	v1 =	vor.u32 v38, v37;
	v9 =	vshll.u32 v63, $0x3  }
0x43: {  	v33 =	vshll.u32 v32, $0x3;
	v0 =	vor.u32 v2, v0;
	v43 =	vor.u32 v2, v1  }
0x44: {  	v1 =	vand.u32 $0xC00, v44;
	v9 =	vand.u32 $0xC00, v9;
	v44 =	vshll.u32 v41, $0x3  }
0x45: {  	v54 =	vor.u32 v4, v0;
	v48 =	vor.u32 v4, v43;
	v46 =	vor.u32 v1, v7  }
0x46: {  	v1 =	vand.u32 $0xC00, v47;
	v7 =	vand.u32 $0xC00, v62;
	v11 =	vor.u32 v9, v8  }
0x47: {  	v8 =	vand.u32 $0x7F, v32;
	v9 =	vand.u32 $0x7F, v41;
	v47 =	vshll.u32 v45, $0x3  }
0x48: {  	v0 =	vor.u32 v2, v46;
	v60 =	vor.u32 v1, v50;
	v1 =	vand.u32 $0x7F, v61  }
0x49: {  	v50 =	vand.u32 $0x7F, v45;
	v38 =	vor.u32 v4, v0;
	v7 =	vor.u32 v7, v1  }
0x4a: {  	v0 =	vor.u32 v2, v60;
	v10 =	vor.u32 v2, v7;
	v7 =	vor.u32 v2, v11  }
0x4b: {  	v1 =	vor.u32 v4, v0;
	v0 =	vor.u32 v4, v10;
	v63 =	vor.u32 v4, v7  }
0x4c: {  	v7 =	vand.u32 $0xC00, v33;
	v10 =	vshll.u32 v35, $0x3;
	v33 =	vsub.s32 v24, v6  }
0x4d: {  	v7 =	vor.u32 v7, v8;
	v37 =	vand.u32 $0xC00, v10;
	v35 =	vshll.u32 v33, $0x3  }
0x4e: {  	v7 =	vor.u32 v2, v7;
	v8 =	vor.u32 v37, v36;
	v36 =	vsub.s32 v59, v6  }
0x4f: {  	v62 =	vor.u32 v4, v7;
	v43 =	vor.u32 v2, v8;
	v8 =	vand.u32 $0xC00, v44  }
0x50: {  	v11 =	vshll.u32 v36, $0x3;
	v37 =	vand.u32 $0x7F, v36;
	v61 =	vor.u32 v4, v43  }
0x51: {  	v46 =	vor.u32 v8, v9;
	v8 =	vand.u32 $0xC00, v47;
	v9 =	vand.u32 $0xC00, v35  }
0x52: {  	v41 =	vand.u32 $0xC00, v11;
	v7 =	vor.u32 v2, v46;
	v32 =	vor.u32 v8, v50  }
0x53: {  	v8 =	vand.u32 $0x7F, v33;
	v44 =	vor.u32 v41, v37;
	v46 =	vsub.s32 v53, v6  }
0x54: {  	v50 =	vsub.s32 v17, v6;
	v60 =	vor.u32 v4, v7;
	v7 =	vor.u32 v2, v32  }
0x55: {  	v8 =	vor.u32 v9, v8;
	v45 =	vor.u32 v2, v44;
	v47 =	vshll.u32 v46, $0x3  }
0x56: {  	v41 =	vld [tilespmem:$0x1FF40];
	v35 =	vshll.u32 v50, $0x3;
	v36 =	vand.u32 $0x7F, v50;
	v59 =	vor.u32 v4, v7  }
0x57: {  	v43 =	vor.u32 v2, v8;
	v33 =	vor.u32 v4, v45;
	v8 =	vand.u32 $0x7F, v46  }
0x58: {  	v7 =	vand.u32 $0xC00, v47;
	v37 =	vand.u32 $0xC00, v35;
	v45 =	vsub.s32 v16, v6  }
0x59: {  	v32 =	vor.u32 v4, v43;
	v7 =	vor.u32 v7, v8;
	v8 =	vor.u32 v37, v36  }
0x5a: {  	v47 =	vshll.u32 v45, $0x3;
	v35 =	vand.u32 $0x7F, v45;
	v7 =	vor.u32 v2, v7  }
0x5b: {  	v43 =	vor.u32 v2, v8;
	v9 =	vsub.s32 v41, v6;
	v50 =	vor.u32 v4, v7  }
0x5c: {  	v37 =	vor.u32 v4, v43;
	v41 =	vsub.s32 v15, v6;
	v44 =	vshll.u32 v9, $0x3  }
0x5d: {  	v9 =	vand.u32 $0x7F, v9;
	v43 =	vshll.u32 v41, $0x3;
	v8 =	vand.u32 $0xC00, v44  }
0x5e: {  	v44 =	vsub.s32 v51, v6;
	v46 =	vor.u32 v8, v9;
	v8 =	vand.u32 $0xC00, v47  }
0x5f: {  	v9 =	vand.u32 $0xC00, v43;
	v45 =	vshll.u32 v44, $0x3;
	v43 =	vsub.s32 v14, v6  }
0x60: {  	v7 =	vor.u32 v2, v46;
	v36 =	vor.u32 v8, v35;
	v8 =	vand.u32 $0x7F, v41  }
0x61: {  	v46 =	vand.u32 $0x7F, v44;
	v47 =	vand.u32 $0xC00, v45;
	v44 =	vshll.u32 v43, $0x3  }
0x62: {  	v45 =	vsub.s32 v49, v6;
	v7 =	vor.u32 v4, v7;
	v8 =	vor.u32 v9, v8  }
0x63: {  	[tilespmem:$0x1FE00] =	vst v7;
	v7 =	vor.u32 v2, v36;
	v35 =	vor.u32 v2, v8;
	v36 =	vor.u32 v47, v46  }
0x64: {  	v8 =	vand.u32 $0x7F, v43;
	v46 =	vshll.u32 v45, $0x3;
	v47 =	vand.u32 $0x7F, v45  }
0x65: {  	v51 =	vor.u32 v4, v7;
	v7 =	vor.u32 v4, v35;
	v41 =	vor.u32 v2, v36  }
0x66: {  	v49 =	vand.u32 $0xC00, v46;
	v35 =	vsub.s32 v39, v6;
	[tilespmem:$0x1FE10] =	vst v7;
	v7 =	vor.u32 v4, v41;
	v41 =	vld [tilespmem:$0x1FFC0]  }
0x67: {  	v46 =	vsub.s32 v13, v6;
	v39 =	vshll.u32 v35, $0x3;
	[tilespmem:$0x1FE20] =	vst v7;
	v7 =	vand.u32 $0xC00, v44  }
0x68: {  	v9 =	vand.u32 $0x7F, v35;
	v7 =	vor.u32 v7, v8;
	v8 =	vor.u32 v49, v47  }
0x69: {  	v47 =	vshll.u32 v46, $0x3;
	v7 =	vor.u32 v2, v7;
	v36 =	vor.u32 v2, v8  }
0x6a: {  	v8 =	vand.u32 $0xC00, v39;
	v49 =	vor.u32 v4, v7;
	v39 =	vor.u32 v4, v36  }
0x6b: {  	v43 =	vor.u32 v8, v9;
	v9 =	vand.u32 $0xC00, v47;
	v10 =	vsub.s32 v41, v6  }
0x6c: {  	s13 =	sadd.s32 $0x1, s12;
	v36 =	vsub.s32 v42, v6;
	v7 =	vor.u32 v2, v43;
	v44 =	vshll.u32 v10, $0x3  }
0x6d: {  	v41 =	vmov s13;
	v45 =	vand.u32 $0x7F, v10;
	v8 =	vand.u32 $0xC00, v44  }
0x6e: {  	v43 =	vand.u32 $0x7F, v36;
	v10 =	vand.u32 $0x7F, v46;
	v8 =	vor.u32 v8, v45  }
0x6f: {  	v7 =	vor.u32 v4, v7;
	v35 =	vor.u32 v9, v10;
	v8 =	vor.u32 v2, v8  }
0x70: {  	v9 =	vand.u32 $0xFFFFFFFD, v41;
	v11 =	vor.u32 v4, v8;
	v8 =	vshll.u32 v36, $0x3  }
0x71: {  	v44 =	vsub.s32 v55, v6;
	v9 =	vbroadcast v9, $0x0;
	v8 =	vand.u32 $0xC00, v8  }
0x72: {  	[tilespmem:$0x1FE30] =	vst v7;
	v7 =	vor.u32 v2, v35;
	v12 =	vshll.u32 v44, $0x3;
	v45 =	vor.u32 v8, v43;
	v43 =	vld [tilespmem:$0x1FFD0]  }
0x73: {  	v12 =	vand.u32 $0xC00, v12;
	v7 =	vor.u32 v4, v7;
	[tilespmem:$0x1FE40] =	vst v11;
	v11 =	vand.u32 $0x7F, v44  }
0x74: {  	v47 =	vsub.s32 v52, v6;
	[tilespmem:$0x1FE50] =	vst v7;
	v46 =	vor.u32 v12, v11;
	v7 =	vor.u32 v2, v45  }
0x75: {  	v36 =	vshll.u32 v47, $0x3;
	v8 =	vor.u32 v2, v46;
	v7 =	vor.u32 v4, v7  }
0x76: {  	v41 =	vand.u32 $0x7F, v47;
	v35 =	vor.u32 v4, v8;
	[tilespmem:$0x1FE60] =	vst v7;
	v7 =	vand.u32 $0xC00, v36  }
0x77: {  	s22 =	sadd.s32 $0x1, s8;
	[tilespmem:$0x1FE70] =	vst v35;
	v35 =	vld.idx.msk [tilespmem:v9+s4+$0x0], $0xffff;
	v7 =	vor.u32 v7, v41;
	v10 =	vsub.s32 v43, v6  }
0x78: {  	v6 =	vsub.s32 v34, v6;
	v7 =	vor.u32 v2, v7;
	v34 =	vmov s22  }
0x79: {  	v44 =	vshll.u32 v10, $0x3;
	v45 =	vand.u32 $0x7F, v10;
	v46 =	vshll.u32 v6, $0x3  }
0x7a: {  	v6 =	vand.u32 $0x7F, v6;
	v7 =	vor.u32 v4, v7;
	v43 =	vshll.u32 v34, $0x9  }
0x7b: {  	v8 =	vand.u32 $0xC00, v44;
	v47 =	vand.u32 $0xC00, v46;
	v36 =	vand.u32 $0x3000, v43  }
0x7c: {  	v31 =	vmovc v30;
	v8 =	vor.u32 v8, v45;
	v6 =	vor.u32 v47, v6;
	v11 =	vsub.s32 v58, v35  }
0x7d: {  	v30 =	vmovc v29;
	v44 =	vsub.s32 v40, v35;
	v46 =	vsub.s32 v23, v35;
	v8 =	vor.u32 v2, v8  }
0x7e: {  	v29 =	vmovc v28;
	v28 =	vmovc v27;
	v2 =	vor.u32 v2, v6;
	v41 =	vand.u32 $0x7F, v11;
	v45 =	vshll.u32 v44, $0x3  }
0x7f: {  	v47 =	vshll.u32 v46, $0x3;
	v9 =	vand.u32 $0x7F, v46;
	v46 =	vsub.s32 v28, v35  }
0x80: {  	v10 =	vor.u32 v4, v8;
	v2 =	vor.u32 v4, v2;
	v4 =	vshll.u32 v34, $0x7  }
0x81: {  	v27 =	vmovc v26;
	v6 =	vand.u32 $0xC00, v45;
	[tilespmem:$0x1FEA0] =	vst v2;
	v2 =	vshll.u32 v11, $0x3;
	v34 =	vand.u32 $0x280, v4  }
0x82: {  	[tilespmem:$0x1FE90] =	vst v10;
	v4 =	vand.u32 $0x7F, v44;
	v10 =	vand.u32 $0xC00, v47;
	v44 =	vsub.s32 v27, v35  }
0x83: {  	v47 =	vshll.u32 v46, $0x3;
	v2 =	vand.u32 $0xC00, v2;
	v4 =	vor.u32 v6, v4  }
0x84: {  	v45 =	vshll.u32 v44, $0x3;
	v2 =	vor.u32 v2, v41;
	v11 =	vor.u32 v36, v4  }
0x85: {  	v41 =	vor.u32 v10, v9;
	v4 =	vand.u32 $0x7F, v44;
	v9 =	vand.u32 $0x7F, v46  }
0x86: {  	v10 =	vand.u32 $0xC00, v47;
	v44 =	vsub.s32 v30, v35;
	v2 =	vor.u32 v36, v2  }
0x87: {  	v16 =	vor.u32 v34, v11;
	v43 =	vor.u32 v36, v41;
	v11 =	vsub.s32 v29, v35  }
0x88: {  	v46 =	vshll.u32 v44, $0x3;
	v47 =	vand.u32 $0x7F, v44;
	v17 =	vor.u32 v34, v2  }
0x89: {  	v15 =	vor.u32 v34, v43;
	v2 =	vand.u32 $0xC00, v45;
	v43 =	vshll.u32 v11, $0x3  }
0x8a: {  	v6 =	vand.u32 $0x7F, v11;
	v2 =	vor.u32 v2, v4;
	v4 =	vor.u32 v10, v9  }
0x8b: {  	v2 =	vor.u32 v36, v2;
	v41 =	vor.u32 v36, v4;
	v4 =	vand.u32 $0xC00, v43  }
0x8c: {  	v43 =	vsub.s32 v31, v35;
	v14 =	vor.u32 v34, v2;
	v13 =	vor.u32 v34, v41  }
0x8d: {  	v45 =	vor.u32 v4, v6;
	v4 =	vand.u32 $0xC00, v46;
	v44 =	vshll.u32 v43, $0x3  }
0x8e: {  	v2 =	vor.u32 v36, v45;
	v41 =	vor.u32 v4, v47;
	v45 =	vsub.s32 v25, v35  }
0x8f: {  	v4 =	vand.u32 $0x7F, v43;
	v6 =	vand.u32 $0xC00, v44;
	v44 =	vsub.s32 v20, v35  }
0x90: {  	v10 =	vor.u32 v34, v2;
	v2 =	vor.u32 v36, v41;
	v46 =	vshll.u32 v45, $0x3  }
0x91: {  	v4 =	vor.u32 v6, v4;
	v47 =	vand.u32 $0x7F, v45;
	v45 =	vand.u32 $0x7F, v44  }
0x92: {  	s23 =	sadd.s32 $0x2, s12;
	v9 =	vand.u32 $0xC00, v46;
	v12 =	vor.u32 v34, v2;
	v11 =	vor.u32 v36, v4  }
0x93: {  	v46 =	vmov s23;
	v4 =	vshll.u32 v44, $0x3;
	v41 =	vor.u32 v9, v47  }
0x94: {  	v47 =	vsub.s32 v21, v35;
	v6 =	vand.u32 $0xFFFFFFFE, v46;
	v4 =	vand.u32 $0xC00, v4  }
0x95: {  	v43 =	vor.u32 v36, v41;
	v41 =	vshll.u32 v47, $0x3;
	v6 =	vbroadcast v6, $0x0  }
0x96: {  	v2 =	vor.u32 v4, v45;
	v9 =	vor.u32 v34, v43;
	v43 =	vand.u32 $0x7F, v47  }
0x97: {  	v44 =	vand.u32 $0xC00, v41;
	v2 =	vor.u32 v36, v2;
	v41 =	vsub.s32 v22, v35  }
0x98: {  	s12 =	sadd.s32 $0x3, s12;
	v4 =	vor.u32 v44, v43;
	v8 =	vor.u32 v34, v2;
	v46 =	vshll.u32 v41, $0x3  }
0x99: {  	s24 =	sadd.s32 $0x2, s8;
	v47 =	vand.u32 $0x7F, v41;
	v43 =	vmov s12;
	v45 =	vor.u32 v36, v4  }
0x9a: {  	[tilespmem:$0x1FE80] =	vst v7;
	v4 =	vand.u32 $0xC00, v46;
	v46 =	vmov s24;
	v7 =	vor.u32 v34, v45  }
0x9b: {  	v2 =	vor.u32 v4, v47;
	v4 =	vsub.s32 v19, v35;
	v45 =	vsub.s32 v18, v35;
	v41 =	vld.idx.msk [tilespmem:v6+s4+$0x0], $0xffff  }
0x9c: {  	v47 =	vshll.u32 v46, $0x9;
	v46 =	vshll.u32 v46, $0x7;
	v44 =	vshll.u32 v4, $0x3  }
0x9d: {  	v2 =	vor.u32 v36, v2;
	v6 =	vand.u32 $0xC00, v44;
	v44 =	vshll.u32 v45, $0x3  }
0x9e: {  	v4 =	vand.u32 $0x7F, v4;
	v45 =	vand.u32 $0x7F, v45;
	v44 =	vand.u32 $0xC00, v44  }
0x9f: {  	v4 =	vor.u32 v6, v4;
	v6 =	vor.u32 v34, v2;
	v44 =	vor.u32 v44, v45;
	v45 =	vld.idx.msk [tilespmem:v43+s4+$0x0], $0xffff  }
0xa0: {  	v2 =	vor.u32 v36, v44;
	v44 =	vsub.s32 v24, v35;
	v43 =	vsub.s32 v58, v41  }
0xa1: {  	v18 =	vand.u32 $0x7F, v44;
	v19 =	vshll.u32 v44, $0x3;
	v44 =	vshll.u32 v43, $0x3  }
0xa2: {  	s25 =	sadd.s32 $0x3, s8;
	v19 =	vand.u32 $0xC00, v19;
	v43 =	vand.u32 $0x7F, v43;
	v20 =	vand.u32 $0xC00, v44  }
0xa3: {  	v44 =	vand.u32 $0x3000, v47;
	v47 =	vmov s25;
	v20 =	vor.u32 v20, v43  }
0xa4: {  	v43 =	vand.u32 $0x300, v46;
	v46 =	vsub.s32 v58, v45;
	v20 =	vor.u32 v44, v20  }
0xa5: {  	v21 =	vshll.u32 v46, $0x3;
	v22 =	vand.u32 $0x7F, v46;
	v46 =	vshll.u32 v47, $0x9  }
0xa6: {  	v47 =	vshll.u32 v47, $0x7;
	v20 =	vor.u32 v43, v20;
	v21 =	vand.u32 $0xC00, v21  }
0xa7: {  	v46 =	vand.u32 $0x3000, v46;
	v21 =	vor.u32 v21, v22;
	v22 =	vsub.s32 v40, v41  }
0xa8: {  	v26 =	vmovc v23;
	v47 =	vand.u32 $0x380, v47;
	v21 =	vor.u32 v46, v21;
	v23 =	vshll.u32 v22, $0x3  }
0xa9: {  	v24 =	vld.idx.msk [tilespmem:v5+s14+$0x0], $0xffff;
	v5 =	vand.u32 $0x7F, v22;
	v21 =	vor.u32 v47, v21;
	v22 =	vand.u32 $0xC00, v23  }
0xaa: {  	v17 =	vld.idx.msk [tilespmem:v17+s14+$0x0], $0xffff;
	v18 =	vor.u32 v19, v18;
	v23 =	vsub.s32 v40, v45;
	v5 =	vor.u32 v22, v5  }
0xab: {  	s31 =	sand.u32 $0x3000, s7;
	s15 =	sadd.s32 $0xFFFFFE80, s0;
	v18 =	vor.u32 v36, v18;
	v19 =	vshll.u32 v23, $0x3;
	v5 =	vor.u32 v44, v5  }
0xac: {  	s13 =	sand.u32 $0x200, s15;
	s15 =	sadd.s32 $0xFFFFFF00, s0;
	s23 =	sor.u32 $0x8400, s31;
	v22 =	vand.u32 $0x7F, v23;
	v20 =	vld.idx.msk [tilespmem:v20+s14+$0x0], $0xffff;
	v19 =	vand.u32 $0xC00, v19;
	v23 =	vor.u32 v43, v5  }
0xad: {  	s22 =	sand.u32 $0x280, s15;
	s12 =	sor.u32 s13, s23;
	v19 =	vor.u32 v19, v22;
	v5 =	vor.u32 v34, v18;
	v18 =	vsub.s32 v26, v41;
	v22 =	vld [tilespmem:$0x1FF20]  }
0xae: {  	s22 =	sor.u32 s22, s23;
	s24 =	sadd.s32 $0xFFFFFF80, s0;
	[tilespmem:s12+$0x0] =	vst v24;
	v19 =	vor.u32 v46, v19;
	v24 =	vshll.u32 v18, $0x3;
	v21 =	vld.idx.msk [tilespmem:v21+s14+$0x0], $0xffff  }
0xaf: {  	[tilespmem:s22+$0x0] =	vst v17;
	s25 =	sand.u32 $0x300, s24;
	v17 =	vand.u32 $0x7F, v18;
	v19 =	vor.u32 v47, v19;
	v18 =	vand.u32 $0xC00, v24  }
0xb0: {  	s15 =	sor.u32 s25, s23;
	v3 =	vld.idx.msk [tilespmem:v3+s14+$0x0], $0xffff;
	v24 =	vsub.s32 v26, v45;
	v17 =	vor.u32 v18, v17  }
0xb1: {  	s31 =	sand.u32 $0x380, s0;
	v16 =	vld.idx.msk [tilespmem:v16+s14+$0x0], $0xffff;
	v18 =	vshll.u32 v24, $0x3;
	v24 =	vand.u32 $0x7F, v24;
	[tilespmem:s15+$0x0] =	vst v20;
	v17 =	vor.u32 v44, v17  }
0xb2: {  	s13 =	sor.u32 s31, s23;
	v18 =	vand.u32 $0xC00, v18;
	v22 =	vsub.s32 v22, v35;
	v23 =	vld.idx.msk [tilespmem:v23+s14+$0x0], $0xffff;
	v17 =	vor.u32 v43, v17  }
0xb3: {  	v18 =	vor.u32 v18, v24;
	v20 =	vand.u32 $0x7F, v22;
	[tilespmem:s13+$0x0] =	vst v21;
	v21 =	vshll.u32 v22, $0x3  }
0xb4: {  	v18 =	vor.u32 v46, v18;
	v22 =	vsub.s32 v27, v41;
	v21 =	vand.u32 $0xC00, v21;
	v19 =	vld.idx.msk [tilespmem:v19+s14+$0x0], $0xffff  }
0xb5: {  	[tilespmem:s12+$0x10] =	vst v3;
	v18 =	vor.u32 v47, v18;
	v3 =	vor.u32 v21, v20;
	v20 =	vshll.u32 v22, $0x3  }
0xb6: {  	[tilespmem:s22+$0x10] =	vst v16;
	v16 =	vand.u32 $0x7F, v22;
	v21 =	vld.idx.msk [tilespmem:v57+s14+$0x0], $0xffff;
	v22 =	vsub.s32 v27, v45;
	v20 =	vand.u32 $0xC00, v20  }
0xb7: {  	v15 =	vld.idx.msk [tilespmem:v15+s14+$0x0], $0xffff;
	[tilespmem:s15+$0x10] =	vst v23;
	v16 =	vor.u32 v20, v16;
	v20 =	vshll.u32 v22, $0x3  }
0xb8: {  	v17 =	vld.idx.msk [tilespmem:v17+s14+$0x0], $0xffff;
	v22 =	vand.u32 $0x7F, v22;
	v16 =	vor.u32 v44, v16;
	v20 =	vand.u32 $0xC00, v20  }
0xb9: {  	v16 =	vor.u32 v43, v16;
	[tilespmem:s13+$0x10] =	vst v19;
	v19 =	vor.u32 v20, v22  }
0xba: {  	v20 =	vsub.s32 v53, v35;
	v22 =	vsub.s32 v28, v41;
	v18 =	vld.idx.msk [tilespmem:v18+s14+$0x0], $0xffff;
	v19 =	vor.u32 v46, v19  }
0xbb: {  	[tilespmem:s12+$0x20] =	vst v21;
	v21 =	vand.u32 $0x7F, v20;
	v23 =	vshll.u32 v22, $0x3;
	v19 =	vor.u32 v47, v19  }
0xbc: {  	[tilespmem:s22+$0x20] =	vst v15;
	v15 =	vand.u32 $0x7F, v22;
	v24 =	vld.idx.msk [tilespmem:v56+s14+$0x0], $0xffff;
	v22 =	vand.u32 $0xC00, v23;
	v23 =	vsub.s32 v28, v45  }
0xbd: {  	v14 =	vld.idx.msk [tilespmem:v14+s14+$0x0], $0xffff;
	[tilespmem:s15+$0x20] =	vst v17;
	v17 =	vshll.u32 v20, $0x3;
	v15 =	vor.u32 v22, v15;
	v20 =	vshll.u32 v23, $0x3  }
0xbe: {  	v22 =	vand.u32 $0x7F, v23;
	v20 =	vand.u32 $0xC00, v20;
	v17 =	vand.u32 $0xC00, v17;
	v16 =	vld.idx.msk [tilespmem:v16+s14+$0x0], $0xffff  }
0xbf: {  	v15 =	vor.u32 v44, v15;
	v17 =	vor.u32 v17, v21;
	v21 =	vld [tilespmem:$0x1FF30];
	[tilespmem:s13+$0x20] =	vst v18;
	v18 =	vor.u32 v20, v22  }
0xc0: {  	v15 =	vor.u32 v43, v15;
	v20 =	vsub.s32 v29, v41;
	v19 =	vld.idx.msk [tilespmem:v19+s14+$0x0], $0xffff;
	v18 =	vor.u32 v46, v18  }
0xc1: {  	[tilespmem:s12+$0x30] =	vst v24;
	v22 =	vshll.u32 v20, $0x3;
	v18 =	vor.u32 v47, v18  }
0xc2: {  	[tilespmem:s22+$0x30] =	vst v14;
	v14 =	vand.u32 $0x7F, v20;
	v23 =	vld.idx.msk [tilespmem:v54+s14+$0x0], $0xffff;
	v20 =	vand.u32 $0xC00, v22;
	v22 =	vsub.s32 v29, v45  }
0xc3: {  	v14 =	vor.u32 v20, v14;
	v20 =	vshll.u32 v22, $0x3  }
0xc4: {  	v13 =	vld.idx.msk [tilespmem:v13+s14+$0x0], $0xffff;
	v22 =	vand.u32 $0x7F, v22;
	v21 =	vsub.s32 v21, v35;
	[tilespmem:s15+$0x30] =	vst v16;
	v20 =	vand.u32 $0xC00, v20  }
0xc5: {  	v14 =	vor.u32 v44, v14;
	v16 =	vand.u32 $0x7F, v21;
	v15 =	vld.idx.msk [tilespmem:v15+s14+$0x0], $0xffff;
	v20 =	vor.u32 v20, v22;
	[tilespmem:s13+$0x30] =	vst v19  }
0xc6: {  	v14 =	vor.u32 v43, v14;
	v19 =	vshll.u32 v21, $0x3;
	v20 =	vor.u32 v46, v20;
	v18 =	vld.idx.msk [tilespmem:v18+s14+$0x0], $0xffff  }
0xc7: {  	v21 =	vsub.s32 v30, v41;
	v19 =	vand.u32 $0xC00, v19;
	[tilespmem:s12+$0x40] =	vst v23;
	v20 =	vor.u32 v47, v20  }
0xc8: {  	v16 =	vor.u32 v19, v16;
	v19 =	vshll.u32 v21, $0x3;
	v22 =	vld.idx.msk [tilespmem:v48+s14+$0x0], $0xffff  }
0xc9: {  	[tilespmem:s22+$0x40] =	vst v13;
	v13 =	vand.u32 $0x7F, v21;
	v21 =	vsub.s32 v30, v45;
	v19 =	vand.u32 $0xC00, v19  }
0xca: {  	v48 =	vor.u32 v36, v17;
	v17 =	vshll.u32 v21, $0x3;
	[tilespmem:s15+$0x40] =	vst v15;
	v15 =	vld.idx.msk [tilespmem:v10+s14+$0x0], $0xffff;
	v13 =	vor.u32 v19, v13  }
0xcb: {  	v19 =	vand.u32 $0x7F, v21;
	v17 =	vand.u32 $0xC00, v17;
	v14 =	vld.idx.msk [tilespmem:v14+s14+$0x0], $0xffff;
	v13 =	vor.u32 v44, v13;
	[tilespmem:s13+$0x40] =	vst v18  }
0xcc: {  	v23 =	vmov v26;
	v17 =	vor.u32 v17, v19;
	v13 =	vor.u32 v43, v13;
	v19 =	vld.idx.msk [tilespmem:v20+s14+$0x0], $0xffff  }
0xcd: {  	v26 =	vmovc v27;
	v27 =	vmov v28;
	v18 =	vsub.s32 v31, v41;
	v17 =	vor.u32 v46, v17;
	[tilespmem:s12+$0x50] =	vst v22;
	v20 =	vld [tilespmem:$0x1FF40]  }
0xce: {  	v28 =	vmovc v29;
	v29 =	vmovc v30;
	v30 =	vmov v31;
	v21 =	vshll.u32 v18, $0x3;
	v17 =	vor.u32 v47, v17;
	v22 =	vld.idx.msk [tilespmem:v38+s14+$0x0], $0xffff  }
0xcf: {  	[tilespmem:s22+$0x50] =	vst v15;
	v15 =	vand.u32 $0x7F, v18;
	v18 =	vand.u32 $0xC00, v21;
	v21 =	vsub.s32 v30, v45  }
0xd0: {  	v11 =	vor.u32 v34, v11;
	v12 =	vld.idx.msk [tilespmem:v12+s14+$0x0], $0xffff;
	[tilespmem:s15+$0x50] =	vst v14;
	v15 =	vor.u32 v18, v15;
	v18 =	vshll.u32 v21, $0x3  }
0xd1: {  	v21 =	vand.u32 $0x7F, v21;
	v13 =	vld.idx.msk [tilespmem:v13+s14+$0x0], $0xffff;
	v15 =	vor.u32 v44, v15;
	v18 =	vand.u32 $0xC00, v18  }
0xd2: {  	v20 =	vsub.s32 v20, v35;
	[tilespmem:s13+$0x50] =	vst v19;
	v15 =	vor.u32 v43, v15;
	v18 =	vor.u32 v18, v21  }
0xd3: {  	v31 =	vmovc v25;
	v14 =	vand.u32 $0x7F, v20;
	v19 =	vshll.u32 v20, $0x3;
	v17 =	vld.idx.msk [tilespmem:v17+s14+$0x0], $0xffff;
	v18 =	vor.u32 v46, v18;
	[tilespmem:s12+$0x60] =	vst v22  }
0xd4: {  	v20 =	vsub.s32 v31, v41;
	v19 =	vand.u32 $0xC00, v19;
	v18 =	vor.u32 v47, v18;
	v21 =	vld.idx.msk [tilespmem:v1+s14+$0x0], $0xffff  }
0xd5: {  	v56 =	vand.u32 $0x7F, v20;
	v14 =	vor.u32 v19, v14;
	v19 =	vshll.u32 v20, $0x3;
	[tilespmem:s22+$0x60] =	vst v12;
	v20 =	vld [tilespmem:$0x1FEC0]  }
0xd6: {  	v16 =	vor.u32 v36, v16;
	v12 =	vand.u32 $0xC00, v19;
	v19 =	vsub.s32 v31, v45;
	[tilespmem:s15+$0x60] =	vst v13;
	v13 =	vld.idx.msk [tilespmem:v11+s14+$0x0], $0xffff  }
0xd7: {  	v11 =	vor.u32 v34, v16;
	v1 =	vor.u32 v12, v56;
	v12 =	vshll.u32 v19, $0x3;
	v15 =	vld.idx.msk [tilespmem:v15+s14+$0x0], $0xffff  }
0xd8: {  	v16 =	vand.u32 $0x7F, v19;
	v1 =	vor.u32 v44, v1;
	v12 =	vand.u32 $0xC00, v12;
	[tilespmem:s13+$0x60] =	vst v17;
	v17 =	vld [tilespmem:$0x1FF50]  }
0xd9: {  	v14 =	vor.u32 v36, v14;
	v19 =	vor.u32 v43, v1;
	v12 =	vor.u32 v12, v16;
	v16 =	vld.idx.msk [tilespmem:v18+s14+$0x0], $0xffff  }
0xda: {  	v1 =	vor.u32 v34, v14;
	[tilespmem:s12+$0x70] =	vst v21;
	v21 =	vld [tilespmem:$0x1FED0];
	v14 =	vsub.s32 v20, v41;
	v12 =	vor.u32 v46, v12  }
0xdb: {  	v18 =	vshll.u32 v14, $0x3;
	v12 =	vor.u32 v47, v12  }
0xdc: {  	v0 =	vld.idx.msk [tilespmem:v0+s14+$0x0], $0xffff;
	[tilespmem:s22+$0x70] =	vst v13;
	v13 =	vand.u32 $0x7F, v14;
	v14 =	vand.u32 $0xC00, v18;
	v18 =	vsub.s32 v20, v45  }
0xdd: {  	v17 =	vsub.s32 v17, v35;
	v13 =	vor.u32 v14, v13;
	v14 =	vshll.u32 v18, $0x3  }
0xde: {  	v9 =	vld.idx.msk [tilespmem:v9+s14+$0x0], $0xffff;
	[tilespmem:s15+$0x70] =	vst v15;
	v18 =	vand.u32 $0x7F, v18;
	v15 =	vand.u32 $0x7F, v17;
	v13 =	vor.u32 v44, v13  }
0xdf: {  	v19 =	vld.idx.msk [tilespmem:v19+s14+$0x0], $0xffff;
	v14 =	vand.u32 $0xC00, v14;
	[tilespmem:s13+$0x70] =	vst v16;
	v16 =	vshll.u32 v17, $0x3;
	v17 =	vsub.s32 v21, v41  }
0xe0: {  	v13 =	vor.u32 v43, v13;
	v14 =	vor.u32 v14, v18;
	v16 =	vand.u32 $0xC00, v16;
	v12 =	vld.idx.msk [tilespmem:v12+s14+$0x0], $0xffff  }
0xe1: {  	[tilespmem:s12+$0x400] =	vst v0;
	v14 =	vor.u32 v46, v14;
	v57 =	vor.u32 v16, v15;
	v15 =	vshll.u32 v17, $0x3  }
0xe2: {  	v16 =	vld.idx.msk [tilespmem:v63+s14+$0x0], $0xffff;
	v63 =	vand.u32 $0x7F, v17;
	v17 =	vsub.s32 v21, v45;
	v15 =	vand.u32 $0xC00, v15  }
0xe3: {  	v22 =	vld [tilespmem:$0x1FEE0];
	v14 =	vor.u32 v47, v14;
	[tilespmem:s22+$0x400] =	vst v9;
	v9 =	vor.u32 v15, v63;
	v15 =	vshll.u32 v17, $0x3  }
0xe4: {  	v8 =	vld.idx.msk [tilespmem:v8+s14+$0x0], $0xffff;
	v17 =	vand.u32 $0x7F, v17;
	[tilespmem:s15+$0x400] =	vst v19;
	v15 =	vand.u32 $0xC00, v15  }
0xe5: {  	[tilespmem:s13+$0x400] =	vst v12;
	v12 =	vor.u32 v15, v17;
	v15 =	vld [tilespmem:$0x1FF60]  }
0xe6: {  	v13 =	vld.idx.msk [tilespmem:v13+s14+$0x0], $0xffff  }
0xe7: {  	v10 =	vor.u32 v34, v48  }
0xe8: {  	v9 =	vor.u32 v44, v9;
	v17 =	vsub.s32 v22, v41;
	v14 =	vld.idx.msk [tilespmem:v14+s14+$0x0], $0xffff;
	v12 =	vor.u32 v46, v12  }
0xe9: {  	[tilespmem:s12+$0x410] =	vst v16;
	v18 =	vshll.u32 v17, $0x3;
	v48 =	vand.u32 $0x7F, v17;
	v12 =	vor.u32 v47, v12  }
0xea: {  	[tilespmem:s22+$0x410] =	vst v8;
	v17 =	vand.u32 $0xC00, v18;
	v18 =	vsub.s32 v22, v45;
	v15 =	vsub.s32 v15, v35  }
0xeb: {  	v19 =	vld.idx.msk [tilespmem:v62+s14+$0x0], $0xffff;
	[tilespmem:s15+$0x410] =	vst v13;
	v16 =	vand.u32 $0x7F, v15;
	v13 =	vshll.u32 v15, $0x3;
	v15 =	vshll.u32 v18, $0x3  }
0xec: {  	v7 =	vld.idx.msk [tilespmem:v7+s14+$0x0], $0xffff;
	v8 =	vor.u32 v17, v48;
	v17 =	vand.u32 $0x7F, v18;
	v15 =	vand.u32 $0xC00, v15  }
0xed: {  	v9 =	vor.u32 v43, v9;
	[tilespmem:s13+$0x410] =	vst v14;
	v13 =	vand.u32 $0xC00, v13;
	v14 =	vor.u32 v15, v17;
	v15 =	vld [tilespmem:$0x1FEF0]  }
0xee: {  	v13 =	vor.u32 v13, v16;
	v16 =	vld [tilespmem:$0x1FF70]  }
0xef: {  	v12 =	vld.idx.msk [tilespmem:v12+s14+$0x0], $0xffff  }
0xf0: {  	v4 =	vor.u32 v36, v4;
	[tilespmem:s12+$0x420] =	vst v19;
	v19 =	vld [tilespmem:$0x1FEF0]  }
0xf1: {  	v4 =	vor.u32 v34, v4;
	v0 =	vor.u32 v36, v57;
	v18 =	vld.idx.msk [tilespmem:v61+s14+$0x0], $0xffff  }
0xf2: {  	v8 =	vor.u32 v44, v8;
	v9 =	vld.idx.msk [tilespmem:v9+s14+$0x0], $0xffff;
	[tilespmem:s22+$0x420] =	vst v7;
	v14 =	vor.u32 v46, v14  }
0xf3: {  	v6 =	vld.idx.msk [tilespmem:v6+s14+$0x0], $0xffff;
	v14 =	vor.u32 v47, v14;
	v15 =	vsub.s32 v15, v41;
	v16 =	vsub.s32 v16, v35  }
0xf4: {  	[tilespmem:s13+$0x420] =	vst v12;
	v17 =	vshll.u32 v15, $0x3;
	v57 =	vand.u32 $0x7F, v16;
	v12 =	vshll.u32 v16, $0x3;
	v16 =	vld [tilespmem:$0x1FF00]  }
0xf5: {  	v56 =	vand.u32 $0x7F, v15;
	v15 =	vand.u32 $0xC00, v17;
	v17 =	vsub.s32 v19, v45  }
0xf6: {  	v8 =	vor.u32 v43, v8;
	[tilespmem:s12+$0x430] =	vst v18;
	v18 =	vld [tilespmem:$0x1FF00];
	v7 =	vor.u32 v15, v56;
	v15 =	vshll.u32 v17, $0x3  }
0xf7: {  	[tilespmem:s15+$0x420] =	vst v9;
	v17 =	vand.u32 $0x7F, v17;
	v15 =	vand.u32 $0xC00, v15  }
0xf8: {  	v2 =	vor.u32 v34, v2;
	v24 =	vld [tilespmem:$0x1FF10];
	[tilespmem:s22+$0x430] =	vst v6;
	v12 =	vand.u32 $0xC00, v12;
	v15 =	vor.u32 v15, v17  }
0xf9: {  	v14 =	vld.idx.msk [tilespmem:v14+s14+$0x0], $0xffff;
	v9 =	vor.u32 v12, v57;
	v16 =	vsub.s32 v16, v41;
	v15 =	vor.u32 v46, v15  }
0xfa: {  	v62 =	vld.idx.msk [tilespmem:v4+s14+$0x0], $0xffff;
	v7 =	vor.u32 v44, v7;
	v12 =	vshll.u32 v16, $0x3;
	v15 =	vor.u32 v47, v15  }
0xfb: {  	v8 =	vld.idx.msk [tilespmem:v8+s14+$0x0], $0xffff;
	v61 =	vand.u32 $0x7F, v16;
	v16 =	vsub.s32 v18, v45;
	v12 =	vand.u32 $0xC00, v12  }
0xfc: {  	v7 =	vor.u32 v43, v7;
	v17 =	vld.idx.msk [tilespmem:v60+s14+$0x0], $0xffff;
	v6 =	vor.u32 v12, v61;
	v12 =	vshll.u32 v16, $0x3  }
0xfd: {  	v63 =	vor.u32 v36, v13;
	v13 =	vand.u32 $0x7F, v16;
	v12 =	vand.u32 $0xC00, v12  }
0xfe: {  	[tilespmem:s13+$0x430] =	vst v14;
	v12 =	vor.u32 v12, v13  }
0xff: {  	[tilespmem:s22+$0x440] =	vst v62;
	v13 =	vsub.s32 v24, v41;
	v14 =	vld.idx.msk [tilespmem:v15+s14+$0x0], $0xffff;
	v12 =	vor.u32 v46, v12  }
0x100: {  	[tilespmem:s15+$0x430] =	vst v8;
	v2 =	vld.idx.msk [tilespmem:v2+s14+$0x0], $0xffff;
	v16 =	vshll.u32 v13, $0x3;
	v12 =	vor.u32 v47, v12  }
0x101: {  	v7 =	vld.idx.msk [tilespmem:v7+s14+$0x0], $0xffff;
	[tilespmem:s12+$0x440] =	vst v17;
	v48 =	vand.u32 $0x7F, v13;
	v13 =	vand.u32 $0xC00, v16;
	v16 =	vsub.s32 v24, v45  }
0x102: {  	v6 =	vor.u32 v44, v6;
	v17 =	vld.idx.msk [tilespmem:v59+s14+$0x0], $0xffff;
	v8 =	vor.u32 v13, v48;
	v13 =	vshll.u32 v16, $0x3  }
0x103: {  	v6 =	vor.u32 v43, v6;
	v15 =	vld [tilespmem:$0x1FF80];
	v16 =	vand.u32 $0x7F, v16;
	v13 =	vand.u32 $0xC00, v13  }
0x104: {  	v59 =	vld [tilespmem:$0x1FF20];
	v13 =	vor.u32 v13, v16;
	[tilespmem:s13+$0x440] =	vst v14  }
0x105: {  	v3 =	vor.u32 v36, v3;
	v13 =	vor.u32 v46, v13;
	v12 =	vld.idx.msk [tilespmem:v12+s14+$0x0], $0xffff  }
0x106: {  	v3 =	vor.u32 v34, v3;
	v4 =	vor.u32 v34, v63;
	v13 =	vor.u32 v47, v13  }
0x107: {  	v9 =	vor.u32 v36, v9;
	v62 =	vsub.s32 v53, v41;
	[tilespmem:s15+$0x440] =	vst v7;
	v8 =	vor.u32 v44, v8  }
0x108: {  	v6 =	vld.idx.msk [tilespmem:v6+s14+$0x0], $0xffff;
	v8 =	vor.u32 v43, v8;
	[tilespmem:s12+$0x450] =	vst v17;
	v15 =	vsub.s32 v15, v35  }
0x109: {  	[tilespmem:s22+$0x450] =	vst v2;
	v16 =	vld.idx.msk [tilespmem:v32+s14+$0x0], $0xffff;
	v56 =	vand.u32 $0x7F, v15;
	v14 =	vshll.u32 v15, $0x3;
	v15 =	vsub.s32 v59, v41  }
0x10a: {  	v60 =	vld.idx.msk [tilespmem:v5+s14+$0x0], $0xffff;
	v5 =	vor.u32 v34, v9;
	v14 =	vand.u32 $0xC00, v14;
	v57 =	vand.u32 $0x7F, v15;
	[tilespmem:s13+$0x450] =	vst v12  }
0x10b: {  	v7 =	vor.u32 v14, v56;
	v14 =	vshll.u32 v15, $0x3;
	v15 =	vsub.s32 v59, v45;
	v12 =	vld.idx.msk [tilespmem:v13+s14+$0x0], $0xffff  }
0x10c: {  	v14 =	vand.u32 $0xC00, v14;
	v61 =	vshll.u32 v15, $0x3;
	v7 =	vor.u32 v36, v7;
	v13 =	vld [tilespmem:$0x1FF90]  }
0x10d: {  	v17 =	vld [tilespmem:$0x1FF30];
	[tilespmem:s15+$0x450] =	vst v6;
	v2 =	vor.u32 v14, v57;
	v14 =	vand.u32 $0x7F, v15;
	v9 =	vand.u32 $0xC00, v61  }
0x10e: {  	v63 =	vand.u32 $0x7F, v62;
	v8 =	vld.idx.msk [tilespmem:v8+s14+$0x0], $0xffff;
	[tilespmem:s12+$0x460] =	vst v16;
	v2 =	vor.u32 v44, v2;
	v9 =	vor.u32 v9, v14  }
0x10f: {  	v14 =	vshll.u32 v62, $0x3;
	v16 =	vld.idx.msk [tilespmem:v33+s14+$0x0], $0xffff;
	v15 =	vor.u32 v43, v2;
	v2 =	vor.u32 v34, v7  }
0x110: {  	[tilespmem:s22+$0x460] =	vst v60;
	v9 =	vor.u32 v46, v9;
	v32 =	vand.u32 $0xC00, v14;
	v14 =	vsub.s32 v53, v45  }
0x111: {  	v3 =	vld.idx.msk [tilespmem:v3+s14+$0x0], $0xffff;
	v9 =	vor.u32 v47, v9;
	v48 =	vshll.u32 v14, $0x3;
	v13 =	vsub.s32 v13, v35  }
0x112: {  	v14 =	vand.u32 $0x7F, v14;
	v7 =	vand.u32 $0xC00, v48;
	[tilespmem:s13+$0x460] =	vst v12;
	v12 =	vshll.u32 v13, $0x3  }
0x113: {  	v25 =	vld [tilespmem:$0x1FF40];
	[tilespmem:s15+$0x460] =	vst v8;
	v33 =	vand.u32 $0x7F, v13;
	v13 =	vsub.s32 v17, v41;
	v12 =	vand.u32 $0xC00, v12  }
0x114: {  	v7 =	vor.u32 v7, v14;
	[tilespmem:s12+$0x470] =	vst v16;
	v15 =	vld.idx.msk [tilespmem:v15+s14+$0x0], $0xffff;
	v8 =	vor.u32 v12, v33;
	v12 =	vshll.u32 v13, $0x3  }
0x115: {  	v14 =	vld.idx.msk [tilespmem:v50+s14+$0x0], $0xffff;
	v50 =	vand.u32 $0x7F, v13;
	v13 =	vsub.s32 v17, v45;
	v12 =	vand.u32 $0xC00, v12  }
0x116: {  	v6 =	vor.u32 v32, v63;
	[tilespmem:s22+$0x470] =	vst v3;
	v9 =	vld.idx.msk [tilespmem:v9+s14+$0x0], $0xffff;
	v3 =	vor.u32 v12, v50;
	v12 =	vshll.u32 v13, $0x3  }
0x117: {  	v6 =	vor.u32 v44, v6;
	v10 =	vld.idx.msk [tilespmem:v10+s14+$0x0], $0xffff;
	v13 =	vand.u32 $0x7F, v13;
	v12 =	vand.u32 $0xC00, v12  }
0x118: {  	s24 =	sand.u32 $0x7, s9;
	v6 =	vor.u32 v43, v6;
	v57 =	vor.u32 v12, v13;
	v12 =	vld [tilespmem:$0x1FFA0]  }
0x119: {  	s25 =	sshll.u32 s24, $0x7;
	s12 =	simm.s32 $0x1  }
0x11a: {  	s23 =	sadd.s32 s7, s25;
	v7 =	vor.u32 v46, v7;
	s12 =	simm.s32 @!p1 $0x0;
	[tilespmem:s15+$0x470] =	vst v15;
	v15 =	vor.u32 v44, v3;
	v13 =	vsub.s32 v25, v41  }
0x11b: {  	s31 =	sand.u32 $0x3, s2;
	v7 =	vor.u32 v47, v7;
	s12 =	sshll.u32 s12, $0x9;
	[tilespmem:s13+$0x470] =	vst v9;
	s13 =	sadd.s32 $0x80, s23;
	v56 =	vor.u32 v43, v15;
	v15 =	vshll.u32 v13, $0x3  }
0x11c: {  	s24 =	sshll.u32 s31, $0x8;
	s12 =	sadd.s32 s12, s7;
	s31 =	sor.u32 $0x800, s13;
	v60 =	vand.u32 $0x7F, v13;
	v13 =	vand.u32 $0xC00, v15;
	v15 =	vsub.s32 v25, v45  }
0x11d: {  	s25 =	sor.u32 $0x800, s12;
	v6 =	vld.idx.msk [tilespmem:v6+s14+$0x0], $0xffff;
	[tilespmem:s31+$0x8400] =	vst v10;
	v10 =	vor.u32 v13, v60;
	v13 =	vand.u32 $0x7F, v15;
	v12 =	vsub.s32 v12, v35  }
0x11e: {  	[tilespmem:s25+$0x8400] =	vst v14;
	v14 =	vand.u32 $0x7F, v12;
	v62 =	vshll.u32 v12, $0x3;
	v12 =	vshll.u32 v15, $0x3;
	v15 =	vld [tilespmem:$0x1FE00]  }
0x11f: {  	v16 =	vld.idx.msk [tilespmem:v37+s14+$0x0], $0xffff  }
0x120: {  	v38 =	vld [tilespmem:$0x1FFC0];
	s15 =	sadd.s32 s7, s24  }
0x121: {  	s15 =	sadd.s32 $0x100, s15;
	v7 =	vld.idx.msk [tilespmem:v7+s14+$0x0], $0xffff;
	v12 =	vand.u32 $0xC00, v12  }
0x122: {  	s24 =	sor.u32 $0x800, s15;
	v9 =	vor.u32 v46, v57;
	v32 =	vor.u32 v12, v13;
	v12 =	vld [tilespmem:$0x1FF50]  }
0x123: {  	s25 =	sor.u32 $0x810, s12;
	v9 =	vor.u32 v47, v9;
	v61 =	vld.idx.msk [tilespmem:v11+s14+$0x0], $0xffff;
	[tilespmem:s24+$0x8400] =	vst v6  }
0x124: {  	v8 =	vor.u32 v36, v8;
	[tilespmem:s25+$0x8400] =	vst v16;
	v16 =	vld [tilespmem:$0x1FF50]  }
0x125: {  	s22 =	sadd.s32 $0x180, s23;
	v3 =	vor.u32 v34, v8;
	v8 =	vld.idx.msk [tilespmem:v56+s14+$0x0], $0xffff  }
0x126: {  	s23 =	sor.u32 $0x800, s22;
	v10 =	vor.u32 v44, v10;
	v63 =	vand.u32 $0xC00, v62;
	v13 =	vsub.s32 v38, v35;
	v15 =	vld.idx.msk [tilespmem:v15+s14+$0x0], $0xffff  }
0x127: {  	[tilespmem:s23+$0x8400] =	vst v7;
	v37 =	vand.u32 $0x7F, v13;
	v48 =	vshll.u32 v13, $0x3;
	v13 =	vld [tilespmem:$0x1FF60];
	v12 =	vsub.s32 v12, v41  }
0x128: {  	s31 =	sor.u32 $0x810, s13;
	v10 =	vor.u32 v43, v10;
	v9 =	vld.idx.msk [tilespmem:v9+s14+$0x0], $0xffff;
	v7 =	vor.u32 v63, v14;
	v14 =	vshll.u32 v12, $0x3  }
0x129: {  	[tilespmem:s31+$0x8400] =	vst v61;
	v33 =	vand.u32 $0x7F, v12;
	v12 =	vand.u32 $0xC00, v14;
	v14 =	vsub.s32 v16, v45  }
0x12a: {  	s31 =	sor.u32 $0x820, s12;
	v1 =	vld.idx.msk [tilespmem:v1+s14+$0x0], $0xffff;
	v11 =	vor.u32 v46, v32;
	v6 =	vor.u32 v12, v33;
	v12 =	vshll.u32 v14, $0x3  }
0x12b: {  	s24 =	sor.u32 $0x810, s15;
	v62 =	vld [tilespmem:$0x1FF70];
	v11 =	vor.u32 v47, v11;
	v14 =	vand.u32 $0x7F, v14;
	v12 =	vand.u32 $0xC00, v12;
	[tilespmem:s31+$0x8400] =	vst v15  }
0x12c: {  	s25 =	sor.u32 $0x810, s22;
	[tilespmem:s24+$0x8400] =	vst v8;
	v13 =	vsub.s32 v13, v41;
	v12 =	vor.u32 v12, v14;
	v14 =	vld.idx.msk [tilespmem:v51+s14+$0x0], $0xffff  }
0x12d: {  	[tilespmem:s25+$0x8400] =	vst v9;
	v9 =	vand.u32 $0xC00, v48;
	v50 =	vshll.u32 v13, $0x3;
	v15 =	vld [tilespmem:$0x1FF60]  }
0x12e: {  	s24 =	sor.u32 $0x820, s13;
	v10 =	vld.idx.msk [tilespmem:v10+s14+$0x0], $0xffff;
	v8 =	vor.u32 v9, v37;
	v9 =	vand.u32 $0xC00, v50;
	v51 =	vand.u32 $0x7F, v13  }
0x12f: {  	v0 =	vor.u32 v34, v0;
	[tilespmem:s24+$0x8400] =	vst v1;
	v6 =	vor.u32 v44, v6;
	v1 =	vor.u32 v9, v51;
	v51 =	vld [tilespmem:$0x1FF70]  }
0x130: {  	s24 =	sor.u32 $0x830, s12;
	v11 =	vld.idx.msk [tilespmem:v11+s14+$0x0], $0xffff;
	v6 =	vor.u32 v43, v6;
	v12 =	vor.u32 v46, v12  }
0x131: {  	v12 =	vor.u32 v47, v12;
	[tilespmem:s24+$0x8400] =	vst v14;
	v14 =	vld [tilespmem:$0x1FE10]  }
0x132: {  	v9 =	vsub.s32 v62, v41;
	v13 =	vsub.s32 v15, v45  }
0x133: {  	s25 =	sor.u32 $0x820, s15;
	v60 =	vshll.u32 v13, $0x3;
	v61 =	vand.u32 $0x7F, v13;
	v13 =	vshll.u32 v9, $0x3  }
0x134: {  	v56 =	vld.idx.msk [tilespmem:v0+s14+$0x0], $0xffff;
	[tilespmem:s25+$0x8400] =	vst v10;
	s31 =	sor.u32 $0x820, s22;
	v63 =	vand.u32 $0xC00, v13;
	v13 =	vsub.s32 v51, v45  }
0x135: {  	[tilespmem:s31+$0x8400] =	vst v11;
	v6 =	vld.idx.msk [tilespmem:v6+s14+$0x0], $0xffff;
	v33 =	vshll.u32 v13, $0x3  }
0x136: {  	v11 =	vld.idx.msk [tilespmem:v12+s14+$0x0], $0xffff;
	v13 =	vand.u32 $0x7F, v13;
	v10 =	vand.u32 $0xC00, v33  }
0x137: {  	v1 =	vor.u32 v44, v1;
	v10 =	vor.u32 v10, v13;
	v13 =	vld [tilespmem:$0x1FE20]  }
0x138: {  	v1 =	vor.u32 v43, v1;
	v12 =	vld [tilespmem:$0x1FFB0]  }
0x139: {  	v57 =	vor.u32 v36, v7;
	v7 =	vand.u32 $0xC00, v60;
	v14 =	vld.idx.msk [tilespmem:v14+s14+$0x0], $0xffff  }
0x13a: {  	s25 =	sor.u32 $0x830, s13;
	v7 =	vor.u32 v7, v61  }
0x13b: {  	[tilespmem:s25+$0x8400] =	vst v56;
	s31 =	sor.u32 $0x830, s15;
	v7 =	vor.u32 v46, v7  }
0x13c: {  	v4 =	vld.idx.msk [tilespmem:v4+s14+$0x0], $0xffff;
	v9 =	vand.u32 $0x7F, v9;
	[tilespmem:s31+$0x8400] =	vst v6;
	v7 =	vor.u32 v47, v7  }
0x13d: {  	s25 =	sor.u32 $0x840, s12;
	v9 =	vor.u32 v63, v9;
	v1 =	vld.idx.msk [tilespmem:v1+s14+$0x0], $0xffff;
	v12 =	vsub.s32 v12, v35  }
0x13e: {  	v9 =	vor.u32 v44, v9;
	v32 =	vand.u32 $0x7F, v12;
	v37 =	vshll.u32 v12, $0x3;
	v12 =	vld [tilespmem:$0x1FF80];
	[tilespmem:s25+$0x8400] =	vst v14  }
0x13f: {  	s24 =	sor.u32 $0x830, s22;
	v9 =	vor.u32 v43, v9;
	v13 =	vld.idx.msk [tilespmem:v13+s14+$0x0], $0xffff  }
0x140: {  	s31 =	sor.u32 $0x840, s13;
	[tilespmem:s24+$0x8400] =	vst v11;
	v14 =	vld [tilespmem:$0x1FF80]  }
0x141: {  	[tilespmem:s31+$0x8400] =	vst v4;
	v10 =	vor.u32 v46, v10;
	v7 =	vld.idx.msk [tilespmem:v7+s14+$0x0], $0xffff  }
0x142: {  	v0 =	vor.u32 v34, v57;
	s24 =	sor.u32 $0x840, s15;
	v5 =	vld.idx.msk [tilespmem:v5+s14+$0x0], $0xffff;
	v10 =	vor.u32 v47, v10  }
0x143: {  	v8 =	vor.u32 v36, v8;
	v62 =	vsub.s32 v42, v35;
	v61 =	vld [tilespmem:$0x1FF90];
	s31 =	sor.u32 $0x850, s12;
	v11 =	vand.u32 $0xC00, v37;
	[tilespmem:s24+$0x8400] =	vst v1  }
0x144: {  	v6 =	vor.u32 v11, v32;
	v9 =	vld.idx.msk [tilespmem:v9+s14+$0x0], $0xffff;
	v12 =	vsub.s32 v12, v41;
	[tilespmem:s31+$0x8400] =	vst v13  }
0x145: {  	v48 =	vshll.u32 v12, $0x3;
	v50 =	vand.u32 $0x7F, v12;
	s25 =	sor.u32 $0x840, s22;
	v12 =	vsub.s32 v14, v45;
	v13 =	vld.idx.msk [tilespmem:v49+s14+$0x0], $0xffff  }
0x146: {  	v6 =	vor.u32 v36, v6;
	s24 =	sor.u32 $0x850, s13;
	v11 =	vand.u32 $0xC00, v48;
	[tilespmem:s25+$0x8400] =	vst v7;
	v57 =	vshll.u32 v12, $0x3;
	v49 =	vld [tilespmem:$0x1FF90]  }
0x147: {  	[tilespmem:s24+$0x8400] =	vst v5;
	v56 =	vor.u32 v11, v50;
	v7 =	vld.idx.msk [tilespmem:v10+s14+$0x0], $0xffff;
	v60 =	vand.u32 $0x7F, v12;
	v4 =	vand.u32 $0xC00, v57  }
0x148: {  	v2 =	vld.idx.msk [tilespmem:v2+s14+$0x0], $0xffff;
	v48 =	vand.u32 $0x7F, v62;
	v1 =	vor.u32 v44, v56;
	v4 =	vor.u32 v4, v60  }
0x149: {  	s24 =	sor.u32 $0x860, s12;
	v56 =	vshll.u32 v62, $0x3;
	v12 =	vor.u32 v43, v1;
	v57 =	vld [tilespmem:$0x1FFA0];
	v4 =	vor.u32 v46, v4  }
0x14a: {  	v1 =	vor.u32 v34, v6;
	v6 =	vsub.s32 v61, v41;
	v4 =	vor.u32 v47, v4;
	[tilespmem:s24+$0x8400] =	vst v13;
	v13 =	vld [tilespmem:$0x1FE30]  }
0x14b: {  	s31 =	sor.u32 $0x850, s22;
	v63 =	vshll.u32 v6, $0x3;
	v32 =	vand.u32 $0x7F, v6;
	v37 =	vsub.s32 v49, v45;
	v61 =	vld.idx.msk [tilespmem:v39+s14+$0x0], $0xffff  }
0x14c: {  	s25 =	sor.u32 $0x850, s15;
	[tilespmem:s31+$0x8400] =	vst v7;
	v7 =	vand.u32 $0xC00, v56;
	v33 =	vand.u32 $0xC00, v63;
	v50 =	vshll.u32 v37, $0x3;
	v39 =	vld [tilespmem:$0x1FFA0]  }
0x14d: {  	[tilespmem:s25+$0x8400] =	vst v9;
	v5 =	vor.u32 v33, v32;
	v11 =	vand.u32 $0x7F, v37;
	v6 =	vand.u32 $0xC00, v50  }
0x14e: {  	v7 =	vor.u32 v7, v48;
	v5 =	vor.u32 v44, v5;
	v12 =	vld.idx.msk [tilespmem:v12+s14+$0x0], $0xffff;
	v6 =	vor.u32 v6, v11  }
0x14f: {  	v5 =	vor.u32 v43, v5;
	v10 =	vsub.s32 v57, v41;
	v4 =	vld.idx.msk [tilespmem:v4+s14+$0x0], $0xffff;
	v6 =	vor.u32 v46, v6  }
0x150: {  	s25 =	sor.u32 $0x860, s13;
	v48 =	vsub.s32 v38, v41;
	v60 =	vshll.u32 v10, $0x3;
	v6 =	vor.u32 v47, v6  }
0x151: {  	[tilespmem:s25+$0x8400] =	vst v2;
	s25 =	sor.u32 $0x870, s12;
	v62 =	vand.u32 $0x7F, v10;
	v9 =	vand.u32 $0xC00, v60;
	v63 =	vsub.s32 v39, v45  }
0x152: {  	v3 =	vld.idx.msk [tilespmem:v3+s14+$0x0], $0xffff;
	s31 =	sor.u32 $0x860, s15;
	v56 =	vand.u32 $0x7F, v48;
	v2 =	vor.u32 v9, v62;
	[tilespmem:s25+$0x8400] =	vst v61;
	v32 =	vshll.u32 v63, $0x3  }
0x153: {  	s24 =	sor.u32 $0x860, s22;
	[tilespmem:s31+$0x8400] =	vst v12;
	v2 =	vor.u32 v44, v2;
	v10 =	vand.u32 $0x7F, v63;
	v9 =	vand.u32 $0xC00, v32;
	v13 =	vld.idx.msk [tilespmem:v13+s14+$0x0], $0xffff  }
0x154: {  	v12 =	vshll.u32 v48, $0x3;
	v5 =	vld.idx.msk [tilespmem:v5+s14+$0x0], $0xffff;
	v2 =	vor.u32 v43, v2;
	[tilespmem:s24+$0x8400] =	vst v4;
	v33 =	vor.u32 v9, v10  }
0x155: {  	v57 =	vand.u32 $0xC00, v12;
	v12 =	vsub.s32 v38, v45;
	v6 =	vld.idx.msk [tilespmem:v6+s14+$0x0], $0xffff;
	v4 =	vor.u32 v46, v33  }
0x156: {  	s31 =	sor.u32 $0x870, s13;
	v61 =	vshll.u32 v12, $0x3;
	v62 =	vand.u32 $0x7F, v12;
	v12 =	vld [tilespmem:$0x1FE40];
	v4 =	vor.u32 v47, v4  }
0x157: {  	v8 =	vor.u32 v34, v8;
	v37 =	vsub.s32 v55, v35;
	[tilespmem:s31+$0x8400] =	vst v3;
	s31 =	sor.u32 $0xC00, s12;
	v3 =	vor.u32 v57, v56;
	v32 =	vld [tilespmem:$0x1FFB0]  }
0x158: {  	v7 =	vor.u32 v36, v7;
	v50 =	vand.u32 $0x7F, v37;
	v3 =	vor.u32 v44, v3;
	s24 =	sor.u32 $0x870, s15;
	[tilespmem:s31+$0x8400] =	vst v13;
	v13 =	vld [tilespmem:$0x1FFB0]  }
0x159: {  	v60 =	vshll.u32 v37, $0x3;
	v0 =	vld.idx.msk [tilespmem:v0+s14+$0x0], $0xffff;
	s25 =	sor.u32 $0x870, s22;
	v3 =	vor.u32 v43, v3;
	v9 =	vand.u32 $0xC00, v61;
	[tilespmem:s24+$0x8400] =	vst v5  }
0x15a: {  	v5 =	vand.u32 $0xC00, v60;
	v63 =	vor.u32 v9, v62;
	v33 =	vsub.s32 v52, v35;
	v2 =	vld.idx.msk [tilespmem:v2+s14+$0x0], $0xffff;
	[tilespmem:s25+$0x8400] =	vst v6  }
0x15b: {  	v62 =	vsub.s32 v42, v41;
	v5 =	vor.u32 v5, v50;
	v6 =	vor.u32 v46, v63;
	v4 =	vld.idx.msk [tilespmem:v4+s14+$0x0], $0xffff  }
0x15c: {  	v57 =	vand.u32 $0x7F, v33;
	v9 =	vsub.s32 v32, v41;
	v32 =	vld [tilespmem:$0x1FE50];
	v6 =	vor.u32 v47, v6  }
0x15d: {  	v54 =	vld [tilespmem:$0x1FFD0];
	s24 =	sor.u32 $0xC00, s13;
	v61 =	vshll.u32 v33, $0x3;
	v37 =	vshll.u32 v9, $0x3;
	v56 =	vsub.s32 v13, v45  }
0x15e: {  	[tilespmem:s24+$0x8400] =	vst v0;
	v12 =	vld.idx.msk [tilespmem:v12+s14+$0x0], $0xffff;
	v48 =	vand.u32 $0x7F, v9;
	s25 =	sor.u32 $0xC00, s15;
	v50 =	vand.u32 $0xC00, v37;
	v60 =	vshll.u32 v56, $0x3  }
0x15f: {  	v8 =	vld.idx.msk [tilespmem:v8+s14+$0x0], $0xffff;
	s31 =	sor.u32 $0xC00, s22;
	v37 =	vsub.s32 v42, v45;
	[tilespmem:s25+$0x8400] =	vst v2;
	v11 =	vand.u32 $0x7F, v56;
	v9 =	vand.u32 $0xC00, v60  }
0x160: {  	v63 =	vshll.u32 v62, $0x3;
	v0 =	vor.u32 v50, v48;
	v3 =	vld.idx.msk [tilespmem:v3+s14+$0x0], $0xffff;
	[tilespmem:s31+$0x8400] =	vst v4;
	v9 =	vor.u32 v9, v11  }
0x161: {  	v0 =	vor.u32 v44, v0;
	v4 =	vand.u32 $0xC00, v61;
	v6 =	vld.idx.msk [tilespmem:v6+s14+$0x0], $0xffff;
	v9 =	vor.u32 v46, v9  }
0x162: {  	s24 =	sor.u32 $0xC10, s12;
	v2 =	vor.u32 v4, v57;
	v4 =	vand.u32 $0xC00, v63;
	v63 =	vld [tilespmem:$0x1FE60];
	v9 =	vor.u32 v47, v9  }
0x163: {  	v7 =	vor.u32 v34, v7;
	s25 =	sor.u32 $0xC10, s13;
	v50 =	vshll.u32 v37, $0x3;
	v0 =	vor.u32 v43, v0;
	[tilespmem:s24+$0x8400] =	vst v12  }
0x164: {  	v48 =	vor.u32 v36, v5;
	[tilespmem:s25+$0x8400] =	vst v8;
	v5 =	vand.u32 $0xC00, v50;
	v56 =	vand.u32 $0x7F, v37;
	v11 =	vld.idx.msk [tilespmem:v32+s14+$0x0], $0xffff;
	s31 =	sor.u32 $0xC10, s15  }
0x165: {  	v33 =	vand.u32 $0x7F, v62;
	v1 =	vld.idx.msk [tilespmem:v1+s14+$0x0], $0xffff;
	s24 =	sor.u32 $0xC10, s22;
	v5 =	vor.u32 v5, v56;
	v61 =	vsub.s32 v54, v35;
	[tilespmem:s31+$0x8400] =	vst v3  }
0x166: {  	v3 =	vor.u32 v34, v48;
	v48 =	vand.u32 $0x7F, v61;
	v56 =	vshll.u32 v61, $0x3;
	v61 =	vld [tilespmem:$0x1FE70];
	[tilespmem:s24+$0x8400] =	vst v6  }
0x167: {  	v5 =	vor.u32 v46, v5;
	v4 =	vor.u32 v4, v33;
	v60 =	vld.idx.msk [tilespmem:v9+s14+$0x0], $0xffff  }
0x168: {  	s25 =	sor.u32 $0xC20, s12;
	v37 =	vsub.s32 v55, v45;
	v5 =	vor.u32 v47, v5;
	v0 =	vld.idx.msk [tilespmem:v0+s14+$0x0], $0xffff;
	v4 =	vor.u32 v44, v4  }
0x169: {  	v50 =	vshll.u32 v37, $0x3;
	v57 =	vsub.s32 v55, v41;
	s31 =	sor.u32 $0xC20, s13;
	v4 =	vor.u32 v43, v4;
	[tilespmem:s25+$0x8400] =	vst v11  }
0x16a: {  	v10 =	vand.u32 $0x7F, v37;
	v37 =	vsub.s32 v54, v41;
	v62 =	vshll.u32 v57, $0x3;
	[tilespmem:s31+$0x8400] =	vst v1;
	v11 =	vld.idx.msk [tilespmem:v63+s14+$0x0], $0xffff  }
0x16b: {  	v32 =	vand.u32 $0x7F, v57;
	v8 =	vand.u32 $0xC00, v56;
	v7 =	vld.idx.msk [tilespmem:v7+s14+$0x0], $0xffff;
	s25 =	sor.u32 $0xC20, s22;
	v6 =	vand.u32 $0xC00, v50  }
0x16c: {  	v57 =	vsub.s32 v52, v41;
	v33 =	vand.u32 $0xC00, v62;
	s24 =	sor.u32 $0xC20, s15;
	v6 =	vor.u32 v6, v10;
	[tilespmem:s25+$0x8400] =	vst v60  }
0x16d: {  	v62 =	vand.u32 $0x7F, v57;
	[tilespmem:s24+$0x8400] =	vst v0;
	v6 =	vor.u32 v46, v6;
	v60 =	vshll.u32 v57, $0x3;
	v5 =	vld.idx.msk [tilespmem:v5+s14+$0x0], $0xffff  }
0x16e: {  	s31 =	sor.u32 $0xC30, s12;
	v0 =	vor.u32 v8, v48;
	v4 =	vld.idx.msk [tilespmem:v4+s14+$0x0], $0xffff;
	v6 =	vor.u32 v47, v6;
	v8 =	vand.u32 $0xC00, v60  }
0x16f: {  	v2 =	vor.u32 v36, v2;
	v1 =	vor.u32 v33, v32;
	s24 =	sor.u32 $0xC30, s13;
	[tilespmem:s31+$0x8400] =	vst v11;
	v11 =	vor.u32 v8, v62;
	v62 =	vld [tilespmem:$0x1FFE0]  }
0x170: {  	v56 =	vshll.u32 v37, $0x3;
	v1 =	vor.u32 v44, v1;
	[tilespmem:s24+$0x8400] =	vst v7;
	v63 =	vsub.s32 v52, v45;
	v10 =	vld.idx.msk [tilespmem:v61+s14+$0x0], $0xffff  }
0x171: {  	v2 =	vor.u32 v34, v2;
	v1 =	vor.u32 v43, v1;
	v3 =	vld.idx.msk [tilespmem:v3+s14+$0x0], $0xffff;
	v32 =	vshll.u32 v63, $0x3;
	s31 =	sor.u32 $0xC30, s22  }
0x172: {  	v33 =	vand.u32 $0x7F, v63;
	v7 =	vand.u32 $0xC00, v32;
	v57 =	vsub.s32 v54, v45;
	v61 =	vld [tilespmem:$0x1FE80];
	[tilespmem:s31+$0x8400] =	vst v5  }
0x173: {  	v50 =	vand.u32 $0x7F, v37;
	s25 =	sor.u32 $0xC30, s15;
	v48 =	vor.u32 v7, v33;
	v60 =	vshll.u32 v57, $0x3;
	v6 =	vld.idx.msk [tilespmem:v6+s14+$0x0], $0xffff  }
0x174: {  	s24 =	sor.u32 $0xC40, s12;
	v9 =	vand.u32 $0x7F, v57;
	[tilespmem:s25+$0x8400] =	vst v4;
	v8 =	vand.u32 $0xC00, v56;
	v4 =	vor.u32 v44, v11  }
0x175: {  	v7 =	vor.u32 v8, v50;
	v8 =	vand.u32 $0xC00, v60;
	[tilespmem:s24+$0x8400] =	vst v10;
	v10 =	vsub.s32 v62, v35  }
0x176: {  	s25 =	sor.u32 $0xC40, s13;
	v1 =	vld.idx.msk [tilespmem:v1+s14+$0x0], $0xffff;
	v4 =	vor.u32 v43, v4;
	v32 =	vor.u32 v8, v9;
	v33 =	vshll.u32 v10, $0x3  }
0x177: {  	[tilespmem:s25+$0x8400] =	vst v3;
	v50 =	vld [tilespmem:$0x1FE90];
	v5 =	vor.u32 v46, v48;
	s24 =	sor.u32 $0xC40, s22;
	v35 =	vand.u32 $0x7F, v10;
	v8 =	vand.u32 $0xC00, v33  }
0x178: {  	v63 =	vld.idx.msk [tilespmem:v2+s14+$0x0], $0xffff;
	v5 =	vor.u32 v47, v5;
	[tilespmem:s24+$0x8400] =	vst v6;
	v6 =	vor.u32 v8, v35  }
0x179: {  	v0 =	vor.u32 v36, v0;
	v6 =	vor.u32 v36, v6;
	v36 =	vld [tilespmem:$0x1FFE0]  }
0x17a: {  	v0 =	vor.u32 v34, v0;
	s31 =	sor.u32 $0xC40, s15;
	v37 =	vor.u32 v34, v6;
	v34 =	vld [tilespmem:$0x1FFE0]  }
0x17b: {  	[tilespmem:s31+$0x8400] =	vst v1;
	v3 =	vld.idx.msk [tilespmem:v61+s14+$0x0], $0xffff  }
0x17c: {  	v7 =	vor.u32 v44, v7;
	v4 =	vld.idx.msk [tilespmem:v4+s14+$0x0], $0xffff  }
0x17d: {  	v7 =	vor.u32 v43, v7;
	v2 =	vor.u32 v46, v32;
	v5 =	vld.idx.msk [tilespmem:v5+s14+$0x0], $0xffff  }
0x17e: {  	v2 =	vor.u32 v47, v2;
	s31 =	sor.u32 $0xC50, s13;
	v8 =	vsub.s32 v36, v41  }
0x17f: {  	s25 =	sor.u32 $0xC50, s12;
	[tilespmem:s31+$0x8400] =	vst v63;
	v63 =	vld [tilespmem:$0x1FEA0];
	v41 =	vshll.u32 v8, $0x3;
	v48 =	vsub.s32 v34, v45  }
0x180: {  	v0 =	vld.idx.msk [tilespmem:v0+s14+$0x0], $0xffff;
	s24 =	sor.u32 $0xC50, s15;
	[tilespmem:s25+$0x8400] =	vst v3;
	v56 =	vand.u32 $0x7F, v8;
	v6 =	vand.u32 $0xC00, v41;
	v57 =	vshll.u32 v48, $0x3  }
0x181: {  	[tilespmem:s24+$0x8400] =	vst v4;
	s25 =	sor.u32 $0xC50, s22;
	v10 =	vld.idx.msk [tilespmem:v50+s14+$0x0], $0xffff;
	v60 =	vand.u32 $0x7F, v48;
	v1 =	vor.u32 v6, v56;
	v61 =	vand.u32 $0xC00, v57  }
0x182: {  	v62 =	vld.idx.msk [tilespmem:v7+s14+$0x0], $0xffff;
	[tilespmem:s25+$0x8400] =	vst v5;
	v1 =	vor.u32 v44, v1;
	v4 =	vor.u32 v61, v60  }
0x183: {  	v2 =	vld.idx.msk [tilespmem:v2+s14+$0x0], $0xffff;
	v1 =	vor.u32 v43, v1;
	v4 =	vor.u32 v46, v4  }
0x184: {  	s24 =	sor.u32 $0xC60, s13;
	v4 =	vor.u32 v47, v4  }
0x185: {  	s31 =	sor.u32 $0xC60, s12;
	[tilespmem:s24+$0x8400] =	vst v0  }
0x186: {  	s25 =	sor.u32 $0xC60, s15;
	v3 =	vld.idx.msk [tilespmem:v37+s14+$0x0], $0xffff;
	[tilespmem:s31+$0x8400] =	vst v10  }
0x187: {  	[tilespmem:s25+$0x8400] =	vst v62;
	s31 =	sor.u32 $0xC60, s22;
	v0 =	vld.idx.msk [tilespmem:v63+s14+$0x0], $0xffff  }
0x188: {  	[tilespmem:s31+$0x8400] =	vst v2;
	v1 =	vld.idx.msk [tilespmem:v1+s14+$0x0], $0xffff  }
0x189: {  	p2 =	slt.u32 s8, $0x1C;
	v2 =	vld.idx.msk [tilespmem:v4+s14+$0x0], $0xffff  }
.Ltmp0:
0x18a: {  	s24 =	sor.u32 $0xC70, s13;
	(pc) =	sbr.rel @p2 .LBB2_3-.Ltmp0, $4  }
0x18b: {  	s12 =	sor.u32 $0xC70, s12;
	[tilespmem:s24+$0x8400] =	vst v3  }
0x18c: {  	s8 =	sadd.s32 $0x4, s8;
	s25 =	sor.u32 $0xC70, s15;
	[tilespmem:s12+$0x8400] =	vst v0  }
0x18d: {  	s2 =	sadd.s32 $0x2, s2;
	s0 =	sadd.s32 $0x200, s0;
	s31 =	sor.u32 $0xC70, s22;
	[tilespmem:s25+$0x8400] =	vst v1  }
0x18e: {  	s9 =	sadd.s32 $0x4, s9;
	p1 =	por !p1, !p1;
	s7 =	sadd.s32 $0x800, s7;
	[tilespmem:s31+$0x8400] =	vst v2  }
0x18f: {  	s0 =	sshll.u32 s29, $0x10  }
0x190: {  	s0 =	sadd.s32 s5, s0  }
0x191: {  	s25 =	sshll.u32 s30, $0xE;
	s0 =	sshrl.u32 s0, $0x3  }
0x192: {  	s2 =	sadd.s32 s25, s5;
	s0 =	sadd.s32 s3, s0  }
0x193: {  	[hbm4b:s0+s4] =	stream.linear.scatter [tilespmem:s17], [sflag:$0x3], $0x4000, $0x38;
	[tilespmem:$0x18400] =	vst v63  }
0x194: {  	s0 =	sadd.s32 $0x8000, s2  }
0x195: {  	s31 =	sshrl.u32 s0, $0x3  }
0x196: {  	s0 =	sadd.s32 s1, s31  }
0x197: {  	[tilespmem:s14], [sflag:$0x1] =	stream.linear.gather [hbm4b:s0+s4], $0x4000, $0x38;
	[tilespmem:$0x18400] =	vst v63  }
0x198: {  	_ =	swait.ge [sflag:s18], $0x4000  }
0x199: {  	[sflag:s18] =	ssyncset.done $0x0  }
0x19a: {  	s7 =	simm.s32 @!p0 $0x4;
	s13 =	simm.s32 $0x180;
	[sflag:s18] =	ssyncadd.s32 $0xFFFFC000  }
0x19b: {  	p1 =	por $0x0, $0x0;
	s9 =	simm.s32 $0x0;
	_ =	swait.ge @!p0 [sflag:s7], $0x4000  }
0x19c: {  	s12 =	simm.s32 $0x0;
	s8 =	simm.s32 $0x0;
	[sflag:s7] =	ssyncset.done @!p0 $0x0  }
0x19d: {  	v37 =	vmov v23;
	v23 =	vmov v53;
	s0 =	sor.u32 $0x1, s30;
	[sflag:s7] =	ssyncadd.s32 @!p0 $0xFFFFC000;
	s7 =	simm.s32 $0x0  }
.LBB2_5:
0x19e: {  	s15 =	sadd.s32 s8, s28  }
0x19f: {  	s22 =	sadd.s32 $0x20, s15  }
0x1a0: {  	v0 =	vmov s22  }
0x1a1: {  	v0 =	vand.u32 $0xFFFFFFFC, v0  }
0x1a2: {  	v0 =	vbroadcast v0, $0x0;
	_ =	sdelay $0x5  }
0x1a3: {  	v7 =	vld.idx.msk [tilespmem:v0+s4+$0x0], $0xffff;
	_ =	sdelay $0x1  }
0x1a4: {  	v32 =	vmov s8  }
0x1a5: {  	v2 =	vshll.u32 v32, $0x9;
	v0 =	vshll.u32 v32, $0x7  }
0x1a6: {  	v3 =	vand.u32 $0x3000, v2;
	v5 =	vand.u32 $0x200, v0  }
0x1a7: {  	v1 =	vsub.s32 v58, v7;
	v33 =	vsub.s32 v40, v7;
	v41 =	vsub.s32 v37, v7  }
0x1a8: {  	v44 =	vsub.s32 v26, v7;
	v49 =	vsub.s32 v27, v7;
	v52 =	vsub.s32 v28, v7  }
0x1a9: {  	v60 =	vsub.s32 v29, v7;
	v63 =	vsub.s32 v30, v7;
	v4 =	vand.u32 $0x7F, v1  }
0x1aa: {  	v1 =	vshll.u32 v1, $0x3;
	v36 =	vshll.u32 v33, $0x3;
	v2 =	vand.u32 $0x7F, v33  }
0x1ab: {  	v43 =	vshll.u32 v41, $0x3;
	v8 =	vshll.u32 v44, $0x3;
	v45 =	vand.u32 $0x7F, v44  }
0x1ac: {  	v50 =	vshll.u32 v49, $0x3;
	v9 =	vshll.u32 v52, $0x3;
	v53 =	vand.u32 $0x7F, v52  }
0x1ad: {  	v62 =	vshll.u32 v60, $0x3;
	v33 =	vshll.u32 v63, $0x3;
	v44 =	vsub.s32 v31, v7  }
0x1ae: {  	v1 =	vand.u32 $0xC00, v1;
	v8 =	vand.u32 $0xC00, v8;
	v56 =	vand.u32 $0xC00, v9  }
0x1af: {  	v35 =	vor.u32 v1, v4;
	v1 =	vand.u32 $0xC00, v36;
	v47 =	vor.u32 v8, v45  }
0x1b0: {  	v8 =	vand.u32 $0x7F, v60;
	v45 =	vshll.u32 v44, $0x3;
	v0 =	vor.u32 v3, v35  }
0x1b1: {  	v39 =	vor.u32 v1, v2;
	v1 =	vand.u32 $0x7F, v41;
	v2 =	vand.u32 $0xC00, v43  }
0x1b2: {  	v48 =	vor.u32 v3, v47;
	v6 =	vor.u32 v5, v0;
	v0 =	vor.u32 v3, v39  }
0x1b3: {  	v35 =	vand.u32 $0x7F, v63;
	v1 =	vor.u32 v2, v1;
	v4 =	vor.u32 v5, v0  }
0x1b4: {  	v46 =	vor.u32 v3, v1;
	v1 =	vand.u32 $0x7F, v49;
	v0 =	vand.u32 $0xC00, v50  }
0x1b5: {  	v57 =	vor.u32 v5, v48;
	v2 =	vor.u32 v5, v46;
	v0 =	vor.u32 v0, v1  }
0x1b6: {  	v1 =	vor.u32 v56, v53;
	v46 =	vsub.s32 v20, v7;
	v56 =	vsub.s32 v21, v7  }
0x1b7: {  	v0 =	vor.u32 v3, v0;
	v61 =	vor.u32 v3, v1;
	v1 =	vand.u32 $0xC00, v62  }
0x1b8: {  	v10 =	vshll.u32 v46, $0x3;
	v47 =	vand.u32 $0x7F, v46;
	v53 =	vor.u32 v5, v0  }
0x1b9: {  	v49 =	vor.u32 v5, v61;
	v32 =	vor.u32 v1, v8;
	v1 =	vand.u32 $0xC00, v33  }
0x1ba: {  	v8 =	vand.u32 $0xC00, v45;
	v48 =	vand.u32 $0xC00, v10;
	v33 =	vshll.u32 v56, $0x3  }
0x1bb: {  	v0 =	vor.u32 v3, v32;
	v43 =	vor.u32 v1, v35;
	v1 =	vand.u32 $0x7F, v44  }
0x1bc: {  	v52 =	vor.u32 v48, v47;
	v35 =	vsub.s32 v22, v7;
	v44 =	vsub.s32 v19, v7  }
0x1bd: {  	v47 =	vsub.s32 v18, v7;
	v39 =	vor.u32 v5, v0;
	v0 =	vor.u32 v3, v43  }
0x1be: {  	v1 =	vor.u32 v8, v1;
	v8 =	vand.u32 $0x7F, v56;
	v36 =	vshll.u32 v35, $0x3  }
0x1bf: {  	v41 =	vand.u32 $0x7F, v35;
	v46 =	vshll.u32 v44, $0x3;
	v9 =	vand.u32 $0x7F, v44  }
0x1c0: {  	v32 =	vor.u32 v5, v0;
	v50 =	vor.u32 v3, v1;
	v1 =	vor.u32 v3, v52  }
0x1c1: {  	v43 =	vand.u32 $0xC00, v36;
	v52 =	vand.u32 $0x7F, v47;
	v36 =	vsub.s32 v59, v7  }
0x1c2: {  	v0 =	vor.u32 v5, v50;
	v63 =	vor.u32 v5, v1;
	v1 =	vand.u32 $0xC00, v33  }
0x1c3: {  	v50 =	vshll.u32 v47, $0x3;
	v33 =	vsub.s32 v24, v7;
	v11 =	vshll.u32 v36, $0x3  }
0x1c4: {  	v47 =	vsub.s32 v23, v7;
	v1 =	vor.u32 v1, v8;
	v8 =	vor.u32 v43, v41  }
0x1c5: {  	v35 =	vshll.u32 v33, $0x3;
	v41 =	vand.u32 $0x7F, v36;
	v43 =	vand.u32 $0xC00, v11  }
0x1c6: {  	v1 =	vor.u32 v3, v1;
	v45 =	vor.u32 v3, v8;
	v8 =	vand.u32 $0xC00, v46  }
0x1c7: {  	v62 =	vor.u32 v5, v1;
	v61 =	vor.u32 v5, v45;
	v48 =	vor.u32 v8, v9  }
0x1c8: {  	v8 =	vand.u32 $0xC00, v50;
	v9 =	vand.u32 $0xC00, v35;
	v45 =	vor.u32 v43, v41  }
0x1c9: {  	v50 =	vshll.u32 v47, $0x3;
	v41 =	vsub.s32 v25, v7;
	v1 =	vor.u32 v3, v48  }
0x1ca: {  	v56 =	vor.u32 v8, v52;
	v8 =	vand.u32 $0x7F, v33;
	v46 =	vor.u32 v3, v45  }
0x1cb: {  	v52 =	vsub.s32 v17, v7;
	v45 =	vsub.s32 v16, v7;
	v60 =	vor.u32 v5, v1  }
0x1cc: {  	v1 =	vor.u32 v3, v56;
	v8 =	vor.u32 v9, v8;
	v48 =	vor.u32 v5, v46  }
0x1cd: {  	v56 =	vshll.u32 v52, $0x3;
	v35 =	vand.u32 $0x7F, v52;
	v9 =	vand.u32 $0x7F, v41  }
0x1ce: {  	v59 =	vor.u32 v5, v1;
	v44 =	vor.u32 v3, v8;
	v8 =	vand.u32 $0x7F, v47  }
0x1cf: {  	v1 =	vand.u32 $0xC00, v50;
	v36 =	vand.u32 $0xC00, v56;
	v47 =	vshll.u32 v45, $0x3  }
0x1d0: {  	v56 =	vand.u32 $0x7F, v45;
	v33 =	vor.u32 v5, v44;
	v1 =	vor.u32 v1, v8  }
0x1d1: {  	v8 =	vor.u32 v36, v35;
	v44 =	vshll.u32 v41, $0x3;
	v35 =	vsub.s32 v15, v7  }
0x1d2: {  	v41 =	vsub.s32 v51, v7;
	v1 =	vor.u32 v3, v1;
	v43 =	vor.u32 v3, v8  }
0x1d3: {  	v8 =	vand.u32 $0xC00, v44;
	v36 =	vshll.u32 v35, $0x3;
	v12 =	vshll.u32 v41, $0x3  }
0x1d4: {  	v50 =	vor.u32 v5, v1;
	v52 =	vor.u32 v5, v43;
	v46 =	vor.u32 v8, v9  }
0x1d5: {  	v8 =	vand.u32 $0xC00, v47;
	v9 =	vand.u32 $0x7F, v35;
	v10 =	vand.u32 $0xC00, v36  }
0x1d6: {  	v43 =	vand.u32 $0x7F, v41;
	v44 =	vand.u32 $0xC00, v12;
	v12 =	vsub.s32 v55, v7  }
0x1d7: {  	v36 =	vld [tilespmem:$0x1FF90];
	v1 =	vor.u32 v3, v46;
	v8 =	vor.u32 v8, v56;
	v9 =	vor.u32 v10, v9  }
0x1d8: {  	v46 =	vor.u32 v44, v43;
	v56 =	vsub.s32 v14, v7;
	v1 =	vor.u32 v5, v1  }
0x1d9: {  	v8 =	vor.u32 v3, v8;
	v45 =	vor.u32 v3, v9;
	v47 =	vor.u32 v3, v46  }
0x1da: {  	v35 =	vshll.u32 v56, $0x3;
	v51 =	vor.u32 v5, v8;
	v8 =	vor.u32 v5, v45;
	v45 =	vld [tilespmem:$0x1FFA0]  }
0x1db: {  	v9 =	vand.u32 $0x7F, v56;
	v56 =	vsub.s32 v38, v7;
	[tilespmem:$0x1FD60] =	vst v8;
	v8 =	vor.u32 v5, v47  }
0x1dc: {  	[tilespmem:$0x1FD70] =	vst v8;
	v10 =	vsub.s32 v36, v7;
	v8 =	vand.u32 $0xC00, v35;
	v36 =	vshll.u32 v56, $0x3  }
0x1dd: {  	v41 =	vshll.u32 v10, $0x3;
	v8 =	vor.u32 v8, v9;
	v43 =	vand.u32 $0x7F, v10  }
0x1de: {  	s23 =	sadd.s32 $0x21, s15;
	v44 =	vand.u32 $0xC00, v41;
	v8 =	vor.u32 v3, v8;
	v41 =	vand.u32 $0x7F, v56  }
0x1df: {  	v56 =	vmov s23;
	v9 =	vor.u32 v44, v43;
	v10 =	vsub.s32 v45, v7  }
0x1e0: {  	v8 =	vor.u32 v5, v8;
	v43 =	vsub.s32 v13, v7;
	v13 =	vshll.u32 v12, $0x3  }
0x1e1: {  	v12 =	vand.u32 $0x7F, v12;
	v46 =	vor.u32 v3, v9;
	v47 =	vshll.u32 v10, $0x3  }
0x1e2: {  	v10 =	vand.u32 $0x7F, v10;
	v44 =	vshll.u32 v43, $0x3;
	v11 =	vand.u32 $0x7F, v43  }
0x1e3: {  	v13 =	vand.u32 $0xC00, v13;
	v9 =	vand.u32 $0xC00, v47;
	v38 =	vor.u32 v5, v46  }
0x1e4: {  	v43 =	vld [tilespmem:$0x1FFF0];
	v47 =	vsub.s32 v42, v7;
	v35 =	vor.u32 v9, v10;
	v9 =	vand.u32 $0xC00, v36  }
0x1e5: {  	[tilespmem:$0x1FD80] =	vst v8;
	v10 =	vand.u32 $0xC00, v44;
	v8 =	vor.u32 v3, v35;
	v9 =	vor.u32 v9, v41  }
0x1e6: {  	v46 =	vor.u32 v10, v11;
	v35 =	vand.u32 $0x7F, v47;
	v10 =	vand.u32 $0xFFFFFFFD, v56  }
0x1e7: {  	v41 =	vor.u32 v13, v12;
	v9 =	vor.u32 v3, v9;
	v8 =	vor.u32 v5, v8  }
0x1e8: {  	v10 =	vbroadcast v10, $0x0;
	[tilespmem:$0x1FD90] =	vst v8;
	v45 =	vor.u32 v5, v9;
	v8 =	vor.u32 v3, v46  }
0x1e9: {  	v9 =	vshll.u32 v47, $0x3;
	v11 =	vsub.s32 v43, v7;
	v47 =	vsub.s32 v54, v7  }
0x1ea: {  	v7 =	vsub.s32 v34, v7;
	v9 =	vand.u32 $0xC00, v9;
	v8 =	vor.u32 v5, v8  }
0x1eb: {  	[tilespmem:$0x1FDA0] =	vst v45;
	v45 =	vshll.u32 v11, $0x3;
	v46 =	vand.u32 $0x7F, v11;
	v56 =	vshll.u32 v47, $0x3  }
0x1ec: {  	v36 =	vor.u32 v9, v35;
	v9 =	vor.u32 v3, v41;
	v41 =	vshll.u32 v7, $0x3  }
0x1ed: {  	[tilespmem:$0x1FDB0] =	vst v8;
	v7 =	vand.u32 $0x7F, v7;
	v8 =	vor.u32 v3, v36;
	v44 =	vor.u32 v5, v9  }
0x1ee: {  	v36 =	vand.u32 $0x7F, v47;
	v9 =	vand.u32 $0xC00, v56;
	v8 =	vor.u32 v5, v8  }
0x1ef: {  	v43 =	vand.u32 $0xC00, v41;
	v9 =	vor.u32 v9, v36;
	[tilespmem:$0x1FDC0] =	vst v8;
	v8 =	vand.u32 $0xC00, v45;
	v35 =	vld.idx.msk [tilespmem:v10+s4+$0x0], $0xffff  }
0x1f0: {  	s24 =	sadd.s32 $0x1, s8;
	v7 =	vor.u32 v43, v7;
	v9 =	vor.u32 v3, v9;
	v8 =	vor.u32 v8, v46  }
0x1f1: {  	[tilespmem:$0x1FDD0] =	vst v44;
	v44 =	vor.u32 v5, v9;
	v46 =	vmov s24;
	v8 =	vor.u32 v3, v8  }
0x1f2: {  	v3 =	vor.u32 v3, v7;
	v36 =	vshll.u32 v46, $0x9;
	v8 =	vor.u32 v5, v8  }
0x1f3: {  	v56 =	vor.u32 v5, v3;
	v36 =	vand.u32 $0x3000, v36;
	v5 =	vshll.u32 v46, $0x7  }
0x1f4: {  	v34 =	vand.u32 $0x280, v5;
	v45 =	vsub.s32 v58, v35;
	v41 =	vsub.s32 v40, v35  }
0x1f5: {  	[tilespmem:$0x1FDF0] =	vst v44;
	v44 =	vsub.s32 v37, v35;
	v19 =	vsub.s32 v22, v35;
	v47 =	vand.u32 $0x7F, v45  }
0x1f6: {  	v3 =	vshll.u32 v45, $0x3;
	v43 =	vshll.u32 v41, $0x3;
	v5 =	vand.u32 $0x7F, v41  }
0x1f7: {  	v45 =	vshll.u32 v44, $0x3;
	v46 =	vand.u32 $0x7F, v44;
	v3 =	vand.u32 $0xC00, v3  }
0x1f8: {  	v44 =	vsub.s32 v26, v35;
	v7 =	vand.u32 $0xC00, v43;
	v3 =	vor.u32 v3, v47  }
0x1f9: {  	v5 =	vor.u32 v7, v5;
	v47 =	vand.u32 $0xC00, v45;
	v45 =	vshll.u32 v44, $0x3  }
0x1fa: {  	v3 =	vor.u32 v36, v3;
	v11 =	vor.u32 v36, v5;
	v41 =	vor.u32 v47, v46  }
0x1fb: {  	v46 =	vsub.s32 v27, v35;
	v5 =	vand.u32 $0x7F, v44;
	v44 =	vsub.s32 v28, v35  }
0x1fc: {  	v18 =	vor.u32 v34, v3;
	v17 =	vor.u32 v34, v11;
	v43 =	vor.u32 v36, v41  }
0x1fd: {  	v3 =	vand.u32 $0xC00, v45;
	v47 =	vshll.u32 v46, $0x3;
	v41 =	vand.u32 $0x7F, v46  }
0x1fe: {  	v46 =	vshll.u32 v44, $0x3;
	v7 =	vand.u32 $0x7F, v44;
	v44 =	vsub.s32 v30, v35  }
0x1ff: {  	v16 =	vor.u32 v34, v43;
	v3 =	vor.u32 v3, v5;
	v43 =	vand.u32 $0xC00, v47  }
0x200: {  	v47 =	vsub.s32 v29, v35;
	v3 =	vor.u32 v36, v3;
	v5 =	vor.u32 v43, v41  }
0x201: {  	v11 =	vshll.u32 v47, $0x3;
	v41 =	vand.u32 $0x7F, v47;
	v15 =	vor.u32 v34, v3  }
0x202: {  	v45 =	vor.u32 v36, v5;
	v5 =	vand.u32 $0xC00, v46;
	v46 =	vsub.s32 v31, v35  }
0x203: {  	v14 =	vor.u32 v34, v45;
	v10 =	vor.u32 v5, v7;
	v5 =	vand.u32 $0xC00, v11  }
0x204: {  	v45 =	vshll.u32 v44, $0x3;
	v47 =	vshll.u32 v46, $0x3;
	v3 =	vor.u32 v36, v10  }
0x205: {  	v43 =	vor.u32 v5, v41;
	v5 =	vand.u32 $0x7F, v44;
	v7 =	vand.u32 $0xC00, v45  }
0x206: {  	v41 =	vand.u32 $0x7F, v46;
	v13 =	vor.u32 v34, v3;
	v3 =	vor.u32 v36, v43  }
0x207: {  	v5 =	vor.u32 v7, v5;
	v43 =	vand.u32 $0xC00, v47;
	v47 =	vsub.s32 v20, v35  }
0x208: {  	s25 =	sadd.s32 $0x22, s15;
	v44 =	vor.u32 v36, v5;
	v45 =	vor.u32 v43, v41;
	v41 =	vand.u32 $0x7F, v47  }
0x209: {  	v43 =	vmov s25;
	v11 =	vor.u32 v34, v44;
	v44 =	vsub.s32 v21, v35  }
0x20a: {  	v46 =	vor.u32 v36, v45;
	v7 =	vand.u32 $0xFFFFFFFE, v43;
	v45 =	vshll.u32 v44, $0x3  }
0x20b: {  	v5 =	vshll.u32 v47, $0x3;
	v7 =	vbroadcast v7, $0x0;
	v47 =	vand.u32 $0xC00, v45;
	v45 =	vld [tilespmem:$0x1FEF0]  }
0x20c: {  	v12 =	vor.u32 v34, v3;
	v5 =	vand.u32 $0xC00, v5;
	v43 =	vshll.u32 v19, $0x3  }
0x20d: {  	s15 =	sadd.s32 $0x23, s15;
	v21 =	vld [tilespmem:$0x1FF00];
	v10 =	vor.u32 v34, v46;
	v3 =	vor.u32 v5, v41;
	v46 =	vand.u32 $0x7F, v44  }
0x20e: {  	v44 =	vand.u32 $0x7F, v19;
	v19 =	vmov s15;
	v5 =	vor.u32 v47, v46  }
0x20f: {  	v3 =	vor.u32 v36, v3;
	v41 =	vor.u32 v36, v5;
	v5 =	vand.u32 $0xC00, v43  }
0x210: {  	s23 =	sadd.s32 $0x2, s8;
	v9 =	vor.u32 v34, v3;
	v3 =	vor.u32 v5, v44;
	v5 =	vsub.s32 v45, v35  }
0x211: {  	[tilespmem:$0x1FDE0] =	vst v8;
	v22 =	vmov s23;
	v8 =	vor.u32 v34, v41;
	v41 =	vld.idx.msk [tilespmem:v7+s4+$0x0], $0xffff;
	v20 =	vshll.u32 v5, $0x3  }
0x212: {  	v21 =	vsub.s32 v21, v35;
	v5 =	vand.u32 $0x7F, v5;
	v46 =	vand.u32 $0xC00, v20  }
0x213: {  	v3 =	vor.u32 v36, v3;
	v20 =	vshll.u32 v21, $0x3;
	v5 =	vor.u32 v46, v5  }
0x214: {  	v45 =	vld.idx.msk [tilespmem:v19+s4+$0x0], $0xffff;
	v21 =	vand.u32 $0x7F, v21;
	v20 =	vand.u32 $0xC00, v20;
	v47 =	vor.u32 v36, v5  }
0x215: {  	v7 =	vor.u32 v34, v3;
	v20 =	vor.u32 v20, v21;
	v5 =	vor.u32 v34, v47  }
0x216: {  	v43 =	vor.u32 v36, v20;
	v20 =	vsub.s32 v24, v35;
	v21 =	vsub.s32 v58, v41  }
0x217: {  	v24 =	vshll.u32 v22, $0x9;
	v22 =	vshll.u32 v22, $0x7;
	v3 =	vor.u32 v34, v43  }
0x218: {  	v19 =	vand.u32 $0x7F, v20;
	v20 =	vshll.u32 v20, $0x3;
	v23 =	vshll.u32 v21, $0x3  }
0x219: {  	v21 =	vand.u32 $0x7F, v21;
	v43 =	vand.u32 $0x300, v22;
	v22 =	vsub.s32 v58, v45  }
0x21a: {  	v44 =	vand.u32 $0x3000, v24;
	v23 =	vand.u32 $0xC00, v23;
	v24 =	vshll.u32 v22, $0x3  }
0x21b: {  	s24 =	sadd.s32 $0x3, s8;
	v22 =	vand.u32 $0x7F, v22;
	v20 =	vand.u32 $0xC00, v20;
	v21 =	vor.u32 v23, v21  }
0x21c: {  	v23 =	vmov s24;
	v24 =	vand.u32 $0xC00, v24;
	v21 =	vor.u32 v44, v21  }
0x21d: {  	v46 =	vshll.u32 v23, $0x9;
	v23 =	vshll.u32 v23, $0x7;
	v22 =	vor.u32 v24, v22  }
0x21e: {  	v24 =	vsub.s32 v40, v41;
	v21 =	vor.u32 v43, v21;
	v46 =	vand.u32 $0x3000, v46  }
0x21f: {  	v25 =	vld.idx.msk [tilespmem:v6+s16+$0x0], $0xffff;
	v47 =	vand.u32 $0x380, v23;
	v23 =	vshll.u32 v24, $0x3;
	v22 =	vor.u32 v46, v22  }
0x220: {  	v58 =	vand.u32 $0x7F, v24;
	v24 =	vsub.s32 v40, v45;
	v22 =	vor.u32 v47, v22  }
0x221: {  	s23 =	sadd.s32 $0xFFFFFE80, s13;
	v18 =	vld.idx.msk [tilespmem:v18+s16+$0x0], $0xffff;
	s25 =	sand.u32 $0x3000, s9;
	v19 =	vor.u32 v20, v19;
	v23 =	vand.u32 $0xC00, v23;
	v20 =	vshll.u32 v24, $0x3  }
0x222: {  	s22 =	sand.u32 $0x200, s23;
	s25 =	sor.u32 $0xC400, s25;
	v6 =	vor.u32 v23, v58;
	v23 =	vand.u32 $0x7F, v24;
	v20 =	vand.u32 $0xC00, v20  }
0x223: {  	s23 =	sadd.s32 $0xFFFFFF00, s13;
	s15 =	sor.u32 s22, s25;
	v6 =	vor.u32 v44, v6;
	v20 =	vor.u32 v20, v23;
	v23 =	vld [tilespmem:$0x1FF20]  }
0x224: {  	[tilespmem:s15+$0x0] =	vst v25;
	s24 =	sand.u32 $0x280, s23;
	v19 =	vor.u32 v36, v19;
	v24 =	vor.u32 v43, v6;
	v21 =	vld.idx.msk [tilespmem:v21+s16+$0x0], $0xffff  }
0x225: {  	s24 =	sor.u32 s24, s25;
	v6 =	vor.u32 v34, v19;
	v19 =	vsub.s32 v37, v41;
	v20 =	vor.u32 v46, v20;
	v22 =	vld.idx.msk [tilespmem:v22+s16+$0x0], $0xffff  }
0x226: {  	s23 =	sadd.s32 $0xFFFFFF80, s13;
	[tilespmem:s24+$0x0] =	vst v18;
	v25 =	vshll.u32 v19, $0x3;
	v20 =	vor.u32 v47, v20  }
0x227: {  	s23 =	sand.u32 $0x300, s23;
	v17 =	vld.idx.msk [tilespmem:v17+s16+$0x0], $0xffff;
	v18 =	vand.u32 $0x7F, v19;
	v19 =	vand.u32 $0xC00, v25  }
0x228: {  	s22 =	sand.u32 $0x380, s13;
	v4 =	vld.idx.msk [tilespmem:v4+s16+$0x0], $0xffff;
	s23 =	sor.u32 s23, s25;
	v25 =	vsub.s32 v37, v45;
	v18 =	vor.u32 v19, v18  }
0x229: {  	s22 =	sor.u32 s22, s25;
	v19 =	vshll.u32 v25, $0x3;
	v25 =	vand.u32 $0x7F, v25;
	v18 =	vor.u32 v44, v18;
	[tilespmem:s23+$0x0] =	vst v21  }
0x22a: {  	v23 =	vsub.s32 v23, v35;
	v19 =	vand.u32 $0xC00, v19;
	v18 =	vor.u32 v43, v18;
	v24 =	vld.idx.msk [tilespmem:v24+s16+$0x0], $0xffff;
	[tilespmem:s22+$0x0] =	vst v22  }
0x22b: {  	v19 =	vor.u32 v19, v25;
	v21 =	vand.u32 $0x7F, v23;
	v22 =	vshll.u32 v23, $0x3;
	v20 =	vld.idx.msk [tilespmem:v20+s16+$0x0], $0xffff  }
0x22c: {  	[tilespmem:s24+$0x10] =	vst v17;
	v19 =	vor.u32 v46, v19;
	v23 =	vsub.s32 v26, v41;
	v22 =	vand.u32 $0xC00, v22  }
0x22d: {  	[tilespmem:s15+$0x10] =	vst v4;
	v16 =	vld.idx.msk [tilespmem:v16+s16+$0x0], $0xffff;
	v19 =	vor.u32 v47, v19;
	v4 =	vor.u32 v22, v21;
	v21 =	vshll.u32 v23, $0x3  }
0x22e: {  	v22 =	vld.idx.msk [tilespmem:v2+s16+$0x0], $0xffff;
	v2 =	vand.u32 $0x7F, v23;
	v17 =	vand.u32 $0xC00, v21;
	v21 =	vsub.s32 v26, v45  }
0x22f: {  	[tilespmem:s23+$0x10] =	vst v24;
	v2 =	vor.u32 v17, v2;
	v17 =	vshll.u32 v21, $0x3  }
0x230: {  	v4 =	vor.u32 v36, v4;
	v21 =	vand.u32 $0x7F, v21;
	v17 =	vand.u32 $0xC00, v17;
	[tilespmem:s22+$0x10] =	vst v20;
	v20 =	vld [tilespmem:$0x1FEB0]  }
0x231: {  	v18 =	vld.idx.msk [tilespmem:v18+s16+$0x0], $0xffff;
	v23 =	vor.u32 v44, v2;
	v17 =	vor.u32 v17, v21;
	v21 =	vsub.s32 v27, v41  }
0x232: {  	v2 =	vor.u32 v34, v4;
	v4 =	vor.u32 v43, v23;
	v23 =	vshll.u32 v21, $0x3  }
0x233: {  	[tilespmem:s24+$0x20] =	vst v16;
	v19 =	vld.idx.msk [tilespmem:v19+s16+$0x0], $0xffff;
	v17 =	vor.u32 v46, v17;
	v16 =	vand.u32 $0x7F, v21;
	v21 =	vand.u32 $0xC00, v23  }
0x234: {  	v15 =	vld.idx.msk [tilespmem:v15+s16+$0x0], $0xffff;
	[tilespmem:s15+$0x20] =	vst v22;
	v17 =	vor.u32 v47, v17;
	v16 =	vor.u32 v21, v16  }
0x235: {  	v24 =	vld.idx.msk [tilespmem:v57+s16+$0x0], $0xffff;
	v23 =	vsub.s32 v27, v45;
	v16 =	vor.u32 v44, v16;
	v20 =	vsub.s32 v20, v35  }
0x236: {  	[tilespmem:s23+$0x20] =	vst v18;
	v22 =	vand.u32 $0x7F, v20;
	v18 =	vshll.u32 v20, $0x3;
	v20 =	vshll.u32 v23, $0x3  }
0x237: {  	v21 =	vand.u32 $0x7F, v23;
	v4 =	vld.idx.msk [tilespmem:v4+s16+$0x0], $0xffff;
	v16 =	vor.u32 v43, v16;
	v20 =	vand.u32 $0xC00, v20  }
0x238: {  	[tilespmem:s22+$0x20] =	vst v19;
	v18 =	vand.u32 $0xC00, v18;
	v19 =	vor.u32 v20, v21;
	v20 =	vsub.s32 v28, v41;
	v21 =	vld [tilespmem:$0x1FF30]  }
0x239: {  	[tilespmem:s24+$0x30] =	vst v15;
	v17 =	vld.idx.msk [tilespmem:v17+s16+$0x0], $0xffff;
	v18 =	vor.u32 v18, v22;
	v19 =	vor.u32 v46, v19;
	v22 =	vshll.u32 v20, $0x3  }
0x23a: {  	[tilespmem:s15+$0x30] =	vst v24;
	v15 =	vand.u32 $0x7F, v20;
	v19 =	vor.u32 v47, v19;
	v20 =	vand.u32 $0xC00, v22  }
0x23b: {  	v23 =	vld.idx.msk [tilespmem:v53+s16+$0x0], $0xffff;
	v22 =	vsub.s32 v28, v45;
	v15 =	vor.u32 v20, v15  }
0x23c: {  	v14 =	vld.idx.msk [tilespmem:v14+s16+$0x0], $0xffff;
	[tilespmem:s23+$0x30] =	vst v4;
	v20 =	vshll.u32 v22, $0x3;
	v22 =	vand.u32 $0x7F, v22;
	v15 =	vor.u32 v44, v15  }
0x23d: {  	v16 =	vld.idx.msk [tilespmem:v16+s16+$0x0], $0xffff;
	v20 =	vand.u32 $0xC00, v20;
	v21 =	vsub.s32 v21, v35;
	v15 =	vor.u32 v43, v15  }
0x23e: {  	[tilespmem:s22+$0x30] =	vst v17;
	v20 =	vor.u32 v20, v22;
	v57 =	vand.u32 $0x7F, v21;
	v17 =	vshll.u32 v21, $0x3  }
0x23f: {  	v21 =	vsub.s32 v29, v41;
	v20 =	vor.u32 v46, v20;
	v17 =	vand.u32 $0xC00, v17;
	v19 =	vld.idx.msk [tilespmem:v19+s16+$0x0], $0xffff  }
0x240: {  	v25 =	vld [tilespmem:$0x1FF40];
	[tilespmem:s15+$0x40] =	vst v23;
	v20 =	vor.u32 v47, v20;
	v4 =	vor.u32 v17, v57;
	v17 =	vshll.u32 v21, $0x3  }
0x241: {  	[tilespmem:s24+$0x40] =	vst v14;
	v22 =	vld.idx.msk [tilespmem:v49+s16+$0x0], $0xffff;
	v14 =	vand.u32 $0x7F, v21;
	v21 =	vsub.s32 v29, v45;
	v17 =	vand.u32 $0xC00, v17  }
0x242: {  	v13 =	vld.idx.msk [tilespmem:v13+s16+$0x0], $0xffff;
	[tilespmem:s23+$0x40] =	vst v16;
	v16 =	vor.u32 v36, v18;
	v14 =	vor.u32 v17, v14;
	v17 =	vshll.u32 v21, $0x3  }
0x243: {  	v18 =	vand.u32 $0x7F, v21;
	v15 =	vld.idx.msk [tilespmem:v15+s16+$0x0], $0xffff;
	v14 =	vor.u32 v44, v14;
	v17 =	vand.u32 $0xC00, v17  }
0x244: {  	v49 =	vor.u32 v34, v16;
	v14 =	vor.u32 v43, v14;
	[tilespmem:s22+$0x40] =	vst v19;
	v16 =	vor.u32 v17, v18  }
0x245: {  	v4 =	vor.u32 v36, v4;
	v17 =	vsub.s32 v30, v41;
	v18 =	vld.idx.msk [tilespmem:v20+s16+$0x0], $0xffff;
	v16 =	vor.u32 v46, v16  }
0x246: {  	[tilespmem:s15+$0x50] =	vst v22;
	v19 =	vsub.s32 v25, v35;
	v20 =	vshll.u32 v17, $0x3;
	v16 =	vor.u32 v47, v16  }
0x247: {  	[tilespmem:s24+$0x50] =	vst v13;
	v21 =	vld.idx.msk [tilespmem:v39+s16+$0x0], $0xffff;
	v13 =	vand.u32 $0x7F, v17;
	v17 =	vand.u32 $0xC00, v20;
	v20 =	vsub.s32 v30, v45  }
0x248: {  	v12 =	vld.idx.msk [tilespmem:v12+s16+$0x0], $0xffff;
	[tilespmem:s23+$0x50] =	vst v15;
	v15 =	vand.u32 $0x7F, v19;
	v13 =	vor.u32 v17, v13;
	v17 =	vshll.u32 v20, $0x3  }
0x249: {  	v20 =	vand.u32 $0x7F, v20;
	v13 =	vor.u32 v44, v13;
	v17 =	vand.u32 $0xC00, v17;
	v14 =	vld.idx.msk [tilespmem:v14+s16+$0x0], $0xffff  }
0x24a: {  	v13 =	vor.u32 v43, v13;
	v17 =	vor.u32 v17, v20;
	[tilespmem:s22+$0x50] =	vst v18;
	v18 =	vshll.u32 v19, $0x3  }
0x24b: {  	v19 =	vsub.s32 v31, v41;
	v17 =	vor.u32 v46, v17;
	v18 =	vand.u32 $0xC00, v18;
	v16 =	vld.idx.msk [tilespmem:v16+s16+$0x0], $0xffff  }
0x24c: {  	[tilespmem:s15+$0x60] =	vst v21;
	v17 =	vor.u32 v47, v17;
	v15 =	vor.u32 v18, v15;
	v18 =	vshll.u32 v19, $0x3  }
0x24d: {  	[tilespmem:s24+$0x60] =	vst v12;
	v20 =	vld.idx.msk [tilespmem:v32+s16+$0x0], $0xffff;
	v12 =	vand.u32 $0x7F, v19;
	v19 =	vsub.s32 v31, v45;
	v18 =	vand.u32 $0xC00, v18  }
0x24e: {  	v15 =	vor.u32 v36, v15;
	[tilespmem:s23+$0x60] =	vst v14;
	v14 =	vld.idx.msk [tilespmem:v11+s16+$0x0], $0xffff;
	v53 =	vor.u32 v18, v12  }
0x24f: {  	v11 =	vor.u32 v34, v4;
	v12 =	vshll.u32 v19, $0x3;
	v13 =	vld.idx.msk [tilespmem:v13+s16+$0x0], $0xffff;
	v4 =	vor.u32 v44, v53  }
0x250: {  	v18 =	vand.u32 $0x7F, v19;
	v19 =	vor.u32 v43, v4;
	[tilespmem:s22+$0x60] =	vst v16;
	v4 =	vor.u32 v34, v15;
	v15 =	vld [tilespmem:$0x1FEC0]  }
0x251: {  	v16 =	vld.idx.msk [tilespmem:v17+s16+$0x0], $0xffff  }
0x252: {  	v17 =	vld [tilespmem:$0x1FF50]  }
0x253: {  	v12 =	vand.u32 $0xC00, v12;
	[tilespmem:s15+$0x70] =	vst v20;
	v20 =	vld [tilespmem:$0x1FEC0]  }
0x254: {  	v21 =	vld [tilespmem:$0x1FED0];
	v12 =	vor.u32 v12, v18  }
0x255: {  	v12 =	vor.u32 v46, v12  }
0x256: {  	v0 =	vld.idx.msk [tilespmem:v0+s16+$0x0], $0xffff;
	v12 =	vor.u32 v47, v12;
	v15 =	vsub.s32 v15, v41  }
0x257: {  	[tilespmem:s24+$0x70] =	vst v14;
	v17 =	vsub.s32 v17, v35;
	v18 =	vshll.u32 v15, $0x3  }
0x258: {  	[tilespmem:s23+$0x70] =	vst v13;
	v14 =	vand.u32 $0x7F, v15;
	v15 =	vand.u32 $0xC00, v18;
	v18 =	vsub.s32 v20, v45  }
0x259: {  	v10 =	vld.idx.msk [tilespmem:v10+s16+$0x0], $0xffff;
	[tilespmem:s22+$0x70] =	vst v16;
	v13 =	vand.u32 $0x7F, v17;
	v16 =	vshll.u32 v17, $0x3;
	v17 =	vsub.s32 v21, v41  }
0x25a: {  	v14 =	vor.u32 v15, v14;
	v15 =	vshll.u32 v18, $0x3;
	v18 =	vand.u32 $0x7F, v18  }
0x25b: {  	[tilespmem:s15+$0x400] =	vst v0;
	v12 =	vld.idx.msk [tilespmem:v12+s16+$0x0], $0xffff;
	v16 =	vand.u32 $0xC00, v16;
	v14 =	vor.u32 v44, v14;
	v15 =	vand.u32 $0xC00, v15  }
0x25c: {  	v57 =	vor.u32 v16, v13;
	v13 =	vshll.u32 v17, $0x3;
	v16 =	vld.idx.msk [tilespmem:v63+s16+$0x0], $0xffff;
	v63 =	vand.u32 $0x7F, v17  }
0x25d: {  	v17 =	vsub.s32 v21, v45;
	v15 =	vor.u32 v15, v18;
	v13 =	vand.u32 $0xC00, v13  }
0x25e: {  	[tilespmem:s24+$0x400] =	vst v10;
	v15 =	vor.u32 v46, v15;
	v10 =	vor.u32 v13, v63;
	v13 =	vshll.u32 v17, $0x3  }
0x25f: {  	v19 =	vld.idx.msk [tilespmem:v19+s16+$0x0], $0xffff;
	v17 =	vand.u32 $0x7F, v17;
	v15 =	vor.u32 v47, v15;
	v13 =	vand.u32 $0xC00, v13  }
0x260: {  	v14 =	vor.u32 v43, v14;
	[tilespmem:s22+$0x400] =	vst v12;
	v12 =	vor.u32 v13, v17;
	v13 =	vld [tilespmem:$0x1FF60]  }
0x261: {  	v9 =	vld.idx.msk [tilespmem:v9+s16+$0x0], $0xffff  }
0x262: {  	v22 =	vld [tilespmem:$0x1FEE0];
	_ =	sdelay $0x1  }
0x263: {  	[tilespmem:s23+$0x400] =	vst v19;
	v12 =	vor.u32 v46, v12;
	v15 =	vld.idx.msk [tilespmem:v15+s16+$0x0], $0xffff  }
0x264: {  	[tilespmem:s15+$0x410] =	vst v16;
	v14 =	vld.idx.msk [tilespmem:v14+s16+$0x0], $0xffff;
	v12 =	vor.u32 v47, v12;
	v13 =	vsub.s32 v13, v35  }
0x265: {  	v19 =	vld.idx.msk [tilespmem:v62+s16+$0x0], $0xffff;
	[tilespmem:s24+$0x410] =	vst v9;
	v16 =	vand.u32 $0x7F, v13;
	v13 =	vshll.u32 v13, $0x3  }
0x266: {  	v17 =	vsub.s32 v22, v41;
	v8 =	vld.idx.msk [tilespmem:v8+s16+$0x0], $0xffff;
	v13 =	vand.u32 $0xC00, v13  }
0x267: {  	v10 =	vor.u32 v44, v10;
	v18 =	vshll.u32 v17, $0x3;
	v13 =	vor.u32 v13, v16;
	v16 =	vld [tilespmem:$0x1FF70]  }
0x268: {  	v32 =	vand.u32 $0x7F, v17;
	v17 =	vand.u32 $0xC00, v18;
	v18 =	vsub.s32 v22, v45;
	[tilespmem:s22+$0x410] =	vst v15;
	v15 =	vld [tilespmem:$0x1FEF0]  }
0x269: {  	v10 =	vor.u32 v43, v10;
	[tilespmem:s23+$0x410] =	vst v14;
	v14 =	vshll.u32 v18, $0x3;
	v12 =	vld.idx.msk [tilespmem:v12+s16+$0x0], $0xffff  }
0x26a: {  	v9 =	vor.u32 v17, v32;
	v17 =	vand.u32 $0x7F, v18;
	[tilespmem:s15+$0x420] =	vst v19;
	v19 =	vld [tilespmem:$0x1FEF0];
	v14 =	vand.u32 $0xC00, v14  }
0x26b: {  	v18 =	vld.idx.msk [tilespmem:v61+s16+$0x0], $0xffff;
	v14 =	vor.u32 v14, v17  }
0x26c: {  	v0 =	vor.u32 v36, v57;
	[tilespmem:s24+$0x420] =	vst v8;
	v14 =	vor.u32 v46, v14  }
0x26d: {  	v7 =	vld.idx.msk [tilespmem:v7+s16+$0x0], $0xffff;
	v14 =	vor.u32 v47, v14;
	v16 =	vsub.s32 v16, v35;
	v15 =	vsub.s32 v15, v41  }
0x26e: {  	v57 =	vand.u32 $0x7F, v16;
	v17 =	vshll.u32 v15, $0x3;
	[tilespmem:s22+$0x420] =	vst v12;
	v12 =	vshll.u32 v16, $0x3;
	v16 =	vld [tilespmem:$0x1FF00]  }
0x26f: {  	v10 =	vld.idx.msk [tilespmem:v10+s16+$0x0], $0xffff;
	v53 =	vand.u32 $0x7F, v15;
	v15 =	vand.u32 $0xC00, v17;
	v17 =	vsub.s32 v19, v45  }
0x270: {  	v9 =	vor.u32 v44, v9;
	[tilespmem:s15+$0x430] =	vst v18;
	v18 =	vld [tilespmem:$0x1FF00];
	v8 =	vor.u32 v15, v53;
	v15 =	vshll.u32 v17, $0x3  }
0x271: {  	v9 =	vor.u32 v43, v9;
	v17 =	vand.u32 $0x7F, v17;
	v15 =	vand.u32 $0xC00, v15  }
0x272: {  	v24 =	vld [tilespmem:$0x1FF10];
	v62 =	vor.u32 v36, v13;
	v15 =	vor.u32 v15, v17  }
0x273: {  	[tilespmem:s24+$0x430] =	vst v7;
	v12 =	vand.u32 $0xC00, v12;
	v14 =	vld.idx.msk [tilespmem:v14+s16+$0x0], $0xffff;
	v16 =	vsub.s32 v16, v41;
	v15 =	vor.u32 v46, v15  }
0x274: {  	[tilespmem:s23+$0x420] =	vst v10;
	v61 =	vld.idx.msk [tilespmem:v5+s16+$0x0], $0xffff;
	v10 =	vor.u32 v12, v57;
	v12 =	vshll.u32 v16, $0x3;
	v15 =	vor.u32 v47, v15  }
0x275: {  	v17 =	vld.idx.msk [tilespmem:v60+s16+$0x0], $0xffff;
	v60 =	vand.u32 $0x7F, v16;
	v16 =	vsub.s32 v18, v45;
	v12 =	vand.u32 $0xC00, v12  }
0x276: {  	v9 =	vld.idx.msk [tilespmem:v9+s16+$0x0], $0xffff;
	v8 =	vor.u32 v44, v8;
	v7 =	vor.u32 v12, v60;
	v12 =	vshll.u32 v16, $0x3  }
0x277: {  	v8 =	vor.u32 v43, v8;
	v13 =	vand.u32 $0x7F, v16;
	v12 =	vand.u32 $0xC00, v12  }
0x278: {  	[tilespmem:s22+$0x430] =	vst v14;
	v12 =	vor.u32 v12, v13  }
0x279: {  	v13 =	vsub.s32 v24, v41;
	v14 =	vld.idx.msk [tilespmem:v15+s16+$0x0], $0xffff;
	v12 =	vor.u32 v46, v12  }
0x27a: {  	[tilespmem:s24+$0x440] =	vst v61;
	v16 =	vshll.u32 v13, $0x3;
	v12 =	vor.u32 v47, v12  }
0x27b: {  	[tilespmem:s23+$0x430] =	vst v9;
	v3 =	vld.idx.msk [tilespmem:v3+s16+$0x0], $0xffff;
	v63 =	vand.u32 $0x7F, v13;
	v13 =	vand.u32 $0xC00, v16;
	v16 =	vsub.s32 v24, v45  }
0x27c: {  	v8 =	vld.idx.msk [tilespmem:v8+s16+$0x0], $0xffff;
	[tilespmem:s15+$0x440] =	vst v17;
	v9 =	vor.u32 v13, v63;
	v13 =	vshll.u32 v16, $0x3  }
0x27d: {  	v7 =	vor.u32 v44, v7;
	v17 =	vld.idx.msk [tilespmem:v59+s16+$0x0], $0xffff;
	v16 =	vand.u32 $0x7F, v16;
	v13 =	vand.u32 $0xC00, v13  }
0x27e: {  	v7 =	vor.u32 v43, v7;
	v15 =	vld [tilespmem:$0x1FF80];
	v13 =	vor.u32 v13, v16;
	[tilespmem:s22+$0x440] =	vst v14  }
0x27f: {  	v13 =	vor.u32 v46, v13;
	v12 =	vld.idx.msk [tilespmem:v12+s16+$0x0], $0xffff  }
0x280: {  	v59 =	vld [tilespmem:$0x1FF20];
	v13 =	vor.u32 v47, v13  }
0x281: {  	v23 =	vld [tilespmem:$0x1FEB0];
	[tilespmem:s24+$0x450] =	vst v3  }
0x282: {  	v53 =	vld.idx.msk [tilespmem:v6+s16+$0x0], $0xffff;
	[tilespmem:s23+$0x440] =	vst v8  }
0x283: {  	v9 =	vor.u32 v44, v9;
	v7 =	vld.idx.msk [tilespmem:v7+s16+$0x0], $0xffff;
	[tilespmem:s15+$0x450] =	vst v17;
	v15 =	vsub.s32 v15, v35  }
0x284: {  	v9 =	vor.u32 v43, v9;
	v16 =	vld.idx.msk [tilespmem:v33+s16+$0x0], $0xffff;
	v14 =	vshll.u32 v15, $0x3;
	[tilespmem:s22+$0x450] =	vst v12  }
0x285: {  	v32 =	vand.u32 $0x7F, v15;
	v15 =	vsub.s32 v59, v41;
	v14 =	vand.u32 $0xC00, v14;
	v12 =	vld.idx.msk [tilespmem:v13+s16+$0x0], $0xffff  }
0x286: {  	v10 =	vor.u32 v36, v10;
	v8 =	vor.u32 v14, v32;
	v14 =	vshll.u32 v15, $0x3;
	v13 =	vld [tilespmem:$0x1FF90]  }
0x287: {  	v33 =	vand.u32 $0x7F, v15;
	v15 =	vsub.s32 v59, v45;
	v14 =	vand.u32 $0xC00, v14  }
0x288: {  	v6 =	vor.u32 v34, v10;
	[tilespmem:s23+$0x450] =	vst v7;
	v57 =	vshll.u32 v15, $0x3;
	v3 =	vor.u32 v14, v33  }
0x289: {  	v9 =	vld.idx.msk [tilespmem:v9+s16+$0x0], $0xffff;
	v14 =	vand.u32 $0x7F, v15;
	v10 =	vand.u32 $0xC00, v57;
	[tilespmem:s15+$0x460] =	vst v16;
	v3 =	vor.u32 v44, v3  }
0x28a: {  	v60 =	vsub.s32 v23, v41;
	v10 =	vor.u32 v10, v14;
	v16 =	vld.idx.msk [tilespmem:v48+s16+$0x0], $0xffff;
	v15 =	vor.u32 v43, v3  }
0x28b: {  	[tilespmem:s24+$0x460] =	vst v53;
	v14 =	vshll.u32 v60, $0x3;
	v10 =	vor.u32 v46, v10;
	v13 =	vsub.s32 v13, v35  }
0x28c: {  	v10 =	vor.u32 v47, v10;
	[tilespmem:s22+$0x460] =	vst v12;
	v63 =	vand.u32 $0x7F, v13;
	v12 =	vshll.u32 v13, $0x3;
	v13 =	vld [tilespmem:$0x1FF30]  }
0x28d: {  	v5 =	vor.u32 v34, v62;
	v2 =	vld.idx.msk [tilespmem:v2+s16+$0x0], $0xffff;
	v62 =	vand.u32 $0xC00, v14;
	v14 =	vsub.s32 v23, v45  }
0x28e: {  	v8 =	vor.u32 v36, v8;
	v32 =	vshll.u32 v14, $0x3;
	[tilespmem:s23+$0x460] =	vst v9  }
0x28f: {  	v3 =	vor.u32 v34, v8;
	v14 =	vand.u32 $0x7F, v14;
	v8 =	vand.u32 $0xC00, v32;
	[tilespmem:s15+$0x470] =	vst v16;
	v15 =	vld.idx.msk [tilespmem:v15+s16+$0x0], $0xffff  }
0x290: {  	v8 =	vor.u32 v8, v14;
	v14 =	vld.idx.msk [tilespmem:v50+s16+$0x0], $0xffff  }
0x291: {  	v61 =	vand.u32 $0x7F, v60;
	v10 =	vld.idx.msk [tilespmem:v10+s16+$0x0], $0xffff;
	v12 =	vand.u32 $0xC00, v12;
	v13 =	vsub.s32 v13, v41  }
0x292: {  	[tilespmem:s24+$0x470] =	vst v2;
	s15 =	simm.s32 $0x1;
	v9 =	vor.u32 v12, v63;
	v12 =	vshll.u32 v13, $0x3;
	v33 =	vand.u32 $0x7F, v13;
	v13 =	vld [tilespmem:$0x1FF30]  }
0x293: {  	s25 =	sand.u32 $0x7, s12;
	v7 =	vor.u32 v62, v61;
	v16 =	vld.idx.msk [tilespmem:v49+s16+$0x0], $0xffff;
	s15 =	simm.s32 @!p1 $0x0  }
0x294: {  	s25 =	sshll.u32 s25, $0x7;
	s24 =	sand.u32 $0x3, s7;
	v7 =	vor.u32 v44, v7;
	s15 =	sshll.u32 s15, $0x9  }
0x295: {  	s25 =	sadd.s32 s9, s25;
	v39 =	vld [tilespmem:$0x1FFA0];
	s24 =	sshll.u32 s24, $0x8;
	v7 =	vor.u32 v43, v7;
	s15 =	sadd.s32 s15, s9;
	[tilespmem:s23+$0x470] =	vst v15  }
0x296: {  	v8 =	vor.u32 v46, v8;
	s23 =	sadd.s32 s9, s24;
	s24 =	sor.u32 $0x800, s15;
	[tilespmem:s22+$0x470] =	vst v10;
	s22 =	sadd.s32 $0x80, s25  }
0x297: {  	v8 =	vor.u32 v47, v8;
	[tilespmem:s24+$0xC400] =	vst v14;
	s24 =	sor.u32 $0x800, s22;
	v12 =	vand.u32 $0xC00, v12;
	v13 =	vsub.s32 v13, v45  }
0x298: {  	[tilespmem:s24+$0xC400] =	vst v16;
	v16 =	vsub.s32 v25, v45;
	v2 =	vor.u32 v12, v33;
	v12 =	vshll.u32 v13, $0x3  }
0x299: {  	v15 =	vor.u32 v44, v2;
	v13 =	vand.u32 $0x7F, v13;
	v12 =	vand.u32 $0xC00, v12  }
0x29a: {  	v7 =	vld.idx.msk [tilespmem:v7+s16+$0x0], $0xffff;
	v53 =	vor.u32 v12, v13;
	v12 =	vsub.s32 v39, v35;
	v13 =	vsub.s32 v25, v41  }
0x29b: {  	v50 =	vor.u32 v43, v15;
	v14 =	vand.u32 $0x7F, v12;
	v15 =	vshll.u32 v13, $0x3  }
0x29c: {  	v8 =	vld.idx.msk [tilespmem:v8+s16+$0x0], $0xffff;
	v13 =	vand.u32 $0x7F, v13;
	v60 =	vshll.u32 v12, $0x3;
	v15 =	vand.u32 $0xC00, v15  }
0x29d: {  	s23 =	sadd.s32 $0x100, s23;
	v12 =	vor.u32 v15, v13;
	v13 =	vshll.u32 v16, $0x3;
	v15 =	vand.u32 $0x7F, v16;
	v16 =	vld [tilespmem:$0x1FF50]  }
0x29e: {  	s24 =	sor.u32 $0x800, s23;
	v10 =	vor.u32 v46, v53  }
0x29f: {  	v9 =	vor.u32 v36, v9;
	v17 =	vld.idx.msk [tilespmem:v52+s16+$0x0], $0xffff;
	[tilespmem:s24+$0xC400] =	vst v7;
	s24 =	sadd.s32 $0x180, s25;
	v10 =	vor.u32 v47, v10  }
0x2a0: {  	v57 =	vld.idx.msk [tilespmem:v11+s16+$0x0], $0xffff;
	v2 =	vor.u32 v34, v9;
	s25 =	sor.u32 $0x800, s24;
	v61 =	vand.u32 $0xC00, v60  }
0x2a1: {  	[tilespmem:s25+$0xC400] =	vst v8;
	v9 =	vld.idx.msk [tilespmem:v50+s16+$0x0], $0xffff;
	v8 =	vor.u32 v61, v14;
	v12 =	vor.u32 v44, v12;
	v13 =	vand.u32 $0xC00, v13  }
0x2a2: {  	v14 =	vld [tilespmem:$0x1FFC0];
	v62 =	vor.u32 v43, v12;
	v12 =	vor.u32 v13, v15;
	v13 =	vsub.s32 v16, v41  }
0x2a3: {  	s25 =	sor.u32 $0x810, s15;
	v12 =	vor.u32 v46, v12;
	v15 =	vshll.u32 v13, $0x3  }
0x2a4: {  	[tilespmem:s25+$0xC400] =	vst v17;
	s25 =	sor.u32 $0x810, s22;
	v10 =	vld.idx.msk [tilespmem:v10+s16+$0x0], $0xffff;
	v63 =	vand.u32 $0x7F, v13;
	v13 =	vand.u32 $0xC00, v15;
	v15 =	vsub.s32 v16, v45  }
0x2a5: {  	v1 =	vld.idx.msk [tilespmem:v1+s16+$0x0], $0xffff;
	[tilespmem:s25+$0xC400] =	vst v57;
	v12 =	vor.u32 v47, v12;
	v7 =	vor.u32 v13, v63;
	v13 =	vshll.u32 v15, $0x3  }
0x2a6: {  	s25 =	sor.u32 $0x810, s23;
	v4 =	vld.idx.msk [tilespmem:v4+s16+$0x0], $0xffff;
	v15 =	vand.u32 $0x7F, v15;
	v13 =	vand.u32 $0xC00, v13  }
0x2a7: {  	[tilespmem:s25+$0xC400] =	vst v9;
	v14 =	vsub.s32 v14, v35;
	v13 =	vor.u32 v13, v15;
	v15 =	vld [tilespmem:$0x1FF60]  }
0x2a8: {  	s25 =	sor.u32 $0x810, s24;
	v33 =	vshll.u32 v14, $0x3;
	v11 =	vld.idx.msk [tilespmem:v62+s16+$0x0], $0xffff  }
0x2a9: {  	[tilespmem:s25+$0xC400] =	vst v10;
	s25 =	sor.u32 $0x820, s15;
	v10 =	vand.u32 $0xC00, v33;
	v33 =	vld [tilespmem:$0x1FF70]  }
0x2aa: {  	v0 =	vor.u32 v34, v0;
	v12 =	vld.idx.msk [tilespmem:v12+s16+$0x0], $0xffff;
	[tilespmem:s25+$0xC400] =	vst v1;
	v13 =	vor.u32 v46, v13  }
0x2ab: {  	v32 =	vand.u32 $0x7F, v14;
	v7 =	vor.u32 v44, v7;
	v57 =	vor.u32 v47, v13;
	v13 =	vld.idx.msk [tilespmem:v51+s16+$0x0], $0xffff  }
0x2ac: {  	v7 =	vor.u32 v43, v7;
	s25 =	sor.u32 $0x820, s22;
	v48 =	vor.u32 v10, v32;
	v51 =	vld [tilespmem:$0x1FF70];
	v14 =	vsub.s32 v15, v41  }
0x2ad: {  	[tilespmem:s25+$0xC400] =	vst v4;
	s25 =	sor.u32 $0x820, s23;
	v50 =	vshll.u32 v14, $0x3;
	v60 =	vand.u32 $0x7F, v14;
	v14 =	vsub.s32 v15, v45  }
0x2ae: {  	[tilespmem:s25+$0xC400] =	vst v11;
	s25 =	sor.u32 $0x820, s24;
	v9 =	vand.u32 $0xC00, v50;
	v63 =	vshll.u32 v14, $0x3;
	v32 =	vand.u32 $0x7F, v14;
	v14 =	vld [tilespmem:$0x1FD60]  }
0x2af: {  	[tilespmem:s25+$0xC400] =	vst v12;
	s25 =	sor.u32 $0x830, s15;
	v4 =	vor.u32 v9, v60;
	v9 =	vsub.s32 v33, v41  }
0x2b0: {  	[tilespmem:s25+$0xC400] =	vst v13;
	v13 =	vshll.u32 v9, $0x3  }
0x2b1: {  	v1 =	vor.u32 v36, v48;
	v48 =	vand.u32 $0xC00, v13;
	v13 =	vsub.s32 v51, v45  }
0x2b2: {  	v62 =	vor.u32 v36, v8;
	v61 =	vld.idx.msk [tilespmem:v0+s16+$0x0], $0xffff;
	v53 =	vshll.u32 v13, $0x3  }
0x2b3: {  	v7 =	vld.idx.msk [tilespmem:v7+s16+$0x0], $0xffff;
	v8 =	vand.u32 $0xC00, v63;
	v13 =	vand.u32 $0x7F, v13;
	v11 =	vand.u32 $0xC00, v53  }
0x2b4: {  	v4 =	vor.u32 v44, v4;
	v8 =	vor.u32 v8, v32;
	v11 =	vor.u32 v11, v13;
	v13 =	vld [tilespmem:$0x1FD70]  }
0x2b5: {  	v10 =	vld.idx.msk [tilespmem:v57+s16+$0x0], $0xffff;
	v4 =	vor.u32 v43, v4;
	v8 =	vor.u32 v46, v8  }
0x2b6: {  	v8 =	vor.u32 v47, v8;
	v14 =	vld.idx.msk [tilespmem:v14+s16+$0x0], $0xffff  }
0x2b7: {  	v12 =	vld [tilespmem:$0x1FFB0];
	s25 =	sor.u32 $0x830, s22  }
0x2b8: {  	[tilespmem:s25+$0xC400] =	vst v61;
	s25 =	sor.u32 $0x830, s23  }
0x2b9: {  	v5 =	vld.idx.msk [tilespmem:v5+s16+$0x0], $0xffff;
	[tilespmem:s25+$0xC400] =	vst v7;
	s25 =	sor.u32 $0x830, s24  }
0x2ba: {  	[tilespmem:s25+$0xC400] =	vst v10;
	s25 =	sor.u32 $0x840, s15;
	v4 =	vld.idx.msk [tilespmem:v4+s16+$0x0], $0xffff  }
0x2bb: {  	v8 =	vld.idx.msk [tilespmem:v8+s16+$0x0], $0xffff;
	[tilespmem:s25+$0xC400] =	vst v14  }
0x2bc: {  	v12 =	vsub.s32 v12, v35;
	v13 =	vld.idx.msk [tilespmem:v13+s16+$0x0], $0xffff  }
0x2bd: {  	v50 =	vand.u32 $0x7F, v12;
	v57 =	vshll.u32 v12, $0x3;
	v12 =	vld [tilespmem:$0x1FF80];
	s25 =	sor.u32 $0x840, s22  }
0x2be: {  	v9 =	vand.u32 $0x7F, v9;
	v14 =	vld [tilespmem:$0x1FF80];
	[tilespmem:s25+$0xC400] =	vst v5;
	s25 =	sor.u32 $0x840, s23  }
0x2bf: {  	v9 =	vor.u32 v48, v9;
	[tilespmem:s25+$0xC400] =	vst v4;
	s25 =	sor.u32 $0x840, s24  }
0x2c0: {  	v9 =	vor.u32 v44, v9;
	[tilespmem:s25+$0xC400] =	vst v8;
	s25 =	sor.u32 $0x850, s15  }
0x2c1: {  	v0 =	vor.u32 v34, v62;
	v9 =	vor.u32 v43, v9;
	v11 =	vor.u32 v46, v11;
	[tilespmem:s25+$0xC400] =	vst v13;
	v13 =	vld [tilespmem:$0x1FD80]  }
0x2c2: {  	v10 =	vand.u32 $0xC00, v57;
	v11 =	vor.u32 v47, v11;
	v12 =	vsub.s32 v12, v41  }
0x2c3: {  	v60 =	vshll.u32 v12, $0x3;
	v61 =	vand.u32 $0x7F, v12;
	v12 =	vsub.s32 v14, v45  }
0x2c4: {  	v49 =	vld [tilespmem:$0x1FF90];
	v7 =	vor.u32 v10, v50;
	v10 =	vand.u32 $0xC00, v60;
	v32 =	vshll.u32 v12, $0x3  }
0x2c5: {  	v63 =	vor.u32 v10, v61;
	v62 =	vld.idx.msk [tilespmem:v6+s16+$0x0], $0xffff;
	v33 =	vand.u32 $0x7F, v12;
	v5 =	vand.u32 $0xC00, v32  }
0x2c6: {  	v6 =	vor.u32 v34, v1;
	v1 =	vor.u32 v44, v63;
	v9 =	vld.idx.msk [tilespmem:v9+s16+$0x0], $0xffff;
	v5 =	vor.u32 v5, v33  }
0x2c7: {  	v8 =	vld.idx.msk [tilespmem:v11+s16+$0x0], $0xffff;
	v12 =	vor.u32 v43, v1;
	v5 =	vor.u32 v46, v5  }
0x2c8: {  	v5 =	vor.u32 v47, v5  }
0x2c9: {  	v48 =	vsub.s32 v49, v41;
	s25 =	sor.u32 $0x850, s22;
	v13 =	vld.idx.msk [tilespmem:v13+s16+$0x0], $0xffff  }
0x2ca: {  	v53 =	vshll.u32 v48, $0x3;
	[tilespmem:s25+$0xC400] =	vst v62;
	s25 =	sor.u32 $0x850, s23  }
0x2cb: {  	v57 =	vand.u32 $0x7F, v48;
	v50 =	vsub.s32 v42, v35;
	v60 =	vand.u32 $0xC00, v53;
	v3 =	vld.idx.msk [tilespmem:v3+s16+$0x0], $0xffff;
	[tilespmem:s25+$0xC400] =	vst v9;
	s25 =	sor.u32 $0x850, s24  }
0x2cc: {  	v61 =	vsub.s32 v49, v45;
	v4 =	vor.u32 v60, v57;
	[tilespmem:s25+$0xC400] =	vst v8;
	v12 =	vld.idx.msk [tilespmem:v12+s16+$0x0], $0xffff  }
0x2cd: {  	v7 =	vor.u32 v36, v7;
	v63 =	vshll.u32 v61, $0x3;
	v4 =	vor.u32 v44, v4;
	s25 =	sor.u32 $0x860, s15;
	v5 =	vld.idx.msk [tilespmem:v5+s16+$0x0], $0xffff  }
0x2ce: {  	v11 =	vand.u32 $0x7F, v61;
	v1 =	vor.u32 v34, v7;
	v7 =	vand.u32 $0xC00, v63;
	[tilespmem:s25+$0xC400] =	vst v13;
	v13 =	vld [tilespmem:$0x1FD90]  }
0x2cf: {  	v62 =	vand.u32 $0x7F, v50;
	v32 =	vshll.u32 v50, $0x3;
	v7 =	vor.u32 v7, v11;
	v50 =	vld.idx.msk [tilespmem:v38+s16+$0x0], $0xffff  }
0x2d0: {  	v4 =	vor.u32 v43, v4;
	v7 =	vor.u32 v46, v7;
	v38 =	vld [tilespmem:$0x1FFC0]  }
0x2d1: {  	v7 =	vor.u32 v47, v7  }
0x2d2: {  	v33 =	vsub.s32 v39, v41;
	s25 =	sor.u32 $0x860, s22  }
0x2d3: {  	v52 =	vld [tilespmem:$0x1FFF0];
	v57 =	vsub.s32 v39, v45;
	v48 =	vshll.u32 v33, $0x3;
	[tilespmem:s25+$0xC400] =	vst v3;
	s25 =	sor.u32 $0x860, s23  }
0x2d4: {  	v60 =	vshll.u32 v57, $0x3;
	v53 =	vand.u32 $0x7F, v33;
	v9 =	vand.u32 $0xC00, v48;
	v2 =	vld.idx.msk [tilespmem:v2+s16+$0x0], $0xffff;
	[tilespmem:s25+$0xC400] =	vst v12;
	s25 =	sor.u32 $0x860, s24  }
0x2d5: {  	v10 =	vand.u32 $0x7F, v57;
	v3 =	vor.u32 v9, v53;
	v4 =	vld.idx.msk [tilespmem:v4+s16+$0x0], $0xffff;
	[tilespmem:s25+$0xC400] =	vst v5;
	s25 =	sor.u32 $0x870, s15;
	v63 =	vsub.s32 v38, v41  }
0x2d6: {  	v9 =	vand.u32 $0xC00, v60;
	v3 =	vor.u32 v44, v3;
	v7 =	vld.idx.msk [tilespmem:v7+s16+$0x0], $0xffff;
	[tilespmem:s25+$0xC400] =	vst v50;
	v12 =	vshll.u32 v63, $0x3  }
0x2d7: {  	v3 =	vor.u32 v43, v3;
	v13 =	vld.idx.msk [tilespmem:v13+s16+$0x0], $0xffff;
	v48 =	vand.u32 $0xC00, v12;
	v12 =	vsub.s32 v38, v45  }
0x2d8: {  	v61 =	vor.u32 v9, v10;
	v53 =	vshll.u32 v12, $0x3;
	v57 =	vand.u32 $0x7F, v12;
	v12 =	vld [tilespmem:$0x1FDA0]  }
0x2d9: {  	v8 =	vand.u32 $0xC00, v32;
	v5 =	vor.u32 v46, v61;
	s25 =	sor.u32 $0x870, s22  }
0x2da: {  	v8 =	vor.u32 v8, v62;
	v62 =	vsub.s32 v55, v35;
	v61 =	vld [tilespmem:$0x1FFB0];
	v5 =	vor.u32 v47, v5;
	[tilespmem:s25+$0xC400] =	vst v2;
	s25 =	sor.u32 $0x870, s23  }
0x2db: {  	v32 =	vand.u32 $0x7F, v62;
	v50 =	vshll.u32 v62, $0x3;
	[tilespmem:s25+$0xC400] =	vst v4;
	v0 =	vld.idx.msk [tilespmem:v0+s16+$0x0], $0xffff;
	s25 =	sor.u32 $0x870, s24  }
0x2dc: {  	v62 =	vsub.s32 v52, v35;
	v33 =	vand.u32 $0x7F, v63;
	v4 =	vand.u32 $0xC00, v50;
	v3 =	vld.idx.msk [tilespmem:v3+s16+$0x0], $0xffff;
	[tilespmem:s25+$0xC400] =	vst v7;
	s25 =	sor.u32 $0xC00, s15  }
0x2dd: {  	v50 =	vand.u32 $0x7F, v62;
	v2 =	vor.u32 v48, v33;
	v9 =	vand.u32 $0xC00, v53;
	[tilespmem:s25+$0xC400] =	vst v13;
	v13 =	vld [tilespmem:$0x1FFB0]  }
0x2de: {  	v2 =	vor.u32 v44, v2;
	v60 =	vor.u32 v9, v57;
	v57 =	vshll.u32 v62, $0x3;
	v62 =	vld [tilespmem:$0x1FDB0]  }
0x2df: {  	v5 =	vld.idx.msk [tilespmem:v5+s16+$0x0], $0xffff;
	v2 =	vor.u32 v43, v2;
	v7 =	vor.u32 v46, v60  }
0x2e0: {  	v8 =	vor.u32 v36, v8;
	v7 =	vor.u32 v47, v7;
	v12 =	vld.idx.msk [tilespmem:v12+s16+$0x0], $0xffff  }
0x2e1: {  	v8 =	vor.u32 v34, v8;
	v4 =	vor.u32 v4, v32;
	v9 =	vsub.s32 v61, v41;
	s25 =	sor.u32 $0xC00, s22  }
0x2e2: {  	v63 =	vshll.u32 v9, $0x3;
	v32 =	vand.u32 $0x7F, v9;
	[tilespmem:s25+$0xC400] =	vst v0;
	s25 =	sor.u32 $0xC00, s23;
	v48 =	vsub.s32 v13, v45  }
0x2e3: {  	v60 =	vsub.s32 v42, v41;
	v33 =	vand.u32 $0xC00, v63;
	v6 =	vld.idx.msk [tilespmem:v6+s16+$0x0], $0xffff;
	[tilespmem:s25+$0xC400] =	vst v3;
	s25 =	sor.u32 $0xC00, s24;
	v53 =	vshll.u32 v48, $0x3  }
0x2e4: {  	v0 =	vor.u32 v33, v32;
	v2 =	vld.idx.msk [tilespmem:v2+s16+$0x0], $0xffff;
	[tilespmem:s25+$0xC400] =	vst v5;
	s25 =	sor.u32 $0xC10, s15;
	v11 =	vand.u32 $0x7F, v48;
	v9 =	vand.u32 $0xC00, v53  }
0x2e5: {  	v61 =	vshll.u32 v60, $0x3;
	v0 =	vor.u32 v44, v0;
	v7 =	vld.idx.msk [tilespmem:v7+s16+$0x0], $0xffff;
	v9 =	vor.u32 v9, v11;
	[tilespmem:s25+$0xC400] =	vst v12  }
0x2e6: {  	v63 =	vand.u32 $0x7F, v60;
	v0 =	vor.u32 v43, v0;
	v9 =	vor.u32 v46, v9;
	v11 =	vld.idx.msk [tilespmem:v62+s16+$0x0], $0xffff  }
0x2e7: {  	v60 =	vsub.s32 v54, v35;
	v32 =	vsub.s32 v42, v45;
	v9 =	vor.u32 v47, v9;
	v62 =	vld [tilespmem:$0x1FDC0]  }
0x2e8: {  	v33 =	vor.u32 v36, v4;
	v5 =	vand.u32 $0xC00, v57;
	v57 =	vsub.s32 v55, v41;
	s25 =	sor.u32 $0xC10, s22  }
0x2e9: {  	v3 =	vor.u32 v5, v50;
	v5 =	vand.u32 $0xC00, v61;
	v50 =	vshll.u32 v32, $0x3;
	[tilespmem:s25+$0xC400] =	vst v6;
	s25 =	sor.u32 $0xC10, s23  }
0x2ea: {  	v48 =	vor.u32 v5, v63;
	v5 =	vand.u32 $0xC00, v50;
	v53 =	vand.u32 $0x7F, v32;
	[tilespmem:s25+$0xC400] =	vst v2;
	v1 =	vld.idx.msk [tilespmem:v1+s16+$0x0], $0xffff;
	s25 =	sor.u32 $0xC10, s24  }
0x2eb: {  	v61 =	vshll.u32 v57, $0x3;
	v4 =	vor.u32 v44, v48;
	v5 =	vor.u32 v5, v53;
	v0 =	vld.idx.msk [tilespmem:v0+s16+$0x0], $0xffff;
	[tilespmem:s25+$0xC400] =	vst v7  }
0x2ec: {  	v32 =	vand.u32 $0xC00, v61;
	v4 =	vor.u32 v43, v4;
	v5 =	vor.u32 v46, v5;
	v7 =	vld.idx.msk [tilespmem:v9+s16+$0x0], $0xffff  }
0x2ed: {  	v61 =	vld [tilespmem:$0x1FDD0];
	v5 =	vor.u32 v47, v5;
	v2 =	vor.u32 v34, v33;
	v33 =	vsub.s32 v55, v45;
	s25 =	sor.u32 $0xC20, s15  }
0x2ee: {  	v63 =	vand.u32 $0x7F, v57;
	v57 =	vsub.s32 v52, v41;
	v50 =	vshll.u32 v33, $0x3;
	[tilespmem:s25+$0xC400] =	vst v11;
	s25 =	sor.u32 $0xC20, s22  }
0x2ef: {  	v48 =	vand.u32 $0x7F, v60;
	v10 =	vand.u32 $0x7F, v33;
	v6 =	vand.u32 $0xC00, v50;
	[tilespmem:s25+$0xC400] =	vst v1;
	s25 =	sor.u32 $0xC20, s23;
	v11 =	vld.idx.msk [tilespmem:v62+s16+$0x0], $0xffff  }
0x2f0: {  	v53 =	vshll.u32 v60, $0x3;
	v6 =	vor.u32 v6, v10;
	v1 =	vor.u32 v32, v63;
	v8 =	vld.idx.msk [tilespmem:v8+s16+$0x0], $0xffff;
	[tilespmem:s25+$0xC400] =	vst v0;
	s25 =	sor.u32 $0xC20, s24  }
0x2f1: {  	v60 =	vshll.u32 v57, $0x3;
	v6 =	vor.u32 v46, v6;
	v1 =	vor.u32 v44, v1;
	v4 =	vld.idx.msk [tilespmem:v4+s16+$0x0], $0xffff;
	[tilespmem:s25+$0xC400] =	vst v7  }
0x2f2: {  	v6 =	vor.u32 v47, v6;
	v1 =	vor.u32 v43, v1;
	v7 =	vand.u32 $0xC00, v53;
	v5 =	vld.idx.msk [tilespmem:v5+s16+$0x0], $0xffff  }
0x2f3: {  	v62 =	vand.u32 $0x7F, v57;
	s25 =	sor.u32 $0xC30, s15;
	v0 =	vor.u32 v7, v48;
	v7 =	vand.u32 $0xC00, v60  }
0x2f4: {  	[tilespmem:s25+$0xC400] =	vst v11;
	s25 =	sor.u32 $0xC30, s22;
	v11 =	vor.u32 v7, v62;
	v62 =	vld [tilespmem:$0x1FFE0]  }
0x2f5: {  	v10 =	vld.idx.msk [tilespmem:v61+s16+$0x0], $0xffff;
	[tilespmem:s25+$0xC400] =	vst v8;
	s25 =	sor.u32 $0xC30, s23  }
0x2f6: {  	v63 =	vsub.s32 v52, v45;
	v2 =	vld.idx.msk [tilespmem:v2+s16+$0x0], $0xffff;
	[tilespmem:s25+$0xC400] =	vst v4;
	s25 =	sor.u32 $0xC30, s24  }
0x2f7: {  	v32 =	vshll.u32 v63, $0x3;
	v33 =	vand.u32 $0x7F, v63;
	v57 =	vsub.s32 v54, v45;
	v1 =	vld.idx.msk [tilespmem:v1+s16+$0x0], $0xffff;
	[tilespmem:s25+$0xC400] =	vst v5  }
0x2f8: {  	v9 =	vand.u32 $0x7F, v57;
	v48 =	vsub.s32 v54, v41;
	v60 =	vshll.u32 v57, $0x3;
	v6 =	vld.idx.msk [tilespmem:v6+s16+$0x0], $0xffff  }
0x2f9: {  	v52 =	vand.u32 $0x7F, v48;
	v53 =	vshll.u32 v48, $0x3;
	v7 =	vand.u32 $0xC00, v32;
	s25 =	sor.u32 $0xC40, s15  }
0x2fa: {  	v50 =	vor.u32 v7, v33;
	v8 =	vand.u32 $0xC00, v53;
	v61 =	vld [tilespmem:$0x1FDE0];
	[tilespmem:s25+$0xC400] =	vst v10;
	s25 =	sor.u32 $0xC40, s22;
	v10 =	vsub.s32 v62, v35  }
0x2fb: {  	v7 =	vor.u32 v8, v52;
	v8 =	vand.u32 $0xC00, v60;
	[tilespmem:s25+$0xC400] =	vst v2;
	s25 =	sor.u32 $0xC40, s23;
	v33 =	vshll.u32 v10, $0x3  }
0x2fc: {  	v32 =	vor.u32 v8, v9;
	v35 =	vand.u32 $0x7F, v10;
	[tilespmem:s25+$0xC400] =	vst v1;
	s25 =	sor.u32 $0xC40, s24;
	v8 =	vand.u32 $0xC00, v33  }
0x2fd: {  	[tilespmem:s25+$0xC400] =	vst v6;
	v6 =	vor.u32 v8, v35  }
0x2fe: {  	v3 =	vor.u32 v36, v3;
	v0 =	vor.u32 v36, v0;
	v6 =	vor.u32 v36, v6;
	v36 =	vld [tilespmem:$0x1FFE0]  }
0x2ff: {  	v3 =	vor.u32 v34, v3;
	v4 =	vor.u32 v44, v11  }
0x300: {  	v4 =	vor.u32 v43, v4;
	v5 =	vor.u32 v46, v50  }
0x301: {  	v52 =	vld [tilespmem:$0x1FDF0];
	v5 =	vor.u32 v47, v5  }
0x302: {  	v2 =	vld.idx.msk [tilespmem:v61+s16+$0x0], $0xffff  }
0x303: {  	v0 =	vor.u32 v34, v0;
	v8 =	vsub.s32 v36, v41;
	v41 =	vor.u32 v34, v6;
	v34 =	vld [tilespmem:$0x1FFE0]  }
0x304: {  	v63 =	vld.idx.msk [tilespmem:v3+s16+$0x0], $0xffff  }
0x305: {  	v7 =	vor.u32 v44, v7;
	v4 =	vld.idx.msk [tilespmem:v4+s16+$0x0], $0xffff  }
0x306: {  	v7 =	vor.u32 v43, v7;
	v3 =	vor.u32 v46, v32;
	v5 =	vld.idx.msk [tilespmem:v5+s16+$0x0], $0xffff  }
0x307: {  	s25 =	sor.u32 $0xC50, s15;
	v3 =	vor.u32 v47, v3  }
0x308: {  	[tilespmem:s25+$0xC400] =	vst v2;
	s25 =	sor.u32 $0xC50, s22;
	v48 =	vshll.u32 v8, $0x3;
	v50 =	vsub.s32 v34, v45  }
0x309: {  	v10 =	vld.idx.msk [tilespmem:v52+s16+$0x0], $0xffff;
	[tilespmem:s25+$0xC400] =	vst v63;
	s25 =	sor.u32 $0xC50, s23;
	v53 =	vand.u32 $0x7F, v8;
	v6 =	vand.u32 $0xC00, v48;
	v57 =	vshll.u32 v50, $0x3  }
0x30a: {  	[tilespmem:s25+$0xC400] =	vst v4;
	v0 =	vld.idx.msk [tilespmem:v0+s16+$0x0], $0xffff;
	s25 =	sor.u32 $0xC50, s24;
	v1 =	vor.u32 v6, v53;
	v60 =	vand.u32 $0x7F, v50;
	v61 =	vand.u32 $0xC00, v57  }
0x30b: {  	[tilespmem:s25+$0xC400] =	vst v5;
	v62 =	vld.idx.msk [tilespmem:v7+s16+$0x0], $0xffff;
	v1 =	vor.u32 v44, v1;
	v4 =	vor.u32 v61, v60  }
0x30c: {  	v3 =	vld.idx.msk [tilespmem:v3+s16+$0x0], $0xffff;
	v1 =	vor.u32 v43, v1;
	v4 =	vor.u32 v46, v4  }
0x30d: {  	s25 =	sor.u32 $0xC60, s15;
	v4 =	vor.u32 v47, v4  }
0x30e: {  	[tilespmem:s25+$0xC400] =	vst v10;
	s25 =	sor.u32 $0xC60, s22  }
0x30f: {  	[tilespmem:s25+$0xC400] =	vst v0;
	v63 =	vld.idx.msk [tilespmem:v56+s16+$0x0], $0xffff;
	s25 =	sor.u32 $0xC60, s23  }
0x310: {  	[tilespmem:s25+$0xC400] =	vst v62;
	v2 =	vld.idx.msk [tilespmem:v41+s16+$0x0], $0xffff;
	s25 =	sor.u32 $0xC60, s24  }
0x311: {  	[tilespmem:s25+$0xC400] =	vst v3;
	v1 =	vld.idx.msk [tilespmem:v1+s16+$0x0], $0xffff  }
0x312: {  	p2 =	slt.u32 s8, $0x1C;
	v3 =	vld.idx.msk [tilespmem:v4+s16+$0x0], $0xffff  }
.Ltmp1:
0x313: {  	s15 =	sor.u32 $0xC70, s15;
	(pc) =	sbr.rel @p2 .LBB2_5-.Ltmp1, $4  }
0x314: {  	s22 =	sor.u32 $0xC70, s22;
	[tilespmem:s15+$0xC400] =	vst v63  }
0x315: {  	s8 =	sadd.s32 $0x4, s8;
	s23 =	sor.u32 $0xC70, s23;
	[tilespmem:s22+$0xC400] =	vst v2  }
0x316: {  	s13 =	sadd.s32 $0x200, s13;
	s12 =	sadd.s32 $0x4, s12;
	s25 =	sor.u32 $0xC70, s24;
	[tilespmem:s23+$0xC400] =	vst v1  }
0x317: {  	v58 =	vlaneseq.u32;
	s7 =	sadd.s32 $0x2, s7;
	p1 =	por !p1, !p1;
	s9 =	sadd.s32 $0x800, s9;
	v17 =	vld [tilespmem:$0x1FF30];
	[tilespmem:s25+$0xC400] =	vst v3  }
0x318: {  	s0 =	sshll.u32 s0, $0xE  }
0x319: {  	s0 =	sadd.s32 s5, s0  }
0x31a: {  	s25 =	sadd.s32 $0xC000, s2;
	s0 =	sshrl.u32 s0, $0x3  }
0x31b: {  	s2 =	sshrl.u32 s25, $0x3;
	s0 =	sadd.s32 s3, s0  }
0x31c: {  	[hbm4b:s0+s4] =	stream.linear.scatter [tilespmem:s19], [sflag:$0x4], $0x4000, $0x38;
	[tilespmem:$0x18400] =	vst v63  }
0x31d: {  	s0 =	sadd.s32 s1, s2  }
0x31e: {  	[tilespmem:s16], [sflag:$0x2] =	stream.linear.gather [hbm4b:s0+s4], $0x4000, $0x38;
	[tilespmem:$0x18400] =	vst v63  }
0x31f: {  	_ =	swait.ge [sflag:s6], $0x4000  }
0x320: {  	[sflag:s6] =	ssyncset.done $0x0  }
0x321: {  	s0 =	simm.s32 @!p0 $0x5;
	[sflag:s6] =	ssyncadd.s32 $0xFFFFC000  }
0x322: {  	s7 =	simm.s32 $0x0;
	p1 =	por $0x0, $0x0;
	_ =	swait.ge @!p0 [sflag:s0], $0x4000  }
0x323: {  	s9 =	simm.s32 $0x0;
	s12 =	simm.s32 $0x0;
	[sflag:s0] =	ssyncset.done @!p0 $0x0  }
0x324: {  	s8 =	simm.s32 $0x0;
	v32 =	vmov v38;
	v53 =	vmov v37;
	[sflag:s0] =	ssyncadd.s32 @!p0 $0xFFFFC000;
	s0 =	simm.s32 $0x180  }
.LBB2_7:
0x325: {  	s13 =	sadd.s32 s8, s28  }
0x326: {  	s15 =	sadd.s32 $0x40, s13  }
0x327: {  	v0 =	vmov s15  }
0x328: {  	v0 =	vand.u32 $0xFFFFFFFC, v0  }
0x329: {  	v0 =	vbroadcast v0, $0x0;
	_ =	sdelay $0x5  }
0x32a: {  	v7 =	vld.idx.msk [tilespmem:v0+s4+$0x0], $0xffff;
	_ =	sdelay $0x1  }
0x32b: {  	v35 =	vmov s8  }
0x32c: {  	v2 =	vshll.u32 v35, $0x9;
	v0 =	vshll.u32 v35, $0x7  }
0x32d: {  	v3 =	vand.u32 $0x3000, v2;
	v5 =	vand.u32 $0x200, v0  }
0x32e: {  	v1 =	vsub.s32 v58, v7;
	v36 =	vsub.s32 v40, v7;
	v41 =	vsub.s32 v53, v7  }
0x32f: {  	v44 =	vsub.s32 v26, v7;
	v50 =	vsub.s32 v27, v7;
	v54 =	vsub.s32 v28, v7  }
0x330: {  	v61 =	vsub.s32 v29, v7;
	v33 =	vsub.s32 v30, v7;
	v4 =	vand.u32 $0x7F, v1  }
0x331: {  	v1 =	vshll.u32 v1, $0x3;
	v38 =	vshll.u32 v36, $0x3;
	v2 =	vand.u32 $0x7F, v36  }
0x332: {  	v43 =	vshll.u32 v41, $0x3;
	v8 =	vshll.u32 v44, $0x3;
	v45 =	vand.u32 $0x7F, v44  }
0x333: {  	v52 =	vshll.u32 v50, $0x3;
	v9 =	vshll.u32 v54, $0x3;
	v56 =	vand.u32 $0x7F, v54  }
0x334: {  	v63 =	vshll.u32 v61, $0x3;
	v36 =	vshll.u32 v33, $0x3;
	v1 =	vand.u32 $0xC00, v1  }
0x335: {  	v8 =	vand.u32 $0xC00, v8;
	v60 =	vand.u32 $0xC00, v9;
	v37 =	vor.u32 v1, v4  }
0x336: {  	v1 =	vand.u32 $0xC00, v38;
	v47 =	vor.u32 v8, v45;
	v8 =	vand.u32 $0x7F, v61  }
0x337: {  	v45 =	vsub.s32 v20, v7;
	v0 =	vor.u32 v3, v37;
	v38 =	vmovc v40;
	v40 =	vor.u32 v1, v2  }
0x338: {  	v1 =	vand.u32 $0x7F, v41;
	v2 =	vand.u32 $0xC00, v43;
	v48 =	vor.u32 v3, v47  }
0x339: {  	v37 =	vand.u32 $0x7F, v33;
	v43 =	vsub.s32 v31, v7;
	v10 =	vshll.u32 v45, $0x3  }
0x33a: {  	v6 =	vor.u32 v5, v0;
	v0 =	vor.u32 v3, v40;
	v1 =	vor.u32 v2, v1  }
0x33b: {  	v57 =	vor.u32 v5, v48;
	v44 =	vshll.u32 v43, $0x3;
	v4 =	vor.u32 v5, v0  }
0x33c: {  	v46 =	vor.u32 v3, v1;
	v1 =	vand.u32 $0x7F, v50;
	v0 =	vand.u32 $0xC00, v52  }
0x33d: {  	v47 =	vand.u32 $0xC00, v10;
	v2 =	vor.u32 v5, v46;
	v0 =	vor.u32 v0, v1  }
0x33e: {  	v1 =	vor.u32 v60, v56;
	v46 =	vand.u32 $0x7F, v45;
	v56 =	vsub.s32 v21, v7  }
0x33f: {  	v0 =	vor.u32 v3, v0;
	v62 =	vor.u32 v3, v1;
	v1 =	vand.u32 $0xC00, v63  }
0x340: {  	v52 =	vor.u32 v47, v46;
	v46 =	vsub.s32 v18, v7;
	v54 =	vor.u32 v5, v0  }
0x341: {  	v50 =	vor.u32 v5, v62;
	v35 =	vor.u32 v1, v8;
	v1 =	vand.u32 $0xC00, v36  }
0x342: {  	v8 =	vand.u32 $0xC00, v44;
	v62 =	vshll.u32 v56, $0x3;
	v0 =	vor.u32 v3, v35  }
0x343: {  	v41 =	vor.u32 v1, v37;
	v1 =	vand.u32 $0x7F, v43;
	v35 =	vsub.s32 v22, v7  }
0x344: {  	v43 =	vsub.s32 v19, v7;
	v40 =	vor.u32 v5, v0;
	v0 =	vor.u32 v3, v41  }
0x345: {  	v1 =	vor.u32 v8, v1;
	v8 =	vand.u32 $0x7F, v56;
	v36 =	vshll.u32 v35, $0x3  }
0x346: {  	v37 =	vand.u32 $0x7F, v35;
	v45 =	vshll.u32 v43, $0x3;
	v9 =	vand.u32 $0x7F, v43  }
0x347: {  	v35 =	vsub.s32 v24, v7;
	v33 =	vor.u32 v5, v0;
	v48 =	vor.u32 v3, v1  }
0x348: {  	v1 =	vor.u32 v3, v52;
	v41 =	vand.u32 $0xC00, v36;
	v52 =	vand.u32 $0x7F, v46  }
0x349: {  	v36 =	vshll.u32 v35, $0x3;
	v63 =	vor.u32 v5, v1;
	v1 =	vand.u32 $0xC00, v62  }
0x34a: {  	v0 =	vor.u32 v5, v48;
	v48 =	vshll.u32 v46, $0x3;
	v1 =	vor.u32 v1, v8  }
0x34b: {  	v8 =	vor.u32 v41, v37;
	v37 =	vsub.s32 v59, v7;
	v1 =	vor.u32 v3, v1  }
0x34c: {  	v44 =	vor.u32 v3, v8;
	v8 =	vand.u32 $0xC00, v45;
	v11 =	vshll.u32 v37, $0x3  }
0x34d: {  	v41 =	vand.u32 $0x7F, v37;
	v62 =	vor.u32 v5, v1;
	v61 =	vor.u32 v5, v44  }
0x34e: {  	v47 =	vor.u32 v8, v9;
	v8 =	vand.u32 $0xC00, v48;
	v9 =	vand.u32 $0xC00, v36  }
0x34f: {  	v43 =	vand.u32 $0xC00, v11;
	v1 =	vor.u32 v3, v47;
	v56 =	vor.u32 v8, v52  }
0x350: {  	v8 =	vand.u32 $0x7F, v35;
	v45 =	vor.u32 v43, v41;
	v47 =	vsub.s32 v23, v7  }
0x351: {  	v43 =	vsub.s32 v25, v7;
	v60 =	vor.u32 v5, v1;
	v1 =	vor.u32 v3, v56  }
0x352: {  	v8 =	vor.u32 v9, v8;
	v46 =	vor.u32 v3, v45;
	v48 =	vshll.u32 v47, $0x3  }
0x353: {  	v56 =	vsub.s32 v17, v7;
	v45 =	vshll.u32 v43, $0x3;
	v9 =	vand.u32 $0x7F, v43  }
0x354: {  	v59 =	vor.u32 v5, v1;
	v44 =	vor.u32 v3, v8;
	v37 =	vor.u32 v5, v46  }
0x355: {  	v8 =	vand.u32 $0x7F, v47;
	v1 =	vand.u32 $0xC00, v48;
	v35 =	vshll.u32 v56, $0x3  }
0x356: {  	v36 =	vand.u32 $0x7F, v56;
	v46 =	vsub.s32 v16, v7;
	v52 =	vor.u32 v5, v44  }
0x357: {  	v1 =	vor.u32 v1, v8;
	v41 =	vand.u32 $0xC00, v35;
	v47 =	vshll.u32 v46, $0x3  }
0x358: {  	v10 =	vand.u32 $0x7F, v46;
	v35 =	vsub.s32 v15, v7;
	v1 =	vor.u32 v3, v1  }
0x359: {  	v8 =	vor.u32 v41, v36;
	v36 =	vshll.u32 v35, $0x3;
	v41 =	vsub.s32 v51, v7  }
0x35a: {  	v48 =	vor.u32 v5, v1;
	v44 =	vor.u32 v3, v8;
	v8 =	vand.u32 $0xC00, v45  }
0x35b: {  	v12 =	vshll.u32 v41, $0x3;
	v43 =	vand.u32 $0x7F, v41;
	v1 =	vor.u32 v5, v44  }
0x35c: {  	v8 =	vor.u32 v8, v9;
	v9 =	vand.u32 $0xC00, v47;
	v44 =	vand.u32 $0xC00, v12  }
0x35d: {  	v12 =	vsub.s32 v55, v7;
	v8 =	vor.u32 v3, v8;
	v56 =	vor.u32 v9, v10  }
0x35e: {  	v9 =	vand.u32 $0x7F, v35;
	v10 =	vand.u32 $0xC00, v36;
	v46 =	vor.u32 v44, v43  }
0x35f: {  	v36 =	vsub.s32 v49, v7;
	v8 =	vor.u32 v5, v8;
	v9 =	vor.u32 v10, v9  }
0x360: {  	v47 =	vor.u32 v3, v46;
	v41 =	vshll.u32 v36, $0x3;
	v43 =	vand.u32 $0x7F, v36  }
0x361: {  	[tilespmem:$0x1FCC0] =	vst v8;
	v8 =	vor.u32 v3, v56;
	v45 =	vor.u32 v3, v9;
	v56 =	vsub.s32 v14, v7  }
0x362: {  	v44 =	vand.u32 $0xC00, v41;
	v51 =	vor.u32 v5, v8;
	v8 =	vor.u32 v5, v45  }
0x363: {  	v35 =	vshll.u32 v56, $0x3;
	v9 =	vand.u32 $0x7F, v56;
	v45 =	vsub.s32 v39, v7  }
0x364: {  	v56 =	vsub.s32 v32, v7;
	[tilespmem:$0x1FCD0] =	vst v8;
	v8 =	vor.u32 v5, v47;
	v47 =	vshll.u32 v45, $0x3  }
0x365: {  	s24 =	sadd.s32 $0x41, s13;
	v10 =	vand.u32 $0x7F, v45;
	v36 =	vshll.u32 v56, $0x3;
	[tilespmem:$0x1FCE0] =	vst v8;
	v8 =	vand.u32 $0xC00, v35  }
0x366: {  	v41 =	vand.u32 $0x7F, v56;
	v56 =	vmov s24;
	v8 =	vor.u32 v8, v9  }
0x367: {  	v9 =	vor.u32 v44, v43;
	v43 =	vsub.s32 v13, v7;
	v13 =	vshll.u32 v12, $0x3  }
0x368: {  	v12 =	vand.u32 $0x7F, v12;
	v8 =	vor.u32 v3, v8;
	v46 =	vor.u32 v3, v9  }
0x369: {  	v9 =	vand.u32 $0xC00, v47;
	v44 =	vshll.u32 v43, $0x3;
	v11 =	vand.u32 $0x7F, v43  }
0x36a: {  	v47 =	vsub.s32 v42, v7;
	v49 =	vor.u32 v5, v8;
	v39 =	vor.u32 v5, v46  }
0x36b: {  	v35 =	vor.u32 v9, v10;
	v9 =	vand.u32 $0xC00, v36;
	v10 =	vand.u32 $0xC00, v44  }
0x36c: {  	v43 =	vld [tilespmem:$0x1FFF0];
	v8 =	vor.u32 v3, v35;
	v9 =	vor.u32 v9, v41;
	v46 =	vor.u32 v10, v11  }
0x36d: {  	v35 =	vand.u32 $0x7F, v47;
	v10 =	vand.u32 $0xFFFFFFFD, v56;
	v9 =	vor.u32 v3, v9  }
0x36e: {  	v8 =	vor.u32 v5, v8;
	v45 =	vor.u32 v5, v9;
	v9 =	vshll.u32 v47, $0x3  }
0x36f: {  	v10 =	vbroadcast v10, $0x0;
	[tilespmem:$0x1FCF0] =	vst v8;
	v8 =	vor.u32 v3, v46;
	v47 =	vld [tilespmem:$0x1FFD0];
	v9 =	vand.u32 $0xC00, v9  }
0x370: {  	v13 =	vand.u32 $0xC00, v13;
	v8 =	vor.u32 v5, v8;
	v36 =	vor.u32 v9, v35  }
0x371: {  	v41 =	vor.u32 v13, v12;
	v11 =	vsub.s32 v43, v7;
	[tilespmem:$0x1FD10] =	vst v8;
	v8 =	vor.u32 v3, v36  }
0x372: {  	[tilespmem:$0x1FD00] =	vst v45;
	v9 =	vor.u32 v3, v41;
	v45 =	vshll.u32 v11, $0x3;
	v8 =	vor.u32 v5, v8  }
0x373: {  	v46 =	vand.u32 $0x7F, v11;
	v44 =	vor.u32 v5, v9;
	[tilespmem:$0x1FD20] =	vst v8;
	v8 =	vand.u32 $0xC00, v45  }
0x374: {  	v11 =	vsub.s32 v47, v7;
	v7 =	vsub.s32 v34, v7;
	v8 =	vor.u32 v8, v46  }
0x375: {  	s25 =	sadd.s32 $0x1, s8;
	v35 =	vld.idx.msk [tilespmem:v10+s4+$0x0], $0xffff;
	v56 =	vshll.u32 v11, $0x3;
	v36 =	vand.u32 $0x7F, v11;
	v41 =	vshll.u32 v7, $0x3  }
0x376: {  	v7 =	vand.u32 $0x7F, v7;
	v46 =	vmov s25;
	v9 =	vand.u32 $0xC00, v56  }
0x377: {  	v43 =	vand.u32 $0xC00, v41;
	v8 =	vor.u32 v3, v8;
	v9 =	vor.u32 v9, v36  }
0x378: {  	v7 =	vor.u32 v43, v7;
	v8 =	vor.u32 v5, v8;
	v36 =	vshll.u32 v46, $0x9  }
0x379: {  	v9 =	vor.u32 v3, v9;
	v3 =	vor.u32 v3, v7;
	v36 =	vand.u32 $0x3000, v36  }
0x37a: {  	[tilespmem:$0x1FD30] =	vst v44;
	v44 =	vor.u32 v5, v9;
	v56 =	vor.u32 v5, v3;
	v45 =	vsub.s32 v58, v35  }
0x37b: {  	v5 =	vshll.u32 v46, $0x7;
	v41 =	vsub.s32 v38, v35;
	v19 =	vsub.s32 v22, v35  }
0x37c: {  	v47 =	vand.u32 $0x7F, v45;
	v3 =	vshll.u32 v45, $0x3;
	v34 =	vand.u32 $0x280, v5  }
0x37d: {  	[tilespmem:$0x1FD50] =	vst v44;
	v43 =	vshll.u32 v41, $0x3;
	v44 =	vsub.s32 v53, v35;
	v5 =	vand.u32 $0x7F, v41  }
0x37e: {  	v3 =	vand.u32 $0xC00, v3;
	v7 =	vand.u32 $0xC00, v43;
	v45 =	vshll.u32 v44, $0x3  }
0x37f: {  	v46 =	vand.u32 $0x7F, v44;
	v44 =	vsub.s32 v26, v35;
	v3 =	vor.u32 v3, v47  }
0x380: {  	v5 =	vor.u32 v7, v5;
	v47 =	vand.u32 $0xC00, v45;
	v45 =	vshll.u32 v44, $0x3  }
0x381: {  	v3 =	vor.u32 v36, v3;
	v11 =	vor.u32 v36, v5;
	v41 =	vor.u32 v47, v46  }
0x382: {  	v46 =	vsub.s32 v27, v35;
	v5 =	vand.u32 $0x7F, v44;
	v44 =	vsub.s32 v28, v35  }
0x383: {  	v18 =	vor.u32 v34, v3;
	v17 =	vor.u32 v34, v11;
	v43 =	vor.u32 v36, v41  }
0x384: {  	v3 =	vand.u32 $0xC00, v45;
	v47 =	vshll.u32 v46, $0x3;
	v41 =	vand.u32 $0x7F, v46  }
0x385: {  	v46 =	vshll.u32 v44, $0x3;
	v7 =	vand.u32 $0x7F, v44;
	v44 =	vsub.s32 v30, v35  }
0x386: {  	v16 =	vor.u32 v34, v43;
	v3 =	vor.u32 v3, v5;
	v43 =	vand.u32 $0xC00, v47  }
0x387: {  	v47 =	vsub.s32 v29, v35;
	v3 =	vor.u32 v36, v3;
	v5 =	vor.u32 v43, v41  }
0x388: {  	v11 =	vshll.u32 v47, $0x3;
	v41 =	vand.u32 $0x7F, v47;
	v15 =	vor.u32 v34, v3  }
0x389: {  	v45 =	vor.u32 v36, v5;
	v5 =	vand.u32 $0xC00, v46;
	v46 =	vsub.s32 v31, v35  }
0x38a: {  	v14 =	vor.u32 v34, v45;
	v10 =	vor.u32 v5, v7;
	v5 =	vand.u32 $0xC00, v11  }
0x38b: {  	v45 =	vshll.u32 v44, $0x3;
	v47 =	vshll.u32 v46, $0x3;
	v3 =	vor.u32 v36, v10  }
0x38c: {  	v43 =	vor.u32 v5, v41;
	v5 =	vand.u32 $0x7F, v44;
	v7 =	vand.u32 $0xC00, v45  }
0x38d: {  	v41 =	vand.u32 $0x7F, v46;
	v13 =	vor.u32 v34, v3;
	v3 =	vor.u32 v36, v43  }
0x38e: {  	v5 =	vor.u32 v7, v5;
	v43 =	vand.u32 $0xC00, v47;
	v47 =	vsub.s32 v20, v35  }
0x38f: {  	s22 =	sadd.s32 $0x42, s13;
	v44 =	vor.u32 v36, v5;
	v45 =	vor.u32 v43, v41;
	v41 =	vand.u32 $0x7F, v47  }
0x390: {  	v43 =	vmov s22;
	v11 =	vor.u32 v34, v44;
	v44 =	vsub.s32 v21, v35  }
0x391: {  	v46 =	vor.u32 v36, v45;
	v7 =	vand.u32 $0xFFFFFFFE, v43;
	v45 =	vshll.u32 v44, $0x3  }
0x392: {  	v5 =	vshll.u32 v47, $0x3;
	v7 =	vbroadcast v7, $0x0;
	v47 =	vand.u32 $0xC00, v45;
	v45 =	vld [tilespmem:$0x1FEF0]  }
0x393: {  	v12 =	vor.u32 v34, v3;
	v5 =	vand.u32 $0xC00, v5;
	v43 =	vshll.u32 v19, $0x3  }
0x394: {  	s13 =	sadd.s32 $0x43, s13;
	v21 =	vld [tilespmem:$0x1FF00];
	v10 =	vor.u32 v34, v46;
	v3 =	vor.u32 v5, v41;
	v46 =	vand.u32 $0x7F, v44  }
0x395: {  	v44 =	vand.u32 $0x7F, v19;
	v19 =	vmov s13;
	v5 =	vor.u32 v47, v46  }
0x396: {  	v3 =	vor.u32 v36, v3;
	v41 =	vor.u32 v36, v5;
	v5 =	vand.u32 $0xC00, v43  }
0x397: {  	s23 =	sadd.s32 $0x2, s8;
	v9 =	vor.u32 v34, v3;
	v3 =	vor.u32 v5, v44;
	v5 =	vsub.s32 v45, v35  }
0x398: {  	[tilespmem:$0x1FD40] =	vst v8;
	v22 =	vmov s23;
	v8 =	vor.u32 v34, v41;
	v41 =	vld.idx.msk [tilespmem:v7+s4+$0x0], $0xffff;
	v20 =	vshll.u32 v5, $0x3  }
0x399: {  	v21 =	vsub.s32 v21, v35;
	v5 =	vand.u32 $0x7F, v5;
	v46 =	vand.u32 $0xC00, v20  }
0x39a: {  	v3 =	vor.u32 v36, v3;
	v20 =	vshll.u32 v21, $0x3;
	v5 =	vor.u32 v46, v5  }
0x39b: {  	v45 =	vld.idx.msk [tilespmem:v19+s4+$0x0], $0xffff;
	v21 =	vand.u32 $0x7F, v21;
	v20 =	vand.u32 $0xC00, v20;
	v47 =	vor.u32 v36, v5  }
0x39c: {  	v7 =	vor.u32 v34, v3;
	v20 =	vor.u32 v20, v21;
	v5 =	vor.u32 v34, v47  }
0x39d: {  	v43 =	vor.u32 v36, v20;
	v20 =	vsub.s32 v24, v35;
	v21 =	vsub.s32 v58, v41  }
0x39e: {  	v24 =	vshll.u32 v22, $0x9;
	v22 =	vshll.u32 v22, $0x7;
	v3 =	vor.u32 v34, v43  }
0x39f: {  	v19 =	vand.u32 $0x7F, v20;
	v20 =	vshll.u32 v20, $0x3;
	v23 =	vshll.u32 v21, $0x3  }
0x3a0: {  	v21 =	vand.u32 $0x7F, v21;
	v43 =	vand.u32 $0x300, v22;
	v22 =	vsub.s32 v58, v45  }
0x3a1: {  	v44 =	vand.u32 $0x3000, v24;
	v23 =	vand.u32 $0xC00, v23;
	v24 =	vshll.u32 v22, $0x3  }
0x3a2: {  	s24 =	sadd.s32 $0x3, s8;
	v22 =	vand.u32 $0x7F, v22;
	v20 =	vand.u32 $0xC00, v20;
	v21 =	vor.u32 v23, v21  }
0x3a3: {  	v23 =	vmov s24;
	v24 =	vand.u32 $0xC00, v24;
	v21 =	vor.u32 v44, v21  }
0x3a4: {  	v25 =	vshll.u32 v23, $0x9;
	v23 =	vshll.u32 v23, $0x7;
	v22 =	vor.u32 v24, v22  }
0x3a5: {  	v24 =	vsub.s32 v38, v41;
	v21 =	vor.u32 v43, v21;
	v46 =	vand.u32 $0x3000, v25  }
0x3a6: {  	v18 =	vld.idx.msk [tilespmem:v18+s14+$0x0], $0xffff;
	v47 =	vand.u32 $0x380, v23;
	v23 =	vshll.u32 v24, $0x3;
	v22 =	vor.u32 v46, v22  }
0x3a7: {  	s22 =	sadd.s32 $0xFFFFFE80, s0;
	v58 =	vand.u32 $0x7F, v24;
	v24 =	vsub.s32 v38, v45;
	v22 =	vor.u32 v47, v22  }
0x3a8: {  	s25 =	sand.u32 $0x3000, s9;
	s15 =	sand.u32 $0x200, s22;
	s22 =	sadd.s32 $0xFFFFFF00, s0;
	v19 =	vor.u32 v20, v19;
	v25 =	vld.idx.msk [tilespmem:v6+s14+$0x0], $0xffff;
	v23 =	vand.u32 $0xC00, v23;
	v20 =	vshll.u32 v24, $0x3  }
0x3a9: {  	s23 =	sand.u32 $0x280, s22;
	s24 =	sor.u32 $0x10400, s25;
	v6 =	vor.u32 v23, v58;
	v23 =	vand.u32 $0x7F, v24;
	v20 =	vand.u32 $0xC00, v20  }
0x3aa: {  	s23 =	sor.u32 s23, s24;
	v6 =	vor.u32 v44, v6;
	v20 =	vor.u32 v20, v23;
	v23 =	vld [tilespmem:$0x1FF20]  }
0x3ab: {  	v19 =	vor.u32 v36, v19;
	[tilespmem:s23+$0x0] =	vst v18;
	v24 =	vor.u32 v43, v6;
	v21 =	vld.idx.msk [tilespmem:v21+s14+$0x0], $0xffff  }
0x3ac: {  	s13 =	sor.u32 s15, s24;
	v6 =	vor.u32 v34, v19;
	v19 =	vsub.s32 v53, v41;
	v20 =	vor.u32 v46, v20;
	v22 =	vld.idx.msk [tilespmem:v22+s14+$0x0], $0xffff  }
0x3ad: {  	s25 =	sadd.s32 $0xFFFFFF80, s0;
	[tilespmem:s13+$0x0] =	vst v25;
	v25 =	vshll.u32 v19, $0x3;
	v20 =	vor.u32 v47, v20  }
0x3ae: {  	s22 =	sand.u32 $0x300, s25;
	v17 =	vld.idx.msk [tilespmem:v17+s14+$0x0], $0xffff;
	v18 =	vand.u32 $0x7F, v19;
	v19 =	vand.u32 $0xC00, v25  }
0x3af: {  	s25 =	sand.u32 $0x380, s0;
	s22 =	sor.u32 s22, s24;
	v4 =	vld.idx.msk [tilespmem:v4+s14+$0x0], $0xffff;
	v25 =	vsub.s32 v53, v45;
	v18 =	vor.u32 v19, v18  }
0x3b0: {  	s15 =	sor.u32 s25, s24;
	v19 =	vshll.u32 v25, $0x3;
	v25 =	vand.u32 $0x7F, v25;
	v18 =	vor.u32 v44, v18;
	[tilespmem:s22+$0x0] =	vst v21  }
0x3b1: {  	v23 =	vsub.s32 v23, v35;
	v19 =	vand.u32 $0xC00, v19;
	v18 =	vor.u32 v43, v18;
	v24 =	vld.idx.msk [tilespmem:v24+s14+$0x0], $0xffff;
	[tilespmem:s15+$0x0] =	vst v22  }
0x3b2: {  	v19 =	vor.u32 v19, v25;
	v21 =	vand.u32 $0x7F, v23;
	v22 =	vshll.u32 v23, $0x3;
	v20 =	vld.idx.msk [tilespmem:v20+s14+$0x0], $0xffff  }
0x3b3: {  	[tilespmem:s23+$0x10] =	vst v17;
	v19 =	vor.u32 v46, v19;
	v23 =	vsub.s32 v26, v41;
	v22 =	vand.u32 $0xC00, v22  }
0x3b4: {  	v16 =	vld.idx.msk [tilespmem:v16+s14+$0x0], $0xffff;
	[tilespmem:s13+$0x10] =	vst v4;
	v19 =	vor.u32 v47, v19;
	v4 =	vor.u32 v22, v21;
	v21 =	vshll.u32 v23, $0x3  }
0x3b5: {  	v22 =	vld.idx.msk [tilespmem:v2+s14+$0x0], $0xffff;
	v2 =	vand.u32 $0x7F, v23;
	v17 =	vand.u32 $0xC00, v21;
	v21 =	vsub.s32 v26, v45  }
0x3b6: {  	[tilespmem:s22+$0x10] =	vst v24;
	v2 =	vor.u32 v17, v2;
	v17 =	vshll.u32 v21, $0x3  }
0x3b7: {  	v4 =	vor.u32 v36, v4;
	v21 =	vand.u32 $0x7F, v21;
	v17 =	vand.u32 $0xC00, v17;
	[tilespmem:s15+$0x10] =	vst v20;
	v20 =	vld [tilespmem:$0x1FEB0]  }
0x3b8: {  	v18 =	vld.idx.msk [tilespmem:v18+s14+$0x0], $0xffff;
	v23 =	vor.u32 v44, v2;
	v17 =	vor.u32 v17, v21;
	v21 =	vsub.s32 v27, v41  }
0x3b9: {  	v2 =	vor.u32 v34, v4;
	v4 =	vor.u32 v43, v23;
	v23 =	vshll.u32 v21, $0x3  }
0x3ba: {  	[tilespmem:s23+$0x20] =	vst v16;
	v19 =	vld.idx.msk [tilespmem:v19+s14+$0x0], $0xffff;
	v17 =	vor.u32 v46, v17;
	v16 =	vand.u32 $0x7F, v21;
	v21 =	vand.u32 $0xC00, v23  }
0x3bb: {  	v15 =	vld.idx.msk [tilespmem:v15+s14+$0x0], $0xffff;
	[tilespmem:s13+$0x20] =	vst v22;
	v17 =	vor.u32 v47, v17;
	v16 =	vor.u32 v21, v16  }
0x3bc: {  	v24 =	vld.idx.msk [tilespmem:v57+s14+$0x0], $0xffff;
	v23 =	vsub.s32 v27, v45;
	v16 =	vor.u32 v44, v16;
	v20 =	vsub.s32 v20, v35  }
0x3bd: {  	[tilespmem:s22+$0x20] =	vst v18;
	v22 =	vand.u32 $0x7F, v20;
	v18 =	vshll.u32 v20, $0x3;
	v20 =	vshll.u32 v23, $0x3  }
0x3be: {  	v21 =	vand.u32 $0x7F, v23;
	v4 =	vld.idx.msk [tilespmem:v4+s14+$0x0], $0xffff;
	v16 =	vor.u32 v43, v16;
	v20 =	vand.u32 $0xC00, v20  }
0x3bf: {  	[tilespmem:s15+$0x20] =	vst v19;
	v18 =	vand.u32 $0xC00, v18;
	v19 =	vor.u32 v20, v21;
	v20 =	vsub.s32 v28, v41;
	v21 =	vld [tilespmem:$0x1FF30]  }
0x3c0: {  	[tilespmem:s23+$0x30] =	vst v15;
	v17 =	vld.idx.msk [tilespmem:v17+s14+$0x0], $0xffff;
	v18 =	vor.u32 v18, v22;
	v19 =	vor.u32 v46, v19;
	v22 =	vshll.u32 v20, $0x3  }
0x3c1: {  	[tilespmem:s13+$0x30] =	vst v24;
	v15 =	vand.u32 $0x7F, v20;
	v19 =	vor.u32 v47, v19;
	v20 =	vand.u32 $0xC00, v22  }
0x3c2: {  	v23 =	vld.idx.msk [tilespmem:v54+s14+$0x0], $0xffff;
	v22 =	vsub.s32 v28, v45;
	v15 =	vor.u32 v20, v15  }
0x3c3: {  	v14 =	vld.idx.msk [tilespmem:v14+s14+$0x0], $0xffff;
	[tilespmem:s22+$0x30] =	vst v4;
	v20 =	vshll.u32 v22, $0x3;
	v22 =	vand.u32 $0x7F, v22;
	v15 =	vor.u32 v44, v15  }
0x3c4: {  	v16 =	vld.idx.msk [tilespmem:v16+s14+$0x0], $0xffff;
	v20 =	vand.u32 $0xC00, v20;
	v21 =	vsub.s32 v21, v35;
	v15 =	vor.u32 v43, v15  }
0x3c5: {  	[tilespmem:s15+$0x30] =	vst v17;
	v20 =	vor.u32 v20, v22;
	v57 =	vand.u32 $0x7F, v21;
	v17 =	vshll.u32 v21, $0x3  }
0x3c6: {  	v21 =	vsub.s32 v29, v41;
	v20 =	vor.u32 v46, v20;
	v17 =	vand.u32 $0xC00, v17;
	v19 =	vld.idx.msk [tilespmem:v19+s14+$0x0], $0xffff  }
0x3c7: {  	v25 =	vld [tilespmem:$0x1FF40];
	[tilespmem:s13+$0x40] =	vst v23;
	v20 =	vor.u32 v47, v20;
	v4 =	vor.u32 v17, v57;
	v17 =	vshll.u32 v21, $0x3  }
0x3c8: {  	[tilespmem:s23+$0x40] =	vst v14;
	v22 =	vld.idx.msk [tilespmem:v50+s14+$0x0], $0xffff;
	v14 =	vand.u32 $0x7F, v21;
	v21 =	vsub.s32 v29, v45;
	v17 =	vand.u32 $0xC00, v17  }
0x3c9: {  	v13 =	vld.idx.msk [tilespmem:v13+s14+$0x0], $0xffff;
	[tilespmem:s22+$0x40] =	vst v16;
	v16 =	vor.u32 v36, v18;
	v14 =	vor.u32 v17, v14;
	v17 =	vshll.u32 v21, $0x3  }
0x3ca: {  	v18 =	vand.u32 $0x7F, v21;
	v15 =	vld.idx.msk [tilespmem:v15+s14+$0x0], $0xffff;
	v14 =	vor.u32 v44, v14;
	v17 =	vand.u32 $0xC00, v17  }
0x3cb: {  	v50 =	vor.u32 v34, v16;
	v14 =	vor.u32 v43, v14;
	[tilespmem:s15+$0x40] =	vst v19;
	v16 =	vor.u32 v17, v18  }
0x3cc: {  	v4 =	vor.u32 v36, v4;
	v17 =	vsub.s32 v30, v41;
	v18 =	vld.idx.msk [tilespmem:v20+s14+$0x0], $0xffff;
	v16 =	vor.u32 v46, v16  }
0x3cd: {  	[tilespmem:s13+$0x50] =	vst v22;
	v19 =	vsub.s32 v25, v35;
	v20 =	vshll.u32 v17, $0x3;
	v16 =	vor.u32 v47, v16  }
0x3ce: {  	[tilespmem:s23+$0x50] =	vst v13;
	v21 =	vld.idx.msk [tilespmem:v40+s14+$0x0], $0xffff;
	v13 =	vand.u32 $0x7F, v17;
	v17 =	vand.u32 $0xC00, v20;
	v20 =	vsub.s32 v30, v45  }
0x3cf: {  	v12 =	vld.idx.msk [tilespmem:v12+s14+$0x0], $0xffff;
	[tilespmem:s22+$0x50] =	vst v15;
	v15 =	vand.u32 $0x7F, v19;
	v13 =	vor.u32 v17, v13;
	v17 =	vshll.u32 v20, $0x3  }
0x3d0: {  	v20 =	vand.u32 $0x7F, v20;
	v13 =	vor.u32 v44, v13;
	v17 =	vand.u32 $0xC00, v17;
	v14 =	vld.idx.msk [tilespmem:v14+s14+$0x0], $0xffff  }
0x3d1: {  	v13 =	vor.u32 v43, v13;
	v17 =	vor.u32 v17, v20;
	[tilespmem:s15+$0x50] =	vst v18;
	v18 =	vshll.u32 v19, $0x3  }
0x3d2: {  	v19 =	vsub.s32 v31, v41;
	v17 =	vor.u32 v46, v17;
	v18 =	vand.u32 $0xC00, v18;
	v16 =	vld.idx.msk [tilespmem:v16+s14+$0x0], $0xffff  }
0x3d3: {  	[tilespmem:s13+$0x60] =	vst v21;
	v17 =	vor.u32 v47, v17;
	v15 =	vor.u32 v18, v15;
	v18 =	vshll.u32 v19, $0x3  }
0x3d4: {  	[tilespmem:s23+$0x60] =	vst v12;
	v20 =	vld.idx.msk [tilespmem:v33+s14+$0x0], $0xffff;
	v12 =	vand.u32 $0x7F, v19;
	v19 =	vsub.s32 v31, v45;
	v18 =	vand.u32 $0xC00, v18  }
0x3d5: {  	v15 =	vor.u32 v36, v15;
	[tilespmem:s22+$0x60] =	vst v14;
	v14 =	vld.idx.msk [tilespmem:v11+s14+$0x0], $0xffff;
	v57 =	vor.u32 v18, v12  }
0x3d6: {  	v11 =	vor.u32 v34, v4;
	v12 =	vshll.u32 v19, $0x3;
	v13 =	vld.idx.msk [tilespmem:v13+s14+$0x0], $0xffff;
	v4 =	vor.u32 v44, v57  }
0x3d7: {  	v18 =	vand.u32 $0x7F, v19;
	v19 =	vor.u32 v43, v4;
	[tilespmem:s15+$0x60] =	vst v16;
	v4 =	vor.u32 v34, v15;
	v15 =	vld [tilespmem:$0x1FEC0]  }
0x3d8: {  	v16 =	vld.idx.msk [tilespmem:v17+s14+$0x0], $0xffff  }
0x3d9: {  	v17 =	vld [tilespmem:$0x1FF50]  }
0x3da: {  	v12 =	vand.u32 $0xC00, v12;
	[tilespmem:s13+$0x70] =	vst v20;
	v20 =	vld [tilespmem:$0x1FEC0]  }
0x3db: {  	v21 =	vld [tilespmem:$0x1FED0];
	v12 =	vor.u32 v12, v18  }
0x3dc: {  	v12 =	vor.u32 v46, v12  }
0x3dd: {  	v12 =	vor.u32 v47, v12;
	v15 =	vsub.s32 v15, v41  }
0x3de: {  	[tilespmem:s23+$0x70] =	vst v14;
	v17 =	vsub.s32 v17, v35;
	v18 =	vshll.u32 v15, $0x3  }
0x3df: {  	v0 =	vld.idx.msk [tilespmem:v0+s14+$0x0], $0xffff;
	[tilespmem:s22+$0x70] =	vst v13;
	v14 =	vand.u32 $0x7F, v15;
	v15 =	vand.u32 $0xC00, v18;
	v18 =	vsub.s32 v20, v45  }
0x3e0: {  	v10 =	vld.idx.msk [tilespmem:v10+s14+$0x0], $0xffff;
	[tilespmem:s15+$0x70] =	vst v16;
	v13 =	vand.u32 $0x7F, v17;
	v16 =	vshll.u32 v17, $0x3;
	v17 =	vsub.s32 v21, v41  }
0x3e1: {  	v14 =	vor.u32 v15, v14;
	v15 =	vshll.u32 v18, $0x3;
	v18 =	vand.u32 $0x7F, v18  }
0x3e2: {  	v12 =	vld.idx.msk [tilespmem:v12+s14+$0x0], $0xffff;
	v16 =	vand.u32 $0xC00, v16;
	v40 =	vand.u32 $0x7F, v17;
	v14 =	vor.u32 v44, v14  }
0x3e3: {  	v15 =	vand.u32 $0xC00, v15;
	v33 =	vor.u32 v16, v13;
	v13 =	vshll.u32 v17, $0x3  }
0x3e4: {  	[tilespmem:s13+$0x400] =	vst v0;
	v17 =	vsub.s32 v21, v45;
	v15 =	vor.u32 v15, v18;
	v13 =	vand.u32 $0xC00, v13  }
0x3e5: {  	v19 =	vld.idx.msk [tilespmem:v19+s14+$0x0], $0xffff;
	[tilespmem:s23+$0x400] =	vst v10;
	v15 =	vor.u32 v46, v15;
	v10 =	vor.u32 v13, v40;
	v13 =	vshll.u32 v17, $0x3  }
0x3e6: {  	v16 =	vld.idx.msk [tilespmem:v63+s14+$0x0], $0xffff;
	v17 =	vand.u32 $0x7F, v17;
	v15 =	vor.u32 v47, v15;
	v13 =	vand.u32 $0xC00, v13  }
0x3e7: {  	v14 =	vor.u32 v43, v14;
	[tilespmem:s15+$0x400] =	vst v12;
	v12 =	vor.u32 v13, v17;
	v13 =	vld [tilespmem:$0x1FF60]  }
0x3e8: {  	v9 =	vld.idx.msk [tilespmem:v9+s14+$0x0], $0xffff  }
0x3e9: {  	v22 =	vld [tilespmem:$0x1FEE0];
	_ =	sdelay $0x1  }
0x3ea: {  	[tilespmem:s22+$0x400] =	vst v19;
	v12 =	vor.u32 v46, v12;
	v15 =	vld.idx.msk [tilespmem:v15+s14+$0x0], $0xffff  }
0x3eb: {  	[tilespmem:s13+$0x410] =	vst v16;
	v14 =	vld.idx.msk [tilespmem:v14+s14+$0x0], $0xffff;
	v12 =	vor.u32 v47, v12;
	v13 =	vsub.s32 v13, v35  }
0x3ec: {  	v19 =	vld.idx.msk [tilespmem:v62+s14+$0x0], $0xffff;
	[tilespmem:s23+$0x410] =	vst v9;
	v16 =	vand.u32 $0x7F, v13;
	v13 =	vshll.u32 v13, $0x3  }
0x3ed: {  	v10 =	vor.u32 v44, v10;
	v17 =	vsub.s32 v22, v41;
	v8 =	vld.idx.msk [tilespmem:v8+s14+$0x0], $0xffff;
	v13 =	vand.u32 $0xC00, v13  }
0x3ee: {  	v10 =	vor.u32 v43, v10;
	v18 =	vshll.u32 v17, $0x3;
	v13 =	vor.u32 v13, v16;
	v16 =	vld [tilespmem:$0x1FF70]  }
0x3ef: {  	v57 =	vand.u32 $0x7F, v17;
	v17 =	vand.u32 $0xC00, v18;
	v18 =	vsub.s32 v22, v45;
	[tilespmem:s15+$0x410] =	vst v15;
	v15 =	vld [tilespmem:$0x1FEF0]  }
0x3f0: {  	[tilespmem:s22+$0x410] =	vst v14;
	v14 =	vshll.u32 v18, $0x3;
	v12 =	vld.idx.msk [tilespmem:v12+s14+$0x0], $0xffff  }
0x3f1: {  	v9 =	vor.u32 v17, v57;
	v17 =	vand.u32 $0x7F, v18;
	[tilespmem:s13+$0x420] =	vst v19;
	v19 =	vld [tilespmem:$0x1FEF0];
	v14 =	vand.u32 $0xC00, v14  }
0x3f2: {  	v18 =	vld.idx.msk [tilespmem:v61+s14+$0x0], $0xffff;
	v14 =	vor.u32 v14, v17  }
0x3f3: {  	v9 =	vor.u32 v44, v9;
	v10 =	vld.idx.msk [tilespmem:v10+s14+$0x0], $0xffff;
	[tilespmem:s23+$0x420] =	vst v8;
	v14 =	vor.u32 v46, v14  }
0x3f4: {  	v7 =	vld.idx.msk [tilespmem:v7+s14+$0x0], $0xffff;
	v14 =	vor.u32 v47, v14;
	v16 =	vsub.s32 v16, v35;
	v15 =	vsub.s32 v15, v41  }
0x3f5: {  	v62 =	vand.u32 $0x7F, v16;
	v17 =	vshll.u32 v15, $0x3;
	[tilespmem:s15+$0x420] =	vst v12;
	v12 =	vshll.u32 v16, $0x3;
	v16 =	vld [tilespmem:$0x1FF00]  }
0x3f6: {  	v61 =	vand.u32 $0x7F, v15;
	v15 =	vand.u32 $0xC00, v17;
	v17 =	vsub.s32 v19, v45  }
0x3f7: {  	v9 =	vor.u32 v43, v9;
	[tilespmem:s13+$0x430] =	vst v18;
	v18 =	vld [tilespmem:$0x1FF00];
	v8 =	vor.u32 v15, v61;
	v15 =	vshll.u32 v17, $0x3  }
0x3f8: {  	[tilespmem:s22+$0x420] =	vst v10;
	v17 =	vand.u32 $0x7F, v17;
	v15 =	vand.u32 $0xC00, v15  }
0x3f9: {  	v24 =	vld [tilespmem:$0x1FF10];
	v0 =	vor.u32 v36, v33;
	[tilespmem:s23+$0x430] =	vst v7;
	v12 =	vand.u32 $0xC00, v12;
	v15 =	vor.u32 v15, v17  }
0x3fa: {  	v14 =	vld.idx.msk [tilespmem:v14+s14+$0x0], $0xffff;
	v10 =	vor.u32 v12, v62;
	v16 =	vsub.s32 v16, v41;
	v15 =	vor.u32 v46, v15  }
0x3fb: {  	v33 =	vld.idx.msk [tilespmem:v5+s14+$0x0], $0xffff;
	v8 =	vor.u32 v44, v8;
	v12 =	vshll.u32 v16, $0x3;
	v15 =	vor.u32 v47, v15  }
0x3fc: {  	v9 =	vld.idx.msk [tilespmem:v9+s14+$0x0], $0xffff;
	v63 =	vand.u32 $0x7F, v16;
	v16 =	vsub.s32 v18, v45;
	v12 =	vand.u32 $0xC00, v12  }
0x3fd: {  	v8 =	vor.u32 v43, v8;
	v17 =	vld.idx.msk [tilespmem:v60+s14+$0x0], $0xffff;
	v7 =	vor.u32 v12, v63;
	v12 =	vshll.u32 v16, $0x3  }
0x3fe: {  	v40 =	vor.u32 v36, v13;
	v13 =	vand.u32 $0x7F, v16;
	v12 =	vand.u32 $0xC00, v12  }
0x3ff: {  	v23 =	vld [tilespmem:$0x1FEB0];
	[tilespmem:s15+$0x430] =	vst v14;
	v12 =	vor.u32 v12, v13  }
0x400: {  	[tilespmem:s23+$0x440] =	vst v33;
	v13 =	vsub.s32 v24, v41;
	v14 =	vld.idx.msk [tilespmem:v15+s14+$0x0], $0xffff;
	v12 =	vor.u32 v46, v12  }
0x401: {  	[tilespmem:s22+$0x430] =	vst v9;
	v3 =	vld.idx.msk [tilespmem:v3+s14+$0x0], $0xffff;
	v16 =	vshll.u32 v13, $0x3;
	v12 =	vor.u32 v47, v12  }
0x402: {  	v8 =	vld.idx.msk [tilespmem:v8+s14+$0x0], $0xffff;
	[tilespmem:s13+$0x440] =	vst v17;
	v57 =	vand.u32 $0x7F, v13;
	v13 =	vand.u32 $0xC00, v16;
	v16 =	vsub.s32 v24, v45  }
0x403: {  	v17 =	vld.idx.msk [tilespmem:v59+s14+$0x0], $0xffff;
	v9 =	vor.u32 v13, v57;
	v13 =	vshll.u32 v16, $0x3  }
0x404: {  	v7 =	vor.u32 v44, v7;
	v15 =	vld [tilespmem:$0x1FF80];
	v16 =	vand.u32 $0x7F, v16;
	v13 =	vand.u32 $0xC00, v13  }
0x405: {  	v7 =	vor.u32 v43, v7;
	v59 =	vld [tilespmem:$0x1FF20];
	v13 =	vor.u32 v13, v16;
	[tilespmem:s15+$0x440] =	vst v14  }
0x406: {  	v13 =	vor.u32 v46, v13;
	v12 =	vld.idx.msk [tilespmem:v12+s14+$0x0], $0xffff  }
0x407: {  	v13 =	vor.u32 v47, v13  }
0x408: {  	v5 =	vor.u32 v34, v40;
	v40 =	vsub.s32 v23, v41;
	[tilespmem:s23+$0x450] =	vst v3  }
0x409: {  	v62 =	vld.idx.msk [tilespmem:v6+s14+$0x0], $0xffff;
	[tilespmem:s22+$0x440] =	vst v8;
	v9 =	vor.u32 v44, v9;
	v15 =	vsub.s32 v15, v35  }
0x40a: {  	v10 =	vor.u32 v36, v10;
	v7 =	vld.idx.msk [tilespmem:v7+s14+$0x0], $0xffff;
	v9 =	vor.u32 v43, v9;
	[tilespmem:s13+$0x450] =	vst v17;
	v14 =	vshll.u32 v15, $0x3  }
0x40b: {  	v16 =	vld.idx.msk [tilespmem:v52+s14+$0x0], $0xffff;
	v60 =	vand.u32 $0x7F, v15;
	v15 =	vsub.s32 v59, v41;
	v14 =	vand.u32 $0xC00, v14;
	[tilespmem:s15+$0x450] =	vst v12  }
0x40c: {  	v6 =	vor.u32 v34, v10;
	v8 =	vor.u32 v14, v60;
	v14 =	vshll.u32 v15, $0x3;
	v12 =	vld.idx.msk [tilespmem:v13+s14+$0x0], $0xffff  }
0x40d: {  	v61 =	vand.u32 $0x7F, v15;
	v15 =	vsub.s32 v59, v45;
	v14 =	vand.u32 $0xC00, v14;
	v13 =	vld [tilespmem:$0x1FF90]  }
0x40e: {  	v63 =	vshll.u32 v15, $0x3;
	v8 =	vor.u32 v36, v8;
	v3 =	vor.u32 v14, v61  }
0x40f: {  	v17 =	vld [tilespmem:$0x1FF30];
	[tilespmem:s22+$0x450] =	vst v7;
	v14 =	vand.u32 $0x7F, v15;
	v10 =	vand.u32 $0xC00, v63;
	v3 =	vor.u32 v44, v3  }
0x410: {  	v9 =	vld.idx.msk [tilespmem:v9+s14+$0x0], $0xffff;
	[tilespmem:s13+$0x460] =	vst v16;
	v10 =	vor.u32 v10, v14;
	v14 =	vshll.u32 v40, $0x3;
	v15 =	vor.u32 v43, v3  }
0x411: {  	[tilespmem:s23+$0x460] =	vst v62;
	v16 =	vld.idx.msk [tilespmem:v37+s14+$0x0], $0xffff;
	v3 =	vor.u32 v34, v8;
	v10 =	vor.u32 v46, v10;
	v57 =	vand.u32 $0xC00, v14  }
0x412: {  	v2 =	vld.idx.msk [tilespmem:v2+s14+$0x0], $0xffff;
	v14 =	vsub.s32 v23, v45;
	v10 =	vor.u32 v47, v10;
	v13 =	vsub.s32 v13, v35  }
0x413: {  	v61 =	vshll.u32 v14, $0x3;
	v14 =	vand.u32 $0x7F, v14;
	[tilespmem:s15+$0x460] =	vst v12;
	v12 =	vshll.u32 v13, $0x3  }
0x414: {  	v60 =	vand.u32 $0x7F, v13;
	v13 =	vsub.s32 v17, v41;
	v12 =	vand.u32 $0xC00, v12  }
0x415: {  	v8 =	vand.u32 $0xC00, v61;
	[tilespmem:s22+$0x460] =	vst v9;
	v9 =	vor.u32 v12, v60;
	v12 =	vshll.u32 v13, $0x3  }
0x416: {  	[tilespmem:s13+$0x470] =	vst v16;
	v15 =	vld.idx.msk [tilespmem:v15+s14+$0x0], $0xffff;
	v62 =	vand.u32 $0x7F, v13;
	v13 =	vsub.s32 v17, v45;
	v12 =	vand.u32 $0xC00, v12  }
0x417: {  	[tilespmem:s23+$0x470] =	vst v2;
	v8 =	vor.u32 v8, v14;
	v14 =	vld.idx.msk [tilespmem:v48+s14+$0x0], $0xffff;
	v2 =	vor.u32 v12, v62;
	v12 =	vshll.u32 v13, $0x3  }
0x418: {  	v52 =	vand.u32 $0x7F, v40;
	v10 =	vld.idx.msk [tilespmem:v10+s14+$0x0], $0xffff;
	v13 =	vand.u32 $0x7F, v13;
	v12 =	vand.u32 $0xC00, v12  }
0x419: {  	v7 =	vor.u32 v57, v52;
	s13 =	simm.s32 $0x1;
	v37 =	vor.u32 v12, v13;
	v12 =	vld [tilespmem:$0x1FFA0]  }
0x41a: {  	s25 =	sand.u32 $0x7, s12;
	v7 =	vor.u32 v44, v7;
	v16 =	vld.idx.msk [tilespmem:v50+s14+$0x0], $0xffff;
	s13 =	simm.s32 @!p1 $0x0  }
0x41b: {  	s24 =	sshll.u32 s25, $0x7;
	v7 =	vor.u32 v43, v7;
	s13 =	sshll.u32 s13, $0x9  }
0x41c: {  	s25 =	sand.u32 $0x3, s7;
	s24 =	sadd.s32 s9, s24;
	v8 =	vor.u32 v46, v8;
	s13 =	sadd.s32 s13, s9;
	[tilespmem:s22+$0x470] =	vst v15;
	v15 =	vor.u32 v44, v2  }
0x41d: {  	s23 =	sshll.u32 s25, $0x8;
	v8 =	vor.u32 v47, v8;
	s25 =	sor.u32 $0x800, s13;
	[tilespmem:s15+$0x470] =	vst v10;
	s15 =	sadd.s32 $0x80, s24;
	v63 =	vor.u32 v43, v15;
	v13 =	vsub.s32 v25, v41  }
0x41e: {  	[tilespmem:s25+$0x10400] =	vst v14;
	s25 =	sor.u32 $0x800, s15;
	v15 =	vshll.u32 v13, $0x3;
	v13 =	vand.u32 $0x7F, v13;
	v12 =	vsub.s32 v12, v35  }
0x41f: {  	[tilespmem:s25+$0x10400] =	vst v16;
	v16 =	vsub.s32 v25, v45;
	v15 =	vand.u32 $0xC00, v15;
	v14 =	vand.u32 $0x7F, v12  }
0x420: {  	v7 =	vld.idx.msk [tilespmem:v7+s14+$0x0], $0xffff;
	v48 =	vshll.u32 v12, $0x3;
	v12 =	vor.u32 v15, v13;
	v13 =	vshll.u32 v16, $0x3  }
0x421: {  	v1 =	vld.idx.msk [tilespmem:v1+s14+$0x0], $0xffff;
	v15 =	vand.u32 $0x7F, v16;
	v12 =	vor.u32 v44, v12;
	v13 =	vand.u32 $0xC00, v13  }
0x422: {  	v52 =	vor.u32 v43, v12;
	v12 =	vor.u32 v13, v15;
	v15 =	vld [tilespmem:$0x1FCC0]  }
0x423: {  	s22 =	sadd.s32 s9, s23;
	v8 =	vld.idx.msk [tilespmem:v8+s14+$0x0], $0xffff;
	v10 =	vor.u32 v46, v37  }
0x424: {  	s22 =	sadd.s32 $0x100, s22;
	v10 =	vor.u32 v47, v10;
	v16 =	vld [tilespmem:$0x1FF50]  }
0x425: {  	s25 =	sor.u32 $0x800, s22  }
0x426: {  	v57 =	vsub.s32 v32, v35;
	v9 =	vor.u32 v36, v9;
	s23 =	sadd.s32 $0x180, s24;
	v40 =	vld.idx.msk [tilespmem:v11+s14+$0x0], $0xffff;
	[tilespmem:s25+$0x10400] =	vst v7;
	s25 =	sor.u32 $0x810, s13  }
0x427: {  	v2 =	vor.u32 v34, v9;
	s24 =	sor.u32 $0x800, s23;
	v9 =	vld.idx.msk [tilespmem:v63+s14+$0x0], $0xffff;
	[tilespmem:s25+$0x10400] =	vst v1;
	v1 =	vshll.u32 v57, $0x3  }
0x428: {  	v61 =	vand.u32 $0x7F, v57;
	[tilespmem:s24+$0x10400] =	vst v8;
	v1 =	vand.u32 $0xC00, v1;
	v50 =	vand.u32 $0xC00, v48  }
0x429: {  	v10 =	vld.idx.msk [tilespmem:v10+s14+$0x0], $0xffff;
	v1 =	vor.u32 v1, v61;
	v12 =	vor.u32 v46, v12;
	v13 =	vsub.s32 v16, v41  }
0x42a: {  	s25 =	sor.u32 $0x810, s15;
	v8 =	vor.u32 v50, v14;
	v12 =	vor.u32 v47, v12;
	v14 =	vshll.u32 v13, $0x3;
	v15 =	vld.idx.msk [tilespmem:v15+s14+$0x0], $0xffff  }
0x42b: {  	[tilespmem:s25+$0x10400] =	vst v40;
	s25 =	sor.u32 $0x810, s22;
	v61 =	vld [tilespmem:$0x1FF70];
	v60 =	vand.u32 $0x7F, v13;
	v13 =	vand.u32 $0xC00, v14;
	v14 =	vsub.s32 v16, v45  }
0x42c: {  	v4 =	vld.idx.msk [tilespmem:v4+s14+$0x0], $0xffff;
	[tilespmem:s25+$0x10400] =	vst v9;
	v7 =	vor.u32 v13, v60;
	v13 =	vshll.u32 v14, $0x3  }
0x42d: {  	s25 =	sor.u32 $0x810, s23;
	v11 =	vld.idx.msk [tilespmem:v52+s14+$0x0], $0xffff;
	v14 =	vand.u32 $0x7F, v14;
	v13 =	vand.u32 $0xC00, v13  }
0x42e: {  	[tilespmem:s25+$0x10400] =	vst v10;
	s25 =	sor.u32 $0x820, s13;
	v62 =	vor.u32 v13, v14;
	v13 =	vld [tilespmem:$0x1FF60]  }
0x42f: {  	v12 =	vld.idx.msk [tilespmem:v12+s14+$0x0], $0xffff;
	[tilespmem:s25+$0x10400] =	vst v15  }
0x430: {  	v14 =	vld.idx.msk [tilespmem:v51+s14+$0x0], $0xffff  }
0x431: {  	v15 =	vld [tilespmem:$0x1FF60];
	s25 =	sor.u32 $0x820, s15  }
0x432: {  	[tilespmem:s25+$0x10400] =	vst v4;
	s25 =	sor.u32 $0x820, s22  }
0x433: {  	v0 =	vor.u32 v34, v0;
	v7 =	vor.u32 v44, v7;
	v13 =	vsub.s32 v13, v41;
	v51 =	vld [tilespmem:$0x1FF70];
	[tilespmem:s25+$0x10400] =	vst v11;
	s25 =	sor.u32 $0x820, s23  }
0x434: {  	v7 =	vor.u32 v43, v7;
	v10 =	vor.u32 v46, v62;
	v63 =	vshll.u32 v13, $0x3;
	[tilespmem:s25+$0x10400] =	vst v12;
	s25 =	sor.u32 $0x830, s13  }
0x435: {  	v10 =	vor.u32 v47, v10;
	v37 =	vand.u32 $0x7F, v13;
	v9 =	vand.u32 $0xC00, v63;
	[tilespmem:s25+$0x10400] =	vst v14;
	v14 =	vld [tilespmem:$0x1FCD0]  }
0x436: {  	v4 =	vor.u32 v9, v37;
	v9 =	vsub.s32 v61, v41;
	v13 =	vsub.s32 v15, v45  }
0x437: {  	v57 =	vshll.u32 v13, $0x3;
	v60 =	vand.u32 $0x7F, v13;
	v13 =	vshll.u32 v9, $0x3  }
0x438: {  	v40 =	vld.idx.msk [tilespmem:v0+s14+$0x0], $0xffff;
	v62 =	vand.u32 $0xC00, v13;
	v13 =	vsub.s32 v51, v45  }
0x439: {  	v52 =	vor.u32 v36, v8;
	v7 =	vld.idx.msk [tilespmem:v7+s14+$0x0], $0xffff;
	v37 =	vshll.u32 v13, $0x3  }
0x43a: {  	v12 =	vld [tilespmem:$0x1FFB0];
	v8 =	vand.u32 $0xC00, v57;
	v13 =	vand.u32 $0x7F, v13;
	v11 =	vand.u32 $0xC00, v37  }
0x43b: {  	v4 =	vor.u32 v44, v4;
	v8 =	vor.u32 v8, v60;
	v11 =	vor.u32 v11, v13;
	v13 =	vld [tilespmem:$0x1FCE0]  }
0x43c: {  	v10 =	vld.idx.msk [tilespmem:v10+s14+$0x0], $0xffff;
	v4 =	vor.u32 v43, v4;
	v8 =	vor.u32 v46, v8  }
0x43d: {  	s25 =	sor.u32 $0x830, s15;
	v8 =	vor.u32 v47, v8;
	v14 =	vld.idx.msk [tilespmem:v14+s14+$0x0], $0xffff  }
0x43e: {  	[tilespmem:s25+$0x10400] =	vst v40  }
0x43f: {  	v9 =	vand.u32 $0x7F, v9;
	s25 =	sor.u32 $0x830, s22;
	v12 =	vsub.s32 v12, v35;
	v5 =	vld.idx.msk [tilespmem:v5+s14+$0x0], $0xffff  }
0x440: {  	[tilespmem:s25+$0x10400] =	vst v7;
	v9 =	vor.u32 v62, v9;
	s25 =	sor.u32 $0x830, s23;
	v63 =	vand.u32 $0x7F, v12;
	v40 =	vshll.u32 v12, $0x3;
	v12 =	vld [tilespmem:$0x1FF80]  }
0x441: {  	v9 =	vor.u32 v44, v9;
	[tilespmem:s25+$0x10400] =	vst v10;
	s25 =	sor.u32 $0x840, s13;
	v4 =	vld.idx.msk [tilespmem:v4+s14+$0x0], $0xffff  }
0x442: {  	v9 =	vor.u32 v43, v9;
	v11 =	vor.u32 v46, v11;
	v8 =	vld.idx.msk [tilespmem:v8+s14+$0x0], $0xffff;
	[tilespmem:s25+$0x10400] =	vst v14  }
0x443: {  	v11 =	vor.u32 v47, v11;
	v13 =	vld.idx.msk [tilespmem:v13+s14+$0x0], $0xffff  }
0x444: {  	v14 =	vld [tilespmem:$0x1FF80];
	s25 =	sor.u32 $0x840, s15  }
0x445: {  	v62 =	vld [tilespmem:$0x1FF90];
	v12 =	vsub.s32 v12, v41;
	[tilespmem:s25+$0x10400] =	vst v5;
	s25 =	sor.u32 $0x840, s22  }
0x446: {  	v0 =	vor.u32 v34, v52;
	v10 =	vand.u32 $0xC00, v40;
	v48 =	vshll.u32 v12, $0x3;
	[tilespmem:s25+$0x10400] =	vst v4;
	v52 =	vld.idx.msk [tilespmem:v6+s14+$0x0], $0xffff;
	s25 =	sor.u32 $0x840, s23  }
0x447: {  	v7 =	vor.u32 v10, v63;
	v50 =	vand.u32 $0x7F, v12;
	v10 =	vand.u32 $0xC00, v48;
	v9 =	vld.idx.msk [tilespmem:v9+s14+$0x0], $0xffff;
	[tilespmem:s25+$0x10400] =	vst v8;
	s25 =	sor.u32 $0x850, s13  }
0x448: {  	v1 =	vor.u32 v36, v1;
	v57 =	vor.u32 v10, v50;
	v8 =	vld.idx.msk [tilespmem:v11+s14+$0x0], $0xffff;
	[tilespmem:s25+$0x10400] =	vst v13  }
0x449: {  	v6 =	vor.u32 v34, v1;
	v1 =	vor.u32 v44, v57;
	v12 =	vsub.s32 v14, v45;
	v13 =	vld.idx.msk [tilespmem:v49+s14+$0x0], $0xffff  }
0x44a: {  	v60 =	vshll.u32 v12, $0x3;
	v61 =	vand.u32 $0x7F, v12;
	v12 =	vor.u32 v43, v1;
	v49 =	vld [tilespmem:$0x1FF90]  }
0x44b: {  	s25 =	sor.u32 $0x850, s15;
	v5 =	vand.u32 $0xC00, v60  }
0x44c: {  	v7 =	vor.u32 v36, v7;
	[tilespmem:s25+$0x10400] =	vst v52;
	v5 =	vor.u32 v5, v61  }
0x44d: {  	v1 =	vor.u32 v34, v7;
	v7 =	vsub.s32 v62, v41;
	s25 =	sor.u32 $0x850, s22;
	v3 =	vld.idx.msk [tilespmem:v3+s14+$0x0], $0xffff;
	v5 =	vor.u32 v46, v5  }
0x44e: {  	v63 =	vsub.s32 v42, v35;
	v37 =	vshll.u32 v7, $0x3;
	[tilespmem:s25+$0x10400] =	vst v9;
	s25 =	sor.u32 $0x850, s23;
	v61 =	vld [tilespmem:$0x1FFA0];
	v5 =	vor.u32 v47, v5  }
0x44f: {  	v40 =	vand.u32 $0x7F, v7;
	v52 =	vand.u32 $0x7F, v63;
	[tilespmem:s25+$0x10400] =	vst v8;
	s25 =	sor.u32 $0x860, s13;
	v12 =	vld.idx.msk [tilespmem:v12+s14+$0x0], $0xffff;
	v50 =	vsub.s32 v49, v45  }
0x450: {  	v60 =	vshll.u32 v63, $0x3;
	v48 =	vand.u32 $0xC00, v37;
	[tilespmem:s25+$0x10400] =	vst v13;
	v13 =	vld [tilespmem:$0x1FCF0];
	v57 =	vshll.u32 v50, $0x3  }
0x451: {  	v4 =	vor.u32 v48, v40;
	v11 =	vand.u32 $0x7F, v50;
	v63 =	vld.idx.msk [tilespmem:v39+s14+$0x0], $0xffff;
	v7 =	vand.u32 $0xC00, v57  }
0x452: {  	v4 =	vor.u32 v44, v4;
	v39 =	vld [tilespmem:$0x1FFA0];
	v7 =	vor.u32 v7, v11  }
0x453: {  	v4 =	vor.u32 v43, v4;
	v10 =	vsub.s32 v61, v41;
	v5 =	vld.idx.msk [tilespmem:v5+s14+$0x0], $0xffff;
	v7 =	vor.u32 v46, v7  }
0x454: {  	v62 =	vshll.u32 v10, $0x3;
	v7 =	vor.u32 v47, v7  }
0x455: {  	v8 =	vand.u32 $0xC00, v60;
	s25 =	sor.u32 $0x860, s15;
	v40 =	vand.u32 $0x7F, v10;
	v9 =	vand.u32 $0xC00, v62  }
0x456: {  	v33 =	vld [tilespmem:$0x1FFF0];
	v60 =	vsub.s32 v32, v41;
	v8 =	vor.u32 v8, v52;
	[tilespmem:s25+$0x10400] =	vst v3;
	s25 =	sor.u32 $0x860, s22;
	v3 =	vor.u32 v9, v40  }
0x457: {  	v2 =	vld.idx.msk [tilespmem:v2+s14+$0x0], $0xffff;
	[tilespmem:s25+$0x10400] =	vst v12;
	s25 =	sor.u32 $0x860, s23;
	v12 =	vshll.u32 v60, $0x3;
	v3 =	vor.u32 v44, v3;
	v48 =	vsub.s32 v39, v45  }
0x458: {  	v4 =	vld.idx.msk [tilespmem:v4+s14+$0x0], $0xffff;
	v3 =	vor.u32 v43, v3;
	v50 =	vshll.u32 v48, $0x3;
	v10 =	vand.u32 $0x7F, v48;
	[tilespmem:s25+$0x10400] =	vst v5;
	s25 =	sor.u32 $0x870, s13  }
0x459: {  	v9 =	vand.u32 $0xC00, v50;
	[tilespmem:s25+$0x10400] =	vst v63;
	v63 =	vand.u32 $0xC00, v12;
	v12 =	vsub.s32 v32, v45;
	v7 =	vld.idx.msk [tilespmem:v7+s14+$0x0], $0xffff  }
0x45a: {  	v52 =	vor.u32 v9, v10;
	v40 =	vshll.u32 v12, $0x3;
	v48 =	vand.u32 $0x7F, v12;
	v12 =	vld [tilespmem:$0x1FD00]  }
0x45b: {  	v57 =	vsub.s32 v55, v35;
	s25 =	sor.u32 $0x870, s15;
	v5 =	vor.u32 v46, v52;
	v13 =	vld.idx.msk [tilespmem:v13+s14+$0x0], $0xffff  }
0x45c: {  	v61 =	vand.u32 $0x7F, v57;
	[tilespmem:s25+$0x10400] =	vst v2;
	s25 =	sor.u32 $0x870, s22;
	v52 =	vld [tilespmem:$0x1FFB0];
	v5 =	vor.u32 v47, v5  }
0x45d: {  	v62 =	vand.u32 $0x7F, v60;
	v37 =	vshll.u32 v57, $0x3;
	v57 =	vsub.s32 v33, v35;
	[tilespmem:s25+$0x10400] =	vst v4;
	v0 =	vld.idx.msk [tilespmem:v0+s14+$0x0], $0xffff  }
0x45e: {  	v2 =	vor.u32 v63, v62;
	s25 =	sor.u32 $0x870, s23;
	v9 =	vand.u32 $0xC00, v40;
	v4 =	vand.u32 $0xC00, v37;
	v3 =	vld.idx.msk [tilespmem:v3+s14+$0x0], $0xffff  }
0x45f: {  	v37 =	vand.u32 $0x7F, v57;
	v50 =	vor.u32 v9, v48;
	v48 =	vshll.u32 v57, $0x3;
	v57 =	vld [tilespmem:$0x1FD10];
	[tilespmem:s25+$0x10400] =	vst v7;
	s25 =	sor.u32 $0xC00, s13  }
0x460: {  	v2 =	vor.u32 v44, v2;
	[tilespmem:s25+$0x10400] =	vst v13;
	v13 =	vld [tilespmem:$0x1FFB0]  }
0x461: {  	v2 =	vor.u32 v43, v2;
	v7 =	vor.u32 v46, v50;
	v5 =	vld.idx.msk [tilespmem:v5+s14+$0x0], $0xffff  }
0x462: {  	v8 =	vor.u32 v36, v8;
	v7 =	vor.u32 v47, v7;
	v12 =	vld.idx.msk [tilespmem:v12+s14+$0x0], $0xffff  }
0x463: {  	v8 =	vor.u32 v34, v8;
	v9 =	vsub.s32 v52, v41;
	s25 =	sor.u32 $0xC00, s15  }
0x464: {  	v4 =	vor.u32 v4, v61;
	v50 =	vsub.s32 v42, v41;
	v60 =	vshll.u32 v9, $0x3;
	[tilespmem:s25+$0x10400] =	vst v0;
	s25 =	sor.u32 $0xC00, s22  }
0x465: {  	v61 =	vand.u32 $0x7F, v9;
	v52 =	vshll.u32 v50, $0x3;
	v6 =	vld.idx.msk [tilespmem:v6+s14+$0x0], $0xffff;
	[tilespmem:s25+$0x10400] =	vst v3;
	s25 =	sor.u32 $0xC00, s23;
	v63 =	vsub.s32 v13, v45  }
0x466: {  	v62 =	vand.u32 $0xC00, v60;
	v60 =	vand.u32 $0x7F, v50;
	v2 =	vld.idx.msk [tilespmem:v2+s14+$0x0], $0xffff;
	[tilespmem:s25+$0x10400] =	vst v5;
	s25 =	sor.u32 $0xC10, s13;
	v40 =	vshll.u32 v63, $0x3  }
0x467: {  	v0 =	vor.u32 v62, v61;
	v11 =	vand.u32 $0x7F, v63;
	v7 =	vld.idx.msk [tilespmem:v7+s14+$0x0], $0xffff;
	v9 =	vand.u32 $0xC00, v40;
	[tilespmem:s25+$0x10400] =	vst v12  }
0x468: {  	v61 =	vsub.s32 v42, v45;
	v0 =	vor.u32 v44, v0;
	v9 =	vor.u32 v9, v11;
	v11 =	vld.idx.msk [tilespmem:v57+s14+$0x0], $0xffff  }
0x469: {  	v0 =	vor.u32 v43, v0;
	v5 =	vand.u32 $0xC00, v48;
	v57 =	vld [tilespmem:$0x1FD20];
	v9 =	vor.u32 v46, v9  }
0x46a: {  	v48 =	vsub.s32 v55, v41;
	v3 =	vor.u32 v5, v37;
	v9 =	vor.u32 v47, v9  }
0x46b: {  	v54 =	vld [tilespmem:$0x1FFD0];
	v5 =	vand.u32 $0xC00, v52;
	v37 =	vshll.u32 v61, $0x3;
	v52 =	vshll.u32 v48, $0x3;
	s25 =	sor.u32 $0xC10, s15  }
0x46c: {  	v63 =	vor.u32 v5, v60;
	v40 =	vand.u32 $0x7F, v61;
	v61 =	vand.u32 $0xC00, v52;
	v52 =	vld [tilespmem:$0x1FD30];
	[tilespmem:s25+$0x10400] =	vst v6;
	s25 =	sor.u32 $0xC10, s22  }
0x46d: {  	v62 =	vor.u32 v36, v4;
	v5 =	vand.u32 $0xC00, v37;
	v4 =	vor.u32 v44, v63;
	[tilespmem:s25+$0x10400] =	vst v2;
	v1 =	vld.idx.msk [tilespmem:v1+s14+$0x0], $0xffff;
	s25 =	sor.u32 $0xC10, s23  }
0x46e: {  	v5 =	vor.u32 v5, v40;
	v2 =	vor.u32 v34, v62;
	v0 =	vld.idx.msk [tilespmem:v0+s14+$0x0], $0xffff;
	[tilespmem:s25+$0x10400] =	vst v7  }
0x46f: {  	v4 =	vor.u32 v43, v4;
	v5 =	vor.u32 v46, v5;
	v62 =	vsub.s32 v55, v45;
	s25 =	sor.u32 $0xC20, s13;
	v7 =	vld.idx.msk [tilespmem:v9+s14+$0x0], $0xffff  }
0x470: {  	v50 =	vsub.s32 v54, v35;
	v5 =	vor.u32 v47, v5;
	v37 =	vshll.u32 v62, $0x3;
	[tilespmem:s25+$0x10400] =	vst v11  }
0x471: {  	v60 =	vand.u32 $0x7F, v48;
	v10 =	vand.u32 $0x7F, v62;
	v6 =	vand.u32 $0xC00, v37;
	s25 =	sor.u32 $0xC20, s15;
	v11 =	vld.idx.msk [tilespmem:v57+s14+$0x0], $0xffff  }
0x472: {  	v48 =	vsub.s32 v33, v41;
	v63 =	vand.u32 $0x7F, v50;
	v6 =	vor.u32 v6, v10;
	[tilespmem:s25+$0x10400] =	vst v1;
	s25 =	sor.u32 $0xC20, s22  }
0x473: {  	v40 =	vshll.u32 v50, $0x3;
	v6 =	vor.u32 v46, v6;
	v1 =	vor.u32 v61, v60;
	v8 =	vld.idx.msk [tilespmem:v8+s14+$0x0], $0xffff;
	[tilespmem:s25+$0x10400] =	vst v0;
	s25 =	sor.u32 $0xC20, s23  }
0x474: {  	v50 =	vshll.u32 v48, $0x3;
	v6 =	vor.u32 v47, v6;
	v1 =	vor.u32 v44, v1;
	v4 =	vld.idx.msk [tilespmem:v4+s14+$0x0], $0xffff;
	[tilespmem:s25+$0x10400] =	vst v7  }
0x475: {  	v60 =	vsub.s32 v33, v45;
	v1 =	vor.u32 v43, v1;
	s25 =	sor.u32 $0xC30, s13;
	v7 =	vand.u32 $0xC00, v40;
	v5 =	vld.idx.msk [tilespmem:v5+s14+$0x0], $0xffff  }
0x476: {  	v62 =	vshll.u32 v60, $0x3;
	[tilespmem:s25+$0x10400] =	vst v11;
	v0 =	vor.u32 v7, v63;
	v63 =	vand.u32 $0x7F, v60;
	v60 =	vld [tilespmem:$0x1FFE0]  }
0x477: {  	v57 =	vand.u32 $0x7F, v48;
	s25 =	sor.u32 $0xC30, s15;
	v7 =	vand.u32 $0xC00, v50;
	v10 =	vld.idx.msk [tilespmem:v52+s14+$0x0], $0xffff  }
0x478: {  	v3 =	vor.u32 v36, v3;
	[tilespmem:s25+$0x10400] =	vst v8;
	s25 =	sor.u32 $0xC30, s22;
	v61 =	vor.u32 v7, v57;
	v57 =	vld [tilespmem:$0x1FD40]  }
0x479: {  	v3 =	vor.u32 v34, v3;
	v37 =	vsub.s32 v54, v41;
	v2 =	vld.idx.msk [tilespmem:v2+s14+$0x0], $0xffff;
	[tilespmem:s25+$0x10400] =	vst v4;
	s25 =	sor.u32 $0xC30, s23  }
0x47a: {  	v48 =	vand.u32 $0x7F, v37;
	v50 =	vshll.u32 v37, $0x3;
	v7 =	vand.u32 $0xC00, v62;
	v1 =	vld.idx.msk [tilespmem:v1+s14+$0x0], $0xffff;
	[tilespmem:s25+$0x10400] =	vst v5  }
0x47b: {  	v8 =	vand.u32 $0xC00, v50;
	v52 =	vsub.s32 v54, v45;
	v4 =	vor.u32 v44, v61;
	v6 =	vld.idx.msk [tilespmem:v6+s14+$0x0], $0xffff  }
0x47c: {  	v40 =	vor.u32 v7, v63;
	v7 =	vor.u32 v8, v48;
	v54 =	vshll.u32 v52, $0x3;
	s25 =	sor.u32 $0xC40, s13  }
0x47d: {  	v9 =	vand.u32 $0x7F, v52;
	v8 =	vand.u32 $0xC00, v54;
	[tilespmem:s25+$0x10400] =	vst v10;
	s25 =	sor.u32 $0xC40, s15;
	v10 =	vsub.s32 v60, v35  }
0x47e: {  	v4 =	vor.u32 v43, v4;
	v62 =	vor.u32 v8, v9;
	[tilespmem:s25+$0x10400] =	vst v2;
	s25 =	sor.u32 $0xC40, s22;
	v63 =	vshll.u32 v10, $0x3  }
0x47f: {  	v52 =	vld [tilespmem:$0x1FD50];
	v5 =	vor.u32 v46, v40;
	v35 =	vand.u32 $0x7F, v10;
	[tilespmem:s25+$0x10400] =	vst v1;
	s25 =	sor.u32 $0xC40, s23;
	v8 =	vand.u32 $0xC00, v63  }
0x480: {  	v5 =	vor.u32 v47, v5;
	v2 =	vld.idx.msk [tilespmem:v57+s14+$0x0], $0xffff;
	[tilespmem:s25+$0x10400] =	vst v6;
	v6 =	vor.u32 v8, v35  }
0x481: {  	v0 =	vor.u32 v36, v0;
	v6 =	vor.u32 v36, v6;
	v36 =	vld [tilespmem:$0x1FFE0]  }
0x482: {  	v0 =	vor.u32 v34, v0;
	v37 =	vor.u32 v34, v6;
	v34 =	vld [tilespmem:$0x1FFE0]  }
0x483: {  	v61 =	vld.idx.msk [tilespmem:v3+s14+$0x0], $0xffff  }
0x484: {  	v7 =	vor.u32 v44, v7;
	v4 =	vld.idx.msk [tilespmem:v4+s14+$0x0], $0xffff  }
0x485: {  	v7 =	vor.u32 v43, v7;
	v3 =	vor.u32 v46, v62;
	v5 =	vld.idx.msk [tilespmem:v5+s14+$0x0], $0xffff  }
0x486: {  	v3 =	vor.u32 v47, v3;
	s25 =	sor.u32 $0xC50, s13;
	v8 =	vsub.s32 v36, v41  }
0x487: {  	[tilespmem:s25+$0x10400] =	vst v2;
	s25 =	sor.u32 $0xC50, s15;
	v48 =	vshll.u32 v8, $0x3;
	v50 =	vsub.s32 v34, v45  }
0x488: {  	v10 =	vld.idx.msk [tilespmem:v52+s14+$0x0], $0xffff;
	[tilespmem:s25+$0x10400] =	vst v61;
	s25 =	sor.u32 $0xC50, s22;
	v54 =	vand.u32 $0x7F, v8;
	v6 =	vand.u32 $0xC00, v48;
	v57 =	vshll.u32 v50, $0x3  }
0x489: {  	[tilespmem:s25+$0x10400] =	vst v4;
	v0 =	vld.idx.msk [tilespmem:v0+s14+$0x0], $0xffff;
	s25 =	sor.u32 $0xC50, s23;
	v60 =	vand.u32 $0x7F, v50;
	v1 =	vor.u32 v6, v54;
	v61 =	vand.u32 $0xC00, v57  }
0x48a: {  	[tilespmem:s25+$0x10400] =	vst v5;
	v62 =	vld.idx.msk [tilespmem:v7+s14+$0x0], $0xffff;
	v1 =	vor.u32 v44, v1;
	v4 =	vor.u32 v61, v60  }
0x48b: {  	v3 =	vld.idx.msk [tilespmem:v3+s14+$0x0], $0xffff;
	v1 =	vor.u32 v43, v1;
	v4 =	vor.u32 v46, v4  }
0x48c: {  	s25 =	sor.u32 $0xC60, s13;
	v4 =	vor.u32 v47, v4  }
0x48d: {  	[tilespmem:s25+$0x10400] =	vst v10;
	s25 =	sor.u32 $0xC60, s15  }
0x48e: {  	[tilespmem:s25+$0x10400] =	vst v0;
	v63 =	vld.idx.msk [tilespmem:v56+s14+$0x0], $0xffff;
	s25 =	sor.u32 $0xC60, s22  }
0x48f: {  	[tilespmem:s25+$0x10400] =	vst v62;
	v2 =	vld.idx.msk [tilespmem:v37+s14+$0x0], $0xffff;
	s25 =	sor.u32 $0xC60, s23  }
0x490: {  	[tilespmem:s25+$0x10400] =	vst v3;
	v1 =	vld.idx.msk [tilespmem:v1+s14+$0x0], $0xffff  }
0x491: {  	p2 =	slt.u32 s8, $0x1C;
	v3 =	vld.idx.msk [tilespmem:v4+s14+$0x0], $0xffff  }
.Ltmp2:
0x492: {  	s13 =	sor.u32 $0xC70, s13;
	(pc) =	sbr.rel @p2 .LBB2_7-.Ltmp2, $4  }
0x493: {  	s15 =	sor.u32 $0xC70, s15;
	[tilespmem:s13+$0x10400] =	vst v63  }
0x494: {  	s8 =	sadd.s32 $0x4, s8;
	s24 =	sor.u32 $0xC70, s22;
	[tilespmem:s15+$0x10400] =	vst v2  }
0x495: {  	s0 =	sadd.s32 $0x200, s0;
	s12 =	sadd.s32 $0x4, s12;
	s25 =	sor.u32 $0xC70, s23;
	[tilespmem:s24+$0x10400] =	vst v1  }
0x496: {  	s7 =	sadd.s32 $0x2, s7;
	v58 =	vlaneseq.u32;
	p1 =	por !p1, !p1;
	s9 =	sadd.s32 $0x800, s9;
	v40 =	vmov v38;
	[tilespmem:s25+$0x10400] =	vst v3  }
0x497: {  	s0 =	sadd.s32 s3, s31;
	s31 =	smin.u32 s30, $0x1B  }
0x498: {  	[hbm4b:s0+s4] =	stream.linear.scatter [tilespmem:s20], [sflag:$0x5], $0x4000, $0x38;
	[tilespmem:$0x18400] =	vst v63  }
0x499: {  	s0 =	sshll.u32 s31, $0xE  }
0x49a: {  	s0 =	sadd.s32 s0, s10  }
0x49b: {  	s0 =	sshrl.u32 s0, $0x3  }
0x49c: {  	s0 =	sadd.s32 s1, s0  }
0x49d: {  	[tilespmem:s14], [sflag:$0x1] =	stream.linear.gather [hbm4b:s0+s4], $0x4000, $0x38;
	[tilespmem:$0x18400] =	vst v63  }
0x49e: {  	_ =	swait.ge [sflag:s18], $0x4000  }
0x49f: {  	[sflag:s18] =	ssyncset.done $0x0  }
0x4a0: {  	s0 =	simm.s32 @!p0 $0x6;
	[sflag:s18] =	ssyncadd.s32 $0xFFFFC000  }
0x4a1: {  	s7 =	simm.s32 $0x0;
	s9 =	simm.s32 $0x0;
	_ =	swait.ge @!p0 [sflag:s0], $0x4000  }
0x4a2: {  	s12 =	simm.s32 $0x0;
	s8 =	simm.s32 $0x0;
	[sflag:s0] =	ssyncset.done @!p0 $0x0  }
0x4a3: {  	v48 =	vmov v42;
	v56 =	vmov v55;
	v37 =	vmov v33;
	[sflag:s0] =	ssyncadd.s32 @!p0 $0xFFFFC000;
	s0 =	simm.s32 $0x180;
	p0 =	por $0x0, $0x0  }
.LBB2_9:
0x4a4: {  	s13 =	sadd.s32 s8, s28  }
0x4a5: {  	s15 =	sadd.s32 $0x60, s13  }
0x4a6: {  	v0 =	vmov s15  }
0x4a7: {  	v0 =	vand.u32 $0xFFFFFFFC, v0  }
0x4a8: {  	v0 =	vbroadcast v0, $0x0;
	_ =	sdelay $0x5  }
0x4a9: {  	v7 =	vld.idx.msk [tilespmem:v0+s4+$0x0], $0xffff;
	_ =	sdelay $0x1  }
0x4aa: {  	v51 =	vmov s8  }
0x4ab: {  	v2 =	vshll.u32 v51, $0x9;
	v0 =	vshll.u32 v51, $0x7  }
0x4ac: {  	v3 =	vand.u32 $0x3000, v2;
	v5 =	vand.u32 $0x200, v0  }
0x4ad: {  	v1 =	vsub.s32 v58, v7;
	v52 =	vsub.s32 v40, v7;
	v60 =	vsub.s32 v53, v7  }
0x4ae: {  	v62 =	vsub.s32 v26, v7;
	v36 =	vsub.s32 v27, v7;
	v41 =	vsub.s32 v28, v7  }
0x4af: {  	v44 =	vsub.s32 v29, v7;
	v47 =	vsub.s32 v30, v7;
	v4 =	vand.u32 $0x7F, v1  }
0x4b0: {  	v1 =	vshll.u32 v1, $0x3;
	v55 =	vshll.u32 v52, $0x3;
	v2 =	vand.u32 $0x7F, v52  }
0x4b1: {  	v61 =	vshll.u32 v60, $0x3;
	v8 =	vshll.u32 v62, $0x3;
	v63 =	vand.u32 $0x7F, v62  }
0x4b2: {  	v40 =	vshll.u32 v36, $0x3;
	v9 =	vshll.u32 v41, $0x3;
	v42 =	vand.u32 $0x7F, v41  }
0x4b3: {  	v46 =	vshll.u32 v44, $0x3;
	v62 =	vsub.s32 v31, v7;
	v1 =	vand.u32 $0xC00, v1  }
0x4b4: {  	v8 =	vand.u32 $0xC00, v8;
	v43 =	vand.u32 $0xC00, v9;
	v54 =	vor.u32 v1, v4  }
0x4b5: {  	v1 =	vand.u32 $0xC00, v55;
	v33 =	vor.u32 v8, v63;
	v8 =	vand.u32 $0x7F, v44  }
0x4b6: {  	v63 =	vshll.u32 v62, $0x3;
	v0 =	vor.u32 v3, v54;
	v57 =	vor.u32 v1, v2  }
0x4b7: {  	v1 =	vand.u32 $0x7F, v60;
	v2 =	vand.u32 $0xC00, v61;
	v35 =	vor.u32 v3, v33  }
0x4b8: {  	v54 =	vshll.u32 v47, $0x3;
	v60 =	vand.u32 $0x7F, v47;
	v33 =	vsub.s32 v20, v7  }
0x4b9: {  	v6 =	vor.u32 v5, v0;
	v0 =	vor.u32 v3, v57;
	v1 =	vor.u32 v2, v1  }
0x4ba: {  	v57 =	vor.u32 v5, v35;
	v10 =	vshll.u32 v33, $0x3;
	v35 =	vand.u32 $0x7F, v33  }
0x4bb: {  	v33 =	vsub.s32 v18, v7;
	v4 =	vor.u32 v5, v0;
	v11 =	vor.u32 v3, v1  }
0x4bc: {  	v1 =	vand.u32 $0x7F, v36;
	v0 =	vand.u32 $0xC00, v40;
	v36 =	vand.u32 $0xC00, v10  }
0x4bd: {  	v2 =	vor.u32 v5, v11;
	v0 =	vor.u32 v0, v1;
	v1 =	vor.u32 v43, v42  }
0x4be: {  	v41 =	vor.u32 v36, v35;
	v43 =	vsub.s32 v21, v7;
	v36 =	vshll.u32 v33, $0x3  }
0x4bf: {  	v0 =	vor.u32 v3, v0;
	v45 =	vor.u32 v3, v1;
	v1 =	vand.u32 $0xC00, v46  }
0x4c0: {  	v44 =	vshll.u32 v43, $0x3;
	v55 =	vor.u32 v5, v0;
	v51 =	vor.u32 v5, v45  }
0x4c1: {  	v52 =	vor.u32 v1, v8;
	v1 =	vand.u32 $0xC00, v54;
	v8 =	vand.u32 $0xC00, v63  }
0x4c2: {  	v45 =	vsub.s32 v22, v7;
	v54 =	vsub.s32 v19, v7;
	v0 =	vor.u32 v3, v52  }
0x4c3: {  	v61 =	vor.u32 v1, v60;
	v1 =	vand.u32 $0x7F, v62;
	v46 =	vshll.u32 v45, $0x3  }
0x4c4: {  	v47 =	vand.u32 $0x7F, v45;
	v9 =	vand.u32 $0x7F, v54;
	v45 =	vsub.s32 v59, v7  }
0x4c5: {  	v42 =	vor.u32 v5, v0;
	v0 =	vor.u32 v3, v61;
	v1 =	vor.u32 v8, v1  }
0x4c6: {  	v8 =	vand.u32 $0x7F, v43;
	v50 =	vand.u32 $0xC00, v46;
	v61 =	vshll.u32 v54, $0x3  }
0x4c7: {  	v43 =	vsub.s32 v24, v7;
	v11 =	vshll.u32 v45, $0x3;
	v46 =	vand.u32 $0x7F, v45  }
0x4c8: {  	v52 =	vor.u32 v5, v0;
	v40 =	vor.u32 v3, v1;
	v1 =	vor.u32 v3, v41  }
0x4c9: {  	v0 =	vor.u32 v5, v40;
	v63 =	vor.u32 v5, v1;
	v1 =	vand.u32 $0xC00, v44  }
0x4ca: {  	v40 =	vand.u32 $0x7F, v33;
	v44 =	vshll.u32 v43, $0x3;
	v1 =	vor.u32 v1, v8  }
0x4cb: {  	v8 =	vor.u32 v50, v47;
	v47 =	vand.u32 $0xC00, v11;
	v1 =	vor.u32 v3, v1  }
0x4cc: {  	v60 =	vor.u32 v3, v8;
	v8 =	vand.u32 $0xC00, v61;
	v54 =	vor.u32 v47, v46  }
0x4cd: {  	v62 =	vor.u32 v5, v1;
	v61 =	vor.u32 v5, v60;
	v35 =	vor.u32 v8, v9  }
0x4ce: {  	v8 =	vand.u32 $0xC00, v36;
	v9 =	vand.u32 $0xC00, v44;
	v36 =	vsub.s32 v23, v7  }
0x4cf: {  	v44 =	vsub.s32 v17, v7;
	v1 =	vor.u32 v3, v35;
	v41 =	vor.u32 v8, v40  }
0x4d0: {  	v8 =	vand.u32 $0x7F, v43;
	v35 =	vor.u32 v3, v54;
	v43 =	vshll.u32 v36, $0x3  }
0x4d1: {  	v45 =	vshll.u32 v44, $0x3;
	v46 =	vand.u32 $0x7F, v44;
	v60 =	vor.u32 v5, v1  }
0x4d2: {  	v1 =	vor.u32 v3, v41;
	v8 =	vor.u32 v9, v8;
	v40 =	vor.u32 v5, v35  }
0x4d3: {  	v47 =	vand.u32 $0xC00, v45;
	v35 =	vsub.s32 v16, v7;
	v45 =	vsub.s32 v15, v7  }
0x4d4: {  	v59 =	vor.u32 v5, v1;
	v50 =	vor.u32 v3, v8;
	v8 =	vand.u32 $0x7F, v36  }
0x4d5: {  	v1 =	vand.u32 $0xC00, v43;
	v41 =	vshll.u32 v35, $0x3;
	v43 =	vand.u32 $0x7F, v35  }
0x4d6: {  	v33 =	vor.u32 v5, v50;
	v1 =	vor.u32 v1, v8;
	v8 =	vor.u32 v47, v46  }
0x4d7: {  	v50 =	vsub.s32 v25, v7;
	v46 =	vshll.u32 v45, $0x3;
	v1 =	vor.u32 v3, v1  }
0x4d8: {  	v47 =	vld [tilespmem:$0x1FF70];
	v8 =	vor.u32 v3, v8;
	v54 =	vshll.u32 v50, $0x3;
	v9 =	vand.u32 $0x7F, v50  }
0x4d9: {  	v1 =	vor.u32 v5, v1;
	v10 =	vand.u32 $0xC00, v54;
	v54 =	vor.u32 v5, v8  }
0x4da: {  	v36 =	vor.u32 v10, v9;
	v9 =	vand.u32 $0xC00, v41;
	v10 =	vand.u32 $0xC00, v46  }
0x4db: {  	v8 =	vor.u32 v3, v36;
	v44 =	vor.u32 v9, v43;
	v9 =	vand.u32 $0x7F, v45  }
0x4dc: {  	v45 =	vsub.s32 v14, v7;
	v50 =	vor.u32 v5, v8;
	v8 =	vor.u32 v3, v44  }
0x4dd: {  	v11 =	vsub.s32 v47, v7;
	v9 =	vor.u32 v10, v9;
	v46 =	vshll.u32 v45, $0x3  }
0x4de: {  	v47 =	vsub.s32 v49, v7;
	v12 =	vshll.u32 v11, $0x3;
	v35 =	vand.u32 $0x7F, v11  }
0x4df: {  	v8 =	vor.u32 v5, v8;
	v41 =	vor.u32 v3, v9;
	v9 =	vand.u32 $0x7F, v45  }
0x4e0: {  	v49 =	vshll.u32 v47, $0x3;
	v45 =	vsub.s32 v32, v7;
	v36 =	vand.u32 $0xC00, v12  }
0x4e1: {  	[tilespmem:$0x1FC10] =	vst v8;
	v8 =	vor.u32 v5, v41;
	v41 =	vsub.s32 v39, v7;
	v43 =	vor.u32 v36, v35  }
0x4e2: {  	v12 =	vsub.s32 v56, v7;
	v35 =	vand.u32 $0x7F, v47;
	v44 =	vor.u32 v3, v43  }
0x4e3: {  	[tilespmem:$0x1FC20] =	vst v8;
	v36 =	vand.u32 $0xC00, v49;
	v10 =	vand.u32 $0x7F, v41;
	v8 =	vor.u32 v5, v44  }
0x4e4: {  	v47 =	vshll.u32 v45, $0x3;
	v44 =	vshll.u32 v41, $0x3;
	[tilespmem:$0x1FC30] =	vst v8;
	v8 =	vand.u32 $0xC00, v46  }
0x4e5: {  	v8 =	vor.u32 v8, v9;
	v9 =	vor.u32 v36, v35;
	v35 =	vand.u32 $0x7F, v45  }
0x4e6: {  	v36 =	vsub.s32 v13, v7;
	v45 =	vsub.s32 v48, v7;
	v13 =	vshll.u32 v12, $0x3  }
0x4e7: {  	v12 =	vand.u32 $0x7F, v12;
	v8 =	vor.u32 v3, v8;
	v43 =	vor.u32 v3, v9  }
0x4e8: {  	v9 =	vand.u32 $0xC00, v44;
	v41 =	vshll.u32 v36, $0x3;
	v11 =	vand.u32 $0x7F, v36  }
0x4e9: {  	v13 =	vand.u32 $0xC00, v13;
	v49 =	vor.u32 v5, v8;
	v39 =	vor.u32 v5, v43  }
0x4ea: {  	v46 =	vor.u32 v9, v10;
	v9 =	vand.u32 $0xC00, v47;
	v10 =	vand.u32 $0xC00, v41  }
0x4eb: {  	s24 =	sadd.s32 $0x61, s13;
	v47 =	vand.u32 $0x7F, v45;
	v36 =	vor.u32 v13, v12;
	v41 =	vsub.s32 v37, v7  }
0x4ec: {  	v8 =	vor.u32 v3, v46;
	v9 =	vor.u32 v9, v35;
	v46 =	vmov s24  }
0x4ed: {  	v44 =	vor.u32 v10, v11;
	v9 =	vor.u32 v3, v9;
	v10 =	vand.u32 $0xFFFFFFFD, v46;
	v46 =	vld [tilespmem:$0x1FFD0]  }
0x4ee: {  	v8 =	vor.u32 v5, v8;
	v43 =	vor.u32 v5, v9;
	v9 =	vshll.u32 v45, $0x3  }
0x4ef: {  	[tilespmem:$0x1FC40] =	vst v8;
	v8 =	vor.u32 v3, v44;
	v10 =	vbroadcast v10, $0x0;
	v9 =	vand.u32 $0xC00, v9  }
0x4f0: {  	v44 =	vshll.u32 v41, $0x3;
	v8 =	vor.u32 v5, v8;
	v35 =	vor.u32 v9, v47  }
0x4f1: {  	v45 =	vand.u32 $0x7F, v41;
	[tilespmem:$0x1FC60] =	vst v8;
	v9 =	vor.u32 v3, v36;
	v8 =	vor.u32 v3, v35  }
0x4f2: {  	s25 =	sadd.s32 $0x1, s8;
	[tilespmem:$0x1FC50] =	vst v43;
	v43 =	vor.u32 v5, v9;
	v8 =	vor.u32 v5, v8;
	v11 =	vsub.s32 v46, v7  }
0x4f3: {  	v7 =	vsub.s32 v34, v7;
	v46 =	vmov s25;
	[tilespmem:$0x1FC70] =	vst v8;
	v8 =	vand.u32 $0xC00, v44  }
0x4f4: {  	v47 =	vshll.u32 v11, $0x3;
	v36 =	vand.u32 $0x7F, v11;
	v41 =	vshll.u32 v7, $0x3  }
0x4f5: {  	v7 =	vand.u32 $0x7F, v7;
	v8 =	vor.u32 v8, v45;
	v35 =	vld.idx.msk [tilespmem:v10+s4+$0x0], $0xffff;
	v9 =	vand.u32 $0xC00, v47  }
0x4f6: {  	[tilespmem:$0x1FC80] =	vst v43;
	v43 =	vand.u32 $0xC00, v41;
	v9 =	vor.u32 v9, v36;
	v8 =	vor.u32 v3, v8  }
0x4f7: {  	v7 =	vor.u32 v43, v7;
	v36 =	vshll.u32 v46, $0x9;
	v9 =	vor.u32 v3, v9  }
0x4f8: {  	v8 =	vor.u32 v5, v8;
	v3 =	vor.u32 v3, v7;
	v36 =	vand.u32 $0x3000, v36  }
0x4f9: {  	v44 =	vor.u32 v5, v9;
	v3 =	vor.u32 v5, v3;
	v5 =	vshll.u32 v46, $0x7  }
0x4fa: {  	v34 =	vand.u32 $0x280, v5;
	v45 =	vsub.s32 v58, v35;
	v41 =	vsub.s32 v38, v35  }
0x4fb: {  	[tilespmem:$0x1FCA0] =	vst v44;
	v44 =	vsub.s32 v53, v35;
	v19 =	vsub.s32 v22, v35;
	v47 =	vand.u32 $0x7F, v45  }
0x4fc: {  	[tilespmem:$0x1FCB0] =	vst v3;
	v3 =	vshll.u32 v45, $0x3;
	v43 =	vshll.u32 v41, $0x3;
	v5 =	vand.u32 $0x7F, v41  }
0x4fd: {  	v45 =	vshll.u32 v44, $0x3;
	v46 =	vand.u32 $0x7F, v44;
	v3 =	vand.u32 $0xC00, v3  }
0x4fe: {  	v44 =	vsub.s32 v26, v35;
	v7 =	vand.u32 $0xC00, v43;
	v3 =	vor.u32 v3, v47  }
0x4ff: {  	v5 =	vor.u32 v7, v5;
	v47 =	vand.u32 $0xC00, v45;
	v45 =	vshll.u32 v44, $0x3  }
0x500: {  	v3 =	vor.u32 v36, v3;
	v11 =	vor.u32 v36, v5;
	v41 =	vor.u32 v47, v46  }
0x501: {  	v46 =	vsub.s32 v27, v35;
	v5 =	vand.u32 $0x7F, v44;
	v44 =	vsub.s32 v28, v35  }
0x502: {  	v18 =	vor.u32 v34, v3;
	v17 =	vor.u32 v34, v11;
	v43 =	vor.u32 v36, v41  }
0x503: {  	v3 =	vand.u32 $0xC00, v45;
	v47 =	vshll.u32 v46, $0x3;
	v41 =	vand.u32 $0x7F, v46  }
0x504: {  	v46 =	vshll.u32 v44, $0x3;
	v7 =	vand.u32 $0x7F, v44;
	v44 =	vsub.s32 v30, v35  }
0x505: {  	v16 =	vor.u32 v34, v43;
	v3 =	vor.u32 v3, v5;
	v43 =	vand.u32 $0xC00, v47  }
0x506: {  	v47 =	vsub.s32 v29, v35;
	v3 =	vor.u32 v36, v3;
	v5 =	vor.u32 v43, v41  }
0x507: {  	v11 =	vshll.u32 v47, $0x3;
	v41 =	vand.u32 $0x7F, v47;
	v15 =	vor.u32 v34, v3  }
0x508: {  	v45 =	vor.u32 v36, v5;
	v5 =	vand.u32 $0xC00, v46;
	v46 =	vsub.s32 v31, v35  }
0x509: {  	v14 =	vor.u32 v34, v45;
	v10 =	vor.u32 v5, v7;
	v5 =	vand.u32 $0xC00, v11  }
0x50a: {  	v45 =	vshll.u32 v44, $0x3;
	v47 =	vshll.u32 v46, $0x3;
	v3 =	vor.u32 v36, v10  }
0x50b: {  	v43 =	vor.u32 v5, v41;
	v5 =	vand.u32 $0x7F, v44;
	v7 =	vand.u32 $0xC00, v45  }
0x50c: {  	v41 =	vand.u32 $0x7F, v46;
	v13 =	vor.u32 v34, v3;
	v3 =	vor.u32 v36, v43  }
0x50d: {  	v5 =	vor.u32 v7, v5;
	v43 =	vand.u32 $0xC00, v47;
	v47 =	vsub.s32 v20, v35  }
0x50e: {  	s31 =	sadd.s32 $0x62, s13;
	v44 =	vor.u32 v36, v5;
	v45 =	vor.u32 v43, v41;
	v41 =	vand.u32 $0x7F, v47  }
0x50f: {  	v43 =	vmov s31;
	v11 =	vor.u32 v34, v44;
	v44 =	vsub.s32 v21, v35  }
0x510: {  	v46 =	vor.u32 v36, v45;
	v7 =	vand.u32 $0xFFFFFFFE, v43;
	v45 =	vshll.u32 v44, $0x3  }
0x511: {  	v5 =	vshll.u32 v47, $0x3;
	v7 =	vbroadcast v7, $0x0;
	v47 =	vand.u32 $0xC00, v45;
	v45 =	vld [tilespmem:$0x1FEF0]  }
0x512: {  	v12 =	vor.u32 v34, v3;
	v5 =	vand.u32 $0xC00, v5;
	v43 =	vshll.u32 v19, $0x3  }
0x513: {  	s13 =	sadd.s32 $0x63, s13;
	v21 =	vld [tilespmem:$0x1FF00];
	v10 =	vor.u32 v34, v46;
	v3 =	vor.u32 v5, v41;
	v46 =	vand.u32 $0x7F, v44  }
0x514: {  	v44 =	vand.u32 $0x7F, v19;
	v19 =	vmov s13;
	v5 =	vor.u32 v47, v46  }
0x515: {  	v3 =	vor.u32 v36, v3;
	v41 =	vor.u32 v36, v5;
	v5 =	vand.u32 $0xC00, v43  }
0x516: {  	s15 =	sadd.s32 $0x2, s8;
	v9 =	vor.u32 v34, v3;
	v3 =	vor.u32 v5, v44;
	v5 =	vsub.s32 v45, v35  }
0x517: {  	[tilespmem:$0x1FC90] =	vst v8;
	v22 =	vmov s15;
	v8 =	vor.u32 v34, v41;
	v41 =	vld.idx.msk [tilespmem:v7+s4+$0x0], $0xffff;
	v20 =	vshll.u32 v5, $0x3  }
0x518: {  	v21 =	vsub.s32 v21, v35;
	v5 =	vand.u32 $0x7F, v5;
	v46 =	vand.u32 $0xC00, v20  }
0x519: {  	v3 =	vor.u32 v36, v3;
	v20 =	vshll.u32 v21, $0x3;
	v5 =	vor.u32 v46, v5  }
0x51a: {  	v45 =	vld.idx.msk [tilespmem:v19+s4+$0x0], $0xffff;
	v21 =	vand.u32 $0x7F, v21;
	v20 =	vand.u32 $0xC00, v20;
	v47 =	vor.u32 v36, v5  }
0x51b: {  	v7 =	vor.u32 v34, v3;
	v20 =	vor.u32 v20, v21;
	v5 =	vor.u32 v34, v47  }
0x51c: {  	v43 =	vor.u32 v36, v20;
	v20 =	vsub.s32 v24, v35;
	v21 =	vsub.s32 v58, v41  }
0x51d: {  	v24 =	vshll.u32 v22, $0x9;
	v22 =	vshll.u32 v22, $0x7;
	v3 =	vor.u32 v34, v43  }
0x51e: {  	v19 =	vand.u32 $0x7F, v20;
	v20 =	vshll.u32 v20, $0x3;
	v23 =	vshll.u32 v21, $0x3  }
0x51f: {  	v21 =	vand.u32 $0x7F, v21;
	v43 =	vand.u32 $0x300, v22;
	v22 =	vsub.s32 v58, v45  }
0x520: {  	v44 =	vand.u32 $0x3000, v24;
	v23 =	vand.u32 $0xC00, v23;
	v24 =	vshll.u32 v22, $0x3  }
0x521: {  	s22 =	sadd.s32 $0x3, s8;
	v22 =	vand.u32 $0x7F, v22;
	v20 =	vand.u32 $0xC00, v20;
	v21 =	vor.u32 v23, v21  }
0x522: {  	v23 =	vmov s22;
	v24 =	vand.u32 $0xC00, v24;
	v21 =	vor.u32 v44, v21  }
0x523: {  	v25 =	vshll.u32 v23, $0x9;
	v23 =	vshll.u32 v23, $0x7;
	v22 =	vor.u32 v24, v22  }
0x524: {  	v24 =	vsub.s32 v38, v41;
	v21 =	vor.u32 v43, v21;
	v46 =	vand.u32 $0x3000, v25  }
0x525: {  	v18 =	vld.idx.msk [tilespmem:v18+s16+$0x0], $0xffff;
	v47 =	vand.u32 $0x380, v23;
	v23 =	vshll.u32 v24, $0x3;
	v22 =	vor.u32 v46, v22  }
0x526: {  	v58 =	vand.u32 $0x7F, v24;
	v24 =	vsub.s32 v38, v45;
	v22 =	vor.u32 v47, v22  }
0x527: {  	s23 =	sand.u32 $0x3000, s9;
	s24 =	sadd.s32 $0xFFFFFE80, s0;
	v19 =	vor.u32 v20, v19;
	s22 =	sadd.s32 $0xFFFFFF00, s0;
	v25 =	vld.idx.msk [tilespmem:v6+s16+$0x0], $0xffff;
	v23 =	vand.u32 $0xC00, v23;
	v20 =	vshll.u32 v24, $0x3  }
0x528: {  	s15 =	sand.u32 $0x200, s24;
	s24 =	sor.u32 $0x14400, s23;
	s25 =	sand.u32 $0x280, s22;
	v6 =	vor.u32 v23, v58;
	v23 =	vand.u32 $0x7F, v24;
	v20 =	vand.u32 $0xC00, v20  }
0x529: {  	s23 =	sor.u32 s25, s24;
	v6 =	vor.u32 v44, v6;
	v20 =	vor.u32 v20, v23;
	v23 =	vld [tilespmem:$0x1FF20]  }
0x52a: {  	v19 =	vor.u32 v36, v19;
	[tilespmem:s23+$0x0] =	vst v18;
	v24 =	vor.u32 v43, v6;
	v21 =	vld.idx.msk [tilespmem:v21+s16+$0x0], $0xffff  }
0x52b: {  	s13 =	sor.u32 s15, s24;
	v6 =	vor.u32 v34, v19;
	v19 =	vsub.s32 v53, v41;
	v20 =	vor.u32 v46, v20;
	v22 =	vld.idx.msk [tilespmem:v22+s16+$0x0], $0xffff  }
0x52c: {  	s31 =	sadd.s32 $0xFFFFFF80, s0;
	[tilespmem:s13+$0x0] =	vst v25;
	v25 =	vshll.u32 v19, $0x3;
	v20 =	vor.u32 v47, v20  }
0x52d: {  	s25 =	sand.u32 $0x300, s31;
	v17 =	vld.idx.msk [tilespmem:v17+s16+$0x0], $0xffff;
	v18 =	vand.u32 $0x7F, v19;
	v19 =	vand.u32 $0xC00, v25  }
0x52e: {  	s31 =	sand.u32 $0x380, s0;
	s22 =	sor.u32 s25, s24;
	v4 =	vld.idx.msk [tilespmem:v4+s16+$0x0], $0xffff;
	v25 =	vsub.s32 v53, v45;
	v18 =	vor.u32 v19, v18  }
0x52f: {  	s15 =	sor.u32 s31, s24;
	v19 =	vshll.u32 v25, $0x3;
	v25 =	vand.u32 $0x7F, v25;
	v18 =	vor.u32 v44, v18;
	[tilespmem:s22+$0x0] =	vst v21  }
0x530: {  	v23 =	vsub.s32 v23, v35;
	v19 =	vand.u32 $0xC00, v19;
	v18 =	vor.u32 v43, v18;
	v24 =	vld.idx.msk [tilespmem:v24+s16+$0x0], $0xffff;
	[tilespmem:s15+$0x0] =	vst v22  }
0x531: {  	v19 =	vor.u32 v19, v25;
	v21 =	vand.u32 $0x7F, v23;
	v22 =	vshll.u32 v23, $0x3;
	v20 =	vld.idx.msk [tilespmem:v20+s16+$0x0], $0xffff  }
0x532: {  	[tilespmem:s23+$0x10] =	vst v17;
	v19 =	vor.u32 v46, v19;
	v23 =	vsub.s32 v26, v41;
	v22 =	vand.u32 $0xC00, v22  }
0x533: {  	v16 =	vld.idx.msk [tilespmem:v16+s16+$0x0], $0xffff;
	[tilespmem:s13+$0x10] =	vst v4;
	v19 =	vor.u32 v47, v19;
	v4 =	vor.u32 v22, v21;
	v21 =	vshll.u32 v23, $0x3  }
0x534: {  	v22 =	vld.idx.msk [tilespmem:v2+s16+$0x0], $0xffff;
	v2 =	vand.u32 $0x7F, v23;
	v17 =	vand.u32 $0xC00, v21;
	v21 =	vsub.s32 v26, v45  }
0x535: {  	[tilespmem:s22+$0x10] =	vst v24;
	v2 =	vor.u32 v17, v2;
	v17 =	vshll.u32 v21, $0x3  }
0x536: {  	v4 =	vor.u32 v36, v4;
	v21 =	vand.u32 $0x7F, v21;
	v17 =	vand.u32 $0xC00, v17;
	[tilespmem:s15+$0x10] =	vst v20;
	v20 =	vld [tilespmem:$0x1FEB0]  }
0x537: {  	v18 =	vld.idx.msk [tilespmem:v18+s16+$0x0], $0xffff;
	v23 =	vor.u32 v44, v2;
	v17 =	vor.u32 v17, v21;
	v21 =	vsub.s32 v27, v41  }
0x538: {  	v2 =	vor.u32 v34, v4;
	v4 =	vor.u32 v43, v23;
	v23 =	vshll.u32 v21, $0x3  }
0x539: {  	[tilespmem:s23+$0x20] =	vst v16;
	v19 =	vld.idx.msk [tilespmem:v19+s16+$0x0], $0xffff;
	v17 =	vor.u32 v46, v17;
	v16 =	vand.u32 $0x7F, v21;
	v21 =	vand.u32 $0xC00, v23  }
0x53a: {  	v15 =	vld.idx.msk [tilespmem:v15+s16+$0x0], $0xffff;
	[tilespmem:s13+$0x20] =	vst v22;
	v17 =	vor.u32 v47, v17;
	v16 =	vor.u32 v21, v16  }
0x53b: {  	v24 =	vld.idx.msk [tilespmem:v57+s16+$0x0], $0xffff;
	v23 =	vsub.s32 v27, v45;
	v16 =	vor.u32 v44, v16;
	v20 =	vsub.s32 v20, v35  }
0x53c: {  	[tilespmem:s22+$0x20] =	vst v18;
	v22 =	vand.u32 $0x7F, v20;
	v18 =	vshll.u32 v20, $0x3;
	v20 =	vshll.u32 v23, $0x3  }
0x53d: {  	v21 =	vand.u32 $0x7F, v23;
	v4 =	vld.idx.msk [tilespmem:v4+s16+$0x0], $0xffff;
	v16 =	vor.u32 v43, v16;
	v20 =	vand.u32 $0xC00, v20  }
0x53e: {  	[tilespmem:s15+$0x20] =	vst v19;
	v18 =	vand.u32 $0xC00, v18;
	v19 =	vor.u32 v20, v21;
	v20 =	vsub.s32 v28, v41;
	v21 =	vld [tilespmem:$0x1FF30]  }
0x53f: {  	[tilespmem:s23+$0x30] =	vst v15;
	v17 =	vld.idx.msk [tilespmem:v17+s16+$0x0], $0xffff;
	v18 =	vor.u32 v18, v22;
	v19 =	vor.u32 v46, v19;
	v22 =	vshll.u32 v20, $0x3  }
0x540: {  	[tilespmem:s13+$0x30] =	vst v24;
	v15 =	vand.u32 $0x7F, v20;
	v19 =	vor.u32 v47, v19;
	v20 =	vand.u32 $0xC00, v22  }
0x541: {  	v23 =	vld.idx.msk [tilespmem:v55+s16+$0x0], $0xffff;
	v22 =	vsub.s32 v28, v45;
	v15 =	vor.u32 v20, v15  }
0x542: {  	v14 =	vld.idx.msk [tilespmem:v14+s16+$0x0], $0xffff;
	[tilespmem:s22+$0x30] =	vst v4;
	v20 =	vshll.u32 v22, $0x3;
	v22 =	vand.u32 $0x7F, v22;
	v15 =	vor.u32 v44, v15  }
0x543: {  	v16 =	vld.idx.msk [tilespmem:v16+s16+$0x0], $0xffff;
	v20 =	vand.u32 $0xC00, v20;
	v21 =	vsub.s32 v21, v35;
	v15 =	vor.u32 v43, v15  }
0x544: {  	[tilespmem:s15+$0x30] =	vst v17;
	v20 =	vor.u32 v20, v22;
	v57 =	vand.u32 $0x7F, v21;
	v17 =	vshll.u32 v21, $0x3  }
0x545: {  	v21 =	vsub.s32 v29, v41;
	v20 =	vor.u32 v46, v20;
	v17 =	vand.u32 $0xC00, v17;
	v19 =	vld.idx.msk [tilespmem:v19+s16+$0x0], $0xffff  }
0x546: {  	v25 =	vld [tilespmem:$0x1FF40];
	[tilespmem:s13+$0x40] =	vst v23;
	v20 =	vor.u32 v47, v20;
	v4 =	vor.u32 v17, v57;
	v17 =	vshll.u32 v21, $0x3  }
0x547: {  	[tilespmem:s23+$0x40] =	vst v14;
	v22 =	vld.idx.msk [tilespmem:v51+s16+$0x0], $0xffff;
	v14 =	vand.u32 $0x7F, v21;
	v21 =	vsub.s32 v29, v45;
	v17 =	vand.u32 $0xC00, v17  }
0x548: {  	v13 =	vld.idx.msk [tilespmem:v13+s16+$0x0], $0xffff;
	[tilespmem:s22+$0x40] =	vst v16;
	v16 =	vor.u32 v36, v18;
	v14 =	vor.u32 v17, v14;
	v17 =	vshll.u32 v21, $0x3  }
0x549: {  	v18 =	vand.u32 $0x7F, v21;
	v15 =	vld.idx.msk [tilespmem:v15+s16+$0x0], $0xffff;
	v14 =	vor.u32 v44, v14;
	v17 =	vand.u32 $0xC00, v17  }
0x54a: {  	v51 =	vor.u32 v34, v16;
	v14 =	vor.u32 v43, v14;
	[tilespmem:s15+$0x40] =	vst v19;
	v16 =	vor.u32 v17, v18  }
0x54b: {  	v4 =	vor.u32 v36, v4;
	v17 =	vsub.s32 v30, v41;
	v18 =	vld.idx.msk [tilespmem:v20+s16+$0x0], $0xffff;
	v16 =	vor.u32 v46, v16  }
0x54c: {  	[tilespmem:s13+$0x50] =	vst v22;
	v19 =	vsub.s32 v25, v35;
	v20 =	vshll.u32 v17, $0x3;
	v16 =	vor.u32 v47, v16  }
0x54d: {  	[tilespmem:s23+$0x50] =	vst v13;
	v21 =	vld.idx.msk [tilespmem:v42+s16+$0x0], $0xffff;
	v13 =	vand.u32 $0x7F, v17;
	v17 =	vand.u32 $0xC00, v20;
	v20 =	vsub.s32 v30, v45  }
0x54e: {  	v12 =	vld.idx.msk [tilespmem:v12+s16+$0x0], $0xffff;
	[tilespmem:s22+$0x50] =	vst v15;
	v15 =	vand.u32 $0x7F, v19;
	v13 =	vor.u32 v17, v13;
	v17 =	vshll.u32 v20, $0x3  }
0x54f: {  	v20 =	vand.u32 $0x7F, v20;
	v13 =	vor.u32 v44, v13;
	v17 =	vand.u32 $0xC00, v17;
	v14 =	vld.idx.msk [tilespmem:v14+s16+$0x0], $0xffff  }
0x550: {  	v13 =	vor.u32 v43, v13;
	v17 =	vor.u32 v17, v20;
	[tilespmem:s15+$0x50] =	vst v18;
	v18 =	vshll.u32 v19, $0x3  }
0x551: {  	v19 =	vsub.s32 v31, v41;
	v17 =	vor.u32 v46, v17;
	v18 =	vand.u32 $0xC00, v18;
	v16 =	vld.idx.msk [tilespmem:v16+s16+$0x0], $0xffff  }
0x552: {  	[tilespmem:s13+$0x60] =	vst v21;
	v17 =	vor.u32 v47, v17;
	v15 =	vor.u32 v18, v15;
	v18 =	vshll.u32 v19, $0x3  }
0x553: {  	[tilespmem:s23+$0x60] =	vst v12;
	v20 =	vld.idx.msk [tilespmem:v52+s16+$0x0], $0xffff;
	v12 =	vand.u32 $0x7F, v19;
	v19 =	vsub.s32 v31, v45;
	v18 =	vand.u32 $0xC00, v18  }
0x554: {  	v15 =	vor.u32 v36, v15;
	[tilespmem:s22+$0x60] =	vst v14;
	v14 =	vld.idx.msk [tilespmem:v11+s16+$0x0], $0xffff;
	v42 =	vor.u32 v18, v12  }
0x555: {  	v11 =	vor.u32 v34, v4;
	v12 =	vshll.u32 v19, $0x3;
	v13 =	vld.idx.msk [tilespmem:v13+s16+$0x0], $0xffff;
	v4 =	vor.u32 v44, v42  }
0x556: {  	v18 =	vand.u32 $0x7F, v19;
	v19 =	vor.u32 v43, v4;
	[tilespmem:s15+$0x60] =	vst v16;
	v4 =	vor.u32 v34, v15;
	v15 =	vld [tilespmem:$0x1FEC0]  }
0x557: {  	v16 =	vld.idx.msk [tilespmem:v17+s16+$0x0], $0xffff  }
0x558: {  	v17 =	vld [tilespmem:$0x1FF50]  }
0x559: {  	v12 =	vand.u32 $0xC00, v12;
	[tilespmem:s13+$0x70] =	vst v20;
	v20 =	vld [tilespmem:$0x1FEC0]  }
0x55a: {  	v21 =	vld [tilespmem:$0x1FED0];
	v12 =	vor.u32 v12, v18  }
0x55b: {  	v12 =	vor.u32 v46, v12  }
0x55c: {  	v0 =	vld.idx.msk [tilespmem:v0+s16+$0x0], $0xffff;
	v12 =	vor.u32 v47, v12;
	v15 =	vsub.s32 v15, v41  }
0x55d: {  	[tilespmem:s23+$0x70] =	vst v14;
	v17 =	vsub.s32 v17, v35;
	v18 =	vshll.u32 v15, $0x3  }
0x55e: {  	[tilespmem:s22+$0x70] =	vst v13;
	v14 =	vand.u32 $0x7F, v15;
	v15 =	vand.u32 $0xC00, v18;
	v18 =	vsub.s32 v20, v45  }
0x55f: {  	v10 =	vld.idx.msk [tilespmem:v10+s16+$0x0], $0xffff;
	[tilespmem:s15+$0x70] =	vst v16;
	v13 =	vand.u32 $0x7F, v17;
	v16 =	vshll.u32 v17, $0x3;
	v17 =	vsub.s32 v21, v41  }
0x560: {  	v14 =	vor.u32 v15, v14;
	v15 =	vshll.u32 v18, $0x3;
	v18 =	vand.u32 $0x7F, v18  }
0x561: {  	[tilespmem:s13+$0x400] =	vst v0;
	v12 =	vld.idx.msk [tilespmem:v12+s16+$0x0], $0xffff;
	v16 =	vand.u32 $0xC00, v16;
	v55 =	vand.u32 $0x7F, v17;
	v14 =	vor.u32 v44, v14  }
0x562: {  	v15 =	vand.u32 $0xC00, v15;
	v52 =	vor.u32 v16, v13;
	v13 =	vshll.u32 v17, $0x3;
	v16 =	vld.idx.msk [tilespmem:v63+s16+$0x0], $0xffff  }
0x563: {  	v19 =	vld.idx.msk [tilespmem:v19+s16+$0x0], $0xffff;
	v17 =	vsub.s32 v21, v45;
	v15 =	vor.u32 v15, v18;
	v13 =	vand.u32 $0xC00, v13  }
0x564: {  	[tilespmem:s23+$0x400] =	vst v10;
	v15 =	vor.u32 v46, v15;
	v10 =	vor.u32 v13, v55;
	v13 =	vshll.u32 v17, $0x3  }
0x565: {  	v9 =	vld.idx.msk [tilespmem:v9+s16+$0x0], $0xffff;
	v17 =	vand.u32 $0x7F, v17;
	v15 =	vor.u32 v47, v15;
	v13 =	vand.u32 $0xC00, v13  }
0x566: {  	v14 =	vor.u32 v43, v14;
	[tilespmem:s15+$0x400] =	vst v12;
	v12 =	vor.u32 v13, v17;
	v13 =	vld [tilespmem:$0x1FF60]  }
0x567: {  	v22 =	vld [tilespmem:$0x1FEE0];
	[tilespmem:s13+$0x410] =	vst v16  }
0x568: {  	[tilespmem:s22+$0x400] =	vst v19;
	v19 =	vld.idx.msk [tilespmem:v62+s16+$0x0], $0xffff;
	_ =	sdelay $0x1  }
0x569: {  	v10 =	vor.u32 v44, v10;
	v12 =	vor.u32 v46, v12;
	v15 =	vld.idx.msk [tilespmem:v15+s16+$0x0], $0xffff  }
0x56a: {  	v14 =	vld.idx.msk [tilespmem:v14+s16+$0x0], $0xffff;
	v12 =	vor.u32 v47, v12;
	[tilespmem:s23+$0x410] =	vst v9;
	v13 =	vsub.s32 v13, v35  }
0x56b: {  	v10 =	vor.u32 v43, v10;
	v8 =	vld.idx.msk [tilespmem:v8+s16+$0x0], $0xffff;
	v16 =	vand.u32 $0x7F, v13;
	v13 =	vshll.u32 v13, $0x3  }
0x56c: {  	v17 =	vsub.s32 v22, v41;
	v13 =	vand.u32 $0xC00, v13;
	[tilespmem:s13+$0x420] =	vst v19;
	v19 =	vld [tilespmem:$0x1FEF0]  }
0x56d: {  	v18 =	vshll.u32 v17, $0x3;
	v13 =	vor.u32 v13, v16;
	v16 =	vld [tilespmem:$0x1FF70]  }
0x56e: {  	v57 =	vand.u32 $0x7F, v17;
	v17 =	vand.u32 $0xC00, v18;
	v18 =	vsub.s32 v22, v45;
	[tilespmem:s15+$0x410] =	vst v15;
	v15 =	vld [tilespmem:$0x1FEF0]  }
0x56f: {  	[tilespmem:s22+$0x410] =	vst v14;
	v14 =	vshll.u32 v18, $0x3;
	v12 =	vld.idx.msk [tilespmem:v12+s16+$0x0], $0xffff  }
0x570: {  	v9 =	vor.u32 v17, v57;
	v17 =	vand.u32 $0x7F, v18;
	v10 =	vld.idx.msk [tilespmem:v10+s16+$0x0], $0xffff;
	v14 =	vand.u32 $0xC00, v14  }
0x571: {  	v9 =	vor.u32 v44, v9;
	v18 =	vld.idx.msk [tilespmem:v61+s16+$0x0], $0xffff;
	v14 =	vor.u32 v14, v17  }
0x572: {  	v9 =	vor.u32 v43, v9;
	v14 =	vor.u32 v46, v14  }
0x573: {  	[tilespmem:s23+$0x420] =	vst v8;
	v14 =	vor.u32 v47, v14;
	v16 =	vsub.s32 v16, v35;
	v15 =	vsub.s32 v15, v41  }
0x574: {  	v63 =	vand.u32 $0x7F, v16;
	v17 =	vshll.u32 v15, $0x3;
	[tilespmem:s15+$0x420] =	vst v12;
	v12 =	vshll.u32 v16, $0x3;
	v16 =	vld [tilespmem:$0x1FF00]  }
0x575: {  	v7 =	vld.idx.msk [tilespmem:v7+s16+$0x0], $0xffff;
	[tilespmem:s22+$0x420] =	vst v10;
	v62 =	vand.u32 $0x7F, v15;
	v15 =	vand.u32 $0xC00, v17;
	v17 =	vsub.s32 v19, v45  }
0x576: {  	[tilespmem:s13+$0x430] =	vst v18;
	v18 =	vld [tilespmem:$0x1FF00];
	v8 =	vor.u32 v15, v62;
	v15 =	vshll.u32 v17, $0x3  }
0x577: {  	v9 =	vld.idx.msk [tilespmem:v9+s16+$0x0], $0xffff;
	v17 =	vand.u32 $0x7F, v17;
	v15 =	vand.u32 $0xC00, v15  }
0x578: {  	v12 =	vand.u32 $0xC00, v12;
	v14 =	vld.idx.msk [tilespmem:v14+s16+$0x0], $0xffff;
	v8 =	vor.u32 v44, v8;
	v15 =	vor.u32 v15, v17  }
0x579: {  	v8 =	vor.u32 v43, v8;
	v17 =	vld.idx.msk [tilespmem:v60+s16+$0x0], $0xffff;
	v16 =	vsub.s32 v16, v41;
	v15 =	vor.u32 v46, v15  }
0x57a: {  	v24 =	vld [tilespmem:$0x1FF10];
	v10 =	vor.u32 v12, v63;
	v12 =	vshll.u32 v16, $0x3;
	v15 =	vor.u32 v47, v15  }
0x57b: {  	[tilespmem:s23+$0x430] =	vst v7;
	v42 =	vand.u32 $0x7F, v16;
	v16 =	vsub.s32 v18, v45;
	v12 =	vand.u32 $0xC00, v12  }
0x57c: {  	v0 =	vor.u32 v36, v52;
	[tilespmem:s22+$0x430] =	vst v9;
	v7 =	vor.u32 v12, v42;
	v12 =	vshll.u32 v16, $0x3  }
0x57d: {  	v55 =	vor.u32 v36, v13;
	v52 =	vld.idx.msk [tilespmem:v5+s16+$0x0], $0xffff;
	[tilespmem:s15+$0x430] =	vst v14;
	v13 =	vand.u32 $0x7F, v16;
	v12 =	vand.u32 $0xC00, v12  }
0x57e: {  	v8 =	vld.idx.msk [tilespmem:v8+s16+$0x0], $0xffff;
	v7 =	vor.u32 v44, v7;
	[tilespmem:s13+$0x440] =	vst v17;
	v12 =	vor.u32 v12, v13  }
0x57f: {  	v7 =	vor.u32 v43, v7;
	v13 =	vsub.s32 v24, v41;
	v14 =	vld.idx.msk [tilespmem:v15+s16+$0x0], $0xffff;
	v12 =	vor.u32 v46, v12  }
0x580: {  	v17 =	vld.idx.msk [tilespmem:v59+s16+$0x0], $0xffff;
	v16 =	vshll.u32 v13, $0x3;
	v12 =	vor.u32 v47, v12  }
0x581: {  	v15 =	vld [tilespmem:$0x1FF80];
	v57 =	vand.u32 $0x7F, v13;
	v13 =	vand.u32 $0xC00, v16;
	v16 =	vsub.s32 v24, v45  }
0x582: {  	[tilespmem:s23+$0x440] =	vst v52;
	v59 =	vld [tilespmem:$0x1FF20];
	v9 =	vor.u32 v13, v57;
	v13 =	vshll.u32 v16, $0x3  }
0x583: {  	v3 =	vld.idx.msk [tilespmem:v3+s16+$0x0], $0xffff;
	v16 =	vand.u32 $0x7F, v16;
	[tilespmem:s22+$0x440] =	vst v8;
	v13 =	vand.u32 $0xC00, v13  }
0x584: {  	v9 =	vor.u32 v44, v9;
	v7 =	vld.idx.msk [tilespmem:v7+s16+$0x0], $0xffff;
	v13 =	vor.u32 v13, v16;
	[tilespmem:s15+$0x440] =	vst v14  }
0x585: {  	v9 =	vor.u32 v43, v9;
	v13 =	vor.u32 v46, v13;
	v12 =	vld.idx.msk [tilespmem:v12+s16+$0x0], $0xffff  }
0x586: {  	v15 =	vsub.s32 v15, v35;
	v13 =	vor.u32 v47, v13  }
0x587: {  	v23 =	vld [tilespmem:$0x1FEB0];
	[tilespmem:s13+$0x450] =	vst v17;
	v60 =	vand.u32 $0x7F, v15;
	v14 =	vshll.u32 v15, $0x3;
	v15 =	vsub.s32 v59, v41  }
0x588: {  	v10 =	vor.u32 v36, v10;
	[tilespmem:s23+$0x450] =	vst v3;
	v16 =	vld.idx.msk [tilespmem:v33+s16+$0x0], $0xffff;
	v14 =	vand.u32 $0xC00, v14;
	v61 =	vand.u32 $0x7F, v15  }
0x589: {  	v62 =	vld.idx.msk [tilespmem:v6+s16+$0x0], $0xffff;
	v8 =	vor.u32 v14, v60;
	v14 =	vshll.u32 v15, $0x3;
	v15 =	vsub.s32 v59, v45;
	[tilespmem:s22+$0x450] =	vst v7  }
0x58a: {  	v6 =	vor.u32 v34, v10;
	v14 =	vand.u32 $0xC00, v14;
	v63 =	vshll.u32 v15, $0x3;
	v9 =	vld.idx.msk [tilespmem:v9+s16+$0x0], $0xffff;
	[tilespmem:s15+$0x450] =	vst v12  }
0x58b: {  	v3 =	vor.u32 v14, v61;
	v14 =	vand.u32 $0x7F, v15;
	v10 =	vand.u32 $0xC00, v63;
	v12 =	vld.idx.msk [tilespmem:v13+s16+$0x0], $0xffff  }
0x58c: {  	v3 =	vor.u32 v44, v3;
	v10 =	vor.u32 v10, v14;
	v13 =	vld [tilespmem:$0x1FF90]  }
0x58d: {  	v5 =	vor.u32 v34, v55;
	v17 =	vld [tilespmem:$0x1FF30];
	[tilespmem:s13+$0x460] =	vst v16;
	v15 =	vor.u32 v43, v3;
	v10 =	vor.u32 v46, v10  }
0x58e: {  	v33 =	vsub.s32 v23, v41;
	[tilespmem:s23+$0x460] =	vst v62;
	v16 =	vld.idx.msk [tilespmem:v40+s16+$0x0], $0xffff;
	v10 =	vor.u32 v47, v10  }
0x58f: {  	v42 =	vand.u32 $0x7F, v33;
	v2 =	vld.idx.msk [tilespmem:v2+s16+$0x0], $0xffff;
	v8 =	vor.u32 v36, v8;
	v14 =	vshll.u32 v33, $0x3  }
0x590: {  	v3 =	vor.u32 v34, v8;
	v52 =	vand.u32 $0xC00, v14;
	v14 =	vsub.s32 v23, v45  }
0x591: {  	v7 =	vor.u32 v52, v42;
	v57 =	vshll.u32 v14, $0x3;
	[tilespmem:s22+$0x460] =	vst v9;
	v13 =	vsub.s32 v13, v35  }
0x592: {  	v14 =	vand.u32 $0x7F, v14;
	v8 =	vand.u32 $0xC00, v57;
	v15 =	vld.idx.msk [tilespmem:v15+s16+$0x0], $0xffff;
	[tilespmem:s15+$0x460] =	vst v12;
	v12 =	vshll.u32 v13, $0x3  }
0x593: {  	[tilespmem:s13+$0x470] =	vst v16;
	v55 =	vand.u32 $0x7F, v13;
	v13 =	vsub.s32 v17, v41;
	v10 =	vld.idx.msk [tilespmem:v10+s16+$0x0], $0xffff;
	v12 =	vand.u32 $0xC00, v12  }
0x594: {  	[tilespmem:s23+$0x470] =	vst v2;
	v8 =	vor.u32 v8, v14;
	s13 =	simm.s32 $0x1;
	v14 =	vld.idx.msk [tilespmem:v1+s16+$0x0], $0xffff;
	v9 =	vor.u32 v12, v55;
	v12 =	vshll.u32 v13, $0x3  }
0x595: {  	s24 =	sand.u32 $0x7, s12;
	s13 =	simm.s32 @!p0 $0x0;
	v60 =	vand.u32 $0x7F, v13;
	v13 =	vld.idx.msk [tilespmem:v51+s16+$0x0], $0xffff;
	v61 =	vand.u32 $0xC00, v12;
	v12 =	vsub.s32 v17, v45  }
0x596: {  	s25 =	sshll.u32 s24, $0x7;
	v7 =	vor.u32 v44, v7;
	v8 =	vor.u32 v46, v8;
	s13 =	sshll.u32 s13, $0x9;
	v62 =	vshll.u32 v12, $0x3  }
0x597: {  	s31 =	sand.u32 $0x3, s7;
	s24 =	sadd.s32 s9, s25;
	s13 =	sadd.s32 s13, s9;
	[tilespmem:s22+$0x470] =	vst v15;
	v1 =	vor.u32 v61, v60;
	v12 =	vand.u32 $0x7F, v12;
	v2 =	vand.u32 $0xC00, v62  }
0x598: {  	s25 =	sshll.u32 s31, $0x8;
	s31 =	sor.u32 $0x800, s13;
	v15 =	vor.u32 v44, v1;
	[tilespmem:s15+$0x470] =	vst v10;
	s15 =	sadd.s32 $0x80, s24;
	v2 =	vor.u32 v2, v12;
	v12 =	vsub.s32 v25, v41  }
0x599: {  	v8 =	vor.u32 v47, v8;
	s22 =	sadd.s32 s9, s25;
	[tilespmem:s31+$0x14400] =	vst v14;
	v63 =	vor.u32 v43, v15;
	s25 =	sor.u32 $0x800, s15;
	v15 =	vshll.u32 v12, $0x3  }
0x59a: {  	v16 =	vld.idx.msk [tilespmem:v54+s16+$0x0], $0xffff;
	[tilespmem:s25+$0x14400] =	vst v13;
	v12 =	vand.u32 $0x7F, v12;
	v13 =	vand.u32 $0xC00, v15;
	v15 =	vsub.s32 v25, v45  }
0x59b: {  	v33 =	vld [tilespmem:$0x1FFA0];
	v7 =	vor.u32 v43, v7;
	v42 =	vor.u32 v13, v12;
	v12 =	vshll.u32 v15, $0x3  }
0x59c: {  	v13 =	vand.u32 $0x7F, v15;
	v12 =	vand.u32 $0xC00, v12  }
0x59d: {  	v57 =	vor.u32 v12, v13;
	v12 =	vld [tilespmem:$0x1FF50]  }
0x59e: {  	v8 =	vld.idx.msk [tilespmem:v8+s16+$0x0], $0xffff;
	s25 =	sor.u32 $0x810, s13  }
0x59f: {  	[tilespmem:s25+$0x14400] =	vst v16;
	v16 =	vld [tilespmem:$0x1FF50]  }
0x5a0: {  	v7 =	vld.idx.msk [tilespmem:v7+s16+$0x0], $0xffff;
	v10 =	vsub.s32 v33, v35  }
0x5a1: {  	s23 =	sadd.s32 $0x180, s24;
	v14 =	vand.u32 $0x7F, v10;
	v10 =	vshll.u32 v10, $0x3  }
0x5a2: {  	v9 =	vor.u32 v36, v9;
	s24 =	sor.u32 $0x800, s23;
	v52 =	vand.u32 $0xC00, v10;
	v12 =	vsub.s32 v12, v41  }
0x5a3: {  	s22 =	sadd.s32 $0x100, s22;
	v2 =	vor.u32 v46, v2;
	[tilespmem:s24+$0x14400] =	vst v8;
	v8 =	vor.u32 v52, v14;
	v14 =	vshll.u32 v12, $0x3  }
0x5a4: {  	s31 =	sor.u32 $0x800, s22;
	v60 =	vand.u32 $0x7F, v12;
	v12 =	vand.u32 $0xC00, v14;
	v14 =	vsub.s32 v16, v45  }
0x5a5: {  	v2 =	vor.u32 v47, v2;
	v40 =	vld.idx.msk [tilespmem:v11+s16+$0x0], $0xffff;
	[tilespmem:s31+$0x14400] =	vst v7;
	v7 =	vor.u32 v12, v60;
	v12 =	vshll.u32 v14, $0x3  }
0x5a6: {  	v1 =	vor.u32 v34, v9;
	v9 =	vld.idx.msk [tilespmem:v63+s16+$0x0], $0xffff;
	v14 =	vand.u32 $0x7F, v14;
	v12 =	vand.u32 $0xC00, v12  }
0x5a7: {  	v11 =	vor.u32 v44, v42;
	v12 =	vor.u32 v12, v14;
	v14 =	vld [tilespmem:$0x1FC10]  }
0x5a8: {  	v51 =	vld [tilespmem:$0x1FF70];
	v55 =	vor.u32 v43, v11  }
0x5a9: {  	v15 =	vld.idx.msk [tilespmem:v50+s16+$0x0], $0xffff  }
0x5aa: {  	s31 =	sor.u32 $0x810, s15;
	v13 =	vsub.s32 v32, v35;
	v11 =	vor.u32 v46, v57;
	v2 =	vld.idx.msk [tilespmem:v2+s16+$0x0], $0xffff  }
0x5ab: {  	s25 =	sor.u32 $0x810, s22;
	v61 =	vand.u32 $0x7F, v13;
	v62 =	vshll.u32 v13, $0x3;
	v13 =	vld [tilespmem:$0x1FF60];
	v11 =	vor.u32 v47, v11;
	[tilespmem:s31+$0x14400] =	vst v40  }
0x5ac: {  	v4 =	vld.idx.msk [tilespmem:v4+s16+$0x0], $0xffff;
	[tilespmem:s25+$0x14400] =	vst v9  }
0x5ad: {  	s25 =	sor.u32 $0x820, s13;
	v10 =	vld.idx.msk [tilespmem:v55+s16+$0x0], $0xffff  }
0x5ae: {  	s31 =	sor.u32 $0x810, s23;
	[tilespmem:s25+$0x14400] =	vst v15;
	v15 =	vld [tilespmem:$0x1FF60]  }
0x5af: {  	[tilespmem:s31+$0x14400] =	vst v2;
	v14 =	vld.idx.msk [tilespmem:v14+s16+$0x0], $0xffff  }
0x5b0: {  	v11 =	vld.idx.msk [tilespmem:v11+s16+$0x0], $0xffff;
	v12 =	vor.u32 v46, v12  }
0x5b1: {  	s31 =	sor.u32 $0x820, s15;
	v12 =	vor.u32 v47, v12  }
0x5b2: {  	v0 =	vor.u32 v34, v0;
	v42 =	vor.u32 v36, v8;
	v13 =	vsub.s32 v13, v41;
	s25 =	sor.u32 $0x820, s22;
	[tilespmem:s31+$0x14400] =	vst v4  }
0x5b3: {  	v55 =	vsub.s32 v51, v41;
	v2 =	vand.u32 $0xC00, v62;
	v7 =	vor.u32 v44, v7;
	[tilespmem:s25+$0x14400] =	vst v10;
	s25 =	sor.u32 $0x830, s13  }
0x5b4: {  	v63 =	vshll.u32 v13, $0x3;
	v33 =	vand.u32 $0x7F, v13;
	s31 =	sor.u32 $0x820, s23;
	v7 =	vor.u32 v43, v7;
	[tilespmem:s25+$0x14400] =	vst v14;
	v14 =	vld [tilespmem:$0x1FC20]  }
0x5b5: {  	v2 =	vor.u32 v2, v61;
	v9 =	vand.u32 $0xC00, v63;
	v13 =	vsub.s32 v15, v45;
	[tilespmem:s31+$0x14400] =	vst v11  }
0x5b6: {  	v50 =	vshll.u32 v13, $0x3;
	v52 =	vand.u32 $0x7F, v13;
	v13 =	vshll.u32 v55, $0x3;
	v11 =	vld.idx.msk [tilespmem:v12+s16+$0x0], $0xffff  }
0x5b7: {  	v8 =	vand.u32 $0xC00, v50;
	v57 =	vand.u32 $0xC00, v13;
	v13 =	vsub.s32 v51, v45;
	v12 =	vld [tilespmem:$0x1FFB0]  }
0x5b8: {  	v40 =	vld.idx.msk [tilespmem:v0+s16+$0x0], $0xffff;
	v4 =	vor.u32 v9, v33;
	v8 =	vor.u32 v8, v52;
	v61 =	vshll.u32 v13, $0x3  }
0x5b9: {  	v13 =	vand.u32 $0x7F, v13;
	v7 =	vld.idx.msk [tilespmem:v7+s16+$0x0], $0xffff;
	v8 =	vor.u32 v46, v8;
	v10 =	vand.u32 $0xC00, v61  }
0x5ba: {  	v4 =	vor.u32 v44, v4;
	v8 =	vor.u32 v47, v8;
	v10 =	vor.u32 v10, v13;
	v13 =	vld [tilespmem:$0x1FC30]  }
0x5bb: {  	v4 =	vor.u32 v43, v4  }
0x5bc: {  	s31 =	sor.u32 $0x830, s15;
	v12 =	vsub.s32 v12, v35;
	v14 =	vld.idx.msk [tilespmem:v14+s16+$0x0], $0xffff  }
0x5bd: {  	[tilespmem:s31+$0x14400] =	vst v40;
	s31 =	sor.u32 $0x830, s23;
	v60 =	vand.u32 $0x7F, v12;
	v62 =	vshll.u32 v12, $0x3;
	v12 =	vld [tilespmem:$0x1FF80]  }
0x5be: {  	v9 =	vand.u32 $0x7F, v55;
	v5 =	vld.idx.msk [tilespmem:v5+s16+$0x0], $0xffff;
	[tilespmem:s31+$0x14400] =	vst v11;
	s25 =	sor.u32 $0x830, s22  }
0x5bf: {  	v9 =	vor.u32 v57, v9;
	v8 =	vld.idx.msk [tilespmem:v8+s16+$0x0], $0xffff;
	[tilespmem:s25+$0x14400] =	vst v7  }
0x5c0: {  	v9 =	vor.u32 v44, v9;
	s25 =	sor.u32 $0x840, s13;
	v4 =	vld.idx.msk [tilespmem:v4+s16+$0x0], $0xffff  }
0x5c1: {  	v9 =	vor.u32 v43, v9;
	v10 =	vor.u32 v46, v10;
	[tilespmem:s25+$0x14400] =	vst v14;
	v14 =	vld [tilespmem:$0x1FF80]  }
0x5c2: {  	v0 =	vor.u32 v34, v42;
	v10 =	vor.u32 v47, v10;
	v12 =	vsub.s32 v12, v41;
	v13 =	vld.idx.msk [tilespmem:v13+s16+$0x0], $0xffff  }
0x5c3: {  	v2 =	vor.u32 v36, v2;
	s31 =	sor.u32 $0x840, s15;
	v11 =	vand.u32 $0xC00, v62;
	v63 =	vshll.u32 v12, $0x3  }
0x5c4: {  	v55 =	vld [tilespmem:$0x1FF90];
	[tilespmem:s31+$0x14400] =	vst v5;
	v7 =	vor.u32 v11, v60;
	v33 =	vand.u32 $0x7F, v12;
	v11 =	vand.u32 $0xC00, v63;
	s25 =	sor.u32 $0x840, s22  }
0x5c5: {  	s31 =	sor.u32 $0x840, s23;
	v40 =	vld.idx.msk [tilespmem:v6+s16+$0x0], $0xffff;
	v6 =	vor.u32 v34, v2;
	v42 =	vor.u32 v11, v33;
	[tilespmem:s25+$0x14400] =	vst v4  }
0x5c6: {  	[tilespmem:s31+$0x14400] =	vst v8;
	v2 =	vor.u32 v44, v42;
	s25 =	sor.u32 $0x850, s13;
	v9 =	vld.idx.msk [tilespmem:v9+s16+$0x0], $0xffff;
	v12 =	vsub.s32 v14, v45  }
0x5c7: {  	v8 =	vld.idx.msk [tilespmem:v10+s16+$0x0], $0xffff;
	v50 =	vshll.u32 v12, $0x3;
	v52 =	vand.u32 $0x7F, v12;
	v12 =	vor.u32 v43, v2;
	[tilespmem:s25+$0x14400] =	vst v13  }
0x5c8: {  	v7 =	vor.u32 v36, v7;
	v13 =	vld.idx.msk [tilespmem:v49+s16+$0x0], $0xffff  }
0x5c9: {  	v57 =	vsub.s32 v48, v35;
	s31 =	sor.u32 $0x850, s15;
	v2 =	vor.u32 v34, v7;
	v7 =	vsub.s32 v55, v41;
	v49 =	vld [tilespmem:$0x1FF90]  }
0x5ca: {  	[tilespmem:s31+$0x14400] =	vst v40;
	v33 =	vand.u32 $0x7F, v57;
	s25 =	sor.u32 $0x850, s22;
	v5 =	vand.u32 $0xC00, v50;
	v60 =	vshll.u32 v7, $0x3;
	v50 =	vld [tilespmem:$0x1FFA0]  }
0x5cb: {  	s31 =	sor.u32 $0x850, s23;
	v3 =	vld.idx.msk [tilespmem:v3+s16+$0x0], $0xffff;
	v61 =	vand.u32 $0x7F, v7;
	[tilespmem:s25+$0x14400] =	vst v9;
	v5 =	vor.u32 v5, v52;
	v62 =	vand.u32 $0xC00, v60  }
0x5cc: {  	v42 =	vshll.u32 v57, $0x3;
	[tilespmem:s31+$0x14400] =	vst v8;
	s25 =	sor.u32 $0x860, s13;
	v5 =	vor.u32 v46, v5;
	v4 =	vor.u32 v62, v61;
	v12 =	vld.idx.msk [tilespmem:v12+s16+$0x0], $0xffff  }
0x5cd: {  	v8 =	vand.u32 $0xC00, v42;
	v5 =	vor.u32 v47, v5;
	v4 =	vor.u32 v44, v4;
	[tilespmem:s25+$0x14400] =	vst v13;
	v13 =	vld [tilespmem:$0x1FC40]  }
0x5ce: {  	v8 =	vor.u32 v8, v33;
	v4 =	vor.u32 v43, v4;
	v63 =	vsub.s32 v49, v45;
	v55 =	vld.idx.msk [tilespmem:v39+s16+$0x0], $0xffff  }
0x5cf: {  	s31 =	sor.u32 $0x860, s15;
	v33 =	vsub.s32 v32, v41;
	v10 =	vsub.s32 v50, v41;
	v40 =	vshll.u32 v63, $0x3;
	v39 =	vld [tilespmem:$0x1FFA0]  }
0x5d0: {  	[tilespmem:s31+$0x14400] =	vst v3;
	v11 =	vand.u32 $0x7F, v63;
	v52 =	vshll.u32 v10, $0x3;
	v7 =	vand.u32 $0xC00, v40  }
0x5d1: {  	v1 =	vld.idx.msk [tilespmem:v1+s16+$0x0], $0xffff;
	s25 =	sor.u32 $0x860, s22;
	v57 =	vand.u32 $0x7F, v10;
	v9 =	vand.u32 $0xC00, v52;
	v7 =	vor.u32 v7, v11  }
0x5d2: {  	v5 =	vld.idx.msk [tilespmem:v5+s16+$0x0], $0xffff;
	v3 =	vor.u32 v9, v57;
	v7 =	vor.u32 v46, v7;
	[tilespmem:s25+$0x14400] =	vst v12;
	v12 =	vshll.u32 v33, $0x3  }
0x5d3: {  	s25 =	sor.u32 $0x870, s13;
	v7 =	vor.u32 v47, v7;
	v4 =	vld.idx.msk [tilespmem:v4+s16+$0x0], $0xffff;
	v50 =	vand.u32 $0xC00, v12;
	v12 =	vsub.s32 v32, v45  }
0x5d4: {  	v60 =	vsub.s32 v39, v45;
	[tilespmem:s25+$0x14400] =	vst v55;
	v55 =	vshll.u32 v12, $0x3;
	v57 =	vand.u32 $0x7F, v12;
	v12 =	vld [tilespmem:$0x1FC50]  }
0x5d5: {  	v61 =	vshll.u32 v60, $0x3;
	v13 =	vld.idx.msk [tilespmem:v13+s16+$0x0], $0xffff  }
0x5d6: {  	s31 =	sor.u32 $0x860, s23;
	v3 =	vor.u32 v44, v3;
	v9 =	vand.u32 $0xC00, v61;
	v61 =	vld [tilespmem:$0x1FFB0]  }
0x5d7: {  	v3 =	vor.u32 v43, v3;
	v10 =	vand.u32 $0x7F, v60;
	[tilespmem:s31+$0x14400] =	vst v5;
	s31 =	sor.u32 $0x870, s15  }
0x5d8: {  	s25 =	sor.u32 $0x870, s22;
	v62 =	vor.u32 v9, v10;
	[tilespmem:s31+$0x14400] =	vst v1;
	v7 =	vld.idx.msk [tilespmem:v7+s16+$0x0], $0xffff  }
0x5d9: {  	v5 =	vor.u32 v46, v62;
	[tilespmem:s25+$0x14400] =	vst v4;
	v0 =	vld.idx.msk [tilespmem:v0+s16+$0x0], $0xffff;
	s25 =	sor.u32 $0xC00, s13  }
0x5da: {  	v42 =	vand.u32 $0x7F, v33;
	v9 =	vand.u32 $0xC00, v55;
	v5 =	vor.u32 v47, v5;
	[tilespmem:s25+$0x14400] =	vst v13;
	v13 =	vld [tilespmem:$0x1FFB0]  }
0x5db: {  	v1 =	vor.u32 v50, v42;
	v60 =	vor.u32 v9, v57;
	v9 =	vsub.s32 v61, v41;
	v61 =	vld [tilespmem:$0x1FC60]  }
0x5dc: {  	v63 =	vsub.s32 v56, v35;
	v1 =	vor.u32 v44, v1;
	v3 =	vld.idx.msk [tilespmem:v3+s16+$0x0], $0xffff  }
0x5dd: {  	v8 =	vor.u32 v36, v8;
	v52 =	vshll.u32 v63, $0x3;
	s31 =	sor.u32 $0x870, s23;
	v1 =	vor.u32 v43, v1;
	v12 =	vld.idx.msk [tilespmem:v12+s16+$0x0], $0xffff  }
0x5de: {  	v8 =	vor.u32 v34, v8;
	v40 =	vand.u32 $0x7F, v63;
	v4 =	vand.u32 $0xC00, v52;
	[tilespmem:s31+$0x14400] =	vst v7  }
0x5df: {  	v62 =	vsub.s32 v37, v35;
	v4 =	vor.u32 v4, v40;
	v7 =	vor.u32 v46, v60;
	s31 =	sor.u32 $0xC00, s15;
	v5 =	vld.idx.msk [tilespmem:v5+s16+$0x0], $0xffff  }
0x5e0: {  	v54 =	vld [tilespmem:$0x1FFD0];
	s25 =	sor.u32 $0xC00, s22;
	v63 =	vshll.u32 v9, $0x3;
	v7 =	vor.u32 v47, v7;
	[tilespmem:s31+$0x14400] =	vst v0;
	v42 =	vsub.s32 v13, v45  }
0x5e1: {  	v33 =	vand.u32 $0x7F, v9;
	v40 =	vand.u32 $0xC00, v63;
	[tilespmem:s25+$0x14400] =	vst v3;
	s25 =	sor.u32 $0xC10, s13;
	v6 =	vld.idx.msk [tilespmem:v6+s16+$0x0], $0xffff;
	v52 =	vshll.u32 v42, $0x3  }
0x5e2: {  	v0 =	vor.u32 v40, v33;
	v1 =	vld.idx.msk [tilespmem:v1+s16+$0x0], $0xffff;
	v11 =	vand.u32 $0x7F, v42;
	[tilespmem:s25+$0x14400] =	vst v12;
	v9 =	vand.u32 $0xC00, v52  }
0x5e3: {  	v57 =	vsub.s32 v48, v41;
	s31 =	sor.u32 $0xC00, s23;
	v0 =	vor.u32 v44, v0;
	v9 =	vor.u32 v9, v11;
	v11 =	vld.idx.msk [tilespmem:v61+s16+$0x0], $0xffff  }
0x5e4: {  	v50 =	vand.u32 $0x7F, v62;
	v55 =	vshll.u32 v62, $0x3;
	v0 =	vor.u32 v43, v0;
	[tilespmem:s31+$0x14400] =	vst v5;
	v61 =	vld [tilespmem:$0x1FC70]  }
0x5e5: {  	v62 =	vand.u32 $0x7F, v57;
	v60 =	vshll.u32 v57, $0x3;
	v7 =	vld.idx.msk [tilespmem:v7+s16+$0x0], $0xffff;
	v9 =	vor.u32 v46, v9  }
0x5e6: {  	v63 =	vsub.s32 v48, v45;
	v57 =	vsub.s32 v54, v35;
	s31 =	sor.u32 $0xC10, s15;
	v9 =	vor.u32 v47, v9  }
0x5e7: {  	v40 =	vor.u32 v36, v4;
	s25 =	sor.u32 $0xC10, s22;
	v52 =	vand.u32 $0x7F, v63;
	v5 =	vand.u32 $0xC00, v55;
	[tilespmem:s31+$0x14400] =	vst v6  }
0x5e8: {  	v3 =	vor.u32 v5, v50;
	v5 =	vand.u32 $0xC00, v60;
	[tilespmem:s25+$0x14400] =	vst v1;
	v50 =	vshll.u32 v63, $0x3;
	v33 =	vld.idx.msk [tilespmem:v2+s16+$0x0], $0xffff  }
0x5e9: {  	s31 =	sor.u32 $0xC10, s23;
	v42 =	vor.u32 v5, v62;
	v0 =	vld.idx.msk [tilespmem:v0+s16+$0x0], $0xffff;
	v5 =	vand.u32 $0xC00, v50;
	v2 =	vor.u32 v34, v40  }
0x5ea: {  	v40 =	vand.u32 $0x7F, v57;
	v50 =	vshll.u32 v57, $0x3;
	v57 =	vld [tilespmem:$0x1FC80];
	v5 =	vor.u32 v5, v52;
	[tilespmem:s31+$0x14400] =	vst v7  }
0x5eb: {  	v55 =	vsub.s32 v56, v41;
	s25 =	sor.u32 $0xC20, s13;
	v5 =	vor.u32 v46, v5;
	v7 =	vld.idx.msk [tilespmem:v9+s16+$0x0], $0xffff  }
0x5ec: {  	v3 =	vor.u32 v36, v3;
	v4 =	vor.u32 v44, v42;
	[tilespmem:s25+$0x14400] =	vst v11;
	v5 =	vor.u32 v47, v5;
	s31 =	sor.u32 $0xC20, s15  }
0x5ed: {  	v60 =	vshll.u32 v55, $0x3;
	v4 =	vor.u32 v43, v4;
	[tilespmem:s31+$0x14400] =	vst v33;
	v33 =	vsub.s32 v56, v45;
	v11 =	vld.idx.msk [tilespmem:v61+s16+$0x0], $0xffff  }
0x5ee: {  	v62 =	vand.u32 $0x7F, v55;
	v63 =	vand.u32 $0xC00, v60;
	v42 =	vshll.u32 v33, $0x3  }
0x5ef: {  	v1 =	vor.u32 v63, v62;
	s31 =	sor.u32 $0xC20, s23;
	v8 =	vld.idx.msk [tilespmem:v8+s16+$0x0], $0xffff;
	v10 =	vand.u32 $0x7F, v33;
	v6 =	vand.u32 $0xC00, v42  }
0x5f0: {  	v52 =	vsub.s32 v37, v41;
	v3 =	vor.u32 v34, v3;
	s25 =	sor.u32 $0xC20, s22;
	v6 =	vor.u32 v6, v10;
	[tilespmem:s31+$0x14400] =	vst v7  }
0x5f1: {  	v1 =	vor.u32 v44, v1;
	[tilespmem:s25+$0x14400] =	vst v0;
	s25 =	sor.u32 $0xC30, s13;
	v6 =	vor.u32 v46, v6;
	v5 =	vld.idx.msk [tilespmem:v5+s16+$0x0], $0xffff  }
0x5f2: {  	v55 =	vshll.u32 v52, $0x3;
	v4 =	vld.idx.msk [tilespmem:v4+s16+$0x0], $0xffff;
	v7 =	vand.u32 $0xC00, v50;
	v6 =	vor.u32 v47, v6;
	[tilespmem:s25+$0x14400] =	vst v11  }
0x5f3: {  	v60 =	vand.u32 $0x7F, v52;
	s31 =	sor.u32 $0xC30, s15;
	v0 =	vor.u32 v7, v40;
	v7 =	vand.u32 $0xC00, v55;
	v10 =	vld.idx.msk [tilespmem:v57+s16+$0x0], $0xffff  }
0x5f4: {  	v1 =	vor.u32 v43, v1;
	v61 =	vsub.s32 v37, v45;
	[tilespmem:s31+$0x14400] =	vst v8;
	v62 =	vor.u32 v7, v60;
	v60 =	vld [tilespmem:$0x1FFE0]  }
0x5f5: {  	v63 =	vshll.u32 v61, $0x3;
	v33 =	vand.u32 $0x7F, v61;
	s31 =	sor.u32 $0xC30, s23;
	v40 =	vsub.s32 v54, v41;
	v2 =	vld.idx.msk [tilespmem:v2+s16+$0x0], $0xffff  }
0x5f6: {  	v54 =	vsub.s32 v54, v45;
	v7 =	vand.u32 $0xC00, v63;
	v50 =	vand.u32 $0x7F, v40;
	v57 =	vld [tilespmem:$0x1FC90];
	[tilespmem:s31+$0x14400] =	vst v5  }
0x5f7: {  	s25 =	sor.u32 $0xC30, s22;
	v52 =	vshll.u32 v40, $0x3;
	v55 =	vshll.u32 v54, $0x3;
	v9 =	vand.u32 $0x7F, v54;
	v6 =	vld.idx.msk [tilespmem:v6+s16+$0x0], $0xffff  }
0x5f8: {  	[tilespmem:s25+$0x14400] =	vst v4;
	s25 =	sor.u32 $0xC40, s13;
	v4 =	vor.u32 v44, v62;
	v42 =	vor.u32 v7, v33;
	v8 =	vand.u32 $0xC00, v52  }
0x5f9: {  	v7 =	vor.u32 v8, v50;
	v8 =	vand.u32 $0xC00, v55;
	[tilespmem:s25+$0x14400] =	vst v10;
	v10 =	vsub.s32 v60, v35  }
0x5fa: {  	v1 =	vld.idx.msk [tilespmem:v1+s16+$0x0], $0xffff;
	v4 =	vor.u32 v43, v4;
	v62 =	vor.u32 v8, v9;
	s31 =	sor.u32 $0xC40, s15;
	v63 =	vshll.u32 v10, $0x3  }
0x5fb: {  	v54 =	vld [tilespmem:$0x1FCA0];
	v5 =	vor.u32 v46, v42;
	[tilespmem:s31+$0x14400] =	vst v2;
	s31 =	sor.u32 $0xC40, s23;
	v33 =	vand.u32 $0x7F, v10;
	v8 =	vand.u32 $0xC00, v63  }
0x5fc: {  	v5 =	vor.u32 v47, v5;
	v35 =	vld [tilespmem:$0x1FFE0];
	[tilespmem:s31+$0x14400] =	vst v6;
	v6 =	vor.u32 v8, v33  }
0x5fd: {  	v0 =	vor.u32 v36, v0;
	v61 =	vld.idx.msk [tilespmem:v3+s16+$0x0], $0xffff;
	v6 =	vor.u32 v36, v6  }
0x5fe: {  	v0 =	vor.u32 v34, v0;
	s25 =	sor.u32 $0xC40, s22;
	v36 =	vor.u32 v34, v6;
	v34 =	vld [tilespmem:$0x1FFE0]  }
0x5ff: {  	[tilespmem:s25+$0x14400] =	vst v1;
	v2 =	vld.idx.msk [tilespmem:v57+s16+$0x0], $0xffff  }
0x600: {  	v7 =	vor.u32 v44, v7;
	v4 =	vld.idx.msk [tilespmem:v4+s16+$0x0], $0xffff  }
0x601: {  	v7 =	vor.u32 v43, v7;
	v3 =	vor.u32 v46, v62;
	v5 =	vld.idx.msk [tilespmem:v5+s16+$0x0], $0xffff  }
0x602: {  	v3 =	vor.u32 v47, v3;
	v8 =	vsub.s32 v35, v41;
	s31 =	sor.u32 $0xC50, s15  }
0x603: {  	s25 =	sor.u32 $0xC50, s13;
	v63 =	vld [tilespmem:$0x1FCB0];
	v50 =	vshll.u32 v8, $0x3;
	[tilespmem:s31+$0x14400] =	vst v61;
	v52 =	vsub.s32 v34, v45  }
0x604: {  	v55 =	vand.u32 $0x7F, v8;
	v6 =	vand.u32 $0xC00, v50;
	v0 =	vld.idx.msk [tilespmem:v0+s16+$0x0], $0xffff;
	[tilespmem:s25+$0x14400] =	vst v2;
	s25 =	sor.u32 $0xC50, s22;
	v57 =	vshll.u32 v52, $0x3  }
0x605: {  	s31 =	sor.u32 $0xC50, s23;
	v1 =	vor.u32 v6, v55;
	v10 =	vld.idx.msk [tilespmem:v54+s16+$0x0], $0xffff;
	[tilespmem:s25+$0x14400] =	vst v4;
	v60 =	vand.u32 $0x7F, v52;
	v61 =	vand.u32 $0xC00, v57  }
0x606: {  	v1 =	vor.u32 v44, v1;
	v62 =	vld.idx.msk [tilespmem:v7+s16+$0x0], $0xffff;
	[tilespmem:s31+$0x14400] =	vst v5;
	v4 =	vor.u32 v61, v60  }
0x607: {  	v1 =	vor.u32 v43, v1;
	v3 =	vld.idx.msk [tilespmem:v3+s16+$0x0], $0xffff;
	v4 =	vor.u32 v46, v4  }
0x608: {  	s31 =	sor.u32 $0xC60, s15;
	v4 =	vor.u32 v47, v4  }
0x609: {  	s25 =	sor.u32 $0xC60, s13;
	[tilespmem:s31+$0x14400] =	vst v0  }
0x60a: {  	v2 =	vld.idx.msk [tilespmem:v36+s16+$0x0], $0xffff;
	[tilespmem:s25+$0x14400] =	vst v10;
	s25 =	sor.u32 $0xC60, s22  }
0x60b: {  	s31 =	sor.u32 $0xC60, s23;
	v0 =	vld.idx.msk [tilespmem:v63+s16+$0x0], $0xffff;
	[tilespmem:s25+$0x14400] =	vst v62  }
0x60c: {  	v1 =	vld.idx.msk [tilespmem:v1+s16+$0x0], $0xffff;
	[tilespmem:s31+$0x14400] =	vst v3  }
0x60d: {  	p1 =	slt.u32 s8, $0x1C;
	v3 =	vld.idx.msk [tilespmem:v4+s16+$0x0], $0xffff  }
.Ltmp3:
0x60e: {  	s24 =	sor.u32 $0xC70, s15;
	(pc) =	sbr.rel @p1 .LBB2_9-.Ltmp3, $4  }
0x60f: {  	s13 =	sor.u32 $0xC70, s13;
	[tilespmem:s24+$0x14400] =	vst v2  }
0x610: {  	s8 =	sadd.s32 $0x4, s8;
	s25 =	sor.u32 $0xC70, s22;
	[tilespmem:s13+$0x14400] =	vst v0  }
0x611: {  	s0 =	sadd.s32 $0x200, s0;
	s12 =	sadd.s32 $0x4, s12;
	s31 =	sor.u32 $0xC70, s23;
	[tilespmem:s25+$0x14400] =	vst v1  }
0x612: {  	s7 =	sadd.s32 $0x2, s7;
	v58 =	vlaneseq.u32;
	p0 =	por !p0, !p0;
	s9 =	sadd.s32 $0x800, s9;
	v40 =	vmov v38;
	[tilespmem:s31+$0x14400] =	vst v3  }
0x613: {  	s0 =	sadd.s32 s3, s2;
	s29 =	sadd.s32 $0x1, s29  }
0x614: {  	[hbm4b:s0+s4] =	stream.linear.scatter [tilespmem:s21], [sflag:$0x6], $0x4000, $0x38;
	[tilespmem:$0x18400] =	vst v63  }
0x615: {  	s31 =	smin.u32 s30, $0x1A;
	p0 =	sne.s32 s29, $0x8  }
.Ltmp4:
0x616: {  	s0 =	sshll.u32 s31, $0xE;
	(pc) =	sbr.rel @p0 .LBB2_2-.Ltmp4, $4  }
0x617: {  	s0 =	sadd.s32 s0, s11  }
0x618: {  	s0 =	sshrl.u32 s0, $0x3  }
0x619: {  	s28 =	sadd.s32 $0x80, s28;
	s0 =	sadd.s32 s1, s0  }
0x61a: {  	v23 =	vmov v53;
	v52 =	vmov v37;
	[tilespmem:s16], [sflag:$0x2] =	stream.linear.gather [hbm4b:s0+s4], $0x4000, $0x38;
	[tilespmem:$0x18400] =	vst v63  }
0x61b: {  	_ =	swait.ge [sflag:s6], $0x4000  }
0x61c: {  	[sflag:s6] =	ssyncset.done $0x0  }
0x61d: {  	[sflag:s6] =	ssyncadd.s32 $0xFFFFC000  }
0x61e: {  	_ =	swait.ge [sflag:s18], $0x4000  }
0x61f: {  	[sflag:s18] =	ssyncset.done $0x0  }
0x620: {  	s0 =	simm.s32 $0x3;
	[sflag:s18] =	ssyncadd.s32 $0xFFFFC000  }
0x621: {  	_ =	swait.ge [sflag:s0], $0x4000  }
0x622: {  	[sflag:s0] =	ssyncset.done $0x0  }
0x623: {  	s29 =	simm.s32 $0x4;
	[sflag:s0] =	ssyncadd.s32 $0xFFFFC000  }
0x624: {  	_ =	swait.ge [sflag:s29], $0x4000  }
0x625: {  	[sflag:s29] =	ssyncset.done $0x0  }
0x626: {  	s30 =	simm.s32 $0x5;
	[sflag:s29] =	ssyncadd.s32 $0xFFFFC000  }
0x627: {  	_ =	swait.ge [sflag:s30], $0x4000  }
0x628: {  	[sflag:s30] =	ssyncset.done $0x0  }
0x629: {  	s2 =	simm.s32 $0x6;
	[sflag:s30] =	ssyncadd.s32 $0xFFFFC000  }
0x62a: {  	_ =	swait.ge [sflag:s2], $0x4000  }
0x62b: {  	s26 =	sadd.s32 $0x1, s26;
	s31 =	rddreg [dreg:$0x7]  }
0x62c: {  	p0 =	sne.s32 s26, s31  }
.Ltmp5:
0x62d: {  	_ = 	snop;
	(pc) =	sbr.rel @p0 .LBB2_1-.Ltmp5, $3  }
0x62e: {  	_ =	sdelay $0x1  }
0x62f: {  	[sflag:s2] =	ssyncset.done $0x0  }
0x630: {  	[sflag:s2] =	ssyncadd.s32 $0xFFFFC000  }
0x631: {  	_ =	sfence.sel $0x180000  }
0x632: {  	[bflag:$0x0] =	sbarrier.arrive $0xFFFF  }
0x633: {  	_ =	strace $0x90000047  }
0x634: {  	s0 =	stileid.u32;
	[bflag:$0x2] =	sbarrier.arrive $0xFFFF  }
0x635: {  	p0 =	sne.s32 s0, $0x0;
	s0 =	rddreg [dreg:$0x3]  }
0x636: {  	s0 =	sadd.s32 @!p0 $0x100000, s0  }
0x637: {  	[sflag:s0] =	ssyncadd.tile.s32 @!p0 $0x1;
	_ =	shalt  }
.Lfunc_end2:
_tile_overlayer_lowered:
.L_overlay_start_2:
0x638: {  	(tag) =	ssettag $0x2  }
0x639: {  	s0 =	rddreg [dreg:$0x0];
	s2 =	stileid.u32  }
0x63a: {  	s1 =	rddreg [dreg:$0x1];
	p0 =	sne.s32 s2, $0x0  }
0x63b: {  	s3 =	rddreg [dreg:$0x2];
	[bflag:$0x3] =	sbarrier.arrive $0xFFFF;
	s2 =	simm.s32 @!p0 $0x1C07  }
0x63c: {  	[timem:s3], [sflag:s2] =	dma.local @!p0 [hbm:s0], s1  }
0x63d: {  	s0 =	simm.s32 @!p0 $0x7  }
0x63e: {  	_ =	swait.ge @!p0 [sflag:s0], s1  }
0x63f: {  	s1 =	ssub.s32 @!p0 $0x0, s1;
	[sflag:s0] =	ssyncset.done @!p0 $0x0  }
0x640: {  	[sflag:s0] =	ssyncadd.s32 @!p0 s1  }
0x641: {  	[bflag:$0x3] =	sbarrier.arrive $0xFFFF  }
0x642: {  	_ =	shalt  }

</sc_bundles>
